<compile_context>
chip_gen: v7x
topology: tpu7x:2x2x1
jax: 0.10.2.dev20260603
libtpu: 0.0.44.dev20260713+nightly
codegen_flags: <defaults>
</compile_context>

<pallas_src>
import functools

import jax
import jax.numpy as jnp
from jax import lax
from jax.experimental import pallas as pl
from jax.experimental.pallas import tpu as pltpu
from jax.experimental.pallas import tpu_sc as plsc

_info = plsc.get_sparse_core_info()
_NC, _NS = _info.num_cores, _info.num_subcores
_NW = _NC * _NS

_DB = 8
_VP = 1024


@functools.partial(jax.jit, static_argnums=(2, 3, 4))
def _embed_t(Wt, xT, B, L, d):
    nd = d // _DB
    ng = _NW // nd
    base = L // ng
    rem = L % ng
    mesh = plsc.VectorSubcoreMesh(core_axis_name="c", subcore_axis_name="s")
    assert base >= 2

    @functools.partial(
        pl.kernel,
        mesh=mesh,
        out_type=jax.ShapeDtypeStruct((L, d, B), jnp.float32),
        scratch_types=[
            pltpu.VMEM((_DB * _VP,), jnp.float32),
            pltpu.VMEM((2, 1, B + 16), jnp.int32),
            pltpu.VMEM((2, 1, _DB, B), jnp.float32),
            pltpu.SemaphoreType.DMA,
            pltpu.SemaphoreType.DMA,
            pltpu.SemaphoreType.DMA,
        ],
        compiler_params=pltpu.CompilerParams(
            needs_layout_passes=False, skip_device_barrier=True
        ),
    )
    def k(wt_hbm, xt_hbm, out_hbm, wt_v, idx_v, out_v, sem_t, sem_i, sem_o):
        wid = lax.axis_index("s") * _NC + lax.axis_index("c")
        dt = lax.rem(wid, nd)
        g = wid // nd
        l0 = g * base + jnp.minimum(g, rem)
        l1 = l0 + base + jnp.where(g < rem, 1, 0)

        bases = [jnp.full((16,), d8 * _VP, jnp.int32) for d8 in range(_DB)]

        def start_idx(l, p):
            pltpu.async_copy(
                xt_hbm.at[pl.ds(l, 1)], idx_v.at[p, :, pl.ds(0, B)], sem_i
            )

        def wait_idx():
            pltpu.make_async_copy(
                xt_hbm.at[pl.ds(0, 1)], idx_v.at[0, :, pl.ds(0, B)], sem_i
            ).wait()

        def start_out(l, p):
            pltpu.async_copy(
                out_v.at[p],
                out_hbm.at[
                    pl.ds(l, 1),
                    pl.ds(pl.multiple_of(dt * _DB, _DB), _DB),
                ],
                sem_o,
            )

        def wait_out():
            pltpu.make_async_copy(
                out_v.at[0], out_hbm.at[pl.ds(0, 1), pl.ds(0, _DB)], sem_o
            ).wait()

        tbl = pltpu.async_copy(
            wt_hbm.at[pl.ds(pl.multiple_of(dt * _DB * _VP, 8), _DB * _VP)],
            wt_v,
            sem_t,
        )
        start_idx(l0, 0)
        tbl.wait()

        def unit(l, _):
            p = lax.rem(l - l0, 2)

            @pl.when(l + 1 < l1)
            def _():
                start_idx(l + 1, 1 - p)

            wait_idx()

            @pl.when(l - l0 >= 2)
            def _():
                wait_out()

            def addrs_of(iv):
                return tuple(iv + bases[d8] for d8 in range(_DB))

            def col(cg, carry):
                addrs, vals = carry
                nxt = idx_v[p, 0, pl.ds(cg * 16 + 16, 16)]
                new = tuple(
                    plsc.load_gather(wt_v, [addrs[d8]]) for d8 in range(_DB)
                )
                for d8 in range(_DB):
                    out_v[p, 0, d8, pl.ds(cg * 16 - 16, 16)] = vals[d8]
                return addrs_of(nxt), new

            iv0 = idx_v[p, 0, pl.ds(0, 16)]
            vals0 = tuple(
                plsc.load_gather(wt_v, [a]) for a in addrs_of(iv0)
            )
            iv1 = idx_v[p, 0, pl.ds(16, 16)]
            _, last = lax.fori_loop(
                1, B // 16, col, (addrs_of(iv1), vals0), unroll=8
            )
            for d8 in range(_DB):
                out_v[p, 0, d8, pl.ds(B - 16, 16)] = last[d8]
            start_out(l, p)
            return ()

        lax.fori_loop(l0, l1, unit, ())
        wait_out()
        wait_out()

    return k(Wt, xT)


def kernel(x, W):
    B, L = x.shape
    V, D = W.shape
    Wt = jnp.pad(W.T, ((0, 0), (0, _VP - V))).reshape(-1)
    out_t = _embed_t(Wt, x.T, B, L, D)
    return jnp.transpose(out_t, (2, 0, 1))

# --- scband reference (transcript-rebuilt; emitter-appended) ---
"""Pipeline reference for scband-custom-embedding-19335942767147 (READ-ONLY COPY).

The authoritative reference and input builder live on the scoring server;
editing this copy changes nothing except your own understanding.
"""

import jax, jax.numpy as jnp
import numpy as np

NUM_EMBEDDINGS = 1000
EMBEDDING_DIM = 64
BATCH = 1024
HIST_LEN = 50


def setup_inputs(seed: int = 0) -> dict:
    key = jax.random.key(seed)
    k_idx, k_w = jax.random.split(key)
    x = jax.random.randint(k_idx, (BATCH, HIST_LEN), 0, NUM_EMBEDDINGS, dtype=jnp.int32)
    # kaiming_uniform_(a=sqrt(5)) on [num_embeddings, embedding_dim]:
    # fan_in = embedding_dim, gain = sqrt(2/(1+5)) = sqrt(1/3),
    # bound = gain * sqrt(3/fan_in) = 1/sqrt(fan_in)
    bound = 1.0 / np.sqrt(EMBEDDING_DIM)
    W = jax.random.uniform(k_w, (NUM_EMBEDDINGS, EMBEDDING_DIM), dtype=jnp.float32, minval=-bound, maxval=bound)
    return {"x": x, "W": W}


def reference(x, W):
    # Faithful translation: one-hot via identity-matrix gather, then matmul.
    mat = jnp.eye(NUM_EMBEDDINGS, dtype=W.dtype)
    x_oh = mat[x]                      # [B, L, num_embeddings]
    emb = jnp.matmul(x_oh, W)          # [B, L, embedding_dim]
    emb = emb.reshape((x_oh.shape[0], x_oh.shape[1], -1))
    return emb

if __name__ == "__main__":
    import jax
    _d = setup_inputs()
    print(jax.jit(kernel)(*tuple(_d.values())))

</pallas_src>

<mosaic_0001>
#map = affine_map<(d0, d1) -> (0)>
#map1 = affine_map<(d0, d1) -> (0, 0)>
#map2 = affine_map<(d0, d1) -> (0, 0, 0)>
module attributes {stable_mosaic.version = 14 : i64} {
  func.func @k(%arg0: i32, %arg1: i32, %arg2: memref<65536xf32, #tpu.memory_space<hbm>>, %arg3: memref<50x1024xi32, #tpu.memory_space<hbm>>, %arg4: memref<50x64x1024xf32, #tpu.memory_space<hbm>>, %arg5: memref<8192xf32, #tpu.memory_space<vmem>>, %arg6: memref<2x1x1040xi32, #tpu.memory_space<vmem>>, %arg7: memref<2x1x8x1024xf32, #tpu.memory_space<vmem>>, %arg8: memref<!tpu.dma_semaphore, #tpu.memory_space<semaphore_mem>>, %arg9: memref<!tpu.dma_semaphore, #tpu.memory_space<semaphore_mem>>, %arg10: memref<!tpu.dma_semaphore, #tpu.memory_space<semaphore_mem>>) attributes {dimension_semantics = [#tpu.dimension_semantics<core_parallel>, #tpu.dimension_semantics<subcore_parallel>], iteration_bounds = array<i64: 2, 16>, scalar_prefetch = 0 : i64, scratch_operands = 6 : i64, tpu.core_type = #tpu.core_type<sc_vector_subcore>, window_params = [{transform_indices = #map}, {transform_indices = #map1}, {transform_indices = #map2}]} {
    %mul3A = arith.constant 2 : i32
    %mul3A_0 = arith.muli %arg1, %mul3A : i32
    %add3A = arith.addi %mul3A_0, %arg0 : i32
    %rem3A = arith.constant 8 : i32
    %rem3A_1 = arith.remsi %add3A, %rem3A : i32
    %jit3A = arith.constant 8 : i32
    %div3A = arith.divsi %add3A, %jit3A : i32
    %sign3A = arith.constant 0 : i32
    %sign3A_2 = arith.cmpi sgt, %add3A, %sign3A : i32
    %sign3A_3 = arith.extui %sign3A_2 : i1 to i32
    %sign3A_4 = arith.constant 0 : i32
    %sign3A_5 = arith.cmpi slt, %add3A, %sign3A_4 : i32
    %sign3A_6 = arith.extui %sign3A_5 : i1 to i32
    %sign3A_7 = arith.subi %sign3A_3, %sign3A_6 : i32
    %sign3A_8 = arith.constant 0 : i32
    %sign3A_9 = arith.cmpi sgt, %jit3A, %sign3A_8 : i32
    %sign3A_10 = arith.extui %sign3A_9 : i1 to i32
    %sign3A_11 = arith.constant 0 : i32
    %sign3A_12 = arith.cmpi slt, %jit3A, %sign3A_11 : i32
    %sign3A_13 = arith.extui %sign3A_12 : i1 to i32
    %sign3A_14 = arith.subi %sign3A_10, %sign3A_13 : i32
    %ne3A = arith.cmpi ne, %sign3A_7, %sign3A_14 : i32
    %rem3A_15 = arith.remsi %add3A, %jit3A : i32
    %ne3A_16 = arith.constant 0 : i32
    %ne3A_17 = arith.cmpi ne, %rem3A_15, %ne3A_16 : i32
    %and3A = arith.andi %ne3A, %ne3A_17 : i1
    %sub3A = arith.constant 1 : i32
    %sub3A_18 = arith.subi %div3A, %sub3A : i32
    %select_n3A = arith.select %and3A, %sub3A_18, %div3A : i32
    %mul3A_19 = arith.constant 12 : i32
    %mul3A_20 = arith.muli %select_n3A, %mul3A_19 : i32
    %min3A = arith.constant 2 : i32
    %min3A_21 = arith.minsi %select_n3A, %min3A : i32
    %add3A_22 = arith.addi %mul3A_20, %min3A_21 : i32
    %add3A_23 = arith.constant 12 : i32
    %add3A_24 = arith.addi %add3A_22, %add3A_23 : i32
    %lt3A = arith.constant 2 : i32
    %lt3A_25 = arith.cmpi slt, %select_n3A, %lt3A : i32
    %jit3A_26 = arith.constant 1 : i32
    %jit3A_27 = arith.constant 0 : i32
    %select_n3A_28 = arith.select %lt3A_25, %jit3A_26, %jit3A_27 : i32
    %add3A_29 = arith.addi %add3A_24, %select_n3A_28 : i32
    %broadcast_in_dim3A = arith.constant 0 : i32
    %broadcast_in_dim3A_30 = vector.broadcast %broadcast_in_dim3A : i32 to vector<16xi32>
    %broadcast_in_dim3A_31 = arith.constant 1024 : i32
    %broadcast_in_dim3A_32 = vector.broadcast %broadcast_in_dim3A_31 : i32 to vector<16xi32>
    %broadcast_in_dim3A_33 = arith.constant 2048 : i32
    %broadcast_in_dim3A_34 = vector.broadcast %broadcast_in_dim3A_33 : i32 to vector<16xi32>
    %broadcast_in_dim3A_35 = arith.constant 3072 : i32
    %broadcast_in_dim3A_36 = vector.broadcast %broadcast_in_dim3A_35 : i32 to vector<16xi32>
    %broadcast_in_dim3A_37 = arith.constant 4096 : i32
    %broadcast_in_dim3A_38 = vector.broadcast %broadcast_in_dim3A_37 : i32 to vector<16xi32>
    %broadcast_in_dim3A_39 = arith.constant 5120 : i32
    %broadcast_in_dim3A_40 = vector.broadcast %broadcast_in_dim3A_39 : i32 to vector<16xi32>
    %broadcast_in_dim3A_41 = arith.constant 6144 : i32
    %broadcast_in_dim3A_42 = vector.broadcast %broadcast_in_dim3A_41 : i32 to vector<16xi32>
    %broadcast_in_dim3A_43 = arith.constant 7168 : i32
    %broadcast_in_dim3A_44 = vector.broadcast %broadcast_in_dim3A_43 : i32 to vector<16xi32>
    %mul3A_45 = arith.constant 8 : i32
    %mul3A_46 = arith.muli %rem3A_1, %mul3A_45 : i32
    %mul3A_47 = arith.constant 1024 : i32
    %mul3A_48 = arith.muli %mul3A_46, %mul3A_47 : i32
    %multiple_of3A = tpu.assume_multiple %mul3A_48, 8 : i32
    %dma_start3A = tpu.memref_slice %arg2[%multiple_of3A] : memref<65536xf32, #tpu.memory_space<hbm>> -> memref<8192xf32, #tpu.memory_space<hbm>>
    %dma_start3A_49 = tpu.memref_slice %arg2[%multiple_of3A] : memref<65536xf32, #tpu.memory_space<hbm>> -> memref<8192xf32, #tpu.memory_space<hbm>>
    tpu.enqueue_dma source(%dma_start3A_49 : memref<8192xf32, #tpu.memory_space<hbm>>) target(%arg5 : memref<8192xf32, #tpu.memory_space<vmem>>) target_semaphore(%arg8 : memref<!tpu.dma_semaphore, #tpu.memory_space<semaphore_mem>>)
    %dma_start3A_50 = arith.constant 0 : i32
    %dma_start3A_51 = arith.constant 0 : i32
    %dma_start3A_52 = arith.constant 0 : i32
    %dma_start3A_53 = tpu.memref_slice %arg6[%dma_start3A_50, %dma_start3A_51, %dma_start3A_52] : memref<2x1x1040xi32, #tpu.memory_space<vmem>> -> memref<1x1x1024xi32, #tpu.memory_space<vmem>>
    %dma_start3A_54 = tpu.memref_squeeze %dma_start3A_53 : memref<1x1x1024xi32, #tpu.memory_space<vmem>> -> memref<1x1024xi32, #tpu.memory_space<vmem>>
    %dma_start3A_55 = arith.constant 0 : i32
    %dma_start3A_56 = tpu.memref_slice %arg3[%add3A_22, %dma_start3A_55] : memref<50x1024xi32, #tpu.memory_space<hbm>> -> memref<1x1024xi32, #tpu.memory_space<hbm>>
    %dma_start3A_57 = arith.constant 0 : i32
    %dma_start3A_58 = arith.constant 0 : i32
    %dma_start3A_59 = tpu.memref_slice %arg6[%dma_start3A_50, %dma_start3A_57, %dma_start3A_58] : memref<2x1x1040xi32, #tpu.memory_space<vmem>> -> memref<1x1x1024xi32, #tpu.memory_space<vmem>>
    %dma_start3A_60 = tpu.memref_squeeze %dma_start3A_59 : memref<1x1x1024xi32, #tpu.memory_space<vmem>> -> memref<1x1024xi32, #tpu.memory_space<vmem>>
    %dma_start3A_61 = arith.constant 0 : i32
    %dma_start3A_62 = tpu.memref_slice %arg3[%add3A_22, %dma_start3A_61] : memref<50x1024xi32, #tpu.memory_space<hbm>> -> memref<1x1024xi32, #tpu.memory_space<hbm>>
    tpu.enqueue_dma source(%dma_start3A_62 : memref<1x1024xi32, #tpu.memory_space<hbm>>) target(%dma_start3A_60 : memref<1x1024xi32, #tpu.memory_space<vmem>>) target_semaphore(%arg9 : memref<!tpu.dma_semaphore, #tpu.memory_space<semaphore_mem>>)
    %dma_wait3A = tpu.memref_slice %arg2[%multiple_of3A] : memref<65536xf32, #tpu.memory_space<hbm>> -> memref<8192xf32, #tpu.memory_space<hbm>>
    %dma_wait3A_63 = tpu.memref_slice %arg2[%multiple_of3A] : memref<65536xf32, #tpu.memory_space<hbm>> -> memref<8192xf32, #tpu.memory_space<hbm>>
    tpu.wait_dma2 semaphore(%arg8 : memref<!tpu.dma_semaphore, #tpu.memory_space<semaphore_mem>>) src(%dma_wait3A_63 : memref<8192xf32, #tpu.memory_space<hbm>>) dst(%arg5 : memref<8192xf32, #tpu.memory_space<vmem>>)
    %while3A = arith.subi %add3A_29, %add3A_22 : i32
    %while3A_64 = arith.addi %add3A_22, %while3A : i32
    %while3A_65 = arith.constant 1 : i32
    %while3A_66 = arith.divsi %while3A, %while3A_65 : i32
    %while3A_67 = arith.muli %while3A_66, %while3A_65 : i32
    %while3A_68 = arith.addi %add3A_22, %while3A_67 : i32
    %while3A_69 = arith.constant 1 : i32
    scf.for %while3A_109 = %add3A_22 to %while3A_68 step %while3A_69  : i32 {
      %sub3A_110 = arith.subi %while3A_109, %add3A_22 : i32
      %rem3A_111 = arith.constant 2 : i32
      %rem3A_112 = arith.remsi %sub3A_110, %rem3A_111 : i32
      %add3A_113 = arith.constant 1 : i32
      %add3A_114 = arith.addi %while3A_109, %add3A_113 : i32
      %lt3A_115 = arith.cmpi slt, %add3A_114, %add3A_29 : i32
      %convert_element_type3A = arith.extui %lt3A_115 : i1 to i32
      %cond3A = arith.constant 0 : i32
      %cond3A_116 = arith.cmpi ne, %convert_element_type3A, %cond3A : i32
      scf.if %cond3A_116 {
        %add3A_1051 = arith.constant 1 : i32
        %add3A_1052 = arith.addi %while3A_109, %add3A_1051 : i32
        %sub3A_1053 = arith.constant 1 : i32
        %sub3A_1054 = arith.subi %sub3A_1053, %rem3A_112 : i32
        %dma_start3A_1055 = arith.constant 0 : i32
        %dma_start3A_1056 = arith.constant 0 : i32
        %dma_start3A_1057 = tpu.memref_slice %arg6[%sub3A_1054, %dma_start3A_1055, %dma_start3A_1056] : memref<2x1x1040xi32, #tpu.memory_space<vmem>> -> memref<1x1x1024xi32, #tpu.memory_space<vmem>>
        %dma_start3A_1058 = tpu.memref_squeeze %dma_start3A_1057 : memref<1x1x1024xi32, #tpu.memory_space<vmem>> -> memref<1x1024xi32, #tpu.memory_space<vmem>>
        %dma_start3A_1059 = arith.constant 0 : i32
        %dma_start3A_1060 = tpu.memref_slice %arg3[%add3A_1052, %dma_start3A_1059] : memref<50x1024xi32, #tpu.memory_space<hbm>> -> memref<1x1024xi32, #tpu.memory_space<hbm>>
        %dma_start3A_1061 = arith.constant 0 : i32
        %dma_start3A_1062 = arith.constant 0 : i32
        %dma_start3A_1063 = tpu.memref_slice %arg6[%sub3A_1054, %dma_start3A_1061, %dma_start3A_1062] : memref<2x1x1040xi32, #tpu.memory_space<vmem>> -> memref<1x1x1024xi32, #tpu.memory_space<vmem>>
        %dma_start3A_1064 = tpu.memref_squeeze %dma_start3A_1063 : memref<1x1x1024xi32, #tpu.memory_space<vmem>> -> memref<1x1024xi32, #tpu.memory_space<vmem>>
        %dma_start3A_1065 = arith.constant 0 : i32
        %dma_start3A_1066 = tpu.memref_slice %arg3[%add3A_1052, %dma_start3A_1065] : memref<50x1024xi32, #tpu.memory_space<hbm>> -> memref<1x1024xi32, #tpu.memory_space<hbm>>
        tpu.enqueue_dma source(%dma_start3A_1066 : memref<1x1024xi32, #tpu.memory_space<hbm>>) target(%dma_start3A_1064 : memref<1x1024xi32, #tpu.memory_space<vmem>>) target_semaphore(%arg9 : memref<!tpu.dma_semaphore, #tpu.memory_space<semaphore_mem>>)
      } else {
      }
      %dma_wait3A_117 = arith.constant 0 : i32
      %dma_wait3A_118 = arith.constant 0 : i32
      %dma_wait3A_119 = arith.constant 0 : i32
      %dma_wait3A_120 = tpu.memref_slice %arg6[%dma_wait3A_117, %dma_wait3A_118, %dma_wait3A_119] : memref<2x1x1040xi32, #tpu.memory_space<vmem>> -> memref<1x1x1024xi32, #tpu.memory_space<vmem>>
      %dma_wait3A_121 = tpu.memref_squeeze %dma_wait3A_120 : memref<1x1x1024xi32, #tpu.memory_space<vmem>> -> memref<1x1024xi32, #tpu.memory_space<vmem>>
      %dma_wait3A_122 = arith.constant 0 : i32
      %dma_wait3A_123 = arith.constant 0 : i32
      %dma_wait3A_124 = tpu.memref_slice %arg3[%dma_wait3A_122, %dma_wait3A_123] : memref<50x1024xi32, #tpu.memory_space<hbm>> -> memref<1x1024xi32, #tpu.memory_space<hbm>>
      %dma_wait3A_125 = arith.constant 0 : i32
      %dma_wait3A_126 = arith.constant 0 : i32
      %dma_wait3A_127 = tpu.memref_slice %arg6[%dma_wait3A_117, %dma_wait3A_125, %dma_wait3A_126] : memref<2x1x1040xi32, #tpu.memory_space<vmem>> -> memref<1x1x1024xi32, #tpu.memory_space<vmem>>
      %dma_wait3A_128 = tpu.memref_squeeze %dma_wait3A_127 : memref<1x1x1024xi32, #tpu.memory_space<vmem>> -> memref<1x1024xi32, #tpu.memory_space<vmem>>
      %dma_wait3A_129 = arith.constant 0 : i32
      %dma_wait3A_130 = arith.constant 0 : i32
      %dma_wait3A_131 = tpu.memref_slice %arg3[%dma_wait3A_129, %dma_wait3A_130] : memref<50x1024xi32, #tpu.memory_space<hbm>> -> memref<1x1024xi32, #tpu.memory_space<hbm>>
      tpu.wait_dma2 semaphore(%arg9 : memref<!tpu.dma_semaphore, #tpu.memory_space<semaphore_mem>>) src(%dma_wait3A_131 : memref<1x1024xi32, #tpu.memory_space<hbm>>) dst(%dma_wait3A_128 : memref<1x1024xi32, #tpu.memory_space<vmem>>)
      %sub3A_132 = arith.subi %while3A_109, %add3A_22 : i32
      %ge3A = arith.constant 2 : i32
      %ge3A_133 = arith.cmpi sge, %sub3A_132, %ge3A : i32
      %convert_element_type3A_134 = arith.extui %ge3A_133 : i1 to i32
      %cond3A_135 = arith.constant 0 : i32
      %cond3A_136 = arith.cmpi ne, %convert_element_type3A_134, %cond3A_135 : i32
      scf.if %cond3A_136 {
        %dma_wait3A_1051 = arith.constant 0 : i32
        %dma_wait3A_1052 = arith.constant 0 : i32
        %dma_wait3A_1053 = arith.constant 0 : i32
        %dma_wait3A_1054 = arith.constant 0 : i32
        %dma_wait3A_1055 = tpu.memref_slice %arg7[%dma_wait3A_1051, %dma_wait3A_1052, %dma_wait3A_1053, %dma_wait3A_1054] : memref<2x1x8x1024xf32, #tpu.memory_space<vmem>> -> memref<1x1x8x1024xf32, #tpu.memory_space<vmem>>
        %dma_wait3A_1056 = tpu.memref_squeeze %dma_wait3A_1055 : memref<1x1x8x1024xf32, #tpu.memory_space<vmem>> -> memref<1x8x1024xf32, #tpu.memory_space<vmem>>
        %dma_wait3A_1057 = arith.constant 0 : i32
        %dma_wait3A_1058 = arith.constant 0 : i32
        %dma_wait3A_1059 = arith.constant 0 : i32
        %dma_wait3A_1060 = tpu.memref_slice %arg4[%dma_wait3A_1057, %dma_wait3A_1058, %dma_wait3A_1059] : memref<50x64x1024xf32, #tpu.memory_space<hbm>> -> memref<1x8x1024xf32, #tpu.memory_space<hbm>>
        %dma_wait3A_1061 = arith.constant 0 : i32
        %dma_wait3A_1062 = arith.constant 0 : i32
        %dma_wait3A_1063 = arith.constant 0 : i32
        %dma_wait3A_1064 = tpu.memref_slice %arg4[%dma_wait3A_1061, %dma_wait3A_1062, %dma_wait3A_1063] : memref<50x64x1024xf32, #tpu.memory_space<hbm>> -> memref<1x8x1024xf32, #tpu.memory_space<hbm>>
        %dma_wait3A_1065 = arith.constant 0 : i32
        %dma_wait3A_1066 = arith.constant 0 : i32
        %dma_wait3A_1067 = arith.constant 0 : i32
        %dma_wait3A_1068 = tpu.memref_slice %arg7[%dma_wait3A_1051, %dma_wait3A_1065, %dma_wait3A_1066, %dma_wait3A_1067] : memref<2x1x8x1024xf32, #tpu.memory_space<vmem>> -> memref<1x1x8x1024xf32, #tpu.memory_space<vmem>>
        %dma_wait3A_1069 = tpu.memref_squeeze %dma_wait3A_1068 : memref<1x1x8x1024xf32, #tpu.memory_space<vmem>> -> memref<1x8x1024xf32, #tpu.memory_space<vmem>>
        tpu.wait_dma2 semaphore(%arg10 : memref<!tpu.dma_semaphore, #tpu.memory_space<semaphore_mem>>) src(%dma_wait3A_1069 : memref<1x8x1024xf32, #tpu.memory_space<vmem>>) dst(%dma_wait3A_1064 : memref<1x8x1024xf32, #tpu.memory_space<hbm>>)
      } else {
      }
      %get3A = arith.constant 0 : i32
      %get3A_137 = arith.index_cast %rem3A_112 : i32 to index
      %get3A_138 = arith.index_cast %get3A : i32 to index
      %get3A_139 = arith.constant 0 : index
      %get3A_140 = tpu.vector_load %arg6[%get3A_137, %get3A_138, %get3A_139] {strides = array<i32>} : memref<2x1x1040xi32, #tpu.memory_space<vmem>>, vector<16xi32>,
      %add3A_141 = arith.addi %get3A_140, %broadcast_in_dim3A_30 : vector<16xi32>
      %add3A_142 = arith.addi %get3A_140, %broadcast_in_dim3A_32 : vector<16xi32>
      %add3A_143 = arith.addi %get3A_140, %broadcast_in_dim3A_34 : vector<16xi32>
      %add3A_144 = arith.addi %get3A_140, %broadcast_in_dim3A_36 : vector<16xi32>
      %add3A_145 = arith.addi %get3A_140, %broadcast_in_dim3A_38 : vector<16xi32>
      %add3A_146 = arith.addi %get3A_140, %broadcast_in_dim3A_40 : vector<16xi32>
      %add3A_147 = arith.addi %get3A_140, %broadcast_in_dim3A_42 : vector<16xi32>
      %add3A_148 = arith.addi %get3A_140, %broadcast_in_dim3A_44 : vector<16xi32>
      %gather3A = tpu.vector_load_idx %arg5[%add3A_141] : memref<8192xf32, #tpu.memory_space<vmem>>[vector<16xi32>], vector<16xf32>,
      %gather3A_149 = tpu.vector_load_idx %arg5[%add3A_142] : memref<8192xf32, #tpu.memory_space<vmem>>[vector<16xi32>], vector<16xf32>,
      %gather3A_150 = tpu.vector_load_idx %arg5[%add3A_143] : memref<8192xf32, #tpu.memory_space<vmem>>[vector<16xi32>], vector<16xf32>,
      %gather3A_151 = tpu.vector_load_idx %arg5[%add3A_144] : memref<8192xf32, #tpu.memory_space<vmem>>[vector<16xi32>], vector<16xf32>,
      %gather3A_152 = tpu.vector_load_idx %arg5[%add3A_145] : memref<8192xf32, #tpu.memory_space<vmem>>[vector<16xi32>], vector<16xf32>,
      %gather3A_153 = tpu.vector_load_idx %arg5[%add3A_146] : memref<8192xf32, #tpu.memory_space<vmem>>[vector<16xi32>], vector<16xf32>,
      %gather3A_154 = tpu.vector_load_idx %arg5[%add3A_147] : memref<8192xf32, #tpu.memory_space<vmem>>[vector<16xi32>], vector<16xf32>,
      %gather3A_155 = tpu.vector_load_idx %arg5[%add3A_148] : memref<8192xf32, #tpu.memory_space<vmem>>[vector<16xi32>], vector<16xf32>,
      %get3A_156 = arith.constant 0 : i32
      %get3A_157 = arith.index_cast %rem3A_112 : i32 to index
      %get3A_158 = arith.index_cast %get3A_156 : i32 to index
      %get3A_159 = arith.constant 16 : index
      %get3A_160 = tpu.vector_load %arg6[%get3A_157, %get3A_158, %get3A_159] {strides = array<i32>} : memref<2x1x1040xi32, #tpu.memory_space<vmem>>, vector<16xi32>,
      %add3A_161 = arith.addi %get3A_160, %broadcast_in_dim3A_30 : vector<16xi32>
      %add3A_162 = arith.addi %get3A_160, %broadcast_in_dim3A_32 : vector<16xi32>
      %add3A_163 = arith.addi %get3A_160, %broadcast_in_dim3A_34 : vector<16xi32>
      %add3A_164 = arith.addi %get3A_160, %broadcast_in_dim3A_36 : vector<16xi32>
      %add3A_165 = arith.addi %get3A_160, %broadcast_in_dim3A_38 : vector<16xi32>
      %add3A_166 = arith.addi %get3A_160, %broadcast_in_dim3A_40 : vector<16xi32>
      %add3A_167 = arith.addi %get3A_160, %broadcast_in_dim3A_42 : vector<16xi32>
      %add3A_168 = arith.addi %get3A_160, %broadcast_in_dim3A_44 : vector<16xi32>
      %scan3A = arith.constant 1 : i32
      %scan3A_169 = arith.constant 56 : i32
      %scan3A_170 = arith.addi %scan3A, %scan3A_169 : i32
      %scan3A_171 = arith.constant 8 : i32
      %scan3A_172:16 = scf.for %scan3A_1051 = %scan3A to %scan3A_170 step %scan3A_171 iter_args(%scan3A_1052 = %add3A_161, %scan3A_1053 = %add3A_162, %scan3A_1054 = %add3A_163, %scan3A_1055 = %add3A_164, %scan3A_1056 = %add3A_165, %scan3A_1057 = %add3A_166, %scan3A_1058 = %add3A_167, %scan3A_1059 = %add3A_168, %scan3A_1060 = %gather3A, %scan3A_1061 = %gather3A_149, %scan3A_1062 = %gather3A_150, %scan3A_1063 = %gather3A_151, %scan3A_1064 = %gather3A_152, %scan3A_1065 = %gather3A_153, %scan3A_1066 = %gather3A_154, %scan3A_1067 = %gather3A_155) -> (vector<16xi32>, vector<16xi32>, vector<16xi32>, vector<16xi32>, vector<16xi32>, vector<16xi32>, vector<16xi32>, vector<16xi32>, vector<16xf32>, vector<16xf32>, vector<16xf32>, vector<16xf32>, vector<16xf32>, vector<16xf32>, vector<16xf32>, vector<16xf32>)  : i32 {
        %mul3A_1068 = arith.constant 16 : i32
        %mul3A_1069 = arith.muli %scan3A_1051, %mul3A_1068 : i32
        %add3A_1070 = arith.constant 16 : i32
        %add3A_1071 = arith.addi %mul3A_1069, %add3A_1070 : i32
        %get3A_1072 = arith.constant 0 : i32
        %get3A_1073 = arith.index_cast %rem3A_112 : i32 to index
        %get3A_1074 = arith.index_cast %get3A_1072 : i32 to index
        %get3A_1075 = arith.index_cast %add3A_1071 : i32 to index
        %get3A_1076 = tpu.vector_load %arg6[%get3A_1073, %get3A_1074, %get3A_1075] {strides = array<i32>} : memref<2x1x1040xi32, #tpu.memory_space<vmem>>, vector<16xi32>,
        %gather3A_1077 = tpu.vector_load_idx %arg5[%scan3A_1052] : memref<8192xf32, #tpu.memory_space<vmem>>[vector<16xi32>], vector<16xf32>,
        %gather3A_1078 = tpu.vector_load_idx %arg5[%scan3A_1053] : memref<8192xf32, #tpu.memory_space<vmem>>[vector<16xi32>], vector<16xf32>,
        %gather3A_1079 = tpu.vector_load_idx %arg5[%scan3A_1054] : memref<8192xf32, #tpu.memory_space<vmem>>[vector<16xi32>], vector<16xf32>,
        %gather3A_1080 = tpu.vector_load_idx %arg5[%scan3A_1055] : memref<8192xf32, #tpu.memory_space<vmem>>[vector<16xi32>], vector<16xf32>,
        %gather3A_1081 = tpu.vector_load_idx %arg5[%scan3A_1056] : memref<8192xf32, #tpu.memory_space<vmem>>[vector<16xi32>], vector<16xf32>,
        %gather3A_1082 = tpu.vector_load_idx %arg5[%scan3A_1057] : memref<8192xf32, #tpu.memory_space<vmem>>[vector<16xi32>], vector<16xf32>,
        %gather3A_1083 = tpu.vector_load_idx %arg5[%scan3A_1058] : memref<8192xf32, #tpu.memory_space<vmem>>[vector<16xi32>], vector<16xf32>,
        %gather3A_1084 = tpu.vector_load_idx %arg5[%scan3A_1059] : memref<8192xf32, #tpu.memory_space<vmem>>[vector<16xi32>], vector<16xf32>,
        %mul3A_1085 = arith.constant 16 : i32
        %mul3A_1086 = arith.muli %scan3A_1051, %mul3A_1085 : i32
        %sub3A_1087 = arith.constant 16 : i32
        %sub3A_1088 = arith.subi %mul3A_1086, %sub3A_1087 : i32
        %swap3A_1089 = arith.constant 0 : i32
        %swap3A_1090 = arith.constant 0 : i32
        %swap3A_1091 = arith.index_cast %rem3A_112 : i32 to index
        %swap3A_1092 = arith.index_cast %swap3A_1089 : i32 to index
        %swap3A_1093 = arith.index_cast %swap3A_1090 : i32 to index
        %swap3A_1094 = arith.index_cast %sub3A_1088 : i32 to index
        %swap3A_1095 = tpu.vector_load %arg7[%swap3A_1091, %swap3A_1092, %swap3A_1093, %swap3A_1094] {strides = array<i32>} : memref<2x1x8x1024xf32, #tpu.memory_space<vmem>>, vector<16xf32>,
        tpu.vector_store %arg7[%swap3A_1091, %swap3A_1092, %swap3A_1093, %swap3A_1094], %scan3A_1060 {strides = array<i32>} : memref<2x1x8x1024xf32, #tpu.memory_space<vmem>>, vector<16xf32>,
        %mul3A_1096 = arith.constant 16 : i32
        %mul3A_1097 = arith.muli %scan3A_1051, %mul3A_1096 : i32
        %sub3A_1098 = arith.constant 16 : i32
        %sub3A_1099 = arith.subi %mul3A_1097, %sub3A_1098 : i32
        %swap3A_1100 = arith.constant 0 : i32
        %swap3A_1101 = arith.constant 1 : i32
        %swap3A_1102 = arith.index_cast %rem3A_112 : i32 to index
        %swap3A_1103 = arith.index_cast %swap3A_1100 : i32 to index
        %swap3A_1104 = arith.index_cast %swap3A_1101 : i32 to index
        %swap3A_1105 = arith.index_cast %sub3A_1099 : i32 to index
        %swap3A_1106 = tpu.vector_load %arg7[%swap3A_1102, %swap3A_1103, %swap3A_1104, %swap3A_1105] {strides = array<i32>} : memref<2x1x8x1024xf32, #tpu.memory_space<vmem>>, vector<16xf32>,
        tpu.vector_store %arg7[%swap3A_1102, %swap3A_1103, %swap3A_1104, %swap3A_1105], %scan3A_1061 {strides = array<i32>} : memref<2x1x8x1024xf32, #tpu.memory_space<vmem>>, vector<16xf32>,
        %mul3A_1107 = arith.constant 16 : i32
        %mul3A_1108 = arith.muli %scan3A_1051, %mul3A_1107 : i32
        %sub3A_1109 = arith.constant 16 : i32
        %sub3A_1110 = arith.subi %mul3A_1108, %sub3A_1109 : i32
        %swap3A_1111 = arith.constant 0 : i32
        %swap3A_1112 = arith.constant 2 : i32
        %swap3A_1113 = arith.index_cast %rem3A_112 : i32 to index
        %swap3A_1114 = arith.index_cast %swap3A_1111 : i32 to index
        %swap3A_1115 = arith.index_cast %swap3A_1112 : i32 to index
        %swap3A_1116 = arith.index_cast %sub3A_1110 : i32 to index
        %swap3A_1117 = tpu.vector_load %arg7[%swap3A_1113, %swap3A_1114, %swap3A_1115, %swap3A_1116] {strides = array<i32>} : memref<2x1x8x1024xf32, #tpu.memory_space<vmem>>, vector<16xf32>,
        tpu.vector_store %arg7[%swap3A_1113, %swap3A_1114, %swap3A_1115, %swap3A_1116], %scan3A_1062 {strides = array<i32>} : memref<2x1x8x1024xf32, #tpu.memory_space<vmem>>, vector<16xf32>,
        %mul3A_1118 = arith.constant 16 : i32
        %mul3A_1119 = arith.muli %scan3A_1051, %mul3A_1118 : i32
        %sub3A_1120 = arith.constant 16 : i32
        %sub3A_1121 = arith.subi %mul3A_1119, %sub3A_1120 : i32
        %swap3A_1122 = arith.constant 0 : i32
        %swap3A_1123 = arith.constant 3 : i32
        %swap3A_1124 = arith.index_cast %rem3A_112 : i32 to index
        %swap3A_1125 = arith.index_cast %swap3A_1122 : i32 to index
        %swap3A_1126 = arith.index_cast %swap3A_1123 : i32 to index
        %swap3A_1127 = arith.index_cast %sub3A_1121 : i32 to index
        %swap3A_1128 = tpu.vector_load %arg7[%swap3A_1124, %swap3A_1125, %swap3A_1126, %swap3A_1127] {strides = array<i32>} : memref<2x1x8x1024xf32, #tpu.memory_space<vmem>>, vector<16xf32>,
        tpu.vector_store %arg7[%swap3A_1124, %swap3A_1125, %swap3A_1126, %swap3A_1127], %scan3A_1063 {strides = array<i32>} : memref<2x1x8x1024xf32, #tpu.memory_space<vmem>>, vector<16xf32>,
        %mul3A_1129 = arith.constant 16 : i32
        %mul3A_1130 = arith.muli %scan3A_1051, %mul3A_1129 : i32
        %sub3A_1131 = arith.constant 16 : i32
        %sub3A_1132 = arith.subi %mul3A_1130, %sub3A_1131 : i32
        %swap3A_1133 = arith.constant 0 : i32
        %swap3A_1134 = arith.constant 4 : i32
        %swap3A_1135 = arith.index_cast %rem3A_112 : i32 to index
        %swap3A_1136 = arith.index_cast %swap3A_1133 : i32 to index
        %swap3A_1137 = arith.index_cast %swap3A_1134 : i32 to index
        %swap3A_1138 = arith.index_cast %sub3A_1132 : i32 to index
        %swap3A_1139 = tpu.vector_load %arg7[%swap3A_1135, %swap3A_1136, %swap3A_1137, %swap3A_1138] {strides = array<i32>} : memref<2x1x8x1024xf32, #tpu.memory_space<vmem>>, vector<16xf32>,
        tpu.vector_store %arg7[%swap3A_1135, %swap3A_1136, %swap3A_1137, %swap3A_1138], %scan3A_1064 {strides = array<i32>} : memref<2x1x8x1024xf32, #tpu.memory_space<vmem>>, vector<16xf32>,
        %mul3A_1140 = arith.constant 16 : i32
        %mul3A_1141 = arith.muli %scan3A_1051, %mul3A_1140 : i32
        %sub3A_1142 = arith.constant 16 : i32
        %sub3A_1143 = arith.subi %mul3A_1141, %sub3A_1142 : i32
        %swap3A_1144 = arith.constant 0 : i32
        %swap3A_1145 = arith.constant 5 : i32
        %swap3A_1146 = arith.index_cast %rem3A_112 : i32 to index
        %swap3A_1147 = arith.index_cast %swap3A_1144 : i32 to index
        %swap3A_1148 = arith.index_cast %swap3A_1145 : i32 to index
        %swap3A_1149 = arith.index_cast %sub3A_1143 : i32 to index
        %swap3A_1150 = tpu.vector_load %arg7[%swap3A_1146, %swap3A_1147, %swap3A_1148, %swap3A_1149] {strides = array<i32>} : memref<2x1x8x1024xf32, #tpu.memory_space<vmem>>, vector<16xf32>,
        tpu.vector_store %arg7[%swap3A_1146, %swap3A_1147, %swap3A_1148, %swap3A_1149], %scan3A_1065 {strides = array<i32>} : memref<2x1x8x1024xf32, #tpu.memory_space<vmem>>, vector<16xf32>,
        %mul3A_1151 = arith.constant 16 : i32
        %mul3A_1152 = arith.muli %scan3A_1051, %mul3A_1151 : i32
        %sub3A_1153 = arith.constant 16 : i32
        %sub3A_1154 = arith.subi %mul3A_1152, %sub3A_1153 : i32
        %swap3A_1155 = arith.constant 0 : i32
        %swap3A_1156 = arith.constant 6 : i32
        %swap3A_1157 = arith.index_cast %rem3A_112 : i32 to index
        %swap3A_1158 = arith.index_cast %swap3A_1155 : i32 to index
        %swap3A_1159 = arith.index_cast %swap3A_1156 : i32 to index
        %swap3A_1160 = arith.index_cast %sub3A_1154 : i32 to index
        %swap3A_1161 = tpu.vector_load %arg7[%swap3A_1157, %swap3A_1158, %swap3A_1159, %swap3A_1160] {strides = array<i32>} : memref<2x1x8x1024xf32, #tpu.memory_space<vmem>>, vector<16xf32>,
        tpu.vector_store %arg7[%swap3A_1157, %swap3A_1158, %swap3A_1159, %swap3A_1160], %scan3A_1066 {strides = array<i32>} : memref<2x1x8x1024xf32, #tpu.memory_space<vmem>>, vector<16xf32>,
        %mul3A_1162 = arith.constant 16 : i32
        %mul3A_1163 = arith.muli %scan3A_1051, %mul3A_1162 : i32
        %sub3A_1164 = arith.constant 16 : i32
        %sub3A_1165 = arith.subi %mul3A_1163, %sub3A_1164 : i32
        %swap3A_1166 = arith.constant 0 : i32
        %swap3A_1167 = arith.constant 7 : i32
        %swap3A_1168 = arith.index_cast %rem3A_112 : i32 to index
        %swap3A_1169 = arith.index_cast %swap3A_1166 : i32 to index
        %swap3A_1170 = arith.index_cast %swap3A_1167 : i32 to index
        %swap3A_1171 = arith.index_cast %sub3A_1165 : i32 to index
        %swap3A_1172 = tpu.vector_load %arg7[%swap3A_1168, %swap3A_1169, %swap3A_1170, %swap3A_1171] {strides = array<i32>} : memref<2x1x8x1024xf32, #tpu.memory_space<vmem>>, vector<16xf32>,
        tpu.vector_store %arg7[%swap3A_1168, %swap3A_1169, %swap3A_1170, %swap3A_1171], %scan3A_1067 {strides = array<i32>} : memref<2x1x8x1024xf32, #tpu.memory_space<vmem>>, vector<16xf32>,
        %add3A_1173 = arith.addi %get3A_1076, %broadcast_in_dim3A_30 : vector<16xi32>
        %add3A_1174 = arith.addi %get3A_1076, %broadcast_in_dim3A_32 : vector<16xi32>
        %add3A_1175 = arith.addi %get3A_1076, %broadcast_in_dim3A_34 : vector<16xi32>
        %add3A_1176 = arith.addi %get3A_1076, %broadcast_in_dim3A_36 : vector<16xi32>
        %add3A_1177 = arith.addi %get3A_1076, %broadcast_in_dim3A_38 : vector<16xi32>
        %add3A_1178 = arith.addi %get3A_1076, %broadcast_in_dim3A_40 : vector<16xi32>
        %add3A_1179 = arith.addi %get3A_1076, %broadcast_in_dim3A_42 : vector<16xi32>
        %add3A_1180 = arith.addi %get3A_1076, %broadcast_in_dim3A_44 : vector<16xi32>
        %scan3A_1181 = arith.constant 1 : i32
        %scan3A_1182 = arith.addi %scan3A_1051, %scan3A_1181 : i32
        %mul3A_1183 = arith.constant 16 : i32
        %mul3A_1184 = arith.muli %scan3A_1182, %mul3A_1183 : i32
        %add3A_1185 = arith.constant 16 : i32
        %add3A_1186 = arith.addi %mul3A_1184, %add3A_1185 : i32
        %get3A_1187 = arith.constant 0 : i32
        %get3A_1188 = arith.index_cast %rem3A_112 : i32 to index
        %get3A_1189 = arith.index_cast %get3A_1187 : i32 to index
        %get3A_1190 = arith.index_cast %add3A_1186 : i32 to index
        %get3A_1191 = tpu.vector_load %arg6[%get3A_1188, %get3A_1189, %get3A_1190] {strides = array<i32>} : memref<2x1x1040xi32, #tpu.memory_space<vmem>>, vector<16xi32>,
        %gather3A_1192 = tpu.vector_load_idx %arg5[%add3A_1173] : memref<8192xf32, #tpu.memory_space<vmem>>[vector<16xi32>], vector<16xf32>,
        %gather3A_1193 = tpu.vector_load_idx %arg5[%add3A_1174] : memref<8192xf32, #tpu.memory_space<vmem>>[vector<16xi32>], vector<16xf32>,
        %gather3A_1194 = tpu.vector_load_idx %arg5[%add3A_1175] : memref<8192xf32, #tpu.memory_space<vmem>>[vector<16xi32>], vector<16xf32>,
        %gather3A_1195 = tpu.vector_load_idx %arg5[%add3A_1176] : memref<8192xf32, #tpu.memory_space<vmem>>[vector<16xi32>], vector<16xf32>,
        %gather3A_1196 = tpu.vector_load_idx %arg5[%add3A_1177] : memref<8192xf32, #tpu.memory_space<vmem>>[vector<16xi32>], vector<16xf32>,
        %gather3A_1197 = tpu.vector_load_idx %arg5[%add3A_1178] : memref<8192xf32, #tpu.memory_space<vmem>>[vector<16xi32>], vector<16xf32>,
        %gather3A_1198 = tpu.vector_load_idx %arg5[%add3A_1179] : memref<8192xf32, #tpu.memory_space<vmem>>[vector<16xi32>], vector<16xf32>,
        %gather3A_1199 = tpu.vector_load_idx %arg5[%add3A_1180] : memref<8192xf32, #tpu.memory_space<vmem>>[vector<16xi32>], vector<16xf32>,
        %mul3A_1200 = arith.constant 16 : i32
        %mul3A_1201 = arith.muli %scan3A_1182, %mul3A_1200 : i32
        %sub3A_1202 = arith.constant 16 : i32
        %sub3A_1203 = arith.subi %mul3A_1201, %sub3A_1202 : i32
        %swap3A_1204 = arith.constant 0 : i32
        %swap3A_1205 = arith.constant 0 : i32
        %swap3A_1206 = arith.index_cast %rem3A_112 : i32 to index
        %swap3A_1207 = arith.index_cast %swap3A_1204 : i32 to index
        %swap3A_1208 = arith.index_cast %swap3A_1205 : i32 to index
        %swap3A_1209 = arith.index_cast %sub3A_1203 : i32 to index
        %swap3A_1210 = tpu.vector_load %arg7[%swap3A_1206, %swap3A_1207, %swap3A_1208, %swap3A_1209] {strides = array<i32>} : memref<2x1x8x1024xf32, #tpu.memory_space<vmem>>, vector<16xf32>,
        tpu.vector_store %arg7[%swap3A_1206, %swap3A_1207, %swap3A_1208, %swap3A_1209], %gather3A_1077 {strides = array<i32>} : memref<2x1x8x1024xf32, #tpu.memory_space<vmem>>, vector<16xf32>,
        %mul3A_1211 = arith.constant 16 : i32
        %mul3A_1212 = arith.muli %scan3A_1182, %mul3A_1211 : i32
        %sub3A_1213 = arith.constant 16 : i32
        %sub3A_1214 = arith.subi %mul3A_1212, %sub3A_1213 : i32
        %swap3A_1215 = arith.constant 0 : i32
        %swap3A_1216 = arith.constant 1 : i32
        %swap3A_1217 = arith.index_cast %rem3A_112 : i32 to index
        %swap3A_1218 = arith.index_cast %swap3A_1215 : i32 to index
        %swap3A_1219 = arith.index_cast %swap3A_1216 : i32 to index
        %swap3A_1220 = arith.index_cast %sub3A_1214 : i32 to index
        %swap3A_1221 = tpu.vector_load %arg7[%swap3A_1217, %swap3A_1218, %swap3A_1219, %swap3A_1220] {strides = array<i32>} : memref<2x1x8x1024xf32, #tpu.memory_space<vmem>>, vector<16xf32>,
        tpu.vector_store %arg7[%swap3A_1217, %swap3A_1218, %swap3A_1219, %swap3A_1220], %gather3A_1078 {strides = array<i32>} : memref<2x1x8x1024xf32, #tpu.memory_space<vmem>>, vector<16xf32>,
        %mul3A_1222 = arith.constant 16 : i32
        %mul3A_1223 = arith.muli %scan3A_1182, %mul3A_1222 : i32
        %sub3A_1224 = arith.constant 16 : i32
        %sub3A_1225 = arith.subi %mul3A_1223, %sub3A_1224 : i32
        %swap3A_1226 = arith.constant 0 : i32
        %swap3A_1227 = arith.constant 2 : i32
        %swap3A_1228 = arith.index_cast %rem3A_112 : i32 to index
        %swap3A_1229 = arith.index_cast %swap3A_1226 : i32 to index
        %swap3A_1230 = arith.index_cast %swap3A_1227 : i32 to index
        %swap3A_1231 = arith.index_cast %sub3A_1225 : i32 to index
        %swap3A_1232 = tpu.vector_load %arg7[%swap3A_1228, %swap3A_1229, %swap3A_1230, %swap3A_1231] {strides = array<i32>} : memref<2x1x8x1024xf32, #tpu.memory_space<vmem>>, vector<16xf32>,
        tpu.vector_store %arg7[%swap3A_1228, %swap3A_1229, %swap3A_1230, %swap3A_1231], %gather3A_1079 {strides = array<i32>} : memref<2x1x8x1024xf32, #tpu.memory_space<vmem>>, vector<16xf32>,
        %mul3A_1233 = arith.constant 16 : i32
        %mul3A_1234 = arith.muli %scan3A_1182, %mul3A_1233 : i32
        %sub3A_1235 = arith.constant 16 : i32
        %sub3A_1236 = arith.subi %mul3A_1234, %sub3A_1235 : i32
        %swap3A_1237 = arith.constant 0 : i32
        %swap3A_1238 = arith.constant 3 : i32
        %swap3A_1239 = arith.index_cast %rem3A_112 : i32 to index
        %swap3A_1240 = arith.index_cast %swap3A_1237 : i32 to index
        %swap3A_1241 = arith.index_cast %swap3A_1238 : i32 to index
        %swap3A_1242 = arith.index_cast %sub3A_1236 : i32 to index
        %swap3A_1243 = tpu.vector_load %arg7[%swap3A_1239, %swap3A_1240, %swap3A_1241, %swap3A_1242] {strides = array<i32>} : memref<2x1x8x1024xf32, #tpu.memory_space<vmem>>, vector<16xf32>,
        tpu.vector_store %arg7[%swap3A_1239, %swap3A_1240, %swap3A_1241, %swap3A_1242], %gather3A_1080 {strides = array<i32>} : memref<2x1x8x1024xf32, #tpu.memory_space<vmem>>, vector<16xf32>,
        %mul3A_1244 = arith.constant 16 : i32
        %mul3A_1245 = arith.muli %scan3A_1182, %mul3A_1244 : i32
        %sub3A_1246 = arith.constant 16 : i32
        %sub3A_1247 = arith.subi %mul3A_1245, %sub3A_1246 : i32
        %swap3A_1248 = arith.constant 0 : i32
        %swap3A_1249 = arith.constant 4 : i32
        %swap3A_1250 = arith.index_cast %rem3A_112 : i32 to index
        %swap3A_1251 = arith.index_cast %swap3A_1248 : i32 to index
        %swap3A_1252 = arith.index_cast %swap3A_1249 : i32 to index
        %swap3A_1253 = arith.index_cast %sub3A_1247 : i32 to index
        %swap3A_1254 = tpu.vector_load %arg7[%swap3A_1250, %swap3A_1251, %swap3A_1252, %swap3A_1253] {strides = array<i32>} : memref<2x1x8x1024xf32, #tpu.memory_space<vmem>>, vector<16xf32>,
        tpu.vector_store %arg7[%swap3A_1250, %swap3A_1251, %swap3A_1252, %swap3A_1253], %gather3A_1081 {strides = array<i32>} : memref<2x1x8x1024xf32, #tpu.memory_space<vmem>>, vector<16xf32>,
        %mul3A_1255 = arith.constant 16 : i32
        %mul3A_1256 = arith.muli %scan3A_1182, %mul3A_1255 : i32
        %sub3A_1257 = arith.constant 16 : i32
        %sub3A_1258 = arith.subi %mul3A_1256, %sub3A_1257 : i32
        %swap3A_1259 = arith.constant 0 : i32
        %swap3A_1260 = arith.constant 5 : i32
        %swap3A_1261 = arith.index_cast %rem3A_112 : i32 to index
        %swap3A_1262 = arith.index_cast %swap3A_1259 : i32 to index
        %swap3A_1263 = arith.index_cast %swap3A_1260 : i32 to index
        %swap3A_1264 = arith.index_cast %sub3A_1258 : i32 to index
        %swap3A_1265 = tpu.vector_load %arg7[%swap3A_1261, %swap3A_1262, %swap3A_1263, %swap3A_1264] {strides = array<i32>} : memref<2x1x8x1024xf32, #tpu.memory_space<vmem>>, vector<16xf32>,
        tpu.vector_store %arg7[%swap3A_1261, %swap3A_1262, %swap3A_1263, %swap3A_1264], %gather3A_1082 {strides = array<i32>} : memref<2x1x8x1024xf32, #tpu.memory_space<vmem>>, vector<16xf32>,
        %mul3A_1266 = arith.constant 16 : i32
        %mul3A_1267 = arith.muli %scan3A_1182, %mul3A_1266 : i32
        %sub3A_1268 = arith.constant 16 : i32
        %sub3A_1269 = arith.subi %mul3A_1267, %sub3A_1268 : i32
        %swap3A_1270 = arith.constant 0 : i32
        %swap3A_1271 = arith.constant 6 : i32
        %swap3A_1272 = arith.index_cast %rem3A_112 : i32 to index
        %swap3A_1273 = arith.index_cast %swap3A_1270 : i32 to index
        %swap3A_1274 = arith.index_cast %swap3A_1271 : i32 to index
        %swap3A_1275 = arith.index_cast %sub3A_1269 : i32 to index
        %swap3A_1276 = tpu.vector_load %arg7[%swap3A_1272, %swap3A_1273, %swap3A_1274, %swap3A_1275] {strides = array<i32>} : memref<2x1x8x1024xf32, #tpu.memory_space<vmem>>, vector<16xf32>,
        tpu.vector_store %arg7[%swap3A_1272, %swap3A_1273, %swap3A_1274, %swap3A_1275], %gather3A_1083 {strides = array<i32>} : memref<2x1x8x1024xf32, #tpu.memory_space<vmem>>, vector<16xf32>,
        %mul3A_1277 = arith.constant 16 : i32
        %mul3A_1278 = arith.muli %scan3A_1182, %mul3A_1277 : i32
        %sub3A_1279 = arith.constant 16 : i32
        %sub3A_1280 = arith.subi %mul3A_1278, %sub3A_1279 : i32
        %swap3A_1281 = arith.constant 0 : i32
        %swap3A_1282 = arith.constant 7 : i32
        %swap3A_1283 = arith.index_cast %rem3A_112 : i32 to index
        %swap3A_1284 = arith.index_cast %swap3A_1281 : i32 to index
        %swap3A_1285 = arith.index_cast %swap3A_1282 : i32 to index
        %swap3A_1286 = arith.index_cast %sub3A_1280 : i32 to index
        %swap3A_1287 = tpu.vector_load %arg7[%swap3A_1283, %swap3A_1284, %swap3A_1285, %swap3A_1286] {strides = array<i32>} : memref<2x1x8x1024xf32, #tpu.memory_space<vmem>>, vector<16xf32>,
        tpu.vector_store %arg7[%swap3A_1283, %swap3A_1284, %swap3A_1285, %swap3A_1286], %gather3A_1084 {strides = array<i32>} : memref<2x1x8x1024xf32, #tpu.memory_space<vmem>>, vector<16xf32>,
        %add3A_1288 = arith.addi %get3A_1191, %broadcast_in_dim3A_30 : vector<16xi32>
        %add3A_1289 = arith.addi %get3A_1191, %broadcast_in_dim3A_32 : vector<16xi32>
        %add3A_1290 = arith.addi %get3A_1191, %broadcast_in_dim3A_34 : vector<16xi32>
        %add3A_1291 = arith.addi %get3A_1191, %broadcast_in_dim3A_36 : vector<16xi32>
        %add3A_1292 = arith.addi %get3A_1191, %broadcast_in_dim3A_38 : vector<16xi32>
        %add3A_1293 = arith.addi %get3A_1191, %broadcast_in_dim3A_40 : vector<16xi32>
        %add3A_1294 = arith.addi %get3A_1191, %broadcast_in_dim3A_42 : vector<16xi32>
        %add3A_1295 = arith.addi %get3A_1191, %broadcast_in_dim3A_44 : vector<16xi32>
        %scan3A_1296 = arith.constant 2 : i32
        %scan3A_1297 = arith.addi %scan3A_1051, %scan3A_1296 : i32
        %mul3A_1298 = arith.constant 16 : i32
        %mul3A_1299 = arith.muli %scan3A_1297, %mul3A_1298 : i32
        %add3A_1300 = arith.constant 16 : i32
        %add3A_1301 = arith.addi %mul3A_1299, %add3A_1300 : i32
        %get3A_1302 = arith.constant 0 : i32
        %get3A_1303 = arith.index_cast %rem3A_112 : i32 to index
        %get3A_1304 = arith.index_cast %get3A_1302 : i32 to index
        %get3A_1305 = arith.index_cast %add3A_1301 : i32 to index
        %get3A_1306 = tpu.vector_load %arg6[%get3A_1303, %get3A_1304, %get3A_1305] {strides = array<i32>} : memref<2x1x1040xi32, #tpu.memory_space<vmem>>, vector<16xi32>,
        %gather3A_1307 = tpu.vector_load_idx %arg5[%add3A_1288] : memref<8192xf32, #tpu.memory_space<vmem>>[vector<16xi32>], vector<16xf32>,
        %gather3A_1308 = tpu.vector_load_idx %arg5[%add3A_1289] : memref<8192xf32, #tpu.memory_space<vmem>>[vector<16xi32>], vector<16xf32>,
        %gather3A_1309 = tpu.vector_load_idx %arg5[%add3A_1290] : memref<8192xf32, #tpu.memory_space<vmem>>[vector<16xi32>], vector<16xf32>,
        %gather3A_1310 = tpu.vector_load_idx %arg5[%add3A_1291] : memref<8192xf32, #tpu.memory_space<vmem>>[vector<16xi32>], vector<16xf32>,
        %gather3A_1311 = tpu.vector_load_idx %arg5[%add3A_1292] : memref<8192xf32, #tpu.memory_space<vmem>>[vector<16xi32>], vector<16xf32>,
        %gather3A_1312 = tpu.vector_load_idx %arg5[%add3A_1293] : memref<8192xf32, #tpu.memory_space<vmem>>[vector<16xi32>], vector<16xf32>,
        %gather3A_1313 = tpu.vector_load_idx %arg5[%add3A_1294] : memref<8192xf32, #tpu.memory_space<vmem>>[vector<16xi32>], vector<16xf32>,
        %gather3A_1314 = tpu.vector_load_idx %arg5[%add3A_1295] : memref<8192xf32, #tpu.memory_space<vmem>>[vector<16xi32>], vector<16xf32>,
        %mul3A_1315 = arith.constant 16 : i32
        %mul3A_1316 = arith.muli %scan3A_1297, %mul3A_1315 : i32
        %sub3A_1317 = arith.constant 16 : i32
        %sub3A_1318 = arith.subi %mul3A_1316, %sub3A_1317 : i32
        %swap3A_1319 = arith.constant 0 : i32
        %swap3A_1320 = arith.constant 0 : i32
        %swap3A_1321 = arith.index_cast %rem3A_112 : i32 to index
        %swap3A_1322 = arith.index_cast %swap3A_1319 : i32 to index
        %swap3A_1323 = arith.index_cast %swap3A_1320 : i32 to index
        %swap3A_1324 = arith.index_cast %sub3A_1318 : i32 to index
        %swap3A_1325 = tpu.vector_load %arg7[%swap3A_1321, %swap3A_1322, %swap3A_1323, %swap3A_1324] {strides = array<i32>} : memref<2x1x8x1024xf32, #tpu.memory_space<vmem>>, vector<16xf32>,
        tpu.vector_store %arg7[%swap3A_1321, %swap3A_1322, %swap3A_1323, %swap3A_1324], %gather3A_1192 {strides = array<i32>} : memref<2x1x8x1024xf32, #tpu.memory_space<vmem>>, vector<16xf32>,
        %mul3A_1326 = arith.constant 16 : i32
        %mul3A_1327 = arith.muli %scan3A_1297, %mul3A_1326 : i32
        %sub3A_1328 = arith.constant 16 : i32
        %sub3A_1329 = arith.subi %mul3A_1327, %sub3A_1328 : i32
        %swap3A_1330 = arith.constant 0 : i32
        %swap3A_1331 = arith.constant 1 : i32
        %swap3A_1332 = arith.index_cast %rem3A_112 : i32 to index
        %swap3A_1333 = arith.index_cast %swap3A_1330 : i32 to index
        %swap3A_1334 = arith.index_cast %swap3A_1331 : i32 to index
        %swap3A_1335 = arith.index_cast %sub3A_1329 : i32 to index
        %swap3A_1336 = tpu.vector_load %arg7[%swap3A_1332, %swap3A_1333, %swap3A_1334, %swap3A_1335] {strides = array<i32>} : memref<2x1x8x1024xf32, #tpu.memory_space<vmem>>, vector<16xf32>,
        tpu.vector_store %arg7[%swap3A_1332, %swap3A_1333, %swap3A_1334, %swap3A_1335], %gather3A_1193 {strides = array<i32>} : memref<2x1x8x1024xf32, #tpu.memory_space<vmem>>, vector<16xf32>,
        %mul3A_1337 = arith.constant 16 : i32
        %mul3A_1338 = arith.muli %scan3A_1297, %mul3A_1337 : i32
        %sub3A_1339 = arith.constant 16 : i32
        %sub3A_1340 = arith.subi %mul3A_1338, %sub3A_1339 : i32
        %swap3A_1341 = arith.constant 0 : i32
        %swap3A_1342 = arith.constant 2 : i32
        %swap3A_1343 = arith.index_cast %rem3A_112 : i32 to index
        %swap3A_1344 = arith.index_cast %swap3A_1341 : i32 to index
        %swap3A_1345 = arith.index_cast %swap3A_1342 : i32 to index
        %swap3A_1346 = arith.index_cast %sub3A_1340 : i32 to index
        %swap3A_1347 = tpu.vector_load %arg7[%swap3A_1343, %swap3A_1344, %swap3A_1345, %swap3A_1346] {strides = array<i32>} : memref<2x1x8x1024xf32, #tpu.memory_space<vmem>>, vector<16xf32>,
        tpu.vector_store %arg7[%swap3A_1343, %swap3A_1344, %swap3A_1345, %swap3A_1346], %gather3A_1194 {strides = array<i32>} : memref<2x1x8x1024xf32, #tpu.memory_space<vmem>>, vector<16xf32>,
        %mul3A_1348 = arith.constant 16 : i32
        %mul3A_1349 = arith.muli %scan3A_1297, %mul3A_1348 : i32
        %sub3A_1350 = arith.constant 16 : i32
        %sub3A_1351 = arith.subi %mul3A_1349, %sub3A_1350 : i32
        %swap3A_1352 = arith.constant 0 : i32
        %swap3A_1353 = arith.constant 3 : i32
        %swap3A_1354 = arith.index_cast %rem3A_112 : i32 to index
        %swap3A_1355 = arith.index_cast %swap3A_1352 : i32 to index
        %swap3A_1356 = arith.index_cast %swap3A_1353 : i32 to index
        %swap3A_1357 = arith.index_cast %sub3A_1351 : i32 to index
        %swap3A_1358 = tpu.vector_load %arg7[%swap3A_1354, %swap3A_1355, %swap3A_1356, %swap3A_1357] {strides = array<i32>} : memref<2x1x8x1024xf32, #tpu.memory_space<vmem>>, vector<16xf32>,
        tpu.vector_store %arg7[%swap3A_1354, %swap3A_1355, %swap3A_1356, %swap3A_1357], %gather3A_1195 {strides = array<i32>} : memref<2x1x8x1024xf32, #tpu.memory_space<vmem>>, vector<16xf32>,
        %mul3A_1359 = arith.constant 16 : i32
        %mul3A_1360 = arith.muli %scan3A_1297, %mul3A_1359 : i32
        %sub3A_1361 = arith.constant 16 : i32
        %sub3A_1362 = arith.subi %mul3A_1360, %sub3A_1361 : i32
        %swap3A_1363 = arith.constant 0 : i32
        %swap3A_1364 = arith.constant 4 : i32
        %swap3A_1365 = arith.index_cast %rem3A_112 : i32 to index
        %swap3A_1366 = arith.index_cast %swap3A_1363 : i32 to index
        %swap3A_1367 = arith.index_cast %swap3A_1364 : i32 to index
        %swap3A_1368 = arith.index_cast %sub3A_1362 : i32 to index
        %swap3A_1369 = tpu.vector_load %arg7[%swap3A_1365, %swap3A_1366, %swap3A_1367, %swap3A_1368] {strides = array<i32>} : memref<2x1x8x1024xf32, #tpu.memory_space<vmem>>, vector<16xf32>,
        tpu.vector_store %arg7[%swap3A_1365, %swap3A_1366, %swap3A_1367, %swap3A_1368], %gather3A_1196 {strides = array<i32>} : memref<2x1x8x1024xf32, #tpu.memory_space<vmem>>, vector<16xf32>,
        %mul3A_1370 = arith.constant 16 : i32
        %mul3A_1371 = arith.muli %scan3A_1297, %mul3A_1370 : i32
        %sub3A_1372 = arith.constant 16 : i32
        %sub3A_1373 = arith.subi %mul3A_1371, %sub3A_1372 : i32
        %swap3A_1374 = arith.constant 0 : i32
        %swap3A_1375 = arith.constant 5 : i32
        %swap3A_1376 = arith.index_cast %rem3A_112 : i32 to index
        %swap3A_1377 = arith.index_cast %swap3A_1374 : i32 to index
        %swap3A_1378 = arith.index_cast %swap3A_1375 : i32 to index
        %swap3A_1379 = arith.index_cast %sub3A_1373 : i32 to index
        %swap3A_1380 = tpu.vector_load %arg7[%swap3A_1376, %swap3A_1377, %swap3A_1378, %swap3A_1379] {strides = array<i32>} : memref<2x1x8x1024xf32, #tpu.memory_space<vmem>>, vector<16xf32>,
        tpu.vector_store %arg7[%swap3A_1376, %swap3A_1377, %swap3A_1378, %swap3A_1379], %gather3A_1197 {strides = array<i32>} : memref<2x1x8x1024xf32, #tpu.memory_space<vmem>>, vector<16xf32>,
        %mul3A_1381 = arith.constant 16 : i32
        %mul3A_1382 = arith.muli %scan3A_1297, %mul3A_1381 : i32
        %sub3A_1383 = arith.constant 16 : i32
        %sub3A_1384 = arith.subi %mul3A_1382, %sub3A_1383 : i32
        %swap3A_1385 = arith.constant 0 : i32
        %swap3A_1386 = arith.constant 6 : i32
        %swap3A_1387 = arith.index_cast %rem3A_112 : i32 to index
        %swap3A_1388 = arith.index_cast %swap3A_1385 : i32 to index
        %swap3A_1389 = arith.index_cast %swap3A_1386 : i32 to index
        %swap3A_1390 = arith.index_cast %sub3A_1384 : i32 to index
        %swap3A_1391 = tpu.vector_load %arg7[%swap3A_1387, %swap3A_1388, %swap3A_1389, %swap3A_1390] {strides = array<i32>} : memref<2x1x8x1024xf32, #tpu.memory_space<vmem>>, vector<16xf32>,
        tpu.vector_store %arg7[%swap3A_1387, %swap3A_1388, %swap3A_1389, %swap3A_1390], %gather3A_1198 {strides = array<i32>} : memref<2x1x8x1024xf32, #tpu.memory_space<vmem>>, vector<16xf32>,
        %mul3A_1392 = arith.constant 16 : i32
        %mul3A_1393 = arith.muli %scan3A_1297, %mul3A_1392 : i32
        %sub3A_1394 = arith.constant 16 : i32
        %sub3A_1395 = arith.subi %mul3A_1393, %sub3A_1394 : i32
        %swap3A_1396 = arith.constant 0 : i32
        %swap3A_1397 = arith.constant 7 : i32
        %swap3A_1398 = arith.index_cast %rem3A_112 : i32 to index
        %swap3A_1399 = arith.index_cast %swap3A_1396 : i32 to index
        %swap3A_1400 = arith.index_cast %swap3A_1397 : i32 to index
        %swap3A_1401 = arith.index_cast %sub3A_1395 : i32 to index
        %swap3A_1402 = tpu.vector_load %arg7[%swap3A_1398, %swap3A_1399, %swap3A_1400, %swap3A_1401] {strides = array<i32>} : memref<2x1x8x1024xf32, #tpu.memory_space<vmem>>, vector<16xf32>,
        tpu.vector_store %arg7[%swap3A_1398, %swap3A_1399, %swap3A_1400, %swap3A_1401], %gather3A_1199 {strides = array<i32>} : memref<2x1x8x1024xf32, #tpu.memory_space<vmem>>, vector<16xf32>,
        %add3A_1403 = arith.addi %get3A_1306, %broadcast_in_dim3A_30 : vector<16xi32>
        %add3A_1404 = arith.addi %get3A_1306, %broadcast_in_dim3A_32 : vector<16xi32>
        %add3A_1405 = arith.addi %get3A_1306, %broadcast_in_dim3A_34 : vector<16xi32>
        %add3A_1406 = arith.addi %get3A_1306, %broadcast_in_dim3A_36 : vector<16xi32>
        %add3A_1407 = arith.addi %get3A_1306, %broadcast_in_dim3A_38 : vector<16xi32>
        %add3A_1408 = arith.addi %get3A_1306, %broadcast_in_dim3A_40 : vector<16xi32>
        %add3A_1409 = arith.addi %get3A_1306, %broadcast_in_dim3A_42 : vector<16xi32>
        %add3A_1410 = arith.addi %get3A_1306, %broadcast_in_dim3A_44 : vector<16xi32>
        %scan3A_1411 = arith.constant 3 : i32
        %scan3A_1412 = arith.addi %scan3A_1051, %scan3A_1411 : i32
        %mul3A_1413 = arith.constant 16 : i32
        %mul3A_1414 = arith.muli %scan3A_1412, %mul3A_1413 : i32
        %add3A_1415 = arith.constant 16 : i32
        %add3A_1416 = arith.addi %mul3A_1414, %add3A_1415 : i32
        %get3A_1417 = arith.constant 0 : i32
        %get3A_1418 = arith.index_cast %rem3A_112 : i32 to index
        %get3A_1419 = arith.index_cast %get3A_1417 : i32 to index
        %get3A_1420 = arith.index_cast %add3A_1416 : i32 to index
        %get3A_1421 = tpu.vector_load %arg6[%get3A_1418, %get3A_1419, %get3A_1420] {strides = array<i32>} : memref<2x1x1040xi32, #tpu.memory_space<vmem>>, vector<16xi32>,
        %gather3A_1422 = tpu.vector_load_idx %arg5[%add3A_1403] : memref<8192xf32, #tpu.memory_space<vmem>>[vector<16xi32>], vector<16xf32>,
        %gather3A_1423 = tpu.vector_load_idx %arg5[%add3A_1404] : memref<8192xf32, #tpu.memory_space<vmem>>[vector<16xi32>], vector<16xf32>,
        %gather3A_1424 = tpu.vector_load_idx %arg5[%add3A_1405] : memref<8192xf32, #tpu.memory_space<vmem>>[vector<16xi32>], vector<16xf32>,
        %gather3A_1425 = tpu.vector_load_idx %arg5[%add3A_1406] : memref<8192xf32, #tpu.memory_space<vmem>>[vector<16xi32>], vector<16xf32>,
        %gather3A_1426 = tpu.vector_load_idx %arg5[%add3A_1407] : memref<8192xf32, #tpu.memory_space<vmem>>[vector<16xi32>], vector<16xf32>,
        %gather3A_1427 = tpu.vector_load_idx %arg5[%add3A_1408] : memref<8192xf32, #tpu.memory_space<vmem>>[vector<16xi32>], vector<16xf32>,
        %gather3A_1428 = tpu.vector_load_idx %arg5[%add3A_1409] : memref<8192xf32, #tpu.memory_space<vmem>>[vector<16xi32>], vector<16xf32>,
        %gather3A_1429 = tpu.vector_load_idx %arg5[%add3A_1410] : memref<8192xf32, #tpu.memory_space<vmem>>[vector<16xi32>], vector<16xf32>,
        %mul3A_1430 = arith.constant 16 : i32
        %mul3A_1431 = arith.muli %scan3A_1412, %mul3A_1430 : i32
        %sub3A_1432 = arith.constant 16 : i32
        %sub3A_1433 = arith.subi %mul3A_1431, %sub3A_1432 : i32
        %swap3A_1434 = arith.constant 0 : i32
        %swap3A_1435 = arith.constant 0 : i32
        %swap3A_1436 = arith.index_cast %rem3A_112 : i32 to index
        %swap3A_1437 = arith.index_cast %swap3A_1434 : i32 to index
        %swap3A_1438 = arith.index_cast %swap3A_1435 : i32 to index
        %swap3A_1439 = arith.index_cast %sub3A_1433 : i32 to index
        %swap3A_1440 = tpu.vector_load %arg7[%swap3A_1436, %swap3A_1437, %swap3A_1438, %swap3A_1439] {strides = array<i32>} : memref<2x1x8x1024xf32, #tpu.memory_space<vmem>>, vector<16xf32>,
        tpu.vector_store %arg7[%swap3A_1436, %swap3A_1437, %swap3A_1438, %swap3A_1439], %gather3A_1307 {strides = array<i32>} : memref<2x1x8x1024xf32, #tpu.memory_space<vmem>>, vector<16xf32>,
        %mul3A_1441 = arith.constant 16 : i32
        %mul3A_1442 = arith.muli %scan3A_1412, %mul3A_1441 : i32
        %sub3A_1443 = arith.constant 16 : i32
        %sub3A_1444 = arith.subi %mul3A_1442, %sub3A_1443 : i32
        %swap3A_1445 = arith.constant 0 : i32
        %swap3A_1446 = arith.constant 1 : i32
        %swap3A_1447 = arith.index_cast %rem3A_112 : i32 to index
        %swap3A_1448 = arith.index_cast %swap3A_1445 : i32 to index
        %swap3A_1449 = arith.index_cast %swap3A_1446 : i32 to index
        %swap3A_1450 = arith.index_cast %sub3A_1444 : i32 to index
        %swap3A_1451 = tpu.vector_load %arg7[%swap3A_1447, %swap3A_1448, %swap3A_1449, %swap3A_1450] {strides = array<i32>} : memref<2x1x8x1024xf32, #tpu.memory_space<vmem>>, vector<16xf32>,
        tpu.vector_store %arg7[%swap3A_1447, %swap3A_1448, %swap3A_1449, %swap3A_1450], %gather3A_1308 {strides = array<i32>} : memref<2x1x8x1024xf32, #tpu.memory_space<vmem>>, vector<16xf32>,
        %mul3A_1452 = arith.constant 16 : i32
        %mul3A_1453 = arith.muli %scan3A_1412, %mul3A_1452 : i32
        %sub3A_1454 = arith.constant 16 : i32
        %sub3A_1455 = arith.subi %mul3A_1453, %sub3A_1454 : i32
        %swap3A_1456 = arith.constant 0 : i32
        %swap3A_1457 = arith.constant 2 : i32
        %swap3A_1458 = arith.index_cast %rem3A_112 : i32 to index
        %swap3A_1459 = arith.index_cast %swap3A_1456 : i32 to index
        %swap3A_1460 = arith.index_cast %swap3A_1457 : i32 to index
        %swap3A_1461 = arith.index_cast %sub3A_1455 : i32 to index
        %swap3A_1462 = tpu.vector_load %arg7[%swap3A_1458, %swap3A_1459, %swap3A_1460, %swap3A_1461] {strides = array<i32>} : memref<2x1x8x1024xf32, #tpu.memory_space<vmem>>, vector<16xf32>,
        tpu.vector_store %arg7[%swap3A_1458, %swap3A_1459, %swap3A_1460, %swap3A_1461], %gather3A_1309 {strides = array<i32>} : memref<2x1x8x1024xf32, #tpu.memory_space<vmem>>, vector<16xf32>,
        %mul3A_1463 = arith.constant 16 : i32
        %mul3A_1464 = arith.muli %scan3A_1412, %mul3A_1463 : i32
        %sub3A_1465 = arith.constant 16 : i32
        %sub3A_1466 = arith.subi %mul3A_1464, %sub3A_1465 : i32
        %swap3A_1467 = arith.constant 0 : i32
        %swap3A_1468 = arith.constant 3 : i32
        %swap3A_1469 = arith.index_cast %rem3A_112 : i32 to index
        %swap3A_1470 = arith.index_cast %swap3A_1467 : i32 to index
        %swap3A_1471 = arith.index_cast %swap3A_1468 : i32 to index
        %swap3A_1472 = arith.index_cast %sub3A_1466 : i32 to index
        %swap3A_1473 = tpu.vector_load %arg7[%swap3A_1469, %swap3A_1470, %swap3A_1471, %swap3A_1472] {strides = array<i32>} : memref<2x1x8x1024xf32, #tpu.memory_space<vmem>>, vector<16xf32>,
        tpu.vector_store %arg7[%swap3A_1469, %swap3A_1470, %swap3A_1471, %swap3A_1472], %gather3A_1310 {strides = array<i32>} : memref<2x1x8x1024xf32, #tpu.memory_space<vmem>>, vector<16xf32>,
        %mul3A_1474 = arith.constant 16 : i32
        %mul3A_1475 = arith.muli %scan3A_1412, %mul3A_1474 : i32
        %sub3A_1476 = arith.constant 16 : i32
        %sub3A_1477 = arith.subi %mul3A_1475, %sub3A_1476 : i32
        %swap3A_1478 = arith.constant 0 : i32
        %swap3A_1479 = arith.constant 4 : i32
        %swap3A_1480 = arith.index_cast %rem3A_112 : i32 to index
        %swap3A_1481 = arith.index_cast %swap3A_1478 : i32 to index
        %swap3A_1482 = arith.index_cast %swap3A_1479 : i32 to index
        %swap3A_1483 = arith.index_cast %sub3A_1477 : i32 to index
        %swap3A_1484 = tpu.vector_load %arg7[%swap3A_1480, %swap3A_1481, %swap3A_1482, %swap3A_1483] {strides = array<i32>} : memref<2x1x8x1024xf32, #tpu.memory_space<vmem>>, vector<16xf32>,
        tpu.vector_store %arg7[%swap3A_1480, %swap3A_1481, %swap3A_1482, %swap3A_1483], %gather3A_1311 {strides = array<i32>} : memref<2x1x8x1024xf32, #tpu.memory_space<vmem>>, vector<16xf32>,
        %mul3A_1485 = arith.constant 16 : i32
        %mul3A_1486 = arith.muli %scan3A_1412, %mul3A_1485 : i32
        %sub3A_1487 = arith.constant 16 : i32
        %sub3A_1488 = arith.subi %mul3A_1486, %sub3A_1487 : i32
        %swap3A_1489 = arith.constant 0 : i32
        %swap3A_1490 = arith.constant 5 : i32
        %swap3A_1491 = arith.index_cast %rem3A_112 : i32 to index
        %swap3A_1492 = arith.index_cast %swap3A_1489 : i32 to index
        %swap3A_1493 = arith.index_cast %swap3A_1490 : i32 to index
        %swap3A_1494 = arith.index_cast %sub3A_1488 : i32 to index
        %swap3A_1495 = tpu.vector_load %arg7[%swap3A_1491, %swap3A_1492, %swap3A_1493, %swap3A_1494] {strides = array<i32>} : memref<2x1x8x1024xf32, #tpu.memory_space<vmem>>, vector<16xf32>,
        tpu.vector_store %arg7[%swap3A_1491, %swap3A_1492, %swap3A_1493, %swap3A_1494], %gather3A_1312 {strides = array<i32>} : memref<2x1x8x1024xf32, #tpu.memory_space<vmem>>, vector<16xf32>,
        %mul3A_1496 = arith.constant 16 : i32
        %mul3A_1497 = arith.muli %scan3A_1412, %mul3A_1496 : i32
        %sub3A_1498 = arith.constant 16 : i32
        %sub3A_1499 = arith.subi %mul3A_1497, %sub3A_1498 : i32
        %swap3A_1500 = arith.constant 0 : i32
        %swap3A_1501 = arith.constant 6 : i32
        %swap3A_1502 = arith.index_cast %rem3A_112 : i32 to index
        %swap3A_1503 = arith.index_cast %swap3A_1500 : i32 to index
        %swap3A_1504 = arith.index_cast %swap3A_1501 : i32 to index
        %swap3A_1505 = arith.index_cast %sub3A_1499 : i32 to index
        %swap3A_1506 = tpu.vector_load %arg7[%swap3A_1502, %swap3A_1503, %swap3A_1504, %swap3A_1505] {strides = array<i32>} : memref<2x1x8x1024xf32, #tpu.memory_space<vmem>>, vector<16xf32>,
        tpu.vector_store %arg7[%swap3A_1502, %swap3A_1503, %swap3A_1504, %swap3A_1505], %gather3A_1313 {strides = array<i32>} : memref<2x1x8x1024xf32, #tpu.memory_space<vmem>>, vector<16xf32>,
        %mul3A_1507 = arith.constant 16 : i32
        %mul3A_1508 = arith.muli %scan3A_1412, %mul3A_1507 : i32
        %sub3A_1509 = arith.constant 16 : i32
        %sub3A_1510 = arith.subi %mul3A_1508, %sub3A_1509 : i32
        %swap3A_1511 = arith.constant 0 : i32
        %swap3A_1512 = arith.constant 7 : i32
        %swap3A_1513 = arith.index_cast %rem3A_112 : i32 to index
        %swap3A_1514 = arith.index_cast %swap3A_1511 : i32 to index
        %swap3A_1515 = arith.index_cast %swap3A_1512 : i32 to index
        %swap3A_1516 = arith.index_cast %sub3A_1510 : i32 to index
        %swap3A_1517 = tpu.vector_load %arg7[%swap3A_1513, %swap3A_1514, %swap3A_1515, %swap3A_1516] {strides = array<i32>} : memref<2x1x8x1024xf32, #tpu.memory_space<vmem>>, vector<16xf32>,
        tpu.vector_store %arg7[%swap3A_1513, %swap3A_1514, %swap3A_1515, %swap3A_1516], %gather3A_1314 {strides = array<i32>} : memref<2x1x8x1024xf32, #tpu.memory_space<vmem>>, vector<16xf32>,
        %add3A_1518 = arith.addi %get3A_1421, %broadcast_in_dim3A_30 : vector<16xi32>
        %add3A_1519 = arith.addi %get3A_1421, %broadcast_in_dim3A_32 : vector<16xi32>
        %add3A_1520 = arith.addi %get3A_1421, %broadcast_in_dim3A_34 : vector<16xi32>
        %add3A_1521 = arith.addi %get3A_1421, %broadcast_in_dim3A_36 : vector<16xi32>
        %add3A_1522 = arith.addi %get3A_1421, %broadcast_in_dim3A_38 : vector<16xi32>
        %add3A_1523 = arith.addi %get3A_1421, %broadcast_in_dim3A_40 : vector<16xi32>
        %add3A_1524 = arith.addi %get3A_1421, %broadcast_in_dim3A_42 : vector<16xi32>
        %add3A_1525 = arith.addi %get3A_1421, %broadcast_in_dim3A_44 : vector<16xi32>
        %scan3A_1526 = arith.constant 4 : i32
        %scan3A_1527 = arith.addi %scan3A_1051, %scan3A_1526 : i32
        %mul3A_1528 = arith.constant 16 : i32
        %mul3A_1529 = arith.muli %scan3A_1527, %mul3A_1528 : i32
        %add3A_1530 = arith.constant 16 : i32
        %add3A_1531 = arith.addi %mul3A_1529, %add3A_1530 : i32
        %get3A_1532 = arith.constant 0 : i32
        %get3A_1533 = arith.index_cast %rem3A_112 : i32 to index
        %get3A_1534 = arith.index_cast %get3A_1532 : i32 to index
        %get3A_1535 = arith.index_cast %add3A_1531 : i32 to index
        %get3A_1536 = tpu.vector_load %arg6[%get3A_1533, %get3A_1534, %get3A_1535] {strides = array<i32>} : memref<2x1x1040xi32, #tpu.memory_space<vmem>>, vector<16xi32>,
        %gather3A_1537 = tpu.vector_load_idx %arg5[%add3A_1518] : memref<8192xf32, #tpu.memory_space<vmem>>[vector<16xi32>], vector<16xf32>,
        %gather3A_1538 = tpu.vector_load_idx %arg5[%add3A_1519] : memref<8192xf32, #tpu.memory_space<vmem>>[vector<16xi32>], vector<16xf32>,
        %gather3A_1539 = tpu.vector_load_idx %arg5[%add3A_1520] : memref<8192xf32, #tpu.memory_space<vmem>>[vector<16xi32>], vector<16xf32>,
        %gather3A_1540 = tpu.vector_load_idx %arg5[%add3A_1521] : memref<8192xf32, #tpu.memory_space<vmem>>[vector<16xi32>], vector<16xf32>,
        %gather3A_1541 = tpu.vector_load_idx %arg5[%add3A_1522] : memref<8192xf32, #tpu.memory_space<vmem>>[vector<16xi32>], vector<16xf32>,
        %gather3A_1542 = tpu.vector_load_idx %arg5[%add3A_1523] : memref<8192xf32, #tpu.memory_space<vmem>>[vector<16xi32>], vector<16xf32>,
        %gather3A_1543 = tpu.vector_load_idx %arg5[%add3A_1524] : memref<8192xf32, #tpu.memory_space<vmem>>[vector<16xi32>], vector<16xf32>,
        %gather3A_1544 = tpu.vector_load_idx %arg5[%add3A_1525] : memref<8192xf32, #tpu.memory_space<vmem>>[vector<16xi32>], vector<16xf32>,
        %mul3A_1545 = arith.constant 16 : i32
        %mul3A_1546 = arith.muli %scan3A_1527, %mul3A_1545 : i32
        %sub3A_1547 = arith.constant 16 : i32
        %sub3A_1548 = arith.subi %mul3A_1546, %sub3A_1547 : i32
        %swap3A_1549 = arith.constant 0 : i32
        %swap3A_1550 = arith.constant 0 : i32
        %swap3A_1551 = arith.index_cast %rem3A_112 : i32 to index
        %swap3A_1552 = arith.index_cast %swap3A_1549 : i32 to index
        %swap3A_1553 = arith.index_cast %swap3A_1550 : i32 to index
        %swap3A_1554 = arith.index_cast %sub3A_1548 : i32 to index
        %swap3A_1555 = tpu.vector_load %arg7[%swap3A_1551, %swap3A_1552, %swap3A_1553, %swap3A_1554] {strides = array<i32>} : memref<2x1x8x1024xf32, #tpu.memory_space<vmem>>, vector<16xf32>,
        tpu.vector_store %arg7[%swap3A_1551, %swap3A_1552, %swap3A_1553, %swap3A_1554], %gather3A_1422 {strides = array<i32>} : memref<2x1x8x1024xf32, #tpu.memory_space<vmem>>, vector<16xf32>,
        %mul3A_1556 = arith.constant 16 : i32
        %mul3A_1557 = arith.muli %scan3A_1527, %mul3A_1556 : i32
        %sub3A_1558 = arith.constant 16 : i32
        %sub3A_1559 = arith.subi %mul3A_1557, %sub3A_1558 : i32
        %swap3A_1560 = arith.constant 0 : i32
        %swap3A_1561 = arith.constant 1 : i32
        %swap3A_1562 = arith.index_cast %rem3A_112 : i32 to index
        %swap3A_1563 = arith.index_cast %swap3A_1560 : i32 to index
        %swap3A_1564 = arith.index_cast %swap3A_1561 : i32 to index
        %swap3A_1565 = arith.index_cast %sub3A_1559 : i32 to index
        %swap3A_1566 = tpu.vector_load %arg7[%swap3A_1562, %swap3A_1563, %swap3A_1564, %swap3A_1565] {strides = array<i32>} : memref<2x1x8x1024xf32, #tpu.memory_space<vmem>>, vector<16xf32>,
        tpu.vector_store %arg7[%swap3A_1562, %swap3A_1563, %swap3A_1564, %swap3A_1565], %gather3A_1423 {strides = array<i32>} : memref<2x1x8x1024xf32, #tpu.memory_space<vmem>>, vector<16xf32>,
        %mul3A_1567 = arith.constant 16 : i32
        %mul3A_1568 = arith.muli %scan3A_1527, %mul3A_1567 : i32
        %sub3A_1569 = arith.constant 16 : i32
        %sub3A_1570 = arith.subi %mul3A_1568, %sub3A_1569 : i32
        %swap3A_1571 = arith.constant 0 : i32
        %swap3A_1572 = arith.constant 2 : i32
        %swap3A_1573 = arith.index_cast %rem3A_112 : i32 to index
        %swap3A_1574 = arith.index_cast %swap3A_1571 : i32 to index
        %swap3A_1575 = arith.index_cast %swap3A_1572 : i32 to index
        %swap3A_1576 = arith.index_cast %sub3A_1570 : i32 to index
        %swap3A_1577 = tpu.vector_load %arg7[%swap3A_1573, %swap3A_1574, %swap3A_1575, %swap3A_1576] {strides = array<i32>} : memref<2x1x8x1024xf32, #tpu.memory_space<vmem>>, vector<16xf32>,
        tpu.vector_store %arg7[%swap3A_1573, %swap3A_1574, %swap3A_1575, %swap3A_1576], %gather3A_1424 {strides = array<i32>} : memref<2x1x8x1024xf32, #tpu.memory_space<vmem>>, vector<16xf32>,
        %mul3A_1578 = arith.constant 16 : i32
        %mul3A_1579 = arith.muli %scan3A_1527, %mul3A_1578 : i32
        %sub3A_1580 = arith.constant 16 : i32
        %sub3A_1581 = arith.subi %mul3A_1579, %sub3A_1580 : i32
        %swap3A_1582 = arith.constant 0 : i32
        %swap3A_1583 = arith.constant 3 : i32
        %swap3A_1584 = arith.index_cast %rem3A_112 : i32 to index
        %swap3A_1585 = arith.index_cast %swap3A_1582 : i32 to index
        %swap3A_1586 = arith.index_cast %swap3A_1583 : i32 to index
        %swap3A_1587 = arith.index_cast %sub3A_1581 : i32 to index
        %swap3A_1588 = tpu.vector_load %arg7[%swap3A_1584, %swap3A_1585, %swap3A_1586, %swap3A_1587] {strides = array<i32>} : memref<2x1x8x1024xf32, #tpu.memory_space<vmem>>, vector<16xf32>,
        tpu.vector_store %arg7[%swap3A_1584, %swap3A_1585, %swap3A_1586, %swap3A_1587], %gather3A_1425 {strides = array<i32>} : memref<2x1x8x1024xf32, #tpu.memory_space<vmem>>, vector<16xf32>,
        %mul3A_1589 = arith.constant 16 : i32
        %mul3A_1590 = arith.muli %scan3A_1527, %mul3A_1589 : i32
        %sub3A_1591 = arith.constant 16 : i32
        %sub3A_1592 = arith.subi %mul3A_1590, %sub3A_1591 : i32
        %swap3A_1593 = arith.constant 0 : i32
        %swap3A_1594 = arith.constant 4 : i32
        %swap3A_1595 = arith.index_cast %rem3A_112 : i32 to index
        %swap3A_1596 = arith.index_cast %swap3A_1593 : i32 to index
        %swap3A_1597 = arith.index_cast %swap3A_1594 : i32 to index
        %swap3A_1598 = arith.index_cast %sub3A_1592 : i32 to index
        %swap3A_1599 = tpu.vector_load %arg7[%swap3A_1595, %swap3A_1596, %swap3A_1597, %swap3A_1598] {strides = array<i32>} : memref<2x1x8x1024xf32, #tpu.memory_space<vmem>>, vector<16xf32>,
        tpu.vector_store %arg7[%swap3A_1595, %swap3A_1596, %swap3A_1597, %swap3A_1598], %gather3A_1426 {strides = array<i32>} : memref<2x1x8x1024xf32, #tpu.memory_space<vmem>>, vector<16xf32>,
        %mul3A_1600 = arith.constant 16 : i32
        %mul3A_1601 = arith.muli %scan3A_1527, %mul3A_1600 : i32
        %sub3A_1602 = arith.constant 16 : i32
        %sub3A_1603 = arith.subi %mul3A_1601, %sub3A_1602 : i32
        %swap3A_1604 = arith.constant 0 : i32
        %swap3A_1605 = arith.constant 5 : i32
        %swap3A_1606 = arith.index_cast %rem3A_112 : i32 to index
        %swap3A_1607 = arith.index_cast %swap3A_1604 : i32 to index
        %swap3A_1608 = arith.index_cast %swap3A_1605 : i32 to index
        %swap3A_1609 = arith.index_cast %sub3A_1603 : i32 to index
        %swap3A_1610 = tpu.vector_load %arg7[%swap3A_1606, %swap3A_1607, %swap3A_1608, %swap3A_1609] {strides = array<i32>} : memref<2x1x8x1024xf32, #tpu.memory_space<vmem>>, vector<16xf32>,
        tpu.vector_store %arg7[%swap3A_1606, %swap3A_1607, %swap3A_1608, %swap3A_1609], %gather3A_1427 {strides = array<i32>} : memref<2x1x8x1024xf32, #tpu.memory_space<vmem>>, vector<16xf32>,
        %mul3A_1611 = arith.constant 16 : i32
        %mul3A_1612 = arith.muli %scan3A_1527, %mul3A_1611 : i32
        %sub3A_1613 = arith.constant 16 : i32
        %sub3A_1614 = arith.subi %mul3A_1612, %sub3A_1613 : i32
        %swap3A_1615 = arith.constant 0 : i32
        %swap3A_1616 = arith.constant 6 : i32
        %swap3A_1617 = arith.index_cast %rem3A_112 : i32 to index
        %swap3A_1618 = arith.index_cast %swap3A_1615 : i32 to index
        %swap3A_1619 = arith.index_cast %swap3A_1616 : i32 to index
        %swap3A_1620 = arith.index_cast %sub3A_1614 : i32 to index
        %swap3A_1621 = tpu.vector_load %arg7[%swap3A_1617, %swap3A_1618, %swap3A_1619, %swap3A_1620] {strides = array<i32>} : memref<2x1x8x1024xf32, #tpu.memory_space<vmem>>, vector<16xf32>,
        tpu.vector_store %arg7[%swap3A_1617, %swap3A_1618, %swap3A_1619, %swap3A_1620], %gather3A_1428 {strides = array<i32>} : memref<2x1x8x1024xf32, #tpu.memory_space<vmem>>, vector<16xf32>,
        %mul3A_1622 = arith.constant 16 : i32
        %mul3A_1623 = arith.muli %scan3A_1527, %mul3A_1622 : i32
        %sub3A_1624 = arith.constant 16 : i32
        %sub3A_1625 = arith.subi %mul3A_1623, %sub3A_1624 : i32
        %swap3A_1626 = arith.constant 0 : i32
        %swap3A_1627 = arith.constant 7 : i32
        %swap3A_1628 = arith.index_cast %rem3A_112 : i32 to index
        %swap3A_1629 = arith.index_cast %swap3A_1626 : i32 to index
        %swap3A_1630 = arith.index_cast %swap3A_1627 : i32 to index
        %swap3A_1631 = arith.index_cast %sub3A_1625 : i32 to index
        %swap3A_1632 = tpu.vector_load %arg7[%swap3A_1628, %swap3A_1629, %swap3A_1630, %swap3A_1631] {strides = array<i32>} : memref<2x1x8x1024xf32, #tpu.memory_space<vmem>>, vector<16xf32>,
        tpu.vector_store %arg7[%swap3A_1628, %swap3A_1629, %swap3A_1630, %swap3A_1631], %gather3A_1429 {strides = array<i32>} : memref<2x1x8x1024xf32, #tpu.memory_space<vmem>>, vector<16xf32>,
        %add3A_1633 = arith.addi %get3A_1536, %broadcast_in_dim3A_30 : vector<16xi32>
        %add3A_1634 = arith.addi %get3A_1536, %broadcast_in_dim3A_32 : vector<16xi32>
        %add3A_1635 = arith.addi %get3A_1536, %broadcast_in_dim3A_34 : vector<16xi32>
        %add3A_1636 = arith.addi %get3A_1536, %broadcast_in_dim3A_36 : vector<16xi32>
        %add3A_1637 = arith.addi %get3A_1536, %broadcast_in_dim3A_38 : vector<16xi32>
        %add3A_1638 = arith.addi %get3A_1536, %broadcast_in_dim3A_40 : vector<16xi32>
        %add3A_1639 = arith.addi %get3A_1536, %broadcast_in_dim3A_42 : vector<16xi32>
        %add3A_1640 = arith.addi %get3A_1536, %broadcast_in_dim3A_44 : vector<16xi32>
        %scan3A_1641 = arith.constant 5 : i32
        %scan3A_1642 = arith.addi %scan3A_1051, %scan3A_1641 : i32
        %mul3A_1643 = arith.constant 16 : i32
        %mul3A_1644 = arith.muli %scan3A_1642, %mul3A_1643 : i32
        %add3A_1645 = arith.constant 16 : i32
        %add3A_1646 = arith.addi %mul3A_1644, %add3A_1645 : i32
        %get3A_1647 = arith.constant 0 : i32
        %get3A_1648 = arith.index_cast %rem3A_112 : i32 to index
        %get3A_1649 = arith.index_cast %get3A_1647 : i32 to index
        %get3A_1650 = arith.index_cast %add3A_1646 : i32 to index
        %get3A_1651 = tpu.vector_load %arg6[%get3A_1648, %get3A_1649, %get3A_1650] {strides = array<i32>} : memref<2x1x1040xi32, #tpu.memory_space<vmem>>, vector<16xi32>,
        %gather3A_1652 = tpu.vector_load_idx %arg5[%add3A_1633] : memref<8192xf32, #tpu.memory_space<vmem>>[vector<16xi32>], vector<16xf32>,
        %gather3A_1653 = tpu.vector_load_idx %arg5[%add3A_1634] : memref<8192xf32, #tpu.memory_space<vmem>>[vector<16xi32>], vector<16xf32>,
        %gather3A_1654 = tpu.vector_load_idx %arg5[%add3A_1635] : memref<8192xf32, #tpu.memory_space<vmem>>[vector<16xi32>], vector<16xf32>,
        %gather3A_1655 = tpu.vector_load_idx %arg5[%add3A_1636] : memref<8192xf32, #tpu.memory_space<vmem>>[vector<16xi32>], vector<16xf32>,
        %gather3A_1656 = tpu.vector_load_idx %arg5[%add3A_1637] : memref<8192xf32, #tpu.memory_space<vmem>>[vector<16xi32>], vector<16xf32>,
        %gather3A_1657 = tpu.vector_load_idx %arg5[%add3A_1638] : memref<8192xf32, #tpu.memory_space<vmem>>[vector<16xi32>], vector<16xf32>,
        %gather3A_1658 = tpu.vector_load_idx %arg5[%add3A_1639] : memref<8192xf32, #tpu.memory_space<vmem>>[vector<16xi32>], vector<16xf32>,
        %gather3A_1659 = tpu.vector_load_idx %arg5[%add3A_1640] : memref<8192xf32, #tpu.memory_space<vmem>>[vector<16xi32>], vector<16xf32>,
        %mul3A_1660 = arith.constant 16 : i32
        %mul3A_1661 = arith.muli %scan3A_1642, %mul3A_1660 : i32
        %sub3A_1662 = arith.constant 16 : i32
        %sub3A_1663 = arith.subi %mul3A_1661, %sub3A_1662 : i32
        %swap3A_1664 = arith.constant 0 : i32
        %swap3A_1665 = arith.constant 0 : i32
        %swap3A_1666 = arith.index_cast %rem3A_112 : i32 to index
        %swap3A_1667 = arith.index_cast %swap3A_1664 : i32 to index
        %swap3A_1668 = arith.index_cast %swap3A_1665 : i32 to index
        %swap3A_1669 = arith.index_cast %sub3A_1663 : i32 to index
        %swap3A_1670 = tpu.vector_load %arg7[%swap3A_1666, %swap3A_1667, %swap3A_1668, %swap3A_1669] {strides = array<i32>} : memref<2x1x8x1024xf32, #tpu.memory_space<vmem>>, vector<16xf32>,
        tpu.vector_store %arg7[%swap3A_1666, %swap3A_1667, %swap3A_1668, %swap3A_1669], %gather3A_1537 {strides = array<i32>} : memref<2x1x8x1024xf32, #tpu.memory_space<vmem>>, vector<16xf32>,
        %mul3A_1671 = arith.constant 16 : i32
        %mul3A_1672 = arith.muli %scan3A_1642, %mul3A_1671 : i32
        %sub3A_1673 = arith.constant 16 : i32
        %sub3A_1674 = arith.subi %mul3A_1672, %sub3A_1673 : i32
        %swap3A_1675 = arith.constant 0 : i32
        %swap3A_1676 = arith.constant 1 : i32
        %swap3A_1677 = arith.index_cast %rem3A_112 : i32 to index
        %swap3A_1678 = arith.index_cast %swap3A_1675 : i32 to index
        %swap3A_1679 = arith.index_cast %swap3A_1676 : i32 to index
        %swap3A_1680 = arith.index_cast %sub3A_1674 : i32 to index
        %swap3A_1681 = tpu.vector_load %arg7[%swap3A_1677, %swap3A_1678, %swap3A_1679, %swap3A_1680] {strides = array<i32>} : memref<2x1x8x1024xf32, #tpu.memory_space<vmem>>, vector<16xf32>,
        tpu.vector_store %arg7[%swap3A_1677, %swap3A_1678, %swap3A_1679, %swap3A_1680], %gather3A_1538 {strides = array<i32>} : memref<2x1x8x1024xf32, #tpu.memory_space<vmem>>, vector<16xf32>,
        %mul3A_1682 = arith.constant 16 : i32
        %mul3A_1683 = arith.muli %scan3A_1642, %mul3A_1682 : i32
        %sub3A_1684 = arith.constant 16 : i32
        %sub3A_1685 = arith.subi %mul3A_1683, %sub3A_1684 : i32
        %swap3A_1686 = arith.constant 0 : i32
        %swap3A_1687 = arith.constant 2 : i32
        %swap3A_1688 = arith.index_cast %rem3A_112 : i32 to index
        %swap3A_1689 = arith.index_cast %swap3A_1686 : i32 to index
        %swap3A_1690 = arith.index_cast %swap3A_1687 : i32 to index
        %swap3A_1691 = arith.index_cast %sub3A_1685 : i32 to index
        %swap3A_1692 = tpu.vector_load %arg7[%swap3A_1688, %swap3A_1689, %swap3A_1690, %swap3A_1691] {strides = array<i32>} : memref<2x1x8x1024xf32, #tpu.memory_space<vmem>>, vector<16xf32>,
        tpu.vector_store %arg7[%swap3A_1688, %swap3A_1689, %swap3A_1690, %swap3A_1691], %gather3A_1539 {strides = array<i32>} : memref<2x1x8x1024xf32, #tpu.memory_space<vmem>>, vector<16xf32>,
        %mul3A_1693 = arith.constant 16 : i32
        %mul3A_1694 = arith.muli %scan3A_1642, %mul3A_1693 : i32
        %sub3A_1695 = arith.constant 16 : i32
        %sub3A_1696 = arith.subi %mul3A_1694, %sub3A_1695 : i32
        %swap3A_1697 = arith.constant 0 : i32
        %swap3A_1698 = arith.constant 3 : i32
        %swap3A_1699 = arith.index_cast %rem3A_112 : i32 to index
        %swap3A_1700 = arith.index_cast %swap3A_1697 : i32 to index
        %swap3A_1701 = arith.index_cast %swap3A_1698 : i32 to index
        %swap3A_1702 = arith.index_cast %sub3A_1696 : i32 to index
        %swap3A_1703 = tpu.vector_load %arg7[%swap3A_1699, %swap3A_1700, %swap3A_1701, %swap3A_1702] {strides = array<i32>} : memref<2x1x8x1024xf32, #tpu.memory_space<vmem>>, vector<16xf32>,
        tpu.vector_store %arg7[%swap3A_1699, %swap3A_1700, %swap3A_1701, %swap3A_1702], %gather3A_1540 {strides = array<i32>} : memref<2x1x8x1024xf32, #tpu.memory_space<vmem>>, vector<16xf32>,
        %mul3A_1704 = arith.constant 16 : i32
        %mul3A_1705 = arith.muli %scan3A_1642, %mul3A_1704 : i32
        %sub3A_1706 = arith.constant 16 : i32
        %sub3A_1707 = arith.subi %mul3A_1705, %sub3A_1706 : i32
        %swap3A_1708 = arith.constant 0 : i32
        %swap3A_1709 = arith.constant 4 : i32
        %swap3A_1710 = arith.index_cast %rem3A_112 : i32 to index
        %swap3A_1711 = arith.index_cast %swap3A_1708 : i32 to index
        %swap3A_1712 = arith.index_cast %swap3A_1709 : i32 to index
        %swap3A_1713 = arith.index_cast %sub3A_1707 : i32 to index
        %swap3A_1714 = tpu.vector_load %arg7[%swap3A_1710, %swap3A_1711, %swap3A_1712, %swap3A_1713] {strides = array<i32>} : memref<2x1x8x1024xf32, #tpu.memory_space<vmem>>, vector<16xf32>,
        tpu.vector_store %arg7[%swap3A_1710, %swap3A_1711, %swap3A_1712, %swap3A_1713], %gather3A_1541 {strides = array<i32>} : memref<2x1x8x1024xf32, #tpu.memory_space<vmem>>, vector<16xf32>,
        %mul3A_1715 = arith.constant 16 : i32
        %mul3A_1716 = arith.muli %scan3A_1642, %mul3A_1715 : i32
        %sub3A_1717 = arith.constant 16 : i32
        %sub3A_1718 = arith.subi %mul3A_1716, %sub3A_1717 : i32
        %swap3A_1719 = arith.constant 0 : i32
        %swap3A_1720 = arith.constant 5 : i32
        %swap3A_1721 = arith.index_cast %rem3A_112 : i32 to index
        %swap3A_1722 = arith.index_cast %swap3A_1719 : i32 to index
        %swap3A_1723 = arith.index_cast %swap3A_1720 : i32 to index
        %swap3A_1724 = arith.index_cast %sub3A_1718 : i32 to index
        %swap3A_1725 = tpu.vector_load %arg7[%swap3A_1721, %swap3A_1722, %swap3A_1723, %swap3A_1724] {strides = array<i32>} : memref<2x1x8x1024xf32, #tpu.memory_space<vmem>>, vector<16xf32>,
        tpu.vector_store %arg7[%swap3A_1721, %swap3A_1722, %swap3A_1723, %swap3A_1724], %gather3A_1542 {strides = array<i32>} : memref<2x1x8x1024xf32, #tpu.memory_space<vmem>>, vector<16xf32>,
        %mul3A_1726 = arith.constant 16 : i32
        %mul3A_1727 = arith.muli %scan3A_1642, %mul3A_1726 : i32
        %sub3A_1728 = arith.constant 16 : i32
        %sub3A_1729 = arith.subi %mul3A_1727, %sub3A_1728 : i32
        %swap3A_1730 = arith.constant 0 : i32
        %swap3A_1731 = arith.constant 6 : i32
        %swap3A_1732 = arith.index_cast %rem3A_112 : i32 to index
        %swap3A_1733 = arith.index_cast %swap3A_1730 : i32 to index
        %swap3A_1734 = arith.index_cast %swap3A_1731 : i32 to index
        %swap3A_1735 = arith.index_cast %sub3A_1729 : i32 to index
        %swap3A_1736 = tpu.vector_load %arg7[%swap3A_1732, %swap3A_1733, %swap3A_1734, %swap3A_1735] {strides = array<i32>} : memref<2x1x8x1024xf32, #tpu.memory_space<vmem>>, vector<16xf32>,
        tpu.vector_store %arg7[%swap3A_1732, %swap3A_1733, %swap3A_1734, %swap3A_1735], %gather3A_1543 {strides = array<i32>} : memref<2x1x8x1024xf32, #tpu.memory_space<vmem>>, vector<16xf32>,
        %mul3A_1737 = arith.constant 16 : i32
        %mul3A_1738 = arith.muli %scan3A_1642, %mul3A_1737 : i32
        %sub3A_1739 = arith.constant 16 : i32
        %sub3A_1740 = arith.subi %mul3A_1738, %sub3A_1739 : i32
        %swap3A_1741 = arith.constant 0 : i32
        %swap3A_1742 = arith.constant 7 : i32
        %swap3A_1743 = arith.index_cast %rem3A_112 : i32 to index
        %swap3A_1744 = arith.index_cast %swap3A_1741 : i32 to index
        %swap3A_1745 = arith.index_cast %swap3A_1742 : i32 to index
        %swap3A_1746 = arith.index_cast %sub3A_1740 : i32 to index
        %swap3A_1747 = tpu.vector_load %arg7[%swap3A_1743, %swap3A_1744, %swap3A_1745, %swap3A_1746] {strides = array<i32>} : memref<2x1x8x1024xf32, #tpu.memory_space<vmem>>, vector<16xf32>,
        tpu.vector_store %arg7[%swap3A_1743, %swap3A_1744, %swap3A_1745, %swap3A_1746], %gather3A_1544 {strides = array<i32>} : memref<2x1x8x1024xf32, #tpu.memory_space<vmem>>, vector<16xf32>,
        %add3A_1748 = arith.addi %get3A_1651, %broadcast_in_dim3A_30 : vector<16xi32>
        %add3A_1749 = arith.addi %get3A_1651, %broadcast_in_dim3A_32 : vector<16xi32>
        %add3A_1750 = arith.addi %get3A_1651, %broadcast_in_dim3A_34 : vector<16xi32>
        %add3A_1751 = arith.addi %get3A_1651, %broadcast_in_dim3A_36 : vector<16xi32>
        %add3A_1752 = arith.addi %get3A_1651, %broadcast_in_dim3A_38 : vector<16xi32>
        %add3A_1753 = arith.addi %get3A_1651, %broadcast_in_dim3A_40 : vector<16xi32>
        %add3A_1754 = arith.addi %get3A_1651, %broadcast_in_dim3A_42 : vector<16xi32>
        %add3A_1755 = arith.addi %get3A_1651, %broadcast_in_dim3A_44 : vector<16xi32>
        %scan3A_1756 = arith.constant 6 : i32
        %scan3A_1757 = arith.addi %scan3A_1051, %scan3A_1756 : i32
        %mul3A_1758 = arith.constant 16 : i32
        %mul3A_1759 = arith.muli %scan3A_1757, %mul3A_1758 : i32
        %add3A_1760 = arith.constant 16 : i32
        %add3A_1761 = arith.addi %mul3A_1759, %add3A_1760 : i32
        %get3A_1762 = arith.constant 0 : i32
        %get3A_1763 = arith.index_cast %rem3A_112 : i32 to index
        %get3A_1764 = arith.index_cast %get3A_1762 : i32 to index
        %get3A_1765 = arith.index_cast %add3A_1761 : i32 to index
        %get3A_1766 = tpu.vector_load %arg6[%get3A_1763, %get3A_1764, %get3A_1765] {strides = array<i32>} : memref<2x1x1040xi32, #tpu.memory_space<vmem>>, vector<16xi32>,
        %gather3A_1767 = tpu.vector_load_idx %arg5[%add3A_1748] : memref<8192xf32, #tpu.memory_space<vmem>>[vector<16xi32>], vector<16xf32>,
        %gather3A_1768 = tpu.vector_load_idx %arg5[%add3A_1749] : memref<8192xf32, #tpu.memory_space<vmem>>[vector<16xi32>], vector<16xf32>,
        %gather3A_1769 = tpu.vector_load_idx %arg5[%add3A_1750] : memref<8192xf32, #tpu.memory_space<vmem>>[vector<16xi32>], vector<16xf32>,
        %gather3A_1770 = tpu.vector_load_idx %arg5[%add3A_1751] : memref<8192xf32, #tpu.memory_space<vmem>>[vector<16xi32>], vector<16xf32>,
        %gather3A_1771 = tpu.vector_load_idx %arg5[%add3A_1752] : memref<8192xf32, #tpu.memory_space<vmem>>[vector<16xi32>], vector<16xf32>,
        %gather3A_1772 = tpu.vector_load_idx %arg5[%add3A_1753] : memref<8192xf32, #tpu.memory_space<vmem>>[vector<16xi32>], vector<16xf32>,
        %gather3A_1773 = tpu.vector_load_idx %arg5[%add3A_1754] : memref<8192xf32, #tpu.memory_space<vmem>>[vector<16xi32>], vector<16xf32>,
        %gather3A_1774 = tpu.vector_load_idx %arg5[%add3A_1755] : memref<8192xf32, #tpu.memory_space<vmem>>[vector<16xi32>], vector<16xf32>,
        %mul3A_1775 = arith.constant 16 : i32
        %mul3A_1776 = arith.muli %scan3A_1757, %mul3A_1775 : i32
        %sub3A_1777 = arith.constant 16 : i32
        %sub3A_1778 = arith.subi %mul3A_1776, %sub3A_1777 : i32
        %swap3A_1779 = arith.constant 0 : i32
        %swap3A_1780 = arith.constant 0 : i32
        %swap3A_1781 = arith.index_cast %rem3A_112 : i32 to index
        %swap3A_1782 = arith.index_cast %swap3A_1779 : i32 to index
        %swap3A_1783 = arith.index_cast %swap3A_1780 : i32 to index
        %swap3A_1784 = arith.index_cast %sub3A_1778 : i32 to index
        %swap3A_1785 = tpu.vector_load %arg7[%swap3A_1781, %swap3A_1782, %swap3A_1783, %swap3A_1784] {strides = array<i32>} : memref<2x1x8x1024xf32, #tpu.memory_space<vmem>>, vector<16xf32>,
        tpu.vector_store %arg7[%swap3A_1781, %swap3A_1782, %swap3A_1783, %swap3A_1784], %gather3A_1652 {strides = array<i32>} : memref<2x1x8x1024xf32, #tpu.memory_space<vmem>>, vector<16xf32>,
        %mul3A_1786 = arith.constant 16 : i32
        %mul3A_1787 = arith.muli %scan3A_1757, %mul3A_1786 : i32
        %sub3A_1788 = arith.constant 16 : i32
        %sub3A_1789 = arith.subi %mul3A_1787, %sub3A_1788 : i32
        %swap3A_1790 = arith.constant 0 : i32
        %swap3A_1791 = arith.constant 1 : i32
        %swap3A_1792 = arith.index_cast %rem3A_112 : i32 to index
        %swap3A_1793 = arith.index_cast %swap3A_1790 : i32 to index
        %swap3A_1794 = arith.index_cast %swap3A_1791 : i32 to index
        %swap3A_1795 = arith.index_cast %sub3A_1789 : i32 to index
        %swap3A_1796 = tpu.vector_load %arg7[%swap3A_1792, %swap3A_1793, %swap3A_1794, %swap3A_1795] {strides = array<i32>} : memref<2x1x8x1024xf32, #tpu.memory_space<vmem>>, vector<16xf32>,
        tpu.vector_store %arg7[%swap3A_1792, %swap3A_1793, %swap3A_1794, %swap3A_1795], %gather3A_1653 {strides = array<i32>} : memref<2x1x8x1024xf32, #tpu.memory_space<vmem>>, vector<16xf32>,
        %mul3A_1797 = arith.constant 16 : i32
        %mul3A_1798 = arith.muli %scan3A_1757, %mul3A_1797 : i32
        %sub3A_1799 = arith.constant 16 : i32
        %sub3A_1800 = arith.subi %mul3A_1798, %sub3A_1799 : i32
        %swap3A_1801 = arith.constant 0 : i32
        %swap3A_1802 = arith.constant 2 : i32
        %swap3A_1803 = arith.index_cast %rem3A_112 : i32 to index
        %swap3A_1804 = arith.index_cast %swap3A_1801 : i32 to index
        %swap3A_1805 = arith.index_cast %swap3A_1802 : i32 to index
        %swap3A_1806 = arith.index_cast %sub3A_1800 : i32 to index
        %swap3A_1807 = tpu.vector_load %arg7[%swap3A_1803, %swap3A_1804, %swap3A_1805, %swap3A_1806] {strides = array<i32>} : memref<2x1x8x1024xf32, #tpu.memory_space<vmem>>, vector<16xf32>,
        tpu.vector_store %arg7[%swap3A_1803, %swap3A_1804, %swap3A_1805, %swap3A_1806], %gather3A_1654 {strides = array<i32>} : memref<2x1x8x1024xf32, #tpu.memory_space<vmem>>, vector<16xf32>,
        %mul3A_1808 = arith.constant 16 : i32
        %mul3A_1809 = arith.muli %scan3A_1757, %mul3A_1808 : i32
        %sub3A_1810 = arith.constant 16 : i32
        %sub3A_1811 = arith.subi %mul3A_1809, %sub3A_1810 : i32
        %swap3A_1812 = arith.constant 0 : i32
        %swap3A_1813 = arith.constant 3 : i32
        %swap3A_1814 = arith.index_cast %rem3A_112 : i32 to index
        %swap3A_1815 = arith.index_cast %swap3A_1812 : i32 to index
        %swap3A_1816 = arith.index_cast %swap3A_1813 : i32 to index
        %swap3A_1817 = arith.index_cast %sub3A_1811 : i32 to index
        %swap3A_1818 = tpu.vector_load %arg7[%swap3A_1814, %swap3A_1815, %swap3A_1816, %swap3A_1817] {strides = array<i32>} : memref<2x1x8x1024xf32, #tpu.memory_space<vmem>>, vector<16xf32>,
        tpu.vector_store %arg7[%swap3A_1814, %swap3A_1815, %swap3A_1816, %swap3A_1817], %gather3A_1655 {strides = array<i32>} : memref<2x1x8x1024xf32, #tpu.memory_space<vmem>>, vector<16xf32>,
        %mul3A_1819 = arith.constant 16 : i32
        %mul3A_1820 = arith.muli %scan3A_1757, %mul3A_1819 : i32
        %sub3A_1821 = arith.constant 16 : i32
        %sub3A_1822 = arith.subi %mul3A_1820, %sub3A_1821 : i32
        %swap3A_1823 = arith.constant 0 : i32
        %swap3A_1824 = arith.constant 4 : i32
        %swap3A_1825 = arith.index_cast %rem3A_112 : i32 to index
        %swap3A_1826 = arith.index_cast %swap3A_1823 : i32 to index
        %swap3A_1827 = arith.index_cast %swap3A_1824 : i32 to index
        %swap3A_1828 = arith.index_cast %sub3A_1822 : i32 to index
        %swap3A_1829 = tpu.vector_load %arg7[%swap3A_1825, %swap3A_1826, %swap3A_1827, %swap3A_1828] {strides = array<i32>} : memref<2x1x8x1024xf32, #tpu.memory_space<vmem>>, vector<16xf32>,
        tpu.vector_store %arg7[%swap3A_1825, %swap3A_1826, %swap3A_1827, %swap3A_1828], %gather3A_1656 {strides = array<i32>} : memref<2x1x8x1024xf32, #tpu.memory_space<vmem>>, vector<16xf32>,
        %mul3A_1830 = arith.constant 16 : i32
        %mul3A_1831 = arith.muli %scan3A_1757, %mul3A_1830 : i32
        %sub3A_1832 = arith.constant 16 : i32
        %sub3A_1833 = arith.subi %mul3A_1831, %sub3A_1832 : i32
        %swap3A_1834 = arith.constant 0 : i32
        %swap3A_1835 = arith.constant 5 : i32
        %swap3A_1836 = arith.index_cast %rem3A_112 : i32 to index
        %swap3A_1837 = arith.index_cast %swap3A_1834 : i32 to index
        %swap3A_1838 = arith.index_cast %swap3A_1835 : i32 to index
        %swap3A_1839 = arith.index_cast %sub3A_1833 : i32 to index
        %swap3A_1840 = tpu.vector_load %arg7[%swap3A_1836, %swap3A_1837, %swap3A_1838, %swap3A_1839] {strides = array<i32>} : memref<2x1x8x1024xf32, #tpu.memory_space<vmem>>, vector<16xf32>,
        tpu.vector_store %arg7[%swap3A_1836, %swap3A_1837, %swap3A_1838, %swap3A_1839], %gather3A_1657 {strides = array<i32>} : memref<2x1x8x1024xf32, #tpu.memory_space<vmem>>, vector<16xf32>,
        %mul3A_1841 = arith.constant 16 : i32
        %mul3A_1842 = arith.muli %scan3A_1757, %mul3A_1841 : i32
        %sub3A_1843 = arith.constant 16 : i32
        %sub3A_1844 = arith.subi %mul3A_1842, %sub3A_1843 : i32
        %swap3A_1845 = arith.constant 0 : i32
        %swap3A_1846 = arith.constant 6 : i32
        %swap3A_1847 = arith.index_cast %rem3A_112 : i32 to index
        %swap3A_1848 = arith.index_cast %swap3A_1845 : i32 to index
        %swap3A_1849 = arith.index_cast %swap3A_1846 : i32 to index
        %swap3A_1850 = arith.index_cast %sub3A_1844 : i32 to index
        %swap3A_1851 = tpu.vector_load %arg7[%swap3A_1847, %swap3A_1848, %swap3A_1849, %swap3A_1850] {strides = array<i32>} : memref<2x1x8x1024xf32, #tpu.memory_space<vmem>>, vector<16xf32>,
        tpu.vector_store %arg7[%swap3A_1847, %swap3A_1848, %swap3A_1849, %swap3A_1850], %gather3A_1658 {strides = array<i32>} : memref<2x1x8x1024xf32, #tpu.memory_space<vmem>>, vector<16xf32>,
        %mul3A_1852 = arith.constant 16 : i32
        %mul3A_1853 = arith.muli %scan3A_1757, %mul3A_1852 : i32
        %sub3A_1854 = arith.constant 16 : i32
        %sub3A_1855 = arith.subi %mul3A_1853, %sub3A_1854 : i32
        %swap3A_1856 = arith.constant 0 : i32
        %swap3A_1857 = arith.constant 7 : i32
        %swap3A_1858 = arith.index_cast %rem3A_112 : i32 to index
        %swap3A_1859 = arith.index_cast %swap3A_1856 : i32 to index
        %swap3A_1860 = arith.index_cast %swap3A_1857 : i32 to index
        %swap3A_1861 = arith.index_cast %sub3A_1855 : i32 to index
        %swap3A_1862 = tpu.vector_load %arg7[%swap3A_1858, %swap3A_1859, %swap3A_1860, %swap3A_1861] {strides = array<i32>} : memref<2x1x8x1024xf32, #tpu.memory_space<vmem>>, vector<16xf32>,
        tpu.vector_store %arg7[%swap3A_1858, %swap3A_1859, %swap3A_1860, %swap3A_1861], %gather3A_1659 {strides = array<i32>} : memref<2x1x8x1024xf32, #tpu.memory_space<vmem>>, vector<16xf32>,
        %add3A_1863 = arith.addi %get3A_1766, %broadcast_in_dim3A_30 : vector<16xi32>
        %add3A_1864 = arith.addi %get3A_1766, %broadcast_in_dim3A_32 : vector<16xi32>
        %add3A_1865 = arith.addi %get3A_1766, %broadcast_in_dim3A_34 : vector<16xi32>
        %add3A_1866 = arith.addi %get3A_1766, %broadcast_in_dim3A_36 : vector<16xi32>
        %add3A_1867 = arith.addi %get3A_1766, %broadcast_in_dim3A_38 : vector<16xi32>
        %add3A_1868 = arith.addi %get3A_1766, %broadcast_in_dim3A_40 : vector<16xi32>
        %add3A_1869 = arith.addi %get3A_1766, %broadcast_in_dim3A_42 : vector<16xi32>
        %add3A_1870 = arith.addi %get3A_1766, %broadcast_in_dim3A_44 : vector<16xi32>
        %scan3A_1871 = arith.constant 7 : i32
        %scan3A_1872 = arith.addi %scan3A_1051, %scan3A_1871 : i32
        %mul3A_1873 = arith.constant 16 : i32
        %mul3A_1874 = arith.muli %scan3A_1872, %mul3A_1873 : i32
        %add3A_1875 = arith.constant 16 : i32
        %add3A_1876 = arith.addi %mul3A_1874, %add3A_1875 : i32
        %get3A_1877 = arith.constant 0 : i32
        %get3A_1878 = arith.index_cast %rem3A_112 : i32 to index
        %get3A_1879 = arith.index_cast %get3A_1877 : i32 to index
        %get3A_1880 = arith.index_cast %add3A_1876 : i32 to index
        %get3A_1881 = tpu.vector_load %arg6[%get3A_1878, %get3A_1879, %get3A_1880] {strides = array<i32>} : memref<2x1x1040xi32, #tpu.memory_space<vmem>>, vector<16xi32>,
        %gather3A_1882 = tpu.vector_load_idx %arg5[%add3A_1863] : memref<8192xf32, #tpu.memory_space<vmem>>[vector<16xi32>], vector<16xf32>,
        %gather3A_1883 = tpu.vector_load_idx %arg5[%add3A_1864] : memref<8192xf32, #tpu.memory_space<vmem>>[vector<16xi32>], vector<16xf32>,
        %gather3A_1884 = tpu.vector_load_idx %arg5[%add3A_1865] : memref<8192xf32, #tpu.memory_space<vmem>>[vector<16xi32>], vector<16xf32>,
        %gather3A_1885 = tpu.vector_load_idx %arg5[%add3A_1866] : memref<8192xf32, #tpu.memory_space<vmem>>[vector<16xi32>], vector<16xf32>,
        %gather3A_1886 = tpu.vector_load_idx %arg5[%add3A_1867] : memref<8192xf32, #tpu.memory_space<vmem>>[vector<16xi32>], vector<16xf32>,
        %gather3A_1887 = tpu.vector_load_idx %arg5[%add3A_1868] : memref<8192xf32, #tpu.memory_space<vmem>>[vector<16xi32>], vector<16xf32>,
        %gather3A_1888 = tpu.vector_load_idx %arg5[%add3A_1869] : memref<8192xf32, #tpu.memory_space<vmem>>[vector<16xi32>], vector<16xf32>,
        %gather3A_1889 = tpu.vector_load_idx %arg5[%add3A_1870] : memref<8192xf32, #tpu.memory_space<vmem>>[vector<16xi32>], vector<16xf32>,
        %mul3A_1890 = arith.constant 16 : i32
        %mul3A_1891 = arith.muli %scan3A_1872, %mul3A_1890 : i32
        %sub3A_1892 = arith.constant 16 : i32
        %sub3A_1893 = arith.subi %mul3A_1891, %sub3A_1892 : i32
        %swap3A_1894 = arith.constant 0 : i32
        %swap3A_1895 = arith.constant 0 : i32
        %swap3A_1896 = arith.index_cast %rem3A_112 : i32 to index
        %swap3A_1897 = arith.index_cast %swap3A_1894 : i32 to index
        %swap3A_1898 = arith.index_cast %swap3A_1895 : i32 to index
        %swap3A_1899 = arith.index_cast %sub3A_1893 : i32 to index
        %swap3A_1900 = tpu.vector_load %arg7[%swap3A_1896, %swap3A_1897, %swap3A_1898, %swap3A_1899] {strides = array<i32>} : memref<2x1x8x1024xf32, #tpu.memory_space<vmem>>, vector<16xf32>,
        tpu.vector_store %arg7[%swap3A_1896, %swap3A_1897, %swap3A_1898, %swap3A_1899], %gather3A_1767 {strides = array<i32>} : memref<2x1x8x1024xf32, #tpu.memory_space<vmem>>, vector<16xf32>,
        %mul3A_1901 = arith.constant 16 : i32
        %mul3A_1902 = arith.muli %scan3A_1872, %mul3A_1901 : i32
        %sub3A_1903 = arith.constant 16 : i32
        %sub3A_1904 = arith.subi %mul3A_1902, %sub3A_1903 : i32
        %swap3A_1905 = arith.constant 0 : i32
        %swap3A_1906 = arith.constant 1 : i32
        %swap3A_1907 = arith.index_cast %rem3A_112 : i32 to index
        %swap3A_1908 = arith.index_cast %swap3A_1905 : i32 to index
        %swap3A_1909 = arith.index_cast %swap3A_1906 : i32 to index
        %swap3A_1910 = arith.index_cast %sub3A_1904 : i32 to index
        %swap3A_1911 = tpu.vector_load %arg7[%swap3A_1907, %swap3A_1908, %swap3A_1909, %swap3A_1910] {strides = array<i32>} : memref<2x1x8x1024xf32, #tpu.memory_space<vmem>>, vector<16xf32>,
        tpu.vector_store %arg7[%swap3A_1907, %swap3A_1908, %swap3A_1909, %swap3A_1910], %gather3A_1768 {strides = array<i32>} : memref<2x1x8x1024xf32, #tpu.memory_space<vmem>>, vector<16xf32>,
        %mul3A_1912 = arith.constant 16 : i32
        %mul3A_1913 = arith.muli %scan3A_1872, %mul3A_1912 : i32
        %sub3A_1914 = arith.constant 16 : i32
        %sub3A_1915 = arith.subi %mul3A_1913, %sub3A_1914 : i32
        %swap3A_1916 = arith.constant 0 : i32
        %swap3A_1917 = arith.constant 2 : i32
        %swap3A_1918 = arith.index_cast %rem3A_112 : i32 to index
        %swap3A_1919 = arith.index_cast %swap3A_1916 : i32 to index
        %swap3A_1920 = arith.index_cast %swap3A_1917 : i32 to index
        %swap3A_1921 = arith.index_cast %sub3A_1915 : i32 to index
        %swap3A_1922 = tpu.vector_load %arg7[%swap3A_1918, %swap3A_1919, %swap3A_1920, %swap3A_1921] {strides = array<i32>} : memref<2x1x8x1024xf32, #tpu.memory_space<vmem>>, vector<16xf32>,
        tpu.vector_store %arg7[%swap3A_1918, %swap3A_1919, %swap3A_1920, %swap3A_1921], %gather3A_1769 {strides = array<i32>} : memref<2x1x8x1024xf32, #tpu.memory_space<vmem>>, vector<16xf32>,
        %mul3A_1923 = arith.constant 16 : i32
        %mul3A_1924 = arith.muli %scan3A_1872, %mul3A_1923 : i32
        %sub3A_1925 = arith.constant 16 : i32
        %sub3A_1926 = arith.subi %mul3A_1924, %sub3A_1925 : i32
        %swap3A_1927 = arith.constant 0 : i32
        %swap3A_1928 = arith.constant 3 : i32
        %swap3A_1929 = arith.index_cast %rem3A_112 : i32 to index
        %swap3A_1930 = arith.index_cast %swap3A_1927 : i32 to index
        %swap3A_1931 = arith.index_cast %swap3A_1928 : i32 to index
        %swap3A_1932 = arith.index_cast %sub3A_1926 : i32 to index
        %swap3A_1933 = tpu.vector_load %arg7[%swap3A_1929, %swap3A_1930, %swap3A_1931, %swap3A_1932] {strides = array<i32>} : memref<2x1x8x1024xf32, #tpu.memory_space<vmem>>, vector<16xf32>,
        tpu.vector_store %arg7[%swap3A_1929, %swap3A_1930, %swap3A_1931, %swap3A_1932], %gather3A_1770 {strides = array<i32>} : memref<2x1x8x1024xf32, #tpu.memory_space<vmem>>, vector<16xf32>,
        %mul3A_1934 = arith.constant 16 : i32
        %mul3A_1935 = arith.muli %scan3A_1872, %mul3A_1934 : i32
        %sub3A_1936 = arith.constant 16 : i32
        %sub3A_1937 = arith.subi %mul3A_1935, %sub3A_1936 : i32
        %swap3A_1938 = arith.constant 0 : i32
        %swap3A_1939 = arith.constant 4 : i32
        %swap3A_1940 = arith.index_cast %rem3A_112 : i32 to index
        %swap3A_1941 = arith.index_cast %swap3A_1938 : i32 to index
        %swap3A_1942 = arith.index_cast %swap3A_1939 : i32 to index
        %swap3A_1943 = arith.index_cast %sub3A_1937 : i32 to index
        %swap3A_1944 = tpu.vector_load %arg7[%swap3A_1940, %swap3A_1941, %swap3A_1942, %swap3A_1943] {strides = array<i32>} : memref<2x1x8x1024xf32, #tpu.memory_space<vmem>>, vector<16xf32>,
        tpu.vector_store %arg7[%swap3A_1940, %swap3A_1941, %swap3A_1942, %swap3A_1943], %gather3A_1771 {strides = array<i32>} : memref<2x1x8x1024xf32, #tpu.memory_space<vmem>>, vector<16xf32>,
        %mul3A_1945 = arith.constant 16 : i32
        %mul3A_1946 = arith.muli %scan3A_1872, %mul3A_1945 : i32
        %sub3A_1947 = arith.constant 16 : i32
        %sub3A_1948 = arith.subi %mul3A_1946, %sub3A_1947 : i32
        %swap3A_1949 = arith.constant 0 : i32
        %swap3A_1950 = arith.constant 5 : i32
        %swap3A_1951 = arith.index_cast %rem3A_112 : i32 to index
        %swap3A_1952 = arith.index_cast %swap3A_1949 : i32 to index
        %swap3A_1953 = arith.index_cast %swap3A_1950 : i32 to index
        %swap3A_1954 = arith.index_cast %sub3A_1948 : i32 to index
        %swap3A_1955 = tpu.vector_load %arg7[%swap3A_1951, %swap3A_1952, %swap3A_1953, %swap3A_1954] {strides = array<i32>} : memref<2x1x8x1024xf32, #tpu.memory_space<vmem>>, vector<16xf32>,
        tpu.vector_store %arg7[%swap3A_1951, %swap3A_1952, %swap3A_1953, %swap3A_1954], %gather3A_1772 {strides = array<i32>} : memref<2x1x8x1024xf32, #tpu.memory_space<vmem>>, vector<16xf32>,
        %mul3A_1956 = arith.constant 16 : i32
        %mul3A_1957 = arith.muli %scan3A_1872, %mul3A_1956 : i32
        %sub3A_1958 = arith.constant 16 : i32
        %sub3A_1959 = arith.subi %mul3A_1957, %sub3A_1958 : i32
        %swap3A_1960 = arith.constant 0 : i32
        %swap3A_1961 = arith.constant 6 : i32
        %swap3A_1962 = arith.index_cast %rem3A_112 : i32 to index
        %swap3A_1963 = arith.index_cast %swap3A_1960 : i32 to index
        %swap3A_1964 = arith.index_cast %swap3A_1961 : i32 to index
        %swap3A_1965 = arith.index_cast %sub3A_1959 : i32 to index
        %swap3A_1966 = tpu.vector_load %arg7[%swap3A_1962, %swap3A_1963, %swap3A_1964, %swap3A_1965] {strides = array<i32>} : memref<2x1x8x1024xf32, #tpu.memory_space<vmem>>, vector<16xf32>,
        tpu.vector_store %arg7[%swap3A_1962, %swap3A_1963, %swap3A_1964, %swap3A_1965], %gather3A_1773 {strides = array<i32>} : memref<2x1x8x1024xf32, #tpu.memory_space<vmem>>, vector<16xf32>,
        %mul3A_1967 = arith.constant 16 : i32
        %mul3A_1968 = arith.muli %scan3A_1872, %mul3A_1967 : i32
        %sub3A_1969 = arith.constant 16 : i32
        %sub3A_1970 = arith.subi %mul3A_1968, %sub3A_1969 : i32
        %swap3A_1971 = arith.constant 0 : i32
        %swap3A_1972 = arith.constant 7 : i32
        %swap3A_1973 = arith.index_cast %rem3A_112 : i32 to index
        %swap3A_1974 = arith.index_cast %swap3A_1971 : i32 to index
        %swap3A_1975 = arith.index_cast %swap3A_1972 : i32 to index
        %swap3A_1976 = arith.index_cast %sub3A_1970 : i32 to index
        %swap3A_1977 = tpu.vector_load %arg7[%swap3A_1973, %swap3A_1974, %swap3A_1975, %swap3A_1976] {strides = array<i32>} : memref<2x1x8x1024xf32, #tpu.memory_space<vmem>>, vector<16xf32>,
        tpu.vector_store %arg7[%swap3A_1973, %swap3A_1974, %swap3A_1975, %swap3A_1976], %gather3A_1774 {strides = array<i32>} : memref<2x1x8x1024xf32, #tpu.memory_space<vmem>>, vector<16xf32>,
        %add3A_1978 = arith.addi %get3A_1881, %broadcast_in_dim3A_30 : vector<16xi32>
        %add3A_1979 = arith.addi %get3A_1881, %broadcast_in_dim3A_32 : vector<16xi32>
        %add3A_1980 = arith.addi %get3A_1881, %broadcast_in_dim3A_34 : vector<16xi32>
        %add3A_1981 = arith.addi %get3A_1881, %broadcast_in_dim3A_36 : vector<16xi32>
        %add3A_1982 = arith.addi %get3A_1881, %broadcast_in_dim3A_38 : vector<16xi32>
        %add3A_1983 = arith.addi %get3A_1881, %broadcast_in_dim3A_40 : vector<16xi32>
        %add3A_1984 = arith.addi %get3A_1881, %broadcast_in_dim3A_42 : vector<16xi32>
        %add3A_1985 = arith.addi %get3A_1881, %broadcast_in_dim3A_44 : vector<16xi32>
        scf.yield %add3A_1978, %add3A_1979, %add3A_1980, %add3A_1981, %add3A_1982, %add3A_1983, %add3A_1984, %add3A_1985, %gather3A_1882, %gather3A_1883, %gather3A_1884, %gather3A_1885, %gather3A_1886, %gather3A_1887, %gather3A_1888, %gather3A_1889 : vector<16xi32>, vector<16xi32>, vector<16xi32>, vector<16xi32>, vector<16xi32>, vector<16xi32>, vector<16xi32>, vector<16xi32>, vector<16xf32>, vector<16xf32>, vector<16xf32>, vector<16xf32>, vector<16xf32>, vector<16xf32>, vector<16xf32>, vector<16xf32>
      }
      %scan3A_173 = arith.constant 56 : i32
      %scan3A_174 = arith.addi %scan3A, %scan3A_173 : i32
      %mul3A_175 = arith.constant 16 : i32
      %mul3A_176 = arith.muli %scan3A_174, %mul3A_175 : i32
      %add3A_177 = arith.constant 16 : i32
      %add3A_178 = arith.addi %mul3A_176, %add3A_177 : i32
      %get3A_179 = arith.constant 0 : i32
      %get3A_180 = arith.index_cast %rem3A_112 : i32 to index
      %get3A_181 = arith.index_cast %get3A_179 : i32 to index
      %get3A_182 = arith.index_cast %add3A_178 : i32 to index
      %get3A_183 = tpu.vector_load %arg6[%get3A_180, %get3A_181, %get3A_182] {strides = array<i32>} : memref<2x1x1040xi32, #tpu.memory_space<vmem>>, vector<16xi32>,
      %gather3A_184 = tpu.vector_load_idx %arg5[%scan3A_172#0] : memref<8192xf32, #tpu.memory_space<vmem>>[vector<16xi32>], vector<16xf32>,
      %gather3A_185 = tpu.vector_load_idx %arg5[%scan3A_172#1] : memref<8192xf32, #tpu.memory_space<vmem>>[vector<16xi32>], vector<16xf32>,
      %gather3A_186 = tpu.vector_load_idx %arg5[%scan3A_172#2] : memref<8192xf32, #tpu.memory_space<vmem>>[vector<16xi32>], vector<16xf32>,
      %gather3A_187 = tpu.vector_load_idx %arg5[%scan3A_172#3] : memref<8192xf32, #tpu.memory_space<vmem>>[vector<16xi32>], vector<16xf32>,
      %gather3A_188 = tpu.vector_load_idx %arg5[%scan3A_172#4] : memref<8192xf32, #tpu.memory_space<vmem>>[vector<16xi32>], vector<16xf32>,
      %gather3A_189 = tpu.vector_load_idx %arg5[%scan3A_172#5] : memref<8192xf32, #tpu.memory_space<vmem>>[vector<16xi32>], vector<16xf32>,
      %gather3A_190 = tpu.vector_load_idx %arg5[%scan3A_172#6] : memref<8192xf32, #tpu.memory_space<vmem>>[vector<16xi32>], vector<16xf32>,
      %gather3A_191 = tpu.vector_load_idx %arg5[%scan3A_172#7] : memref<8192xf32, #tpu.memory_space<vmem>>[vector<16xi32>], vector<16xf32>,
      %mul3A_192 = arith.constant 16 : i32
      %mul3A_193 = arith.muli %scan3A_174, %mul3A_192 : i32
      %sub3A_194 = arith.constant 16 : i32
      %sub3A_195 = arith.subi %mul3A_193, %sub3A_194 : i32
      %swap3A = arith.constant 0 : i32
      %swap3A_196 = arith.constant 0 : i32
      %swap3A_197 = arith.index_cast %rem3A_112 : i32 to index
      %swap3A_198 = arith.index_cast %swap3A : i32 to index
      %swap3A_199 = arith.index_cast %swap3A_196 : i32 to index
      %swap3A_200 = arith.index_cast %sub3A_195 : i32 to index
      %swap3A_201 = tpu.vector_load %arg7[%swap3A_197, %swap3A_198, %swap3A_199, %swap3A_200] {strides = array<i32>} : memref<2x1x8x1024xf32, #tpu.memory_space<vmem>>, vector<16xf32>,
      tpu.vector_store %arg7[%swap3A_197, %swap3A_198, %swap3A_199, %swap3A_200], %scan3A_172#8 {strides = array<i32>} : memref<2x1x8x1024xf32, #tpu.memory_space<vmem>>, vector<16xf32>,
      %mul3A_202 = arith.constant 16 : i32
      %mul3A_203 = arith.muli %scan3A_174, %mul3A_202 : i32
      %sub3A_204 = arith.constant 16 : i32
      %sub3A_205 = arith.subi %mul3A_203, %sub3A_204 : i32
      %swap3A_206 = arith.constant 0 : i32
      %swap3A_207 = arith.constant 1 : i32
      %swap3A_208 = arith.index_cast %rem3A_112 : i32 to index
      %swap3A_209 = arith.index_cast %swap3A_206 : i32 to index
      %swap3A_210 = arith.index_cast %swap3A_207 : i32 to index
      %swap3A_211 = arith.index_cast %sub3A_205 : i32 to index
      %swap3A_212 = tpu.vector_load %arg7[%swap3A_208, %swap3A_209, %swap3A_210, %swap3A_211] {strides = array<i32>} : memref<2x1x8x1024xf32, #tpu.memory_space<vmem>>, vector<16xf32>,
      tpu.vector_store %arg7[%swap3A_208, %swap3A_209, %swap3A_210, %swap3A_211], %scan3A_172#9 {strides = array<i32>} : memref<2x1x8x1024xf32, #tpu.memory_space<vmem>>, vector<16xf32>,
      %mul3A_213 = arith.constant 16 : i32
      %mul3A_214 = arith.muli %scan3A_174, %mul3A_213 : i32
      %sub3A_215 = arith.constant 16 : i32
      %sub3A_216 = arith.subi %mul3A_214, %sub3A_215 : i32
      %swap3A_217 = arith.constant 0 : i32
      %swap3A_218 = arith.constant 2 : i32
      %swap3A_219 = arith.index_cast %rem3A_112 : i32 to index
      %swap3A_220 = arith.index_cast %swap3A_217 : i32 to index
      %swap3A_221 = arith.index_cast %swap3A_218 : i32 to index
      %swap3A_222 = arith.index_cast %sub3A_216 : i32 to index
      %swap3A_223 = tpu.vector_load %arg7[%swap3A_219, %swap3A_220, %swap3A_221, %swap3A_222] {strides = array<i32>} : memref<2x1x8x1024xf32, #tpu.memory_space<vmem>>, vector<16xf32>,
      tpu.vector_store %arg7[%swap3A_219, %swap3A_220, %swap3A_221, %swap3A_222], %scan3A_172#10 {strides = array<i32>} : memref<2x1x8x1024xf32, #tpu.memory_space<vmem>>, vector<16xf32>,
      %mul3A_224 = arith.constant 16 : i32
      %mul3A_225 = arith.muli %scan3A_174, %mul3A_224 : i32
      %sub3A_226 = arith.constant 16 : i32
      %sub3A_227 = arith.subi %mul3A_225, %sub3A_226 : i32
      %swap3A_228 = arith.constant 0 : i32
      %swap3A_229 = arith.constant 3 : i32
      %swap3A_230 = arith.index_cast %rem3A_112 : i32 to index
      %swap3A_231 = arith.index_cast %swap3A_228 : i32 to index
      %swap3A_232 = arith.index_cast %swap3A_229 : i32 to index
      %swap3A_233 = arith.index_cast %sub3A_227 : i32 to index
      %swap3A_234 = tpu.vector_load %arg7[%swap3A_230, %swap3A_231, %swap3A_232, %swap3A_233] {strides = array<i32>} : memref<2x1x8x1024xf32, #tpu.memory_space<vmem>>, vector<16xf32>,
      tpu.vector_store %arg7[%swap3A_230, %swap3A_231, %swap3A_232, %swap3A_233], %scan3A_172#11 {strides = array<i32>} : memref<2x1x8x1024xf32, #tpu.memory_space<vmem>>, vector<16xf32>,
      %mul3A_235 = arith.constant 16 : i32
      %mul3A_236 = arith.muli %scan3A_174, %mul3A_235 : i32
      %sub3A_237 = arith.constant 16 : i32
      %sub3A_238 = arith.subi %mul3A_236, %sub3A_237 : i32
      %swap3A_239 = arith.constant 0 : i32
      %swap3A_240 = arith.constant 4 : i32
      %swap3A_241 = arith.index_cast %rem3A_112 : i32 to index
      %swap3A_242 = arith.index_cast %swap3A_239 : i32 to index
      %swap3A_243 = arith.index_cast %swap3A_240 : i32 to index
      %swap3A_244 = arith.index_cast %sub3A_238 : i32 to index
      %swap3A_245 = tpu.vector_load %arg7[%swap3A_241, %swap3A_242, %swap3A_243, %swap3A_244] {strides = array<i32>} : memref<2x1x8x1024xf32, #tpu.memory_space<vmem>>, vector<16xf32>,
      tpu.vector_store %arg7[%swap3A_241, %swap3A_242, %swap3A_243, %swap3A_244], %scan3A_172#12 {strides = array<i32>} : memref<2x1x8x1024xf32, #tpu.memory_space<vmem>>, vector<16xf32>,
      %mul3A_246 = arith.constant 16 : i32
      %mul3A_247 = arith.muli %scan3A_174, %mul3A_246 : i32
      %sub3A_248 = arith.constant 16 : i32
      %sub3A_249 = arith.subi %mul3A_247, %sub3A_248 : i32
      %swap3A_250 = arith.constant 0 : i32
      %swap3A_251 = arith.constant 5 : i32
      %swap3A_252 = arith.index_cast %rem3A_112 : i32 to index
      %swap3A_253 = arith.index_cast %swap3A_250 : i32 to index
      %swap3A_254 = arith.index_cast %swap3A_251 : i32 to index
      %swap3A_255 = arith.index_cast %sub3A_249 : i32 to index
      %swap3A_256 = tpu.vector_load %arg7[%swap3A_252, %swap3A_253, %swap3A_254, %swap3A_255] {strides = array<i32>} : memref<2x1x8x1024xf32, #tpu.memory_space<vmem>>, vector<16xf32>,
      tpu.vector_store %arg7[%swap3A_252, %swap3A_253, %swap3A_254, %swap3A_255], %scan3A_172#13 {strides = array<i32>} : memref<2x1x8x1024xf32, #tpu.memory_space<vmem>>, vector<16xf32>,
      %mul3A_257 = arith.constant 16 : i32
      %mul3A_258 = arith.muli %scan3A_174, %mul3A_257 : i32
      %sub3A_259 = arith.constant 16 : i32
      %sub3A_260 = arith.subi %mul3A_258, %sub3A_259 : i32
      %swap3A_261 = arith.constant 0 : i32
      %swap3A_262 = arith.constant 6 : i32
      %swap3A_263 = arith.index_cast %rem3A_112 : i32 to index
      %swap3A_264 = arith.index_cast %swap3A_261 : i32 to index
      %swap3A_265 = arith.index_cast %swap3A_262 : i32 to index
      %swap3A_266 = arith.index_cast %sub3A_260 : i32 to index
      %swap3A_267 = tpu.vector_load %arg7[%swap3A_263, %swap3A_264, %swap3A_265, %swap3A_266] {strides = array<i32>} : memref<2x1x8x1024xf32, #tpu.memory_space<vmem>>, vector<16xf32>,
      tpu.vector_store %arg7[%swap3A_263, %swap3A_264, %swap3A_265, %swap3A_266], %scan3A_172#14 {strides = array<i32>} : memref<2x1x8x1024xf32, #tpu.memory_space<vmem>>, vector<16xf32>,
      %mul3A_268 = arith.constant 16 : i32
      %mul3A_269 = arith.muli %scan3A_174, %mul3A_268 : i32
      %sub3A_270 = arith.constant 16 : i32
      %sub3A_271 = arith.subi %mul3A_269, %sub3A_270 : i32
      %swap3A_272 = arith.constant 0 : i32
      %swap3A_273 = arith.constant 7 : i32
      %swap3A_274 = arith.index_cast %rem3A_112 : i32 to index
      %swap3A_275 = arith.index_cast %swap3A_272 : i32 to index
      %swap3A_276 = arith.index_cast %swap3A_273 : i32 to index
      %swap3A_277 = arith.index_cast %sub3A_271 : i32 to index
      %swap3A_278 = tpu.vector_load %arg7[%swap3A_274, %swap3A_275, %swap3A_276, %swap3A_277] {strides = array<i32>} : memref<2x1x8x1024xf32, #tpu.memory_space<vmem>>, vector<16xf32>,
      tpu.vector_store %arg7[%swap3A_274, %swap3A_275, %swap3A_276, %swap3A_277], %scan3A_172#15 {strides = array<i32>} : memref<2x1x8x1024xf32, #tpu.memory_space<vmem>>, vector<16xf32>,
      %add3A_279 = arith.addi %get3A_183, %broadcast_in_dim3A_30 : vector<16xi32>
      %add3A_280 = arith.addi %get3A_183, %broadcast_in_dim3A_32 : vector<16xi32>
      %add3A_281 = arith.addi %get3A_183, %broadcast_in_dim3A_34 : vector<16xi32>
      %add3A_282 = arith.addi %get3A_183, %broadcast_in_dim3A_36 : vector<16xi32>
      %add3A_283 = arith.addi %get3A_183, %broadcast_in_dim3A_38 : vector<16xi32>
      %add3A_284 = arith.addi %get3A_183, %broadcast_in_dim3A_40 : vector<16xi32>
      %add3A_285 = arith.addi %get3A_183, %broadcast_in_dim3A_42 : vector<16xi32>
      %add3A_286 = arith.addi %get3A_183, %broadcast_in_dim3A_44 : vector<16xi32>
      %scan3A_287 = arith.constant 57 : i32
      %scan3A_288 = arith.addi %scan3A, %scan3A_287 : i32
      %mul3A_289 = arith.constant 16 : i32
      %mul3A_290 = arith.muli %scan3A_288, %mul3A_289 : i32
      %add3A_291 = arith.constant 16 : i32
      %add3A_292 = arith.addi %mul3A_290, %add3A_291 : i32
      %get3A_293 = arith.constant 0 : i32
      %get3A_294 = arith.index_cast %rem3A_112 : i32 to index
      %get3A_295 = arith.index_cast %get3A_293 : i32 to index
      %get3A_296 = arith.index_cast %add3A_292 : i32 to index
      %get3A_297 = tpu.vector_load %arg6[%get3A_294, %get3A_295, %get3A_296] {strides = array<i32>} : memref<2x1x1040xi32, #tpu.memory_space<vmem>>, vector<16xi32>,
      %gather3A_298 = tpu.vector_load_idx %arg5[%add3A_279] : memref<8192xf32, #tpu.memory_space<vmem>>[vector<16xi32>], vector<16xf32>,
      %gather3A_299 = tpu.vector_load_idx %arg5[%add3A_280] : memref<8192xf32, #tpu.memory_space<vmem>>[vector<16xi32>], vector<16xf32>,
      %gather3A_300 = tpu.vector_load_idx %arg5[%add3A_281] : memref<8192xf32, #tpu.memory_space<vmem>>[vector<16xi32>], vector<16xf32>,
      %gather3A_301 = tpu.vector_load_idx %arg5[%add3A_282] : memref<8192xf32, #tpu.memory_space<vmem>>[vector<16xi32>], vector<16xf32>,
      %gather3A_302 = tpu.vector_load_idx %arg5[%add3A_283] : memref<8192xf32, #tpu.memory_space<vmem>>[vector<16xi32>], vector<16xf32>,
      %gather3A_303 = tpu.vector_load_idx %arg5[%add3A_284] : memref<8192xf32, #tpu.memory_space<vmem>>[vector<16xi32>], vector<16xf32>,
      %gather3A_304 = tpu.vector_load_idx %arg5[%add3A_285] : memref<8192xf32, #tpu.memory_space<vmem>>[vector<16xi32>], vector<16xf32>,
      %gather3A_305 = tpu.vector_load_idx %arg5[%add3A_286] : memref<8192xf32, #tpu.memory_space<vmem>>[vector<16xi32>], vector<16xf32>,
      %mul3A_306 = arith.constant 16 : i32
      %mul3A_307 = arith.muli %scan3A_288, %mul3A_306 : i32
      %sub3A_308 = arith.constant 16 : i32
      %sub3A_309 = arith.subi %mul3A_307, %sub3A_308 : i32
      %swap3A_310 = arith.constant 0 : i32
      %swap3A_311 = arith.constant 0 : i32
      %swap3A_312 = arith.index_cast %rem3A_112 : i32 to index
      %swap3A_313 = arith.index_cast %swap3A_310 : i32 to index
      %swap3A_314 = arith.index_cast %swap3A_311 : i32 to index
      %swap3A_315 = arith.index_cast %sub3A_309 : i32 to index
      %swap3A_316 = tpu.vector_load %arg7[%swap3A_312, %swap3A_313, %swap3A_314, %swap3A_315] {strides = array<i32>} : memref<2x1x8x1024xf32, #tpu.memory_space<vmem>>, vector<16xf32>,
      tpu.vector_store %arg7[%swap3A_312, %swap3A_313, %swap3A_314, %swap3A_315], %gather3A_184 {strides = array<i32>} : memref<2x1x8x1024xf32, #tpu.memory_space<vmem>>, vector<16xf32>,
      %mul3A_317 = arith.constant 16 : i32
      %mul3A_318 = arith.muli %scan3A_288, %mul3A_317 : i32
      %sub3A_319 = arith.constant 16 : i32
      %sub3A_320 = arith.subi %mul3A_318, %sub3A_319 : i32
      %swap3A_321 = arith.constant 0 : i32
      %swap3A_322 = arith.constant 1 : i32
      %swap3A_323 = arith.index_cast %rem3A_112 : i32 to index
      %swap3A_324 = arith.index_cast %swap3A_321 : i32 to index
      %swap3A_325 = arith.index_cast %swap3A_322 : i32 to index
      %swap3A_326 = arith.index_cast %sub3A_320 : i32 to index
      %swap3A_327 = tpu.vector_load %arg7[%swap3A_323, %swap3A_324, %swap3A_325, %swap3A_326] {strides = array<i32>} : memref<2x1x8x1024xf32, #tpu.memory_space<vmem>>, vector<16xf32>,
      tpu.vector_store %arg7[%swap3A_323, %swap3A_324, %swap3A_325, %swap3A_326], %gather3A_185 {strides = array<i32>} : memref<2x1x8x1024xf32, #tpu.memory_space<vmem>>, vector<16xf32>,
      %mul3A_328 = arith.constant 16 : i32
      %mul3A_329 = arith.muli %scan3A_288, %mul3A_328 : i32
      %sub3A_330 = arith.constant 16 : i32
      %sub3A_331 = arith.subi %mul3A_329, %sub3A_330 : i32
      %swap3A_332 = arith.constant 0 : i32
      %swap3A_333 = arith.constant 2 : i32
      %swap3A_334 = arith.index_cast %rem3A_112 : i32 to index
      %swap3A_335 = arith.index_cast %swap3A_332 : i32 to index
      %swap3A_336 = arith.index_cast %swap3A_333 : i32 to index
      %swap3A_337 = arith.index_cast %sub3A_331 : i32 to index
      %swap3A_338 = tpu.vector_load %arg7[%swap3A_334, %swap3A_335, %swap3A_336, %swap3A_337] {strides = array<i32>} : memref<2x1x8x1024xf32, #tpu.memory_space<vmem>>, vector<16xf32>,
      tpu.vector_store %arg7[%swap3A_334, %swap3A_335, %swap3A_336, %swap3A_337], %gather3A_186 {strides = array<i32>} : memref<2x1x8x1024xf32, #tpu.memory_space<vmem>>, vector<16xf32>,
      %mul3A_339 = arith.constant 16 : i32
      %mul3A_340 = arith.muli %scan3A_288, %mul3A_339 : i32
      %sub3A_341 = arith.constant 16 : i32
      %sub3A_342 = arith.subi %mul3A_340, %sub3A_341 : i32
      %swap3A_343 = arith.constant 0 : i32
      %swap3A_344 = arith.constant 3 : i32
      %swap3A_345 = arith.index_cast %rem3A_112 : i32 to index
      %swap3A_346 = arith.index_cast %swap3A_343 : i32 to index
      %swap3A_347 = arith.index_cast %swap3A_344 : i32 to index
      %swap3A_348 = arith.index_cast %sub3A_342 : i32 to index
      %swap3A_349 = tpu.vector_load %arg7[%swap3A_345, %swap3A_346, %swap3A_347, %swap3A_348] {strides = array<i32>} : memref<2x1x8x1024xf32, #tpu.memory_space<vmem>>, vector<16xf32>,
      tpu.vector_store %arg7[%swap3A_345, %swap3A_346, %swap3A_347, %swap3A_348], %gather3A_187 {strides = array<i32>} : memref<2x1x8x1024xf32, #tpu.memory_space<vmem>>, vector<16xf32>,
      %mul3A_350 = arith.constant 16 : i32
      %mul3A_351 = arith.muli %scan3A_288, %mul3A_350 : i32
      %sub3A_352 = arith.constant 16 : i32
      %sub3A_353 = arith.subi %mul3A_351, %sub3A_352 : i32
      %swap3A_354 = arith.constant 0 : i32
      %swap3A_355 = arith.constant 4 : i32
      %swap3A_356 = arith.index_cast %rem3A_112 : i32 to index
      %swap3A_357 = arith.index_cast %swap3A_354 : i32 to index
      %swap3A_358 = arith.index_cast %swap3A_355 : i32 to index
      %swap3A_359 = arith.index_cast %sub3A_353 : i32 to index
      %swap3A_360 = tpu.vector_load %arg7[%swap3A_356, %swap3A_357, %swap3A_358, %swap3A_359] {strides = array<i32>} : memref<2x1x8x1024xf32, #tpu.memory_space<vmem>>, vector<16xf32>,
      tpu.vector_store %arg7[%swap3A_356, %swap3A_357, %swap3A_358, %swap3A_359], %gather3A_188 {strides = array<i32>} : memref<2x1x8x1024xf32, #tpu.memory_space<vmem>>, vector<16xf32>,
      %mul3A_361 = arith.constant 16 : i32
      %mul3A_362 = arith.muli %scan3A_288, %mul3A_361 : i32
      %sub3A_363 = arith.constant 16 : i32
      %sub3A_364 = arith.subi %mul3A_362, %sub3A_363 : i32
      %swap3A_365 = arith.constant 0 : i32
      %swap3A_366 = arith.constant 5 : i32
      %swap3A_367 = arith.index_cast %rem3A_112 : i32 to index
      %swap3A_368 = arith.index_cast %swap3A_365 : i32 to index
      %swap3A_369 = arith.index_cast %swap3A_366 : i32 to index
      %swap3A_370 = arith.index_cast %sub3A_364 : i32 to index
      %swap3A_371 = tpu.vector_load %arg7[%swap3A_367, %swap3A_368, %swap3A_369, %swap3A_370] {strides = array<i32>} : memref<2x1x8x1024xf32, #tpu.memory_space<vmem>>, vector<16xf32>,
      tpu.vector_store %arg7[%swap3A_367, %swap3A_368, %swap3A_369, %swap3A_370], %gather3A_189 {strides = array<i32>} : memref<2x1x8x1024xf32, #tpu.memory_space<vmem>>, vector<16xf32>,
      %mul3A_372 = arith.constant 16 : i32
      %mul3A_373 = arith.muli %scan3A_288, %mul3A_372 : i32
      %sub3A_374 = arith.constant 16 : i32
      %sub3A_375 = arith.subi %mul3A_373, %sub3A_374 : i32
      %swap3A_376 = arith.constant 0 : i32
      %swap3A_377 = arith.constant 6 : i32
      %swap3A_378 = arith.index_cast %rem3A_112 : i32 to index
      %swap3A_379 = arith.index_cast %swap3A_376 : i32 to index
      %swap3A_380 = arith.index_cast %swap3A_377 : i32 to index
      %swap3A_381 = arith.index_cast %sub3A_375 : i32 to index
      %swap3A_382 = tpu.vector_load %arg7[%swap3A_378, %swap3A_379, %swap3A_380, %swap3A_381] {strides = array<i32>} : memref<2x1x8x1024xf32, #tpu.memory_space<vmem>>, vector<16xf32>,
      tpu.vector_store %arg7[%swap3A_378, %swap3A_379, %swap3A_380, %swap3A_381], %gather3A_190 {strides = array<i32>} : memref<2x1x8x1024xf32, #tpu.memory_space<vmem>>, vector<16xf32>,
      %mul3A_383 = arith.constant 16 : i32
      %mul3A_384 = arith.muli %scan3A_288, %mul3A_383 : i32
      %sub3A_385 = arith.constant 16 : i32
      %sub3A_386 = arith.subi %mul3A_384, %sub3A_385 : i32
      %swap3A_387 = arith.constant 0 : i32
      %swap3A_388 = arith.constant 7 : i32
      %swap3A_389 = arith.index_cast %rem3A_112 : i32 to index
      %swap3A_390 = arith.index_cast %swap3A_387 : i32 to index
      %swap3A_391 = arith.index_cast %swap3A_388 : i32 to index
      %swap3A_392 = arith.index_cast %sub3A_386 : i32 to index
      %swap3A_393 = tpu.vector_load %arg7[%swap3A_389, %swap3A_390, %swap3A_391, %swap3A_392] {strides = array<i32>} : memref<2x1x8x1024xf32, #tpu.memory_space<vmem>>, vector<16xf32>,
      tpu.vector_store %arg7[%swap3A_389, %swap3A_390, %swap3A_391, %swap3A_392], %gather3A_191 {strides = array<i32>} : memref<2x1x8x1024xf32, #tpu.memory_space<vmem>>, vector<16xf32>,
      %add3A_394 = arith.addi %get3A_297, %broadcast_in_dim3A_30 : vector<16xi32>
      %add3A_395 = arith.addi %get3A_297, %broadcast_in_dim3A_32 : vector<16xi32>
      %add3A_396 = arith.addi %get3A_297, %broadcast_in_dim3A_34 : vector<16xi32>
      %add3A_397 = arith.addi %get3A_297, %broadcast_in_dim3A_36 : vector<16xi32>
      %add3A_398 = arith.addi %get3A_297, %broadcast_in_dim3A_38 : vector<16xi32>
      %add3A_399 = arith.addi %get3A_297, %broadcast_in_dim3A_40 : vector<16xi32>
      %add3A_400 = arith.addi %get3A_297, %broadcast_in_dim3A_42 : vector<16xi32>
      %add3A_401 = arith.addi %get3A_297, %broadcast_in_dim3A_44 : vector<16xi32>
      %scan3A_402 = arith.constant 58 : i32
      %scan3A_403 = arith.addi %scan3A, %scan3A_402 : i32
      %mul3A_404 = arith.constant 16 : i32
      %mul3A_405 = arith.muli %scan3A_403, %mul3A_404 : i32
      %add3A_406 = arith.constant 16 : i32
      %add3A_407 = arith.addi %mul3A_405, %add3A_406 : i32
      %get3A_408 = arith.constant 0 : i32
      %get3A_409 = arith.index_cast %rem3A_112 : i32 to index
      %get3A_410 = arith.index_cast %get3A_408 : i32 to index
      %get3A_411 = arith.index_cast %add3A_407 : i32 to index
      %get3A_412 = tpu.vector_load %arg6[%get3A_409, %get3A_410, %get3A_411] {strides = array<i32>} : memref<2x1x1040xi32, #tpu.memory_space<vmem>>, vector<16xi32>,
      %gather3A_413 = tpu.vector_load_idx %arg5[%add3A_394] : memref<8192xf32, #tpu.memory_space<vmem>>[vector<16xi32>], vector<16xf32>,
      %gather3A_414 = tpu.vector_load_idx %arg5[%add3A_395] : memref<8192xf32, #tpu.memory_space<vmem>>[vector<16xi32>], vector<16xf32>,
      %gather3A_415 = tpu.vector_load_idx %arg5[%add3A_396] : memref<8192xf32, #tpu.memory_space<vmem>>[vector<16xi32>], vector<16xf32>,
      %gather3A_416 = tpu.vector_load_idx %arg5[%add3A_397] : memref<8192xf32, #tpu.memory_space<vmem>>[vector<16xi32>], vector<16xf32>,
      %gather3A_417 = tpu.vector_load_idx %arg5[%add3A_398] : memref<8192xf32, #tpu.memory_space<vmem>>[vector<16xi32>], vector<16xf32>,
      %gather3A_418 = tpu.vector_load_idx %arg5[%add3A_399] : memref<8192xf32, #tpu.memory_space<vmem>>[vector<16xi32>], vector<16xf32>,
      %gather3A_419 = tpu.vector_load_idx %arg5[%add3A_400] : memref<8192xf32, #tpu.memory_space<vmem>>[vector<16xi32>], vector<16xf32>,
      %gather3A_420 = tpu.vector_load_idx %arg5[%add3A_401] : memref<8192xf32, #tpu.memory_space<vmem>>[vector<16xi32>], vector<16xf32>,
      %mul3A_421 = arith.constant 16 : i32
      %mul3A_422 = arith.muli %scan3A_403, %mul3A_421 : i32
      %sub3A_423 = arith.constant 16 : i32
      %sub3A_424 = arith.subi %mul3A_422, %sub3A_423 : i32
      %swap3A_425 = arith.constant 0 : i32
      %swap3A_426 = arith.constant 0 : i32
      %swap3A_427 = arith.index_cast %rem3A_112 : i32 to index
      %swap3A_428 = arith.index_cast %swap3A_425 : i32 to index
      %swap3A_429 = arith.index_cast %swap3A_426 : i32 to index
      %swap3A_430 = arith.index_cast %sub3A_424 : i32 to index
      %swap3A_431 = tpu.vector_load %arg7[%swap3A_427, %swap3A_428, %swap3A_429, %swap3A_430] {strides = array<i32>} : memref<2x1x8x1024xf32, #tpu.memory_space<vmem>>, vector<16xf32>,
      tpu.vector_store %arg7[%swap3A_427, %swap3A_428, %swap3A_429, %swap3A_430], %gather3A_298 {strides = array<i32>} : memref<2x1x8x1024xf32, #tpu.memory_space<vmem>>, vector<16xf32>,
      %mul3A_432 = arith.constant 16 : i32
      %mul3A_433 = arith.muli %scan3A_403, %mul3A_432 : i32
      %sub3A_434 = arith.constant 16 : i32
      %sub3A_435 = arith.subi %mul3A_433, %sub3A_434 : i32
      %swap3A_436 = arith.constant 0 : i32
      %swap3A_437 = arith.constant 1 : i32
      %swap3A_438 = arith.index_cast %rem3A_112 : i32 to index
      %swap3A_439 = arith.index_cast %swap3A_436 : i32 to index
      %swap3A_440 = arith.index_cast %swap3A_437 : i32 to index
      %swap3A_441 = arith.index_cast %sub3A_435 : i32 to index
      %swap3A_442 = tpu.vector_load %arg7[%swap3A_438, %swap3A_439, %swap3A_440, %swap3A_441] {strides = array<i32>} : memref<2x1x8x1024xf32, #tpu.memory_space<vmem>>, vector<16xf32>,
      tpu.vector_store %arg7[%swap3A_438, %swap3A_439, %swap3A_440, %swap3A_441], %gather3A_299 {strides = array<i32>} : memref<2x1x8x1024xf32, #tpu.memory_space<vmem>>, vector<16xf32>,
      %mul3A_443 = arith.constant 16 : i32
      %mul3A_444 = arith.muli %scan3A_403, %mul3A_443 : i32
      %sub3A_445 = arith.constant 16 : i32
      %sub3A_446 = arith.subi %mul3A_444, %sub3A_445 : i32
      %swap3A_447 = arith.constant 0 : i32
      %swap3A_448 = arith.constant 2 : i32
      %swap3A_449 = arith.index_cast %rem3A_112 : i32 to index
      %swap3A_450 = arith.index_cast %swap3A_447 : i32 to index
      %swap3A_451 = arith.index_cast %swap3A_448 : i32 to index
      %swap3A_452 = arith.index_cast %sub3A_446 : i32 to index
      %swap3A_453 = tpu.vector_load %arg7[%swap3A_449, %swap3A_450, %swap3A_451, %swap3A_452] {strides = array<i32>} : memref<2x1x8x1024xf32, #tpu.memory_space<vmem>>, vector<16xf32>,
      tpu.vector_store %arg7[%swap3A_449, %swap3A_450, %swap3A_451, %swap3A_452], %gather3A_300 {strides = array<i32>} : memref<2x1x8x1024xf32, #tpu.memory_space<vmem>>, vector<16xf32>,
      %mul3A_454 = arith.constant 16 : i32
      %mul3A_455 = arith.muli %scan3A_403, %mul3A_454 : i32
      %sub3A_456 = arith.constant 16 : i32
      %sub3A_457 = arith.subi %mul3A_455, %sub3A_456 : i32
      %swap3A_458 = arith.constant 0 : i32
      %swap3A_459 = arith.constant 3 : i32
      %swap3A_460 = arith.index_cast %rem3A_112 : i32 to index
      %swap3A_461 = arith.index_cast %swap3A_458 : i32 to index
      %swap3A_462 = arith.index_cast %swap3A_459 : i32 to index
      %swap3A_463 = arith.index_cast %sub3A_457 : i32 to index
      %swap3A_464 = tpu.vector_load %arg7[%swap3A_460, %swap3A_461, %swap3A_462, %swap3A_463] {strides = array<i32>} : memref<2x1x8x1024xf32, #tpu.memory_space<vmem>>, vector<16xf32>,
      tpu.vector_store %arg7[%swap3A_460, %swap3A_461, %swap3A_462, %swap3A_463], %gather3A_301 {strides = array<i32>} : memref<2x1x8x1024xf32, #tpu.memory_space<vmem>>, vector<16xf32>,
      %mul3A_465 = arith.constant 16 : i32
      %mul3A_466 = arith.muli %scan3A_403, %mul3A_465 : i32
      %sub3A_467 = arith.constant 16 : i32
      %sub3A_468 = arith.subi %mul3A_466, %sub3A_467 : i32
      %swap3A_469 = arith.constant 0 : i32
      %swap3A_470 = arith.constant 4 : i32
      %swap3A_471 = arith.index_cast %rem3A_112 : i32 to index
      %swap3A_472 = arith.index_cast %swap3A_469 : i32 to index
      %swap3A_473 = arith.index_cast %swap3A_470 : i32 to index
      %swap3A_474 = arith.index_cast %sub3A_468 : i32 to index
      %swap3A_475 = tpu.vector_load %arg7[%swap3A_471, %swap3A_472, %swap3A_473, %swap3A_474] {strides = array<i32>} : memref<2x1x8x1024xf32, #tpu.memory_space<vmem>>, vector<16xf32>,
      tpu.vector_store %arg7[%swap3A_471, %swap3A_472, %swap3A_473, %swap3A_474], %gather3A_302 {strides = array<i32>} : memref<2x1x8x1024xf32, #tpu.memory_space<vmem>>, vector<16xf32>,
      %mul3A_476 = arith.constant 16 : i32
      %mul3A_477 = arith.muli %scan3A_403, %mul3A_476 : i32
      %sub3A_478 = arith.constant 16 : i32
      %sub3A_479 = arith.subi %mul3A_477, %sub3A_478 : i32
      %swap3A_480 = arith.constant 0 : i32
      %swap3A_481 = arith.constant 5 : i32
      %swap3A_482 = arith.index_cast %rem3A_112 : i32 to index
      %swap3A_483 = arith.index_cast %swap3A_480 : i32 to index
      %swap3A_484 = arith.index_cast %swap3A_481 : i32 to index
      %swap3A_485 = arith.index_cast %sub3A_479 : i32 to index
      %swap3A_486 = tpu.vector_load %arg7[%swap3A_482, %swap3A_483, %swap3A_484, %swap3A_485] {strides = array<i32>} : memref<2x1x8x1024xf32, #tpu.memory_space<vmem>>, vector<16xf32>,
      tpu.vector_store %arg7[%swap3A_482, %swap3A_483, %swap3A_484, %swap3A_485], %gather3A_303 {strides = array<i32>} : memref<2x1x8x1024xf32, #tpu.memory_space<vmem>>, vector<16xf32>,
      %mul3A_487 = arith.constant 16 : i32
      %mul3A_488 = arith.muli %scan3A_403, %mul3A_487 : i32
      %sub3A_489 = arith.constant 16 : i32
      %sub3A_490 = arith.subi %mul3A_488, %sub3A_489 : i32
      %swap3A_491 = arith.constant 0 : i32
      %swap3A_492 = arith.constant 6 : i32
      %swap3A_493 = arith.index_cast %rem3A_112 : i32 to index
      %swap3A_494 = arith.index_cast %swap3A_491 : i32 to index
      %swap3A_495 = arith.index_cast %swap3A_492 : i32 to index
      %swap3A_496 = arith.index_cast %sub3A_490 : i32 to index
      %swap3A_497 = tpu.vector_load %arg7[%swap3A_493, %swap3A_494, %swap3A_495, %swap3A_496] {strides = array<i32>} : memref<2x1x8x1024xf32, #tpu.memory_space<vmem>>, vector<16xf32>,
      tpu.vector_store %arg7[%swap3A_493, %swap3A_494, %swap3A_495, %swap3A_496], %gather3A_304 {strides = array<i32>} : memref<2x1x8x1024xf32, #tpu.memory_space<vmem>>, vector<16xf32>,
      %mul3A_498 = arith.constant 16 : i32
      %mul3A_499 = arith.muli %scan3A_403, %mul3A_498 : i32
      %sub3A_500 = arith.constant 16 : i32
      %sub3A_501 = arith.subi %mul3A_499, %sub3A_500 : i32
      %swap3A_502 = arith.constant 0 : i32
      %swap3A_503 = arith.constant 7 : i32
      %swap3A_504 = arith.index_cast %rem3A_112 : i32 to index
      %swap3A_505 = arith.index_cast %swap3A_502 : i32 to index
      %swap3A_506 = arith.index_cast %swap3A_503 : i32 to index
      %swap3A_507 = arith.index_cast %sub3A_501 : i32 to index
      %swap3A_508 = tpu.vector_load %arg7[%swap3A_504, %swap3A_505, %swap3A_506, %swap3A_507] {strides = array<i32>} : memref<2x1x8x1024xf32, #tpu.memory_space<vmem>>, vector<16xf32>,
      tpu.vector_store %arg7[%swap3A_504, %swap3A_505, %swap3A_506, %swap3A_507], %gather3A_305 {strides = array<i32>} : memref<2x1x8x1024xf32, #tpu.memory_space<vmem>>, vector<16xf32>,
      %add3A_509 = arith.addi %get3A_412, %broadcast_in_dim3A_30 : vector<16xi32>
      %add3A_510 = arith.addi %get3A_412, %broadcast_in_dim3A_32 : vector<16xi32>
      %add3A_511 = arith.addi %get3A_412, %broadcast_in_dim3A_34 : vector<16xi32>
      %add3A_512 = arith.addi %get3A_412, %broadcast_in_dim3A_36 : vector<16xi32>
      %add3A_513 = arith.addi %get3A_412, %broadcast_in_dim3A_38 : vector<16xi32>
      %add3A_514 = arith.addi %get3A_412, %broadcast_in_dim3A_40 : vector<16xi32>
      %add3A_515 = arith.addi %get3A_412, %broadcast_in_dim3A_42 : vector<16xi32>
      %add3A_516 = arith.addi %get3A_412, %broadcast_in_dim3A_44 : vector<16xi32>
      %scan3A_517 = arith.constant 59 : i32
      %scan3A_518 = arith.addi %scan3A, %scan3A_517 : i32
      %mul3A_519 = arith.constant 16 : i32
      %mul3A_520 = arith.muli %scan3A_518, %mul3A_519 : i32
      %add3A_521 = arith.constant 16 : i32
      %add3A_522 = arith.addi %mul3A_520, %add3A_521 : i32
      %get3A_523 = arith.constant 0 : i32
      %get3A_524 = arith.index_cast %rem3A_112 : i32 to index
      %get3A_525 = arith.index_cast %get3A_523 : i32 to index
      %get3A_526 = arith.index_cast %add3A_522 : i32 to index
      %get3A_527 = tpu.vector_load %arg6[%get3A_524, %get3A_525, %get3A_526] {strides = array<i32>} : memref<2x1x1040xi32, #tpu.memory_space<vmem>>, vector<16xi32>,
      %gather3A_528 = tpu.vector_load_idx %arg5[%add3A_509] : memref<8192xf32, #tpu.memory_space<vmem>>[vector<16xi32>], vector<16xf32>,
      %gather3A_529 = tpu.vector_load_idx %arg5[%add3A_510] : memref<8192xf32, #tpu.memory_space<vmem>>[vector<16xi32>], vector<16xf32>,
      %gather3A_530 = tpu.vector_load_idx %arg5[%add3A_511] : memref<8192xf32, #tpu.memory_space<vmem>>[vector<16xi32>], vector<16xf32>,
      %gather3A_531 = tpu.vector_load_idx %arg5[%add3A_512] : memref<8192xf32, #tpu.memory_space<vmem>>[vector<16xi32>], vector<16xf32>,
      %gather3A_532 = tpu.vector_load_idx %arg5[%add3A_513] : memref<8192xf32, #tpu.memory_space<vmem>>[vector<16xi32>], vector<16xf32>,
      %gather3A_533 = tpu.vector_load_idx %arg5[%add3A_514] : memref<8192xf32, #tpu.memory_space<vmem>>[vector<16xi32>], vector<16xf32>,
      %gather3A_534 = tpu.vector_load_idx %arg5[%add3A_515] : memref<8192xf32, #tpu.memory_space<vmem>>[vector<16xi32>], vector<16xf32>,
      %gather3A_535 = tpu.vector_load_idx %arg5[%add3A_516] : memref<8192xf32, #tpu.memory_space<vmem>>[vector<16xi32>], vector<16xf32>,
      %mul3A_536 = arith.constant 16 : i32
      %mul3A_537 = arith.muli %scan3A_518, %mul3A_536 : i32
      %sub3A_538 = arith.constant 16 : i32
      %sub3A_539 = arith.subi %mul3A_537, %sub3A_538 : i32
      %swap3A_540 = arith.constant 0 : i32
      %swap3A_541 = arith.constant 0 : i32
      %swap3A_542 = arith.index_cast %rem3A_112 : i32 to index
      %swap3A_543 = arith.index_cast %swap3A_540 : i32 to index
      %swap3A_544 = arith.index_cast %swap3A_541 : i32 to index
      %swap3A_545 = arith.index_cast %sub3A_539 : i32 to index
      %swap3A_546 = tpu.vector_load %arg7[%swap3A_542, %swap3A_543, %swap3A_544, %swap3A_545] {strides = array<i32>} : memref<2x1x8x1024xf32, #tpu.memory_space<vmem>>, vector<16xf32>,
      tpu.vector_store %arg7[%swap3A_542, %swap3A_543, %swap3A_544, %swap3A_545], %gather3A_413 {strides = array<i32>} : memref<2x1x8x1024xf32, #tpu.memory_space<vmem>>, vector<16xf32>,
      %mul3A_547 = arith.constant 16 : i32
      %mul3A_548 = arith.muli %scan3A_518, %mul3A_547 : i32
      %sub3A_549 = arith.constant 16 : i32
      %sub3A_550 = arith.subi %mul3A_548, %sub3A_549 : i32
      %swap3A_551 = arith.constant 0 : i32
      %swap3A_552 = arith.constant 1 : i32
      %swap3A_553 = arith.index_cast %rem3A_112 : i32 to index
      %swap3A_554 = arith.index_cast %swap3A_551 : i32 to index
      %swap3A_555 = arith.index_cast %swap3A_552 : i32 to index
      %swap3A_556 = arith.index_cast %sub3A_550 : i32 to index
      %swap3A_557 = tpu.vector_load %arg7[%swap3A_553, %swap3A_554, %swap3A_555, %swap3A_556] {strides = array<i32>} : memref<2x1x8x1024xf32, #tpu.memory_space<vmem>>, vector<16xf32>,
      tpu.vector_store %arg7[%swap3A_553, %swap3A_554, %swap3A_555, %swap3A_556], %gather3A_414 {strides = array<i32>} : memref<2x1x8x1024xf32, #tpu.memory_space<vmem>>, vector<16xf32>,
      %mul3A_558 = arith.constant 16 : i32
      %mul3A_559 = arith.muli %scan3A_518, %mul3A_558 : i32
      %sub3A_560 = arith.constant 16 : i32
      %sub3A_561 = arith.subi %mul3A_559, %sub3A_560 : i32
      %swap3A_562 = arith.constant 0 : i32
      %swap3A_563 = arith.constant 2 : i32
      %swap3A_564 = arith.index_cast %rem3A_112 : i32 to index
      %swap3A_565 = arith.index_cast %swap3A_562 : i32 to index
      %swap3A_566 = arith.index_cast %swap3A_563 : i32 to index
      %swap3A_567 = arith.index_cast %sub3A_561 : i32 to index
      %swap3A_568 = tpu.vector_load %arg7[%swap3A_564, %swap3A_565, %swap3A_566, %swap3A_567] {strides = array<i32>} : memref<2x1x8x1024xf32, #tpu.memory_space<vmem>>, vector<16xf32>,
      tpu.vector_store %arg7[%swap3A_564, %swap3A_565, %swap3A_566, %swap3A_567], %gather3A_415 {strides = array<i32>} : memref<2x1x8x1024xf32, #tpu.memory_space<vmem>>, vector<16xf32>,
      %mul3A_569 = arith.constant 16 : i32
      %mul3A_570 = arith.muli %scan3A_518, %mul3A_569 : i32
      %sub3A_571 = arith.constant 16 : i32
      %sub3A_572 = arith.subi %mul3A_570, %sub3A_571 : i32
      %swap3A_573 = arith.constant 0 : i32
      %swap3A_574 = arith.constant 3 : i32
      %swap3A_575 = arith.index_cast %rem3A_112 : i32 to index
      %swap3A_576 = arith.index_cast %swap3A_573 : i32 to index
      %swap3A_577 = arith.index_cast %swap3A_574 : i32 to index
      %swap3A_578 = arith.index_cast %sub3A_572 : i32 to index
      %swap3A_579 = tpu.vector_load %arg7[%swap3A_575, %swap3A_576, %swap3A_577, %swap3A_578] {strides = array<i32>} : memref<2x1x8x1024xf32, #tpu.memory_space<vmem>>, vector<16xf32>,
      tpu.vector_store %arg7[%swap3A_575, %swap3A_576, %swap3A_577, %swap3A_578], %gather3A_416 {strides = array<i32>} : memref<2x1x8x1024xf32, #tpu.memory_space<vmem>>, vector<16xf32>,
      %mul3A_580 = arith.constant 16 : i32
      %mul3A_581 = arith.muli %scan3A_518, %mul3A_580 : i32
      %sub3A_582 = arith.constant 16 : i32
      %sub3A_583 = arith.subi %mul3A_581, %sub3A_582 : i32
      %swap3A_584 = arith.constant 0 : i32
      %swap3A_585 = arith.constant 4 : i32
      %swap3A_586 = arith.index_cast %rem3A_112 : i32 to index
      %swap3A_587 = arith.index_cast %swap3A_584 : i32 to index
      %swap3A_588 = arith.index_cast %swap3A_585 : i32 to index
      %swap3A_589 = arith.index_cast %sub3A_583 : i32 to index
      %swap3A_590 = tpu.vector_load %arg7[%swap3A_586, %swap3A_587, %swap3A_588, %swap3A_589] {strides = array<i32>} : memref<2x1x8x1024xf32, #tpu.memory_space<vmem>>, vector<16xf32>,
      tpu.vector_store %arg7[%swap3A_586, %swap3A_587, %swap3A_588, %swap3A_589], %gather3A_417 {strides = array<i32>} : memref<2x1x8x1024xf32, #tpu.memory_space<vmem>>, vector<16xf32>,
      %mul3A_591 = arith.constant 16 : i32
      %mul3A_592 = arith.muli %scan3A_518, %mul3A_591 : i32
      %sub3A_593 = arith.constant 16 : i32
      %sub3A_594 = arith.subi %mul3A_592, %sub3A_593 : i32
      %swap3A_595 = arith.constant 0 : i32
      %swap3A_596 = arith.constant 5 : i32
      %swap3A_597 = arith.index_cast %rem3A_112 : i32 to index
      %swap3A_598 = arith.index_cast %swap3A_595 : i32 to index
      %swap3A_599 = arith.index_cast %swap3A_596 : i32 to index
      %swap3A_600 = arith.index_cast %sub3A_594 : i32 to index
      %swap3A_601 = tpu.vector_load %arg7[%swap3A_597, %swap3A_598, %swap3A_599, %swap3A_600] {strides = array<i32>} : memref<2x1x8x1024xf32, #tpu.memory_space<vmem>>, vector<16xf32>,
      tpu.vector_store %arg7[%swap3A_597, %swap3A_598, %swap3A_599, %swap3A_600], %gather3A_418 {strides = array<i32>} : memref<2x1x8x1024xf32, #tpu.memory_space<vmem>>, vector<16xf32>,
      %mul3A_602 = arith.constant 16 : i32
      %mul3A_603 = arith.muli %scan3A_518, %mul3A_602 : i32
      %sub3A_604 = arith.constant 16 : i32
      %sub3A_605 = arith.subi %mul3A_603, %sub3A_604 : i32
      %swap3A_606 = arith.constant 0 : i32
      %swap3A_607 = arith.constant 6 : i32
      %swap3A_608 = arith.index_cast %rem3A_112 : i32 to index
      %swap3A_609 = arith.index_cast %swap3A_606 : i32 to index
      %swap3A_610 = arith.index_cast %swap3A_607 : i32 to index
      %swap3A_611 = arith.index_cast %sub3A_605 : i32 to index
      %swap3A_612 = tpu.vector_load %arg7[%swap3A_608, %swap3A_609, %swap3A_610, %swap3A_611] {strides = array<i32>} : memref<2x1x8x1024xf32, #tpu.memory_space<vmem>>, vector<16xf32>,
      tpu.vector_store %arg7[%swap3A_608, %swap3A_609, %swap3A_610, %swap3A_611], %gather3A_419 {strides = array<i32>} : memref<2x1x8x1024xf32, #tpu.memory_space<vmem>>, vector<16xf32>,
      %mul3A_613 = arith.constant 16 : i32
      %mul3A_614 = arith.muli %scan3A_518, %mul3A_613 : i32
      %sub3A_615 = arith.constant 16 : i32
      %sub3A_616 = arith.subi %mul3A_614, %sub3A_615 : i32
      %swap3A_617 = arith.constant 0 : i32
      %swap3A_618 = arith.constant 7 : i32
      %swap3A_619 = arith.index_cast %rem3A_112 : i32 to index
      %swap3A_620 = arith.index_cast %swap3A_617 : i32 to index
      %swap3A_621 = arith.index_cast %swap3A_618 : i32 to index
      %swap3A_622 = arith.index_cast %sub3A_616 : i32 to index
      %swap3A_623 = tpu.vector_load %arg7[%swap3A_619, %swap3A_620, %swap3A_621, %swap3A_622] {strides = array<i32>} : memref<2x1x8x1024xf32, #tpu.memory_space<vmem>>, vector<16xf32>,
      tpu.vector_store %arg7[%swap3A_619, %swap3A_620, %swap3A_621, %swap3A_622], %gather3A_420 {strides = array<i32>} : memref<2x1x8x1024xf32, #tpu.memory_space<vmem>>, vector<16xf32>,
      %add3A_624 = arith.addi %get3A_527, %broadcast_in_dim3A_30 : vector<16xi32>
      %add3A_625 = arith.addi %get3A_527, %broadcast_in_dim3A_32 : vector<16xi32>
      %add3A_626 = arith.addi %get3A_527, %broadcast_in_dim3A_34 : vector<16xi32>
      %add3A_627 = arith.addi %get3A_527, %broadcast_in_dim3A_36 : vector<16xi32>
      %add3A_628 = arith.addi %get3A_527, %broadcast_in_dim3A_38 : vector<16xi32>
      %add3A_629 = arith.addi %get3A_527, %broadcast_in_dim3A_40 : vector<16xi32>
      %add3A_630 = arith.addi %get3A_527, %broadcast_in_dim3A_42 : vector<16xi32>
      %add3A_631 = arith.addi %get3A_527, %broadcast_in_dim3A_44 : vector<16xi32>
      %scan3A_632 = arith.constant 60 : i32
      %scan3A_633 = arith.addi %scan3A, %scan3A_632 : i32
      %mul3A_634 = arith.constant 16 : i32
      %mul3A_635 = arith.muli %scan3A_633, %mul3A_634 : i32
      %add3A_636 = arith.constant 16 : i32
      %add3A_637 = arith.addi %mul3A_635, %add3A_636 : i32
      %get3A_638 = arith.constant 0 : i32
      %get3A_639 = arith.index_cast %rem3A_112 : i32 to index
      %get3A_640 = arith.index_cast %get3A_638 : i32 to index
      %get3A_641 = arith.index_cast %add3A_637 : i32 to index
      %get3A_642 = tpu.vector_load %arg6[%get3A_639, %get3A_640, %get3A_641] {strides = array<i32>} : memref<2x1x1040xi32, #tpu.memory_space<vmem>>, vector<16xi32>,
      %gather3A_643 = tpu.vector_load_idx %arg5[%add3A_624] : memref<8192xf32, #tpu.memory_space<vmem>>[vector<16xi32>], vector<16xf32>,
      %gather3A_644 = tpu.vector_load_idx %arg5[%add3A_625] : memref<8192xf32, #tpu.memory_space<vmem>>[vector<16xi32>], vector<16xf32>,
      %gather3A_645 = tpu.vector_load_idx %arg5[%add3A_626] : memref<8192xf32, #tpu.memory_space<vmem>>[vector<16xi32>], vector<16xf32>,
      %gather3A_646 = tpu.vector_load_idx %arg5[%add3A_627] : memref<8192xf32, #tpu.memory_space<vmem>>[vector<16xi32>], vector<16xf32>,
      %gather3A_647 = tpu.vector_load_idx %arg5[%add3A_628] : memref<8192xf32, #tpu.memory_space<vmem>>[vector<16xi32>], vector<16xf32>,
      %gather3A_648 = tpu.vector_load_idx %arg5[%add3A_629] : memref<8192xf32, #tpu.memory_space<vmem>>[vector<16xi32>], vector<16xf32>,
      %gather3A_649 = tpu.vector_load_idx %arg5[%add3A_630] : memref<8192xf32, #tpu.memory_space<vmem>>[vector<16xi32>], vector<16xf32>,
      %gather3A_650 = tpu.vector_load_idx %arg5[%add3A_631] : memref<8192xf32, #tpu.memory_space<vmem>>[vector<16xi32>], vector<16xf32>,
      %mul3A_651 = arith.constant 16 : i32
      %mul3A_652 = arith.muli %scan3A_633, %mul3A_651 : i32
      %sub3A_653 = arith.constant 16 : i32
      %sub3A_654 = arith.subi %mul3A_652, %sub3A_653 : i32
      %swap3A_655 = arith.constant 0 : i32
      %swap3A_656 = arith.constant 0 : i32
      %swap3A_657 = arith.index_cast %rem3A_112 : i32 to index
      %swap3A_658 = arith.index_cast %swap3A_655 : i32 to index
      %swap3A_659 = arith.index_cast %swap3A_656 : i32 to index
      %swap3A_660 = arith.index_cast %sub3A_654 : i32 to index
      %swap3A_661 = tpu.vector_load %arg7[%swap3A_657, %swap3A_658, %swap3A_659, %swap3A_660] {strides = array<i32>} : memref<2x1x8x1024xf32, #tpu.memory_space<vmem>>, vector<16xf32>,
      tpu.vector_store %arg7[%swap3A_657, %swap3A_658, %swap3A_659, %swap3A_660], %gather3A_528 {strides = array<i32>} : memref<2x1x8x1024xf32, #tpu.memory_space<vmem>>, vector<16xf32>,
      %mul3A_662 = arith.constant 16 : i32
      %mul3A_663 = arith.muli %scan3A_633, %mul3A_662 : i32
      %sub3A_664 = arith.constant 16 : i32
      %sub3A_665 = arith.subi %mul3A_663, %sub3A_664 : i32
      %swap3A_666 = arith.constant 0 : i32
      %swap3A_667 = arith.constant 1 : i32
      %swap3A_668 = arith.index_cast %rem3A_112 : i32 to index
      %swap3A_669 = arith.index_cast %swap3A_666 : i32 to index
      %swap3A_670 = arith.index_cast %swap3A_667 : i32 to index
      %swap3A_671 = arith.index_cast %sub3A_665 : i32 to index
      %swap3A_672 = tpu.vector_load %arg7[%swap3A_668, %swap3A_669, %swap3A_670, %swap3A_671] {strides = array<i32>} : memref<2x1x8x1024xf32, #tpu.memory_space<vmem>>, vector<16xf32>,
      tpu.vector_store %arg7[%swap3A_668, %swap3A_669, %swap3A_670, %swap3A_671], %gather3A_529 {strides = array<i32>} : memref<2x1x8x1024xf32, #tpu.memory_space<vmem>>, vector<16xf32>,
      %mul3A_673 = arith.constant 16 : i32
      %mul3A_674 = arith.muli %scan3A_633, %mul3A_673 : i32
      %sub3A_675 = arith.constant 16 : i32
      %sub3A_676 = arith.subi %mul3A_674, %sub3A_675 : i32
      %swap3A_677 = arith.constant 0 : i32
      %swap3A_678 = arith.constant 2 : i32
      %swap3A_679 = arith.index_cast %rem3A_112 : i32 to index
      %swap3A_680 = arith.index_cast %swap3A_677 : i32 to index
      %swap3A_681 = arith.index_cast %swap3A_678 : i32 to index
      %swap3A_682 = arith.index_cast %sub3A_676 : i32 to index
      %swap3A_683 = tpu.vector_load %arg7[%swap3A_679, %swap3A_680, %swap3A_681, %swap3A_682] {strides = array<i32>} : memref<2x1x8x1024xf32, #tpu.memory_space<vmem>>, vector<16xf32>,
      tpu.vector_store %arg7[%swap3A_679, %swap3A_680, %swap3A_681, %swap3A_682], %gather3A_530 {strides = array<i32>} : memref<2x1x8x1024xf32, #tpu.memory_space<vmem>>, vector<16xf32>,
      %mul3A_684 = arith.constant 16 : i32
      %mul3A_685 = arith.muli %scan3A_633, %mul3A_684 : i32
      %sub3A_686 = arith.constant 16 : i32
      %sub3A_687 = arith.subi %mul3A_685, %sub3A_686 : i32
      %swap3A_688 = arith.constant 0 : i32
      %swap3A_689 = arith.constant 3 : i32
      %swap3A_690 = arith.index_cast %rem3A_112 : i32 to index
      %swap3A_691 = arith.index_cast %swap3A_688 : i32 to index
      %swap3A_692 = arith.index_cast %swap3A_689 : i32 to index
      %swap3A_693 = arith.index_cast %sub3A_687 : i32 to index
      %swap3A_694 = tpu.vector_load %arg7[%swap3A_690, %swap3A_691, %swap3A_692, %swap3A_693] {strides = array<i32>} : memref<2x1x8x1024xf32, #tpu.memory_space<vmem>>, vector<16xf32>,
      tpu.vector_store %arg7[%swap3A_690, %swap3A_691, %swap3A_692, %swap3A_693], %gather3A_531 {strides = array<i32>} : memref<2x1x8x1024xf32, #tpu.memory_space<vmem>>, vector<16xf32>,
      %mul3A_695 = arith.constant 16 : i32
      %mul3A_696 = arith.muli %scan3A_633, %mul3A_695 : i32
      %sub3A_697 = arith.constant 16 : i32
      %sub3A_698 = arith.subi %mul3A_696, %sub3A_697 : i32
      %swap3A_699 = arith.constant 0 : i32
      %swap3A_700 = arith.constant 4 : i32
      %swap3A_701 = arith.index_cast %rem3A_112 : i32 to index
      %swap3A_702 = arith.index_cast %swap3A_699 : i32 to index
      %swap3A_703 = arith.index_cast %swap3A_700 : i32 to index
      %swap3A_704 = arith.index_cast %sub3A_698 : i32 to index
      %swap3A_705 = tpu.vector_load %arg7[%swap3A_701, %swap3A_702, %swap3A_703, %swap3A_704] {strides = array<i32>} : memref<2x1x8x1024xf32, #tpu.memory_space<vmem>>, vector<16xf32>,
      tpu.vector_store %arg7[%swap3A_701, %swap3A_702, %swap3A_703, %swap3A_704], %gather3A_532 {strides = array<i32>} : memref<2x1x8x1024xf32, #tpu.memory_space<vmem>>, vector<16xf32>,
      %mul3A_706 = arith.constant 16 : i32
      %mul3A_707 = arith.muli %scan3A_633, %mul3A_706 : i32
      %sub3A_708 = arith.constant 16 : i32
      %sub3A_709 = arith.subi %mul3A_707, %sub3A_708 : i32
      %swap3A_710 = arith.constant 0 : i32
      %swap3A_711 = arith.constant 5 : i32
      %swap3A_712 = arith.index_cast %rem3A_112 : i32 to index
      %swap3A_713 = arith.index_cast %swap3A_710 : i32 to index
      %swap3A_714 = arith.index_cast %swap3A_711 : i32 to index
      %swap3A_715 = arith.index_cast %sub3A_709 : i32 to index
      %swap3A_716 = tpu.vector_load %arg7[%swap3A_712, %swap3A_713, %swap3A_714, %swap3A_715] {strides = array<i32>} : memref<2x1x8x1024xf32, #tpu.memory_space<vmem>>, vector<16xf32>,
      tpu.vector_store %arg7[%swap3A_712, %swap3A_713, %swap3A_714, %swap3A_715], %gather3A_533 {strides = array<i32>} : memref<2x1x8x1024xf32, #tpu.memory_space<vmem>>, vector<16xf32>,
      %mul3A_717 = arith.constant 16 : i32
      %mul3A_718 = arith.muli %scan3A_633, %mul3A_717 : i32
      %sub3A_719 = arith.constant 16 : i32
      %sub3A_720 = arith.subi %mul3A_718, %sub3A_719 : i32
      %swap3A_721 = arith.constant 0 : i32
      %swap3A_722 = arith.constant 6 : i32
      %swap3A_723 = arith.index_cast %rem3A_112 : i32 to index
      %swap3A_724 = arith.index_cast %swap3A_721 : i32 to index
      %swap3A_725 = arith.index_cast %swap3A_722 : i32 to index
      %swap3A_726 = arith.index_cast %sub3A_720 : i32 to index
      %swap3A_727 = tpu.vector_load %arg7[%swap3A_723, %swap3A_724, %swap3A_725, %swap3A_726] {strides = array<i32>} : memref<2x1x8x1024xf32, #tpu.memory_space<vmem>>, vector<16xf32>,
      tpu.vector_store %arg7[%swap3A_723, %swap3A_724, %swap3A_725, %swap3A_726], %gather3A_534 {strides = array<i32>} : memref<2x1x8x1024xf32, #tpu.memory_space<vmem>>, vector<16xf32>,
      %mul3A_728 = arith.constant 16 : i32
      %mul3A_729 = arith.muli %scan3A_633, %mul3A_728 : i32
      %sub3A_730 = arith.constant 16 : i32
      %sub3A_731 = arith.subi %mul3A_729, %sub3A_730 : i32
      %swap3A_732 = arith.constant 0 : i32
      %swap3A_733 = arith.constant 7 : i32
      %swap3A_734 = arith.index_cast %rem3A_112 : i32 to index
      %swap3A_735 = arith.index_cast %swap3A_732 : i32 to index
      %swap3A_736 = arith.index_cast %swap3A_733 : i32 to index
      %swap3A_737 = arith.index_cast %sub3A_731 : i32 to index
      %swap3A_738 = tpu.vector_load %arg7[%swap3A_734, %swap3A_735, %swap3A_736, %swap3A_737] {strides = array<i32>} : memref<2x1x8x1024xf32, #tpu.memory_space<vmem>>, vector<16xf32>,
      tpu.vector_store %arg7[%swap3A_734, %swap3A_735, %swap3A_736, %swap3A_737], %gather3A_535 {strides = array<i32>} : memref<2x1x8x1024xf32, #tpu.memory_space<vmem>>, vector<16xf32>,
      %add3A_739 = arith.addi %get3A_642, %broadcast_in_dim3A_30 : vector<16xi32>
      %add3A_740 = arith.addi %get3A_642, %broadcast_in_dim3A_32 : vector<16xi32>
      %add3A_741 = arith.addi %get3A_642, %broadcast_in_dim3A_34 : vector<16xi32>
      %add3A_742 = arith.addi %get3A_642, %broadcast_in_dim3A_36 : vector<16xi32>
      %add3A_743 = arith.addi %get3A_642, %broadcast_in_dim3A_38 : vector<16xi32>
      %add3A_744 = arith.addi %get3A_642, %broadcast_in_dim3A_40 : vector<16xi32>
      %add3A_745 = arith.addi %get3A_642, %broadcast_in_dim3A_42 : vector<16xi32>
      %add3A_746 = arith.addi %get3A_642, %broadcast_in_dim3A_44 : vector<16xi32>
      %scan3A_747 = arith.constant 61 : i32
      %scan3A_748 = arith.addi %scan3A, %scan3A_747 : i32
      %mul3A_749 = arith.constant 16 : i32
      %mul3A_750 = arith.muli %scan3A_748, %mul3A_749 : i32
      %add3A_751 = arith.constant 16 : i32
      %add3A_752 = arith.addi %mul3A_750, %add3A_751 : i32
      %get3A_753 = arith.constant 0 : i32
      %get3A_754 = arith.index_cast %rem3A_112 : i32 to index
      %get3A_755 = arith.index_cast %get3A_753 : i32 to index
      %get3A_756 = arith.index_cast %add3A_752 : i32 to index
      %get3A_757 = tpu.vector_load %arg6[%get3A_754, %get3A_755, %get3A_756] {strides = array<i32>} : memref<2x1x1040xi32, #tpu.memory_space<vmem>>, vector<16xi32>,
      %gather3A_758 = tpu.vector_load_idx %arg5[%add3A_739] : memref<8192xf32, #tpu.memory_space<vmem>>[vector<16xi32>], vector<16xf32>,
      %gather3A_759 = tpu.vector_load_idx %arg5[%add3A_740] : memref<8192xf32, #tpu.memory_space<vmem>>[vector<16xi32>], vector<16xf32>,
      %gather3A_760 = tpu.vector_load_idx %arg5[%add3A_741] : memref<8192xf32, #tpu.memory_space<vmem>>[vector<16xi32>], vector<16xf32>,
      %gather3A_761 = tpu.vector_load_idx %arg5[%add3A_742] : memref<8192xf32, #tpu.memory_space<vmem>>[vector<16xi32>], vector<16xf32>,
      %gather3A_762 = tpu.vector_load_idx %arg5[%add3A_743] : memref<8192xf32, #tpu.memory_space<vmem>>[vector<16xi32>], vector<16xf32>,
      %gather3A_763 = tpu.vector_load_idx %arg5[%add3A_744] : memref<8192xf32, #tpu.memory_space<vmem>>[vector<16xi32>], vector<16xf32>,
      %gather3A_764 = tpu.vector_load_idx %arg5[%add3A_745] : memref<8192xf32, #tpu.memory_space<vmem>>[vector<16xi32>], vector<16xf32>,
      %gather3A_765 = tpu.vector_load_idx %arg5[%add3A_746] : memref<8192xf32, #tpu.memory_space<vmem>>[vector<16xi32>], vector<16xf32>,
      %mul3A_766 = arith.constant 16 : i32
      %mul3A_767 = arith.muli %scan3A_748, %mul3A_766 : i32
      %sub3A_768 = arith.constant 16 : i32
      %sub3A_769 = arith.subi %mul3A_767, %sub3A_768 : i32
      %swap3A_770 = arith.constant 0 : i32
      %swap3A_771 = arith.constant 0 : i32
      %swap3A_772 = arith.index_cast %rem3A_112 : i32 to index
      %swap3A_773 = arith.index_cast %swap3A_770 : i32 to index
      %swap3A_774 = arith.index_cast %swap3A_771 : i32 to index
      %swap3A_775 = arith.index_cast %sub3A_769 : i32 to index
      %swap3A_776 = tpu.vector_load %arg7[%swap3A_772, %swap3A_773, %swap3A_774, %swap3A_775] {strides = array<i32>} : memref<2x1x8x1024xf32, #tpu.memory_space<vmem>>, vector<16xf32>,
      tpu.vector_store %arg7[%swap3A_772, %swap3A_773, %swap3A_774, %swap3A_775], %gather3A_643 {strides = array<i32>} : memref<2x1x8x1024xf32, #tpu.memory_space<vmem>>, vector<16xf32>,
      %mul3A_777 = arith.constant 16 : i32
      %mul3A_778 = arith.muli %scan3A_748, %mul3A_777 : i32
      %sub3A_779 = arith.constant 16 : i32
      %sub3A_780 = arith.subi %mul3A_778, %sub3A_779 : i32
      %swap3A_781 = arith.constant 0 : i32
      %swap3A_782 = arith.constant 1 : i32
      %swap3A_783 = arith.index_cast %rem3A_112 : i32 to index
      %swap3A_784 = arith.index_cast %swap3A_781 : i32 to index
      %swap3A_785 = arith.index_cast %swap3A_782 : i32 to index
      %swap3A_786 = arith.index_cast %sub3A_780 : i32 to index
      %swap3A_787 = tpu.vector_load %arg7[%swap3A_783, %swap3A_784, %swap3A_785, %swap3A_786] {strides = array<i32>} : memref<2x1x8x1024xf32, #tpu.memory_space<vmem>>, vector<16xf32>,
      tpu.vector_store %arg7[%swap3A_783, %swap3A_784, %swap3A_785, %swap3A_786], %gather3A_644 {strides = array<i32>} : memref<2x1x8x1024xf32, #tpu.memory_space<vmem>>, vector<16xf32>,
      %mul3A_788 = arith.constant 16 : i32
      %mul3A_789 = arith.muli %scan3A_748, %mul3A_788 : i32
      %sub3A_790 = arith.constant 16 : i32
      %sub3A_791 = arith.subi %mul3A_789, %sub3A_790 : i32
      %swap3A_792 = arith.constant 0 : i32
      %swap3A_793 = arith.constant 2 : i32
      %swap3A_794 = arith.index_cast %rem3A_112 : i32 to index
      %swap3A_795 = arith.index_cast %swap3A_792 : i32 to index
      %swap3A_796 = arith.index_cast %swap3A_793 : i32 to index
      %swap3A_797 = arith.index_cast %sub3A_791 : i32 to index
      %swap3A_798 = tpu.vector_load %arg7[%swap3A_794, %swap3A_795, %swap3A_796, %swap3A_797] {strides = array<i32>} : memref<2x1x8x1024xf32, #tpu.memory_space<vmem>>, vector<16xf32>,
      tpu.vector_store %arg7[%swap3A_794, %swap3A_795, %swap3A_796, %swap3A_797], %gather3A_645 {strides = array<i32>} : memref<2x1x8x1024xf32, #tpu.memory_space<vmem>>, vector<16xf32>,
      %mul3A_799 = arith.constant 16 : i32
      %mul3A_800 = arith.muli %scan3A_748, %mul3A_799 : i32
      %sub3A_801 = arith.constant 16 : i32
      %sub3A_802 = arith.subi %mul3A_800, %sub3A_801 : i32
      %swap3A_803 = arith.constant 0 : i32
      %swap3A_804 = arith.constant 3 : i32
      %swap3A_805 = arith.index_cast %rem3A_112 : i32 to index
      %swap3A_806 = arith.index_cast %swap3A_803 : i32 to index
      %swap3A_807 = arith.index_cast %swap3A_804 : i32 to index
      %swap3A_808 = arith.index_cast %sub3A_802 : i32 to index
      %swap3A_809 = tpu.vector_load %arg7[%swap3A_805, %swap3A_806, %swap3A_807, %swap3A_808] {strides = array<i32>} : memref<2x1x8x1024xf32, #tpu.memory_space<vmem>>, vector<16xf32>,
      tpu.vector_store %arg7[%swap3A_805, %swap3A_806, %swap3A_807, %swap3A_808], %gather3A_646 {strides = array<i32>} : memref<2x1x8x1024xf32, #tpu.memory_space<vmem>>, vector<16xf32>,
      %mul3A_810 = arith.constant 16 : i32
      %mul3A_811 = arith.muli %scan3A_748, %mul3A_810 : i32
      %sub3A_812 = arith.constant 16 : i32
      %sub3A_813 = arith.subi %mul3A_811, %sub3A_812 : i32
      %swap3A_814 = arith.constant 0 : i32
      %swap3A_815 = arith.constant 4 : i32
      %swap3A_816 = arith.index_cast %rem3A_112 : i32 to index
      %swap3A_817 = arith.index_cast %swap3A_814 : i32 to index
      %swap3A_818 = arith.index_cast %swap3A_815 : i32 to index
      %swap3A_819 = arith.index_cast %sub3A_813 : i32 to index
      %swap3A_820 = tpu.vector_load %arg7[%swap3A_816, %swap3A_817, %swap3A_818, %swap3A_819] {strides = array<i32>} : memref<2x1x8x1024xf32, #tpu.memory_space<vmem>>, vector<16xf32>,
      tpu.vector_store %arg7[%swap3A_816, %swap3A_817, %swap3A_818, %swap3A_819], %gather3A_647 {strides = array<i32>} : memref<2x1x8x1024xf32, #tpu.memory_space<vmem>>, vector<16xf32>,
      %mul3A_821 = arith.constant 16 : i32
      %mul3A_822 = arith.muli %scan3A_748, %mul3A_821 : i32
      %sub3A_823 = arith.constant 16 : i32
      %sub3A_824 = arith.subi %mul3A_822, %sub3A_823 : i32
      %swap3A_825 = arith.constant 0 : i32
      %swap3A_826 = arith.constant 5 : i32
      %swap3A_827 = arith.index_cast %rem3A_112 : i32 to index
      %swap3A_828 = arith.index_cast %swap3A_825 : i32 to index
      %swap3A_829 = arith.index_cast %swap3A_826 : i32 to index
      %swap3A_830 = arith.index_cast %sub3A_824 : i32 to index
      %swap3A_831 = tpu.vector_load %arg7[%swap3A_827, %swap3A_828, %swap3A_829, %swap3A_830] {strides = array<i32>} : memref<2x1x8x1024xf32, #tpu.memory_space<vmem>>, vector<16xf32>,
      tpu.vector_store %arg7[%swap3A_827, %swap3A_828, %swap3A_829, %swap3A_830], %gather3A_648 {strides = array<i32>} : memref<2x1x8x1024xf32, #tpu.memory_space<vmem>>, vector<16xf32>,
      %mul3A_832 = arith.constant 16 : i32
      %mul3A_833 = arith.muli %scan3A_748, %mul3A_832 : i32
      %sub3A_834 = arith.constant 16 : i32
      %sub3A_835 = arith.subi %mul3A_833, %sub3A_834 : i32
      %swap3A_836 = arith.constant 0 : i32
      %swap3A_837 = arith.constant 6 : i32
      %swap3A_838 = arith.index_cast %rem3A_112 : i32 to index
      %swap3A_839 = arith.index_cast %swap3A_836 : i32 to index
      %swap3A_840 = arith.index_cast %swap3A_837 : i32 to index
      %swap3A_841 = arith.index_cast %sub3A_835 : i32 to index
      %swap3A_842 = tpu.vector_load %arg7[%swap3A_838, %swap3A_839, %swap3A_840, %swap3A_841] {strides = array<i32>} : memref<2x1x8x1024xf32, #tpu.memory_space<vmem>>, vector<16xf32>,
      tpu.vector_store %arg7[%swap3A_838, %swap3A_839, %swap3A_840, %swap3A_841], %gather3A_649 {strides = array<i32>} : memref<2x1x8x1024xf32, #tpu.memory_space<vmem>>, vector<16xf32>,
      %mul3A_843 = arith.constant 16 : i32
      %mul3A_844 = arith.muli %scan3A_748, %mul3A_843 : i32
      %sub3A_845 = arith.constant 16 : i32
      %sub3A_846 = arith.subi %mul3A_844, %sub3A_845 : i32
      %swap3A_847 = arith.constant 0 : i32
      %swap3A_848 = arith.constant 7 : i32
      %swap3A_849 = arith.index_cast %rem3A_112 : i32 to index
      %swap3A_850 = arith.index_cast %swap3A_847 : i32 to index
      %swap3A_851 = arith.index_cast %swap3A_848 : i32 to index
      %swap3A_852 = arith.index_cast %sub3A_846 : i32 to index
      %swap3A_853 = tpu.vector_load %arg7[%swap3A_849, %swap3A_850, %swap3A_851, %swap3A_852] {strides = array<i32>} : memref<2x1x8x1024xf32, #tpu.memory_space<vmem>>, vector<16xf32>,
      tpu.vector_store %arg7[%swap3A_849, %swap3A_850, %swap3A_851, %swap3A_852], %gather3A_650 {strides = array<i32>} : memref<2x1x8x1024xf32, #tpu.memory_space<vmem>>, vector<16xf32>,
      %add3A_854 = arith.addi %get3A_757, %broadcast_in_dim3A_30 : vector<16xi32>
      %add3A_855 = arith.addi %get3A_757, %broadcast_in_dim3A_32 : vector<16xi32>
      %add3A_856 = arith.addi %get3A_757, %broadcast_in_dim3A_34 : vector<16xi32>
      %add3A_857 = arith.addi %get3A_757, %broadcast_in_dim3A_36 : vector<16xi32>
      %add3A_858 = arith.addi %get3A_757, %broadcast_in_dim3A_38 : vector<16xi32>
      %add3A_859 = arith.addi %get3A_757, %broadcast_in_dim3A_40 : vector<16xi32>
      %add3A_860 = arith.addi %get3A_757, %broadcast_in_dim3A_42 : vector<16xi32>
      %add3A_861 = arith.addi %get3A_757, %broadcast_in_dim3A_44 : vector<16xi32>
      %scan3A_862 = arith.constant 62 : i32
      %scan3A_863 = arith.addi %scan3A, %scan3A_862 : i32
      %mul3A_864 = arith.constant 16 : i32
      %mul3A_865 = arith.muli %scan3A_863, %mul3A_864 : i32
      %add3A_866 = arith.constant 16 : i32
      %add3A_867 = arith.addi %mul3A_865, %add3A_866 : i32
      %get3A_868 = arith.constant 0 : i32
      %get3A_869 = arith.index_cast %rem3A_112 : i32 to index
      %get3A_870 = arith.index_cast %get3A_868 : i32 to index
      %get3A_871 = arith.index_cast %add3A_867 : i32 to index
      %get3A_872 = tpu.vector_load %arg6[%get3A_869, %get3A_870, %get3A_871] {strides = array<i32>} : memref<2x1x1040xi32, #tpu.memory_space<vmem>>, vector<16xi32>,
      %gather3A_873 = tpu.vector_load_idx %arg5[%add3A_854] : memref<8192xf32, #tpu.memory_space<vmem>>[vector<16xi32>], vector<16xf32>,
      %gather3A_874 = tpu.vector_load_idx %arg5[%add3A_855] : memref<8192xf32, #tpu.memory_space<vmem>>[vector<16xi32>], vector<16xf32>,
      %gather3A_875 = tpu.vector_load_idx %arg5[%add3A_856] : memref<8192xf32, #tpu.memory_space<vmem>>[vector<16xi32>], vector<16xf32>,
      %gather3A_876 = tpu.vector_load_idx %arg5[%add3A_857] : memref<8192xf32, #tpu.memory_space<vmem>>[vector<16xi32>], vector<16xf32>,
      %gather3A_877 = tpu.vector_load_idx %arg5[%add3A_858] : memref<8192xf32, #tpu.memory_space<vmem>>[vector<16xi32>], vector<16xf32>,
      %gather3A_878 = tpu.vector_load_idx %arg5[%add3A_859] : memref<8192xf32, #tpu.memory_space<vmem>>[vector<16xi32>], vector<16xf32>,
      %gather3A_879 = tpu.vector_load_idx %arg5[%add3A_860] : memref<8192xf32, #tpu.memory_space<vmem>>[vector<16xi32>], vector<16xf32>,
      %gather3A_880 = tpu.vector_load_idx %arg5[%add3A_861] : memref<8192xf32, #tpu.memory_space<vmem>>[vector<16xi32>], vector<16xf32>,
      %mul3A_881 = arith.constant 16 : i32
      %mul3A_882 = arith.muli %scan3A_863, %mul3A_881 : i32
      %sub3A_883 = arith.constant 16 : i32
      %sub3A_884 = arith.subi %mul3A_882, %sub3A_883 : i32
      %swap3A_885 = arith.constant 0 : i32
      %swap3A_886 = arith.constant 0 : i32
      %swap3A_887 = arith.index_cast %rem3A_112 : i32 to index
      %swap3A_888 = arith.index_cast %swap3A_885 : i32 to index
      %swap3A_889 = arith.index_cast %swap3A_886 : i32 to index
      %swap3A_890 = arith.index_cast %sub3A_884 : i32 to index
      %swap3A_891 = tpu.vector_load %arg7[%swap3A_887, %swap3A_888, %swap3A_889, %swap3A_890] {strides = array<i32>} : memref<2x1x8x1024xf32, #tpu.memory_space<vmem>>, vector<16xf32>,
      tpu.vector_store %arg7[%swap3A_887, %swap3A_888, %swap3A_889, %swap3A_890], %gather3A_758 {strides = array<i32>} : memref<2x1x8x1024xf32, #tpu.memory_space<vmem>>, vector<16xf32>,
      %mul3A_892 = arith.constant 16 : i32
      %mul3A_893 = arith.muli %scan3A_863, %mul3A_892 : i32
      %sub3A_894 = arith.constant 16 : i32
      %sub3A_895 = arith.subi %mul3A_893, %sub3A_894 : i32
      %swap3A_896 = arith.constant 0 : i32
      %swap3A_897 = arith.constant 1 : i32
      %swap3A_898 = arith.index_cast %rem3A_112 : i32 to index
      %swap3A_899 = arith.index_cast %swap3A_896 : i32 to index
      %swap3A_900 = arith.index_cast %swap3A_897 : i32 to index
      %swap3A_901 = arith.index_cast %sub3A_895 : i32 to index
      %swap3A_902 = tpu.vector_load %arg7[%swap3A_898, %swap3A_899, %swap3A_900, %swap3A_901] {strides = array<i32>} : memref<2x1x8x1024xf32, #tpu.memory_space<vmem>>, vector<16xf32>,
      tpu.vector_store %arg7[%swap3A_898, %swap3A_899, %swap3A_900, %swap3A_901], %gather3A_759 {strides = array<i32>} : memref<2x1x8x1024xf32, #tpu.memory_space<vmem>>, vector<16xf32>,
      %mul3A_903 = arith.constant 16 : i32
      %mul3A_904 = arith.muli %scan3A_863, %mul3A_903 : i32
      %sub3A_905 = arith.constant 16 : i32
      %sub3A_906 = arith.subi %mul3A_904, %sub3A_905 : i32
      %swap3A_907 = arith.constant 0 : i32
      %swap3A_908 = arith.constant 2 : i32
      %swap3A_909 = arith.index_cast %rem3A_112 : i32 to index
      %swap3A_910 = arith.index_cast %swap3A_907 : i32 to index
      %swap3A_911 = arith.index_cast %swap3A_908 : i32 to index
      %swap3A_912 = arith.index_cast %sub3A_906 : i32 to index
      %swap3A_913 = tpu.vector_load %arg7[%swap3A_909, %swap3A_910, %swap3A_911, %swap3A_912] {strides = array<i32>} : memref<2x1x8x1024xf32, #tpu.memory_space<vmem>>, vector<16xf32>,
      tpu.vector_store %arg7[%swap3A_909, %swap3A_910, %swap3A_911, %swap3A_912], %gather3A_760 {strides = array<i32>} : memref<2x1x8x1024xf32, #tpu.memory_space<vmem>>, vector<16xf32>,
      %mul3A_914 = arith.constant 16 : i32
      %mul3A_915 = arith.muli %scan3A_863, %mul3A_914 : i32
      %sub3A_916 = arith.constant 16 : i32
      %sub3A_917 = arith.subi %mul3A_915, %sub3A_916 : i32
      %swap3A_918 = arith.constant 0 : i32
      %swap3A_919 = arith.constant 3 : i32
      %swap3A_920 = arith.index_cast %rem3A_112 : i32 to index
      %swap3A_921 = arith.index_cast %swap3A_918 : i32 to index
      %swap3A_922 = arith.index_cast %swap3A_919 : i32 to index
      %swap3A_923 = arith.index_cast %sub3A_917 : i32 to index
      %swap3A_924 = tpu.vector_load %arg7[%swap3A_920, %swap3A_921, %swap3A_922, %swap3A_923] {strides = array<i32>} : memref<2x1x8x1024xf32, #tpu.memory_space<vmem>>, vector<16xf32>,
      tpu.vector_store %arg7[%swap3A_920, %swap3A_921, %swap3A_922, %swap3A_923], %gather3A_761 {strides = array<i32>} : memref<2x1x8x1024xf32, #tpu.memory_space<vmem>>, vector<16xf32>,
      %mul3A_925 = arith.constant 16 : i32
      %mul3A_926 = arith.muli %scan3A_863, %mul3A_925 : i32
      %sub3A_927 = arith.constant 16 : i32
      %sub3A_928 = arith.subi %mul3A_926, %sub3A_927 : i32
      %swap3A_929 = arith.constant 0 : i32
      %swap3A_930 = arith.constant 4 : i32
      %swap3A_931 = arith.index_cast %rem3A_112 : i32 to index
      %swap3A_932 = arith.index_cast %swap3A_929 : i32 to index
      %swap3A_933 = arith.index_cast %swap3A_930 : i32 to index
      %swap3A_934 = arith.index_cast %sub3A_928 : i32 to index
      %swap3A_935 = tpu.vector_load %arg7[%swap3A_931, %swap3A_932, %swap3A_933, %swap3A_934] {strides = array<i32>} : memref<2x1x8x1024xf32, #tpu.memory_space<vmem>>, vector<16xf32>,
      tpu.vector_store %arg7[%swap3A_931, %swap3A_932, %swap3A_933, %swap3A_934], %gather3A_762 {strides = array<i32>} : memref<2x1x8x1024xf32, #tpu.memory_space<vmem>>, vector<16xf32>,
      %mul3A_936 = arith.constant 16 : i32
      %mul3A_937 = arith.muli %scan3A_863, %mul3A_936 : i32
      %sub3A_938 = arith.constant 16 : i32
      %sub3A_939 = arith.subi %mul3A_937, %sub3A_938 : i32
      %swap3A_940 = arith.constant 0 : i32
      %swap3A_941 = arith.constant 5 : i32
      %swap3A_942 = arith.index_cast %rem3A_112 : i32 to index
      %swap3A_943 = arith.index_cast %swap3A_940 : i32 to index
      %swap3A_944 = arith.index_cast %swap3A_941 : i32 to index
      %swap3A_945 = arith.index_cast %sub3A_939 : i32 to index
      %swap3A_946 = tpu.vector_load %arg7[%swap3A_942, %swap3A_943, %swap3A_944, %swap3A_945] {strides = array<i32>} : memref<2x1x8x1024xf32, #tpu.memory_space<vmem>>, vector<16xf32>,
      tpu.vector_store %arg7[%swap3A_942, %swap3A_943, %swap3A_944, %swap3A_945], %gather3A_763 {strides = array<i32>} : memref<2x1x8x1024xf32, #tpu.memory_space<vmem>>, vector<16xf32>,
      %mul3A_947 = arith.constant 16 : i32
      %mul3A_948 = arith.muli %scan3A_863, %mul3A_947 : i32
      %sub3A_949 = arith.constant 16 : i32
      %sub3A_950 = arith.subi %mul3A_948, %sub3A_949 : i32
      %swap3A_951 = arith.constant 0 : i32
      %swap3A_952 = arith.constant 6 : i32
      %swap3A_953 = arith.index_cast %rem3A_112 : i32 to index
      %swap3A_954 = arith.index_cast %swap3A_951 : i32 to index
      %swap3A_955 = arith.index_cast %swap3A_952 : i32 to index
      %swap3A_956 = arith.index_cast %sub3A_950 : i32 to index
      %swap3A_957 = tpu.vector_load %arg7[%swap3A_953, %swap3A_954, %swap3A_955, %swap3A_956] {strides = array<i32>} : memref<2x1x8x1024xf32, #tpu.memory_space<vmem>>, vector<16xf32>,
      tpu.vector_store %arg7[%swap3A_953, %swap3A_954, %swap3A_955, %swap3A_956], %gather3A_764 {strides = array<i32>} : memref<2x1x8x1024xf32, #tpu.memory_space<vmem>>, vector<16xf32>,
      %mul3A_958 = arith.constant 16 : i32
      %mul3A_959 = arith.muli %scan3A_863, %mul3A_958 : i32
      %sub3A_960 = arith.constant 16 : i32
      %sub3A_961 = arith.subi %mul3A_959, %sub3A_960 : i32
      %swap3A_962 = arith.constant 0 : i32
      %swap3A_963 = arith.constant 7 : i32
      %swap3A_964 = arith.index_cast %rem3A_112 : i32 to index
      %swap3A_965 = arith.index_cast %swap3A_962 : i32 to index
      %swap3A_966 = arith.index_cast %swap3A_963 : i32 to index
      %swap3A_967 = arith.index_cast %sub3A_961 : i32 to index
      %swap3A_968 = tpu.vector_load %arg7[%swap3A_964, %swap3A_965, %swap3A_966, %swap3A_967] {strides = array<i32>} : memref<2x1x8x1024xf32, #tpu.memory_space<vmem>>, vector<16xf32>,
      tpu.vector_store %arg7[%swap3A_964, %swap3A_965, %swap3A_966, %swap3A_967], %gather3A_765 {strides = array<i32>} : memref<2x1x8x1024xf32, #tpu.memory_space<vmem>>, vector<16xf32>,
      %add3A_969 = arith.addi %get3A_872, %broadcast_in_dim3A_30 : vector<16xi32>
      %add3A_970 = arith.addi %get3A_872, %broadcast_in_dim3A_32 : vector<16xi32>
      %add3A_971 = arith.addi %get3A_872, %broadcast_in_dim3A_34 : vector<16xi32>
      %add3A_972 = arith.addi %get3A_872, %broadcast_in_dim3A_36 : vector<16xi32>
      %add3A_973 = arith.addi %get3A_872, %broadcast_in_dim3A_38 : vector<16xi32>
      %add3A_974 = arith.addi %get3A_872, %broadcast_in_dim3A_40 : vector<16xi32>
      %add3A_975 = arith.addi %get3A_872, %broadcast_in_dim3A_42 : vector<16xi32>
      %add3A_976 = arith.addi %get3A_872, %broadcast_in_dim3A_44 : vector<16xi32>
      %scan3A_977 = arith.constant 63 : i32
      %swap3A_978 = arith.constant 0 : i32
      %swap3A_979 = arith.constant 0 : i32
      %swap3A_980 = arith.index_cast %rem3A_112 : i32 to index
      %swap3A_981 = arith.index_cast %swap3A_978 : i32 to index
      %swap3A_982 = arith.index_cast %swap3A_979 : i32 to index
      %swap3A_983 = arith.constant 1008 : index
      %swap3A_984 = tpu.vector_load %arg7[%swap3A_980, %swap3A_981, %swap3A_982, %swap3A_983] {strides = array<i32>} : memref<2x1x8x1024xf32, #tpu.memory_space<vmem>>, vector<16xf32>,
      tpu.vector_store %arg7[%swap3A_980, %swap3A_981, %swap3A_982, %swap3A_983], %gather3A_873 {strides = array<i32>} : memref<2x1x8x1024xf32, #tpu.memory_space<vmem>>, vector<16xf32>,
      %swap3A_985 = arith.constant 0 : i32
      %swap3A_986 = arith.constant 1 : i32
      %swap3A_987 = arith.index_cast %rem3A_112 : i32 to index
      %swap3A_988 = arith.index_cast %swap3A_985 : i32 to index
      %swap3A_989 = arith.index_cast %swap3A_986 : i32 to index
      %swap3A_990 = arith.constant 1008 : index
      %swap3A_991 = tpu.vector_load %arg7[%swap3A_987, %swap3A_988, %swap3A_989, %swap3A_990] {strides = array<i32>} : memref<2x1x8x1024xf32, #tpu.memory_space<vmem>>, vector<16xf32>,
      tpu.vector_store %arg7[%swap3A_987, %swap3A_988, %swap3A_989, %swap3A_990], %gather3A_874 {strides = array<i32>} : memref<2x1x8x1024xf32, #tpu.memory_space<vmem>>, vector<16xf32>,
      %swap3A_992 = arith.constant 0 : i32
      %swap3A_993 = arith.constant 2 : i32
      %swap3A_994 = arith.index_cast %rem3A_112 : i32 to index
      %swap3A_995 = arith.index_cast %swap3A_992 : i32 to index
      %swap3A_996 = arith.index_cast %swap3A_993 : i32 to index
      %swap3A_997 = arith.constant 1008 : index
      %swap3A_998 = tpu.vector_load %arg7[%swap3A_994, %swap3A_995, %swap3A_996, %swap3A_997] {strides = array<i32>} : memref<2x1x8x1024xf32, #tpu.memory_space<vmem>>, vector<16xf32>,
      tpu.vector_store %arg7[%swap3A_994, %swap3A_995, %swap3A_996, %swap3A_997], %gather3A_875 {strides = array<i32>} : memref<2x1x8x1024xf32, #tpu.memory_space<vmem>>, vector<16xf32>,
      %swap3A_999 = arith.constant 0 : i32
      %swap3A_1000 = arith.constant 3 : i32
      %swap3A_1001 = arith.index_cast %rem3A_112 : i32 to index
      %swap3A_1002 = arith.index_cast %swap3A_999 : i32 to index
      %swap3A_1003 = arith.index_cast %swap3A_1000 : i32 to index
      %swap3A_1004 = arith.constant 1008 : index
      %swap3A_1005 = tpu.vector_load %arg7[%swap3A_1001, %swap3A_1002, %swap3A_1003, %swap3A_1004] {strides = array<i32>} : memref<2x1x8x1024xf32, #tpu.memory_space<vmem>>, vector<16xf32>,
      tpu.vector_store %arg7[%swap3A_1001, %swap3A_1002, %swap3A_1003, %swap3A_1004], %gather3A_876 {strides = array<i32>} : memref<2x1x8x1024xf32, #tpu.memory_space<vmem>>, vector<16xf32>,
      %swap3A_1006 = arith.constant 0 : i32
      %swap3A_1007 = arith.constant 4 : i32
      %swap3A_1008 = arith.index_cast %rem3A_112 : i32 to index
      %swap3A_1009 = arith.index_cast %swap3A_1006 : i32 to index
      %swap3A_1010 = arith.index_cast %swap3A_1007 : i32 to index
      %swap3A_1011 = arith.constant 1008 : index
      %swap3A_1012 = tpu.vector_load %arg7[%swap3A_1008, %swap3A_1009, %swap3A_1010, %swap3A_1011] {strides = array<i32>} : memref<2x1x8x1024xf32, #tpu.memory_space<vmem>>, vector<16xf32>,
      tpu.vector_store %arg7[%swap3A_1008, %swap3A_1009, %swap3A_1010, %swap3A_1011], %gather3A_877 {strides = array<i32>} : memref<2x1x8x1024xf32, #tpu.memory_space<vmem>>, vector<16xf32>,
      %swap3A_1013 = arith.constant 0 : i32
      %swap3A_1014 = arith.constant 5 : i32
      %swap3A_1015 = arith.index_cast %rem3A_112 : i32 to index
      %swap3A_1016 = arith.index_cast %swap3A_1013 : i32 to index
      %swap3A_1017 = arith.index_cast %swap3A_1014 : i32 to index
      %swap3A_1018 = arith.constant 1008 : index
      %swap3A_1019 = tpu.vector_load %arg7[%swap3A_1015, %swap3A_1016, %swap3A_1017, %swap3A_1018] {strides = array<i32>} : memref<2x1x8x1024xf32, #tpu.memory_space<vmem>>, vector<16xf32>,
      tpu.vector_store %arg7[%swap3A_1015, %swap3A_1016, %swap3A_1017, %swap3A_1018], %gather3A_878 {strides = array<i32>} : memref<2x1x8x1024xf32, #tpu.memory_space<vmem>>, vector<16xf32>,
      %swap3A_1020 = arith.constant 0 : i32
      %swap3A_1021 = arith.constant 6 : i32
      %swap3A_1022 = arith.index_cast %rem3A_112 : i32 to index
      %swap3A_1023 = arith.index_cast %swap3A_1020 : i32 to index
      %swap3A_1024 = arith.index_cast %swap3A_1021 : i32 to index
      %swap3A_1025 = arith.constant 1008 : index
      %swap3A_1026 = tpu.vector_load %arg7[%swap3A_1022, %swap3A_1023, %swap3A_1024, %swap3A_1025] {strides = array<i32>} : memref<2x1x8x1024xf32, #tpu.memory_space<vmem>>, vector<16xf32>,
      tpu.vector_store %arg7[%swap3A_1022, %swap3A_1023, %swap3A_1024, %swap3A_1025], %gather3A_879 {strides = array<i32>} : memref<2x1x8x1024xf32, #tpu.memory_space<vmem>>, vector<16xf32>,
      %swap3A_1027 = arith.constant 0 : i32
      %swap3A_1028 = arith.constant 7 : i32
      %swap3A_1029 = arith.index_cast %rem3A_112 : i32 to index
      %swap3A_1030 = arith.index_cast %swap3A_1027 : i32 to index
      %swap3A_1031 = arith.index_cast %swap3A_1028 : i32 to index
      %swap3A_1032 = arith.constant 1008 : index
      %swap3A_1033 = tpu.vector_load %arg7[%swap3A_1029, %swap3A_1030, %swap3A_1031, %swap3A_1032] {strides = array<i32>} : memref<2x1x8x1024xf32, #tpu.memory_space<vmem>>, vector<16xf32>,
      tpu.vector_store %arg7[%swap3A_1029, %swap3A_1030, %swap3A_1031, %swap3A_1032], %gather3A_880 {strides = array<i32>} : memref<2x1x8x1024xf32, #tpu.memory_space<vmem>>, vector<16xf32>,
      %mul3A_1034 = arith.constant 8 : i32
      %mul3A_1035 = arith.muli %rem3A_1, %mul3A_1034 : i32
      %multiple_of3A_1036 = tpu.assume_multiple %mul3A_1035, 8 : i32
      %dma_start3A_1037 = arith.constant 0 : i32
      %dma_start3A_1038 = arith.constant 0 : i32
      %dma_start3A_1039 = arith.constant 0 : i32
      %dma_start3A_1040 = tpu.memref_slice %arg7[%rem3A_112, %dma_start3A_1037, %dma_start3A_1038, %dma_start3A_1039] : memref<2x1x8x1024xf32, #tpu.memory_space<vmem>> -> memref<1x1x8x1024xf32, #tpu.memory_space<vmem>>
      %dma_start3A_1041 = tpu.memref_squeeze %dma_start3A_1040 : memref<1x1x8x1024xf32, #tpu.memory_space<vmem>> -> memref<1x8x1024xf32, #tpu.memory_space<vmem>>
      %dma_start3A_1042 = arith.constant 0 : i32
      %dma_start3A_1043 = tpu.memref_slice %arg4[%while3A_109, %multiple_of3A_1036, %dma_start3A_1042] : memref<50x64x1024xf32, #tpu.memory_space<hbm>> -> memref<1x8x1024xf32, #tpu.memory_space<hbm>>
      %dma_start3A_1044 = arith.constant 0 : i32
      %dma_start3A_1045 = tpu.memref_slice %arg4[%while3A_109, %multiple_of3A_1036, %dma_start3A_1044] : memref<50x64x1024xf32, #tpu.memory_space<hbm>> -> memref<1x8x1024xf32, #tpu.memory_space<hbm>>
      %dma_start3A_1046 = arith.constant 0 : i32
      %dma_start3A_1047 = arith.constant 0 : i32
      %dma_start3A_1048 = arith.constant 0 : i32
      %dma_start3A_1049 = tpu.memref_slice %arg7[%rem3A_112, %dma_start3A_1046, %dma_start3A_1047, %dma_start3A_1048] : memref<2x1x8x1024xf32, #tpu.memory_space<vmem>> -> memref<1x1x8x1024xf32, #tpu.memory_space<vmem>>
      %dma_start3A_1050 = tpu.memref_squeeze %dma_start3A_1049 : memref<1x1x8x1024xf32, #tpu.memory_space<vmem>> -> memref<1x8x1024xf32, #tpu.memory_space<vmem>>
      tpu.enqueue_dma source(%dma_start3A_1050 : memref<1x8x1024xf32, #tpu.memory_space<vmem>>) target(%dma_start3A_1045 : memref<1x8x1024xf32, #tpu.memory_space<hbm>>) target_semaphore(%arg10 : memref<!tpu.dma_semaphore, #tpu.memory_space<semaphore_mem>>)
    }
    %while3A_70 = arith.constant 1 : i32
    scf.for %while3A_109 = %while3A_68 to %while3A_64 step %while3A_70  : i32 {
      %sub3A_110 = arith.subi %while3A_109, %add3A_22 : i32
      %rem3A_111 = arith.constant 2 : i32
      %rem3A_112 = arith.remsi %sub3A_110, %rem3A_111 : i32
      %add3A_113 = arith.constant 1 : i32
      %add3A_114 = arith.addi %while3A_109, %add3A_113 : i32
      %lt3A_115 = arith.cmpi slt, %add3A_114, %add3A_29 : i32
      %convert_element_type3A = arith.extui %lt3A_115 : i1 to i32
      %cond3A = arith.constant 0 : i32
      %cond3A_116 = arith.cmpi ne, %convert_element_type3A, %cond3A : i32
      scf.if %cond3A_116 {
        %add3A_1051 = arith.constant 1 : i32
        %add3A_1052 = arith.addi %while3A_109, %add3A_1051 : i32
        %sub3A_1053 = arith.constant 1 : i32
        %sub3A_1054 = arith.subi %sub3A_1053, %rem3A_112 : i32
        %dma_start3A_1055 = arith.constant 0 : i32
        %dma_start3A_1056 = arith.constant 0 : i32
        %dma_start3A_1057 = tpu.memref_slice %arg6[%sub3A_1054, %dma_start3A_1055, %dma_start3A_1056] : memref<2x1x1040xi32, #tpu.memory_space<vmem>> -> memref<1x1x1024xi32, #tpu.memory_space<vmem>>
        %dma_start3A_1058 = tpu.memref_squeeze %dma_start3A_1057 : memref<1x1x1024xi32, #tpu.memory_space<vmem>> -> memref<1x1024xi32, #tpu.memory_space<vmem>>
        %dma_start3A_1059 = arith.constant 0 : i32
        %dma_start3A_1060 = tpu.memref_slice %arg3[%add3A_1052, %dma_start3A_1059] : memref<50x1024xi32, #tpu.memory_space<hbm>> -> memref<1x1024xi32, #tpu.memory_space<hbm>>
        %dma_start3A_1061 = arith.constant 0 : i32
        %dma_start3A_1062 = arith.constant 0 : i32
        %dma_start3A_1063 = tpu.memref_slice %arg6[%sub3A_1054, %dma_start3A_1061, %dma_start3A_1062] : memref<2x1x1040xi32, #tpu.memory_space<vmem>> -> memref<1x1x1024xi32, #tpu.memory_space<vmem>>
        %dma_start3A_1064 = tpu.memref_squeeze %dma_start3A_1063 : memref<1x1x1024xi32, #tpu.memory_space<vmem>> -> memref<1x1024xi32, #tpu.memory_space<vmem>>
        %dma_start3A_1065 = arith.constant 0 : i32
        %dma_start3A_1066 = tpu.memref_slice %arg3[%add3A_1052, %dma_start3A_1065] : memref<50x1024xi32, #tpu.memory_space<hbm>> -> memref<1x1024xi32, #tpu.memory_space<hbm>>
        tpu.enqueue_dma source(%dma_start3A_1066 : memref<1x1024xi32, #tpu.memory_space<hbm>>) target(%dma_start3A_1064 : memref<1x1024xi32, #tpu.memory_space<vmem>>) target_semaphore(%arg9 : memref<!tpu.dma_semaphore, #tpu.memory_space<semaphore_mem>>)
      } else {
      }
      %dma_wait3A_117 = arith.constant 0 : i32
      %dma_wait3A_118 = arith.constant 0 : i32
      %dma_wait3A_119 = arith.constant 0 : i32
      %dma_wait3A_120 = tpu.memref_slice %arg6[%dma_wait3A_117, %dma_wait3A_118, %dma_wait3A_119] : memref<2x1x1040xi32, #tpu.memory_space<vmem>> -> memref<1x1x1024xi32, #tpu.memory_space<vmem>>
      %dma_wait3A_121 = tpu.memref_squeeze %dma_wait3A_120 : memref<1x1x1024xi32, #tpu.memory_space<vmem>> -> memref<1x1024xi32, #tpu.memory_space<vmem>>
      %dma_wait3A_122 = arith.constant 0 : i32
      %dma_wait3A_123 = arith.constant 0 : i32
      %dma_wait3A_124 = tpu.memref_slice %arg3[%dma_wait3A_122, %dma_wait3A_123] : memref<50x1024xi32, #tpu.memory_space<hbm>> -> memref<1x1024xi32, #tpu.memory_space<hbm>>
      %dma_wait3A_125 = arith.constant 0 : i32
      %dma_wait3A_126 = arith.constant 0 : i32
      %dma_wait3A_127 = tpu.memref_slice %arg6[%dma_wait3A_117, %dma_wait3A_125, %dma_wait3A_126] : memref<2x1x1040xi32, #tpu.memory_space<vmem>> -> memref<1x1x1024xi32, #tpu.memory_space<vmem>>
      %dma_wait3A_128 = tpu.memref_squeeze %dma_wait3A_127 : memref<1x1x1024xi32, #tpu.memory_space<vmem>> -> memref<1x1024xi32, #tpu.memory_space<vmem>>
      %dma_wait3A_129 = arith.constant 0 : i32
      %dma_wait3A_130 = arith.constant 0 : i32
      %dma_wait3A_131 = tpu.memref_slice %arg3[%dma_wait3A_129, %dma_wait3A_130] : memref<50x1024xi32, #tpu.memory_space<hbm>> -> memref<1x1024xi32, #tpu.memory_space<hbm>>
      tpu.wait_dma2 semaphore(%arg9 : memref<!tpu.dma_semaphore, #tpu.memory_space<semaphore_mem>>) src(%dma_wait3A_131 : memref<1x1024xi32, #tpu.memory_space<hbm>>) dst(%dma_wait3A_128 : memref<1x1024xi32, #tpu.memory_space<vmem>>)
      %sub3A_132 = arith.subi %while3A_109, %add3A_22 : i32
      %ge3A = arith.constant 2 : i32
      %ge3A_133 = arith.cmpi sge, %sub3A_132, %ge3A : i32
      %convert_element_type3A_134 = arith.extui %ge3A_133 : i1 to i32
      %cond3A_135 = arith.constant 0 : i32
      %cond3A_136 = arith.cmpi ne, %convert_element_type3A_134, %cond3A_135 : i32
      scf.if %cond3A_136 {
        %dma_wait3A_1051 = arith.constant 0 : i32
        %dma_wait3A_1052 = arith.constant 0 : i32
        %dma_wait3A_1053 = arith.constant 0 : i32
        %dma_wait3A_1054 = arith.constant 0 : i32
        %dma_wait3A_1055 = tpu.memref_slice %arg7[%dma_wait3A_1051, %dma_wait3A_1052, %dma_wait3A_1053, %dma_wait3A_1054] : memref<2x1x8x1024xf32, #tpu.memory_space<vmem>> -> memref<1x1x8x1024xf32, #tpu.memory_space<vmem>>
        %dma_wait3A_1056 = tpu.memref_squeeze %dma_wait3A_1055 : memref<1x1x8x1024xf32, #tpu.memory_space<vmem>> -> memref<1x8x1024xf32, #tpu.memory_space<vmem>>
        %dma_wait3A_1057 = arith.constant 0 : i32
        %dma_wait3A_1058 = arith.constant 0 : i32
        %dma_wait3A_1059 = arith.constant 0 : i32
        %dma_wait3A_1060 = tpu.memref_slice %arg4[%dma_wait3A_1057, %dma_wait3A_1058, %dma_wait3A_1059] : memref<50x64x1024xf32, #tpu.memory_space<hbm>> -> memref<1x8x1024xf32, #tpu.memory_space<hbm>>
        %dma_wait3A_1061 = arith.constant 0 : i32
        %dma_wait3A_1062 = arith.constant 0 : i32
        %dma_wait3A_1063 = arith.constant 0 : i32
        %dma_wait3A_1064 = tpu.memref_slice %arg4[%dma_wait3A_1061, %dma_wait3A_1062, %dma_wait3A_1063] : memref<50x64x1024xf32, #tpu.memory_space<hbm>> -> memref<1x8x1024xf32, #tpu.memory_space<hbm>>
        %dma_wait3A_1065 = arith.constant 0 : i32
        %dma_wait3A_1066 = arith.constant 0 : i32
        %dma_wait3A_1067 = arith.constant 0 : i32
        %dma_wait3A_1068 = tpu.memref_slice %arg7[%dma_wait3A_1051, %dma_wait3A_1065, %dma_wait3A_1066, %dma_wait3A_1067] : memref<2x1x8x1024xf32, #tpu.memory_space<vmem>> -> memref<1x1x8x1024xf32, #tpu.memory_space<vmem>>
        %dma_wait3A_1069 = tpu.memref_squeeze %dma_wait3A_1068 : memref<1x1x8x1024xf32, #tpu.memory_space<vmem>> -> memref<1x8x1024xf32, #tpu.memory_space<vmem>>
        tpu.wait_dma2 semaphore(%arg10 : memref<!tpu.dma_semaphore, #tpu.memory_space<semaphore_mem>>) src(%dma_wait3A_1069 : memref<1x8x1024xf32, #tpu.memory_space<vmem>>) dst(%dma_wait3A_1064 : memref<1x8x1024xf32, #tpu.memory_space<hbm>>)
      } else {
      }
      %get3A = arith.constant 0 : i32
      %get3A_137 = arith.index_cast %rem3A_112 : i32 to index
      %get3A_138 = arith.index_cast %get3A : i32 to index
      %get3A_139 = arith.constant 0 : index
      %get3A_140 = tpu.vector_load %arg6[%get3A_137, %get3A_138, %get3A_139] {strides = array<i32>} : memref<2x1x1040xi32, #tpu.memory_space<vmem>>, vector<16xi32>,
      %add3A_141 = arith.addi %get3A_140, %broadcast_in_dim3A_30 : vector<16xi32>
      %add3A_142 = arith.addi %get3A_140, %broadcast_in_dim3A_32 : vector<16xi32>
      %add3A_143 = arith.addi %get3A_140, %broadcast_in_dim3A_34 : vector<16xi32>
      %add3A_144 = arith.addi %get3A_140, %broadcast_in_dim3A_36 : vector<16xi32>
      %add3A_145 = arith.addi %get3A_140, %broadcast_in_dim3A_38 : vector<16xi32>
      %add3A_146 = arith.addi %get3A_140, %broadcast_in_dim3A_40 : vector<16xi32>
      %add3A_147 = arith.addi %get3A_140, %broadcast_in_dim3A_42 : vector<16xi32>
      %add3A_148 = arith.addi %get3A_140, %broadcast_in_dim3A_44 : vector<16xi32>
      %gather3A = tpu.vector_load_idx %arg5[%add3A_141] : memref<8192xf32, #tpu.memory_space<vmem>>[vector<16xi32>], vector<16xf32>,
      %gather3A_149 = tpu.vector_load_idx %arg5[%add3A_142] : memref<8192xf32, #tpu.memory_space<vmem>>[vector<16xi32>], vector<16xf32>,
      %gather3A_150 = tpu.vector_load_idx %arg5[%add3A_143] : memref<8192xf32, #tpu.memory_space<vmem>>[vector<16xi32>], vector<16xf32>,
      %gather3A_151 = tpu.vector_load_idx %arg5[%add3A_144] : memref<8192xf32, #tpu.memory_space<vmem>>[vector<16xi32>], vector<16xf32>,
      %gather3A_152 = tpu.vector_load_idx %arg5[%add3A_145] : memref<8192xf32, #tpu.memory_space<vmem>>[vector<16xi32>], vector<16xf32>,
      %gather3A_153 = tpu.vector_load_idx %arg5[%add3A_146] : memref<8192xf32, #tpu.memory_space<vmem>>[vector<16xi32>], vector<16xf32>,
      %gather3A_154 = tpu.vector_load_idx %arg5[%add3A_147] : memref<8192xf32, #tpu.memory_space<vmem>>[vector<16xi32>], vector<16xf32>,
      %gather3A_155 = tpu.vector_load_idx %arg5[%add3A_148] : memref<8192xf32, #tpu.memory_space<vmem>>[vector<16xi32>], vector<16xf32>,
      %get3A_156 = arith.constant 0 : i32
      %get3A_157 = arith.index_cast %rem3A_112 : i32 to index
      %get3A_158 = arith.index_cast %get3A_156 : i32 to index
      %get3A_159 = arith.constant 16 : index
      %get3A_160 = tpu.vector_load %arg6[%get3A_157, %get3A_158, %get3A_159] {strides = array<i32>} : memref<2x1x1040xi32, #tpu.memory_space<vmem>>, vector<16xi32>,
      %add3A_161 = arith.addi %get3A_160, %broadcast_in_dim3A_30 : vector<16xi32>
      %add3A_162 = arith.addi %get3A_160, %broadcast_in_dim3A_32 : vector<16xi32>
      %add3A_163 = arith.addi %get3A_160, %broadcast_in_dim3A_34 : vector<16xi32>
      %add3A_164 = arith.addi %get3A_160, %broadcast_in_dim3A_36 : vector<16xi32>
      %add3A_165 = arith.addi %get3A_160, %broadcast_in_dim3A_38 : vector<16xi32>
      %add3A_166 = arith.addi %get3A_160, %broadcast_in_dim3A_40 : vector<16xi32>
      %add3A_167 = arith.addi %get3A_160, %broadcast_in_dim3A_42 : vector<16xi32>
      %add3A_168 = arith.addi %get3A_160, %broadcast_in_dim3A_44 : vector<16xi32>
      %scan3A = arith.constant 1 : i32
      %scan3A_169 = arith.constant 56 : i32
      %scan3A_170 = arith.addi %scan3A, %scan3A_169 : i32
      %scan3A_171 = arith.constant 8 : i32
      %scan3A_172:16 = scf.for %scan3A_1051 = %scan3A to %scan3A_170 step %scan3A_171 iter_args(%scan3A_1052 = %add3A_161, %scan3A_1053 = %add3A_162, %scan3A_1054 = %add3A_163, %scan3A_1055 = %add3A_164, %scan3A_1056 = %add3A_165, %scan3A_1057 = %add3A_166, %scan3A_1058 = %add3A_167, %scan3A_1059 = %add3A_168, %scan3A_1060 = %gather3A, %scan3A_1061 = %gather3A_149, %scan3A_1062 = %gather3A_150, %scan3A_1063 = %gather3A_151, %scan3A_1064 = %gather3A_152, %scan3A_1065 = %gather3A_153, %scan3A_1066 = %gather3A_154, %scan3A_1067 = %gather3A_155) -> (vector<16xi32>, vector<16xi32>, vector<16xi32>, vector<16xi32>, vector<16xi32>, vector<16xi32>, vector<16xi32>, vector<16xi32>, vector<16xf32>, vector<16xf32>, vector<16xf32>, vector<16xf32>, vector<16xf32>, vector<16xf32>, vector<16xf32>, vector<16xf32>)  : i32 {
        %mul3A_1068 = arith.constant 16 : i32
        %mul3A_1069 = arith.muli %scan3A_1051, %mul3A_1068 : i32
        %add3A_1070 = arith.constant 16 : i32
        %add3A_1071 = arith.addi %mul3A_1069, %add3A_1070 : i32
        %get3A_1072 = arith.constant 0 : i32
        %get3A_1073 = arith.index_cast %rem3A_112 : i32 to index
        %get3A_1074 = arith.index_cast %get3A_1072 : i32 to index
        %get3A_1075 = arith.index_cast %add3A_1071 : i32 to index
        %get3A_1076 = tpu.vector_load %arg6[%get3A_1073, %get3A_1074, %get3A_1075] {strides = array<i32>} : memref<2x1x1040xi32, #tpu.memory_space<vmem>>, vector<16xi32>,
        %gather3A_1077 = tpu.vector_load_idx %arg5[%scan3A_1052] : memref<8192xf32, #tpu.memory_space<vmem>>[vector<16xi32>], vector<16xf32>,
        %gather3A_1078 = tpu.vector_load_idx %arg5[%scan3A_1053] : memref<8192xf32, #tpu.memory_space<vmem>>[vector<16xi32>], vector<16xf32>,
        %gather3A_1079 = tpu.vector_load_idx %arg5[%scan3A_1054] : memref<8192xf32, #tpu.memory_space<vmem>>[vector<16xi32>], vector<16xf32>,
        %gather3A_1080 = tpu.vector_load_idx %arg5[%scan3A_1055] : memref<8192xf32, #tpu.memory_space<vmem>>[vector<16xi32>], vector<16xf32>,
        %gather3A_1081 = tpu.vector_load_idx %arg5[%scan3A_1056] : memref<8192xf32, #tpu.memory_space<vmem>>[vector<16xi32>], vector<16xf32>,
        %gather3A_1082 = tpu.vector_load_idx %arg5[%scan3A_1057] : memref<8192xf32, #tpu.memory_space<vmem>>[vector<16xi32>], vector<16xf32>,
        %gather3A_1083 = tpu.vector_load_idx %arg5[%scan3A_1058] : memref<8192xf32, #tpu.memory_space<vmem>>[vector<16xi32>], vector<16xf32>,
        %gather3A_1084 = tpu.vector_load_idx %arg5[%scan3A_1059] : memref<8192xf32, #tpu.memory_space<vmem>>[vector<16xi32>], vector<16xf32>,
        %mul3A_1085 = arith.constant 16 : i32
        %mul3A_1086 = arith.muli %scan3A_1051, %mul3A_1085 : i32
        %sub3A_1087 = arith.constant 16 : i32
        %sub3A_1088 = arith.subi %mul3A_1086, %sub3A_1087 : i32
        %swap3A_1089 = arith.constant 0 : i32
        %swap3A_1090 = arith.constant 0 : i32
        %swap3A_1091 = arith.index_cast %rem3A_112 : i32 to index
        %swap3A_1092 = arith.index_cast %swap3A_1089 : i32 to index
        %swap3A_1093 = arith.index_cast %swap3A_1090 : i32 to index
        %swap3A_1094 = arith.index_cast %sub3A_1088 : i32 to index
        %swap3A_1095 = tpu.vector_load %arg7[%swap3A_1091, %swap3A_1092, %swap3A_1093, %swap3A_1094] {strides = array<i32>} : memref<2x1x8x1024xf32, #tpu.memory_space<vmem>>, vector<16xf32>,
        tpu.vector_store %arg7[%swap3A_1091, %swap3A_1092, %swap3A_1093, %swap3A_1094], %scan3A_1060 {strides = array<i32>} : memref<2x1x8x1024xf32, #tpu.memory_space<vmem>>, vector<16xf32>,
        %mul3A_1096 = arith.constant 16 : i32
        %mul3A_1097 = arith.muli %scan3A_1051, %mul3A_1096 : i32
        %sub3A_1098 = arith.constant 16 : i32
        %sub3A_1099 = arith.subi %mul3A_1097, %sub3A_1098 : i32
        %swap3A_1100 = arith.constant 0 : i32
        %swap3A_1101 = arith.constant 1 : i32
        %swap3A_1102 = arith.index_cast %rem3A_112 : i32 to index
        %swap3A_1103 = arith.index_cast %swap3A_1100 : i32 to index
        %swap3A_1104 = arith.index_cast %swap3A_1101 : i32 to index
        %swap3A_1105 = arith.index_cast %sub3A_1099 : i32 to index
        %swap3A_1106 = tpu.vector_load %arg7[%swap3A_1102, %swap3A_1103, %swap3A_1104, %swap3A_1105] {strides = array<i32>} : memref<2x1x8x1024xf32, #tpu.memory_space<vmem>>, vector<16xf32>,
        tpu.vector_store %arg7[%swap3A_1102, %swap3A_1103, %swap3A_1104, %swap3A_1105], %scan3A_1061 {strides = array<i32>} : memref<2x1x8x1024xf32, #tpu.memory_space<vmem>>, vector<16xf32>,
        %mul3A_1107 = arith.constant 16 : i32
        %mul3A_1108 = arith.muli %scan3A_1051, %mul3A_1107 : i32
        %sub3A_1109 = arith.constant 16 : i32
        %sub3A_1110 = arith.subi %mul3A_1108, %sub3A_1109 : i32
        %swap3A_1111 = arith.constant 0 : i32
        %swap3A_1112 = arith.constant 2 : i32
        %swap3A_1113 = arith.index_cast %rem3A_112 : i32 to index
        %swap3A_1114 = arith.index_cast %swap3A_1111 : i32 to index
        %swap3A_1115 = arith.index_cast %swap3A_1112 : i32 to index
        %swap3A_1116 = arith.index_cast %sub3A_1110 : i32 to index
        %swap3A_1117 = tpu.vector_load %arg7[%swap3A_1113, %swap3A_1114, %swap3A_1115, %swap3A_1116] {strides = array<i32>} : memref<2x1x8x1024xf32, #tpu.memory_space<vmem>>, vector<16xf32>,
        tpu.vector_store %arg7[%swap3A_1113, %swap3A_1114, %swap3A_1115, %swap3A_1116], %scan3A_1062 {strides = array<i32>} : memref<2x1x8x1024xf32, #tpu.memory_space<vmem>>, vector<16xf32>,
        %mul3A_1118 = arith.constant 16 : i32
        %mul3A_1119 = arith.muli %scan3A_1051, %mul3A_1118 : i32
        %sub3A_1120 = arith.constant 16 : i32
        %sub3A_1121 = arith.subi %mul3A_1119, %sub3A_1120 : i32
        %swap3A_1122 = arith.constant 0 : i32
        %swap3A_1123 = arith.constant 3 : i32
        %swap3A_1124 = arith.index_cast %rem3A_112 : i32 to index
        %swap3A_1125 = arith.index_cast %swap3A_1122 : i32 to index
        %swap3A_1126 = arith.index_cast %swap3A_1123 : i32 to index
        %swap3A_1127 = arith.index_cast %sub3A_1121 : i32 to index
        %swap3A_1128 = tpu.vector_load %arg7[%swap3A_1124, %swap3A_1125, %swap3A_1126, %swap3A_1127] {strides = array<i32>} : memref<2x1x8x1024xf32, #tpu.memory_space<vmem>>, vector<16xf32>,
        tpu.vector_store %arg7[%swap3A_1124, %swap3A_1125, %swap3A_1126, %swap3A_1127], %scan3A_1063 {strides = array<i32>} : memref<2x1x8x1024xf32, #tpu.memory_space<vmem>>, vector<16xf32>,
        %mul3A_1129 = arith.constant 16 : i32
        %mul3A_1130 = arith.muli %scan3A_1051, %mul3A_1129 : i32
        %sub3A_1131 = arith.constant 16 : i32
        %sub3A_1132 = arith.subi %mul3A_1130, %sub3A_1131 : i32
        %swap3A_1133 = arith.constant 0 : i32
        %swap3A_1134 = arith.constant 4 : i32
        %swap3A_1135 = arith.index_cast %rem3A_112 : i32 to index
        %swap3A_1136 = arith.index_cast %swap3A_1133 : i32 to index
        %swap3A_1137 = arith.index_cast %swap3A_1134 : i32 to index
        %swap3A_1138 = arith.index_cast %sub3A_1132 : i32 to index
        %swap3A_1139 = tpu.vector_load %arg7[%swap3A_1135, %swap3A_1136, %swap3A_1137, %swap3A_1138] {strides = array<i32>} : memref<2x1x8x1024xf32, #tpu.memory_space<vmem>>, vector<16xf32>,
        tpu.vector_store %arg7[%swap3A_1135, %swap3A_1136, %swap3A_1137, %swap3A_1138], %scan3A_1064 {strides = array<i32>} : memref<2x1x8x1024xf32, #tpu.memory_space<vmem>>, vector<16xf32>,
        %mul3A_1140 = arith.constant 16 : i32
        %mul3A_1141 = arith.muli %scan3A_1051, %mul3A_1140 : i32
        %sub3A_1142 = arith.constant 16 : i32
        %sub3A_1143 = arith.subi %mul3A_1141, %sub3A_1142 : i32
        %swap3A_1144 = arith.constant 0 : i32
        %swap3A_1145 = arith.constant 5 : i32
        %swap3A_1146 = arith.index_cast %rem3A_112 : i32 to index
        %swap3A_1147 = arith.index_cast %swap3A_1144 : i32 to index
        %swap3A_1148 = arith.index_cast %swap3A_1145 : i32 to index
        %swap3A_1149 = arith.index_cast %sub3A_1143 : i32 to index
        %swap3A_1150 = tpu.vector_load %arg7[%swap3A_1146, %swap3A_1147, %swap3A_1148, %swap3A_1149] {strides = array<i32>} : memref<2x1x8x1024xf32, #tpu.memory_space<vmem>>, vector<16xf32>,
        tpu.vector_store %arg7[%swap3A_1146, %swap3A_1147, %swap3A_1148, %swap3A_1149], %scan3A_1065 {strides = array<i32>} : memref<2x1x8x1024xf32, #tpu.memory_space<vmem>>, vector<16xf32>,
        %mul3A_1151 = arith.constant 16 : i32
        %mul3A_1152 = arith.muli %scan3A_1051, %mul3A_1151 : i32
        %sub3A_1153 = arith.constant 16 : i32
        %sub3A_1154 = arith.subi %mul3A_1152, %sub3A_1153 : i32
        %swap3A_1155 = arith.constant 0 : i32
        %swap3A_1156 = arith.constant 6 : i32
        %swap3A_1157 = arith.index_cast %rem3A_112 : i32 to index
        %swap3A_1158 = arith.index_cast %swap3A_1155 : i32 to index
        %swap3A_1159 = arith.index_cast %swap3A_1156 : i32 to index
        %swap3A_1160 = arith.index_cast %sub3A_1154 : i32 to index
        %swap3A_1161 = tpu.vector_load %arg7[%swap3A_1157, %swap3A_1158, %swap3A_1159, %swap3A_1160] {strides = array<i32>} : memref<2x1x8x1024xf32, #tpu.memory_space<vmem>>, vector<16xf32>,
        tpu.vector_store %arg7[%swap3A_1157, %swap3A_1158, %swap3A_1159, %swap3A_1160], %scan3A_1066 {strides = array<i32>} : memref<2x1x8x1024xf32, #tpu.memory_space<vmem>>, vector<16xf32>,
        %mul3A_1162 = arith.constant 16 : i32
        %mul3A_1163 = arith.muli %scan3A_1051, %mul3A_1162 : i32
        %sub3A_1164 = arith.constant 16 : i32
        %sub3A_1165 = arith.subi %mul3A_1163, %sub3A_1164 : i32
        %swap3A_1166 = arith.constant 0 : i32
        %swap3A_1167 = arith.constant 7 : i32
        %swap3A_1168 = arith.index_cast %rem3A_112 : i32 to index
        %swap3A_1169 = arith.index_cast %swap3A_1166 : i32 to index
        %swap3A_1170 = arith.index_cast %swap3A_1167 : i32 to index
        %swap3A_1171 = arith.index_cast %sub3A_1165 : i32 to index
        %swap3A_1172 = tpu.vector_load %arg7[%swap3A_1168, %swap3A_1169, %swap3A_1170, %swap3A_1171] {strides = array<i32>} : memref<2x1x8x1024xf32, #tpu.memory_space<vmem>>, vector<16xf32>,
        tpu.vector_store %arg7[%swap3A_1168, %swap3A_1169, %swap3A_1170, %swap3A_1171], %scan3A_1067 {strides = array<i32>} : memref<2x1x8x1024xf32, #tpu.memory_space<vmem>>, vector<16xf32>,
        %add3A_1173 = arith.addi %get3A_1076, %broadcast_in_dim3A_30 : vector<16xi32>
        %add3A_1174 = arith.addi %get3A_1076, %broadcast_in_dim3A_32 : vector<16xi32>
        %add3A_1175 = arith.addi %get3A_1076, %broadcast_in_dim3A_34 : vector<16xi32>
        %add3A_1176 = arith.addi %get3A_1076, %broadcast_in_dim3A_36 : vector<16xi32>
        %add3A_1177 = arith.addi %get3A_1076, %broadcast_in_dim3A_38 : vector<16xi32>
        %add3A_1178 = arith.addi %get3A_1076, %broadcast_in_dim3A_40 : vector<16xi32>
        %add3A_1179 = arith.addi %get3A_1076, %broadcast_in_dim3A_42 : vector<16xi32>
        %add3A_1180 = arith.addi %get3A_1076, %broadcast_in_dim3A_44 : vector<16xi32>
        %scan3A_1181 = arith.constant 1 : i32
        %scan3A_1182 = arith.addi %scan3A_1051, %scan3A_1181 : i32
        %mul3A_1183 = arith.constant 16 : i32
        %mul3A_1184 = arith.muli %scan3A_1182, %mul3A_1183 : i32
        %add3A_1185 = arith.constant 16 : i32
        %add3A_1186 = arith.addi %mul3A_1184, %add3A_1185 : i32
        %get3A_1187 = arith.constant 0 : i32
        %get3A_1188 = arith.index_cast %rem3A_112 : i32 to index
        %get3A_1189 = arith.index_cast %get3A_1187 : i32 to index
        %get3A_1190 = arith.index_cast %add3A_1186 : i32 to index
        %get3A_1191 = tpu.vector_load %arg6[%get3A_1188, %get3A_1189, %get3A_1190] {strides = array<i32>} : memref<2x1x1040xi32, #tpu.memory_space<vmem>>, vector<16xi32>,
        %gather3A_1192 = tpu.vector_load_idx %arg5[%add3A_1173] : memref<8192xf32, #tpu.memory_space<vmem>>[vector<16xi32>], vector<16xf32>,
        %gather3A_1193 = tpu.vector_load_idx %arg5[%add3A_1174] : memref<8192xf32, #tpu.memory_space<vmem>>[vector<16xi32>], vector<16xf32>,
        %gather3A_1194 = tpu.vector_load_idx %arg5[%add3A_1175] : memref<8192xf32, #tpu.memory_space<vmem>>[vector<16xi32>], vector<16xf32>,
        %gather3A_1195 = tpu.vector_load_idx %arg5[%add3A_1176] : memref<8192xf32, #tpu.memory_space<vmem>>[vector<16xi32>], vector<16xf32>,
        %gather3A_1196 = tpu.vector_load_idx %arg5[%add3A_1177] : memref<8192xf32, #tpu.memory_space<vmem>>[vector<16xi32>], vector<16xf32>,
        %gather3A_1197 = tpu.vector_load_idx %arg5[%add3A_1178] : memref<8192xf32, #tpu.memory_space<vmem>>[vector<16xi32>], vector<16xf32>,
        %gather3A_1198 = tpu.vector_load_idx %arg5[%add3A_1179] : memref<8192xf32, #tpu.memory_space<vmem>>[vector<16xi32>], vector<16xf32>,
        %gather3A_1199 = tpu.vector_load_idx %arg5[%add3A_1180] : memref<8192xf32, #tpu.memory_space<vmem>>[vector<16xi32>], vector<16xf32>,
        %mul3A_1200 = arith.constant 16 : i32
        %mul3A_1201 = arith.muli %scan3A_1182, %mul3A_1200 : i32
        %sub3A_1202 = arith.constant 16 : i32
        %sub3A_1203 = arith.subi %mul3A_1201, %sub3A_1202 : i32
        %swap3A_1204 = arith.constant 0 : i32
        %swap3A_1205 = arith.constant 0 : i32
        %swap3A_1206 = arith.index_cast %rem3A_112 : i32 to index
        %swap3A_1207 = arith.index_cast %swap3A_1204 : i32 to index
        %swap3A_1208 = arith.index_cast %swap3A_1205 : i32 to index
        %swap3A_1209 = arith.index_cast %sub3A_1203 : i32 to index
        %swap3A_1210 = tpu.vector_load %arg7[%swap3A_1206, %swap3A_1207, %swap3A_1208, %swap3A_1209] {strides = array<i32>} : memref<2x1x8x1024xf32, #tpu.memory_space<vmem>>, vector<16xf32>,
        tpu.vector_store %arg7[%swap3A_1206, %swap3A_1207, %swap3A_1208, %swap3A_1209], %gather3A_1077 {strides = array<i32>} : memref<2x1x8x1024xf32, #tpu.memory_space<vmem>>, vector<16xf32>,
        %mul3A_1211 = arith.constant 16 : i32
        %mul3A_1212 = arith.muli %scan3A_1182, %mul3A_1211 : i32
        %sub3A_1213 = arith.constant 16 : i32
        %sub3A_1214 = arith.subi %mul3A_1212, %sub3A_1213 : i32
        %swap3A_1215 = arith.constant 0 : i32
        %swap3A_1216 = arith.constant 1 : i32
        %swap3A_1217 = arith.index_cast %rem3A_112 : i32 to index
        %swap3A_1218 = arith.index_cast %swap3A_1215 : i32 to index
        %swap3A_1219 = arith.index_cast %swap3A_1216 : i32 to index
        %swap3A_1220 = arith.index_cast %sub3A_1214 : i32 to index
        %swap3A_1221 = tpu.vector_load %arg7[%swap3A_1217, %swap3A_1218, %swap3A_1219, %swap3A_1220] {strides = array<i32>} : memref<2x1x8x1024xf32, #tpu.memory_space<vmem>>, vector<16xf32>,
        tpu.vector_store %arg7[%swap3A_1217, %swap3A_1218, %swap3A_1219, %swap3A_1220], %gather3A_1078 {strides = array<i32>} : memref<2x1x8x1024xf32, #tpu.memory_space<vmem>>, vector<16xf32>,
        %mul3A_1222 = arith.constant 16 : i32
        %mul3A_1223 = arith.muli %scan3A_1182, %mul3A_1222 : i32
        %sub3A_1224 = arith.constant 16 : i32
        %sub3A_1225 = arith.subi %mul3A_1223, %sub3A_1224 : i32
        %swap3A_1226 = arith.constant 0 : i32
        %swap3A_1227 = arith.constant 2 : i32
        %swap3A_1228 = arith.index_cast %rem3A_112 : i32 to index
        %swap3A_1229 = arith.index_cast %swap3A_1226 : i32 to index
        %swap3A_1230 = arith.index_cast %swap3A_1227 : i32 to index
        %swap3A_1231 = arith.index_cast %sub3A_1225 : i32 to index
        %swap3A_1232 = tpu.vector_load %arg7[%swap3A_1228, %swap3A_1229, %swap3A_1230, %swap3A_1231] {strides = array<i32>} : memref<2x1x8x1024xf32, #tpu.memory_space<vmem>>, vector<16xf32>,
        tpu.vector_store %arg7[%swap3A_1228, %swap3A_1229, %swap3A_1230, %swap3A_1231], %gather3A_1079 {strides = array<i32>} : memref<2x1x8x1024xf32, #tpu.memory_space<vmem>>, vector<16xf32>,
        %mul3A_1233 = arith.constant 16 : i32
        %mul3A_1234 = arith.muli %scan3A_1182, %mul3A_1233 : i32
        %sub3A_1235 = arith.constant 16 : i32
        %sub3A_1236 = arith.subi %mul3A_1234, %sub3A_1235 : i32
        %swap3A_1237 = arith.constant 0 : i32
        %swap3A_1238 = arith.constant 3 : i32
        %swap3A_1239 = arith.index_cast %rem3A_112 : i32 to index
        %swap3A_1240 = arith.index_cast %swap3A_1237 : i32 to index
        %swap3A_1241 = arith.index_cast %swap3A_1238 : i32 to index
        %swap3A_1242 = arith.index_cast %sub3A_1236 : i32 to index
        %swap3A_1243 = tpu.vector_load %arg7[%swap3A_1239, %swap3A_1240, %swap3A_1241, %swap3A_1242] {strides = array<i32>} : memref<2x1x8x1024xf32, #tpu.memory_space<vmem>>, vector<16xf32>,
        tpu.vector_store %arg7[%swap3A_1239, %swap3A_1240, %swap3A_1241, %swap3A_1242], %gather3A_1080 {strides = array<i32>} : memref<2x1x8x1024xf32, #tpu.memory_space<vmem>>, vector<16xf32>,
        %mul3A_1244 = arith.constant 16 : i32
        %mul3A_1245 = arith.muli %scan3A_1182, %mul3A_1244 : i32
        %sub3A_1246 = arith.constant 16 : i32
        %sub3A_1247 = arith.subi %mul3A_1245, %sub3A_1246 : i32
        %swap3A_1248 = arith.constant 0 : i32
        %swap3A_1249 = arith.constant 4 : i32
        %swap3A_1250 = arith.index_cast %rem3A_112 : i32 to index
        %swap3A_1251 = arith.index_cast %swap3A_1248 : i32 to index
        %swap3A_1252 = arith.index_cast %swap3A_1249 : i32 to index
        %swap3A_1253 = arith.index_cast %sub3A_1247 : i32 to index
        %swap3A_1254 = tpu.vector_load %arg7[%swap3A_1250, %swap3A_1251, %swap3A_1252, %swap3A_1253] {strides = array<i32>} : memref<2x1x8x1024xf32, #tpu.memory_space<vmem>>, vector<16xf32>,
        tpu.vector_store %arg7[%swap3A_1250, %swap3A_1251, %swap3A_1252, %swap3A_1253], %gather3A_1081 {strides = array<i32>} : memref<2x1x8x1024xf32, #tpu.memory_space<vmem>>, vector<16xf32>,
        %mul3A_1255 = arith.constant 16 : i32
        %mul3A_1256 = arith.muli %scan3A_1182, %mul3A_1255 : i32
        %sub3A_1257 = arith.constant 16 : i32
        %sub3A_1258 = arith.subi %mul3A_1256, %sub3A_1257 : i32
        %swap3A_1259 = arith.constant 0 : i32
        %swap3A_1260 = arith.constant 5 : i32
        %swap3A_1261 = arith.index_cast %rem3A_112 : i32 to index
        %swap3A_1262 = arith.index_cast %swap3A_1259 : i32 to index
        %swap3A_1263 = arith.index_cast %swap3A_1260 : i32 to index
        %swap3A_1264 = arith.index_cast %sub3A_1258 : i32 to index
        %swap3A_1265 = tpu.vector_load %arg7[%swap3A_1261, %swap3A_1262, %swap3A_1263, %swap3A_1264] {strides = array<i32>} : memref<2x1x8x1024xf32, #tpu.memory_space<vmem>>, vector<16xf32>,
        tpu.vector_store %arg7[%swap3A_1261, %swap3A_1262, %swap3A_1263, %swap3A_1264], %gather3A_1082 {strides = array<i32>} : memref<2x1x8x1024xf32, #tpu.memory_space<vmem>>, vector<16xf32>,
        %mul3A_1266 = arith.constant 16 : i32
        %mul3A_1267 = arith.muli %scan3A_1182, %mul3A_1266 : i32
        %sub3A_1268 = arith.constant 16 : i32
        %sub3A_1269 = arith.subi %mul3A_1267, %sub3A_1268 : i32
        %swap3A_1270 = arith.constant 0 : i32
        %swap3A_1271 = arith.constant 6 : i32
        %swap3A_1272 = arith.index_cast %rem3A_112 : i32 to index
        %swap3A_1273 = arith.index_cast %swap3A_1270 : i32 to index
        %swap3A_1274 = arith.index_cast %swap3A_1271 : i32 to index
        %swap3A_1275 = arith.index_cast %sub3A_1269 : i32 to index
        %swap3A_1276 = tpu.vector_load %arg7[%swap3A_1272, %swap3A_1273, %swap3A_1274, %swap3A_1275] {strides = array<i32>} : memref<2x1x8x1024xf32, #tpu.memory_space<vmem>>, vector<16xf32>,
        tpu.vector_store %arg7[%swap3A_1272, %swap3A_1273, %swap3A_1274, %swap3A_1275], %gather3A_1083 {strides = array<i32>} : memref<2x1x8x1024xf32, #tpu.memory_space<vmem>>, vector<16xf32>,
        %mul3A_1277 = arith.constant 16 : i32
        %mul3A_1278 = arith.muli %scan3A_1182, %mul3A_1277 : i32
        %sub3A_1279 = arith.constant 16 : i32
        %sub3A_1280 = arith.subi %mul3A_1278, %sub3A_1279 : i32
        %swap3A_1281 = arith.constant 0 : i32
        %swap3A_1282 = arith.constant 7 : i32
        %swap3A_1283 = arith.index_cast %rem3A_112 : i32 to index
        %swap3A_1284 = arith.index_cast %swap3A_1281 : i32 to index
        %swap3A_1285 = arith.index_cast %swap3A_1282 : i32 to index
        %swap3A_1286 = arith.index_cast %sub3A_1280 : i32 to index
        %swap3A_1287 = tpu.vector_load %arg7[%swap3A_1283, %swap3A_1284, %swap3A_1285, %swap3A_1286] {strides = array<i32>} : memref<2x1x8x1024xf32, #tpu.memory_space<vmem>>, vector<16xf32>,
        tpu.vector_store %arg7[%swap3A_1283, %swap3A_1284, %swap3A_1285, %swap3A_1286], %gather3A_1084 {strides = array<i32>} : memref<2x1x8x1024xf32, #tpu.memory_space<vmem>>, vector<16xf32>,
        %add3A_1288 = arith.addi %get3A_1191, %broadcast_in_dim3A_30 : vector<16xi32>
        %add3A_1289 = arith.addi %get3A_1191, %broadcast_in_dim3A_32 : vector<16xi32>
        %add3A_1290 = arith.addi %get3A_1191, %broadcast_in_dim3A_34 : vector<16xi32>
        %add3A_1291 = arith.addi %get3A_1191, %broadcast_in_dim3A_36 : vector<16xi32>
        %add3A_1292 = arith.addi %get3A_1191, %broadcast_in_dim3A_38 : vector<16xi32>
        %add3A_1293 = arith.addi %get3A_1191, %broadcast_in_dim3A_40 : vector<16xi32>
        %add3A_1294 = arith.addi %get3A_1191, %broadcast_in_dim3A_42 : vector<16xi32>
        %add3A_1295 = arith.addi %get3A_1191, %broadcast_in_dim3A_44 : vector<16xi32>
        %scan3A_1296 = arith.constant 2 : i32
        %scan3A_1297 = arith.addi %scan3A_1051, %scan3A_1296 : i32
        %mul3A_1298 = arith.constant 16 : i32
        %mul3A_1299 = arith.muli %scan3A_1297, %mul3A_1298 : i32
        %add3A_1300 = arith.constant 16 : i32
        %add3A_1301 = arith.addi %mul3A_1299, %add3A_1300 : i32
        %get3A_1302 = arith.constant 0 : i32
        %get3A_1303 = arith.index_cast %rem3A_112 : i32 to index
        %get3A_1304 = arith.index_cast %get3A_1302 : i32 to index
        %get3A_1305 = arith.index_cast %add3A_1301 : i32 to index
        %get3A_1306 = tpu.vector_load %arg6[%get3A_1303, %get3A_1304, %get3A_1305] {strides = array<i32>} : memref<2x1x1040xi32, #tpu.memory_space<vmem>>, vector<16xi32>,
        %gather3A_1307 = tpu.vector_load_idx %arg5[%add3A_1288] : memref<8192xf32, #tpu.memory_space<vmem>>[vector<16xi32>], vector<16xf32>,
        %gather3A_1308 = tpu.vector_load_idx %arg5[%add3A_1289] : memref<8192xf32, #tpu.memory_space<vmem>>[vector<16xi32>], vector<16xf32>,
        %gather3A_1309 = tpu.vector_load_idx %arg5[%add3A_1290] : memref<8192xf32, #tpu.memory_space<vmem>>[vector<16xi32>], vector<16xf32>,
        %gather3A_1310 = tpu.vector_load_idx %arg5[%add3A_1291] : memref<8192xf32, #tpu.memory_space<vmem>>[vector<16xi32>], vector<16xf32>,
        %gather3A_1311 = tpu.vector_load_idx %arg5[%add3A_1292] : memref<8192xf32, #tpu.memory_space<vmem>>[vector<16xi32>], vector<16xf32>,
        %gather3A_1312 = tpu.vector_load_idx %arg5[%add3A_1293] : memref<8192xf32, #tpu.memory_space<vmem>>[vector<16xi32>], vector<16xf32>,
        %gather3A_1313 = tpu.vector_load_idx %arg5[%add3A_1294] : memref<8192xf32, #tpu.memory_space<vmem>>[vector<16xi32>], vector<16xf32>,
        %gather3A_1314 = tpu.vector_load_idx %arg5[%add3A_1295] : memref<8192xf32, #tpu.memory_space<vmem>>[vector<16xi32>], vector<16xf32>,
        %mul3A_1315 = arith.constant 16 : i32
        %mul3A_1316 = arith.muli %scan3A_1297, %mul3A_1315 : i32
        %sub3A_1317 = arith.constant 16 : i32
        %sub3A_1318 = arith.subi %mul3A_1316, %sub3A_1317 : i32
        %swap3A_1319 = arith.constant 0 : i32
        %swap3A_1320 = arith.constant 0 : i32
        %swap3A_1321 = arith.index_cast %rem3A_112 : i32 to index
        %swap3A_1322 = arith.index_cast %swap3A_1319 : i32 to index
        %swap3A_1323 = arith.index_cast %swap3A_1320 : i32 to index
        %swap3A_1324 = arith.index_cast %sub3A_1318 : i32 to index
        %swap3A_1325 = tpu.vector_load %arg7[%swap3A_1321, %swap3A_1322, %swap3A_1323, %swap3A_1324] {strides = array<i32>} : memref<2x1x8x1024xf32, #tpu.memory_space<vmem>>, vector<16xf32>,
        tpu.vector_store %arg7[%swap3A_1321, %swap3A_1322, %swap3A_1323, %swap3A_1324], %gather3A_1192 {strides = array<i32>} : memref<2x1x8x1024xf32, #tpu.memory_space<vmem>>, vector<16xf32>,
        %mul3A_1326 = arith.constant 16 : i32
        %mul3A_1327 = arith.muli %scan3A_1297, %mul3A_1326 : i32
        %sub3A_1328 = arith.constant 16 : i32
        %sub3A_1329 = arith.subi %mul3A_1327, %sub3A_1328 : i32
        %swap3A_1330 = arith.constant 0 : i32
        %swap3A_1331 = arith.constant 1 : i32
        %swap3A_1332 = arith.index_cast %rem3A_112 : i32 to index
        %swap3A_1333 = arith.index_cast %swap3A_1330 : i32 to index
        %swap3A_1334 = arith.index_cast %swap3A_1331 : i32 to index
        %swap3A_1335 = arith.index_cast %sub3A_1329 : i32 to index
        %swap3A_1336 = tpu.vector_load %arg7[%swap3A_1332, %swap3A_1333, %swap3A_1334, %swap3A_1335] {strides = array<i32>} : memref<2x1x8x1024xf32, #tpu.memory_space<vmem>>, vector<16xf32>,
        tpu.vector_store %arg7[%swap3A_1332, %swap3A_1333, %swap3A_1334, %swap3A_1335], %gather3A_1193 {strides = array<i32>} : memref<2x1x8x1024xf32, #tpu.memory_space<vmem>>, vector<16xf32>,
        %mul3A_1337 = arith.constant 16 : i32
        %mul3A_1338 = arith.muli %scan3A_1297, %mul3A_1337 : i32
        %sub3A_1339 = arith.constant 16 : i32
        %sub3A_1340 = arith.subi %mul3A_1338, %sub3A_1339 : i32
        %swap3A_1341 = arith.constant 0 : i32
        %swap3A_1342 = arith.constant 2 : i32
        %swap3A_1343 = arith.index_cast %rem3A_112 : i32 to index
        %swap3A_1344 = arith.index_cast %swap3A_1341 : i32 to index
        %swap3A_1345 = arith.index_cast %swap3A_1342 : i32 to index
        %swap3A_1346 = arith.index_cast %sub3A_1340 : i32 to index
        %swap3A_1347 = tpu.vector_load %arg7[%swap3A_1343, %swap3A_1344, %swap3A_1345, %swap3A_1346] {strides = array<i32>} : memref<2x1x8x1024xf32, #tpu.memory_space<vmem>>, vector<16xf32>,
        tpu.vector_store %arg7[%swap3A_1343, %swap3A_1344, %swap3A_1345, %swap3A_1346], %gather3A_1194 {strides = array<i32>} : memref<2x1x8x1024xf32, #tpu.memory_space<vmem>>, vector<16xf32>,
        %mul3A_1348 = arith.constant 16 : i32
        %mul3A_1349 = arith.muli %scan3A_1297, %mul3A_1348 : i32
        %sub3A_1350 = arith.constant 16 : i32
        %sub3A_1351 = arith.subi %mul3A_1349, %sub3A_1350 : i32
        %swap3A_1352 = arith.constant 0 : i32
        %swap3A_1353 = arith.constant 3 : i32
        %swap3A_1354 = arith.index_cast %rem3A_112 : i32 to index
        %swap3A_1355 = arith.index_cast %swap3A_1352 : i32 to index
        %swap3A_1356 = arith.index_cast %swap3A_1353 : i32 to index
        %swap3A_1357 = arith.index_cast %sub3A_1351 : i32 to index
        %swap3A_1358 = tpu.vector_load %arg7[%swap3A_1354, %swap3A_1355, %swap3A_1356, %swap3A_1357] {strides = array<i32>} : memref<2x1x8x1024xf32, #tpu.memory_space<vmem>>, vector<16xf32>,
        tpu.vector_store %arg7[%swap3A_1354, %swap3A_1355, %swap3A_1356, %swap3A_1357], %gather3A_1195 {strides = array<i32>} : memref<2x1x8x1024xf32, #tpu.memory_space<vmem>>, vector<16xf32>,
        %mul3A_1359 = arith.constant 16 : i32
        %mul3A_1360 = arith.muli %scan3A_1297, %mul3A_1359 : i32
        %sub3A_1361 = arith.constant 16 : i32
        %sub3A_1362 = arith.subi %mul3A_1360, %sub3A_1361 : i32
        %swap3A_1363 = arith.constant 0 : i32
        %swap3A_1364 = arith.constant 4 : i32
        %swap3A_1365 = arith.index_cast %rem3A_112 : i32 to index
        %swap3A_1366 = arith.index_cast %swap3A_1363 : i32 to index
        %swap3A_1367 = arith.index_cast %swap3A_1364 : i32 to index
        %swap3A_1368 = arith.index_cast %sub3A_1362 : i32 to index
        %swap3A_1369 = tpu.vector_load %arg7[%swap3A_1365, %swap3A_1366, %swap3A_1367, %swap3A_1368] {strides = array<i32>} : memref<2x1x8x1024xf32, #tpu.memory_space<vmem>>, vector<16xf32>,
        tpu.vector_store %arg7[%swap3A_1365, %swap3A_1366, %swap3A_1367, %swap3A_1368], %gather3A_1196 {strides = array<i32>} : memref<2x1x8x1024xf32, #tpu.memory_space<vmem>>, vector<16xf32>,
        %mul3A_1370 = arith.constant 16 : i32
        %mul3A_1371 = arith.muli %scan3A_1297, %mul3A_1370 : i32
        %sub3A_1372 = arith.constant 16 : i32
        %sub3A_1373 = arith.subi %mul3A_1371, %sub3A_1372 : i32
        %swap3A_1374 = arith.constant 0 : i32
        %swap3A_1375 = arith.constant 5 : i32
        %swap3A_1376 = arith.index_cast %rem3A_112 : i32 to index
        %swap3A_1377 = arith.index_cast %swap3A_1374 : i32 to index
        %swap3A_1378 = arith.index_cast %swap3A_1375 : i32 to index
        %swap3A_1379 = arith.index_cast %sub3A_1373 : i32 to index
        %swap3A_1380 = tpu.vector_load %arg7[%swap3A_1376, %swap3A_1377, %swap3A_1378, %swap3A_1379] {strides = array<i32>} : memref<2x1x8x1024xf32, #tpu.memory_space<vmem>>, vector<16xf32>,
        tpu.vector_store %arg7[%swap3A_1376, %swap3A_1377, %swap3A_1378, %swap3A_1379], %gather3A_1197 {strides = array<i32>} : memref<2x1x8x1024xf32, #tpu.memory_space<vmem>>, vector<16xf32>,
        %mul3A_1381 = arith.constant 16 : i32
        %mul3A_1382 = arith.muli %scan3A_1297, %mul3A_1381 : i32
        %sub3A_1383 = arith.constant 16 : i32
        %sub3A_1384 = arith.subi %mul3A_1382, %sub3A_1383 : i32
        %swap3A_1385 = arith.constant 0 : i32
        %swap3A_1386 = arith.constant 6 : i32
        %swap3A_1387 = arith.index_cast %rem3A_112 : i32 to index
        %swap3A_1388 = arith.index_cast %swap3A_1385 : i32 to index
        %swap3A_1389 = arith.index_cast %swap3A_1386 : i32 to index
        %swap3A_1390 = arith.index_cast %sub3A_1384 : i32 to index
        %swap3A_1391 = tpu.vector_load %arg7[%swap3A_1387, %swap3A_1388, %swap3A_1389, %swap3A_1390] {strides = array<i32>} : memref<2x1x8x1024xf32, #tpu.memory_space<vmem>>, vector<16xf32>,
        tpu.vector_store %arg7[%swap3A_1387, %swap3A_1388, %swap3A_1389, %swap3A_1390], %gather3A_1198 {strides = array<i32>} : memref<2x1x8x1024xf32, #tpu.memory_space<vmem>>, vector<16xf32>,
        %mul3A_1392 = arith.constant 16 : i32
        %mul3A_1393 = arith.muli %scan3A_1297, %mul3A_1392 : i32
        %sub3A_1394 = arith.constant 16 : i32
        %sub3A_1395 = arith.subi %mul3A_1393, %sub3A_1394 : i32
        %swap3A_1396 = arith.constant 0 : i32
        %swap3A_1397 = arith.constant 7 : i32
        %swap3A_1398 = arith.index_cast %rem3A_112 : i32 to index
        %swap3A_1399 = arith.index_cast %swap3A_1396 : i32 to index
        %swap3A_1400 = arith.index_cast %swap3A_1397 : i32 to index
        %swap3A_1401 = arith.index_cast %sub3A_1395 : i32 to index
        %swap3A_1402 = tpu.vector_load %arg7[%swap3A_1398, %swap3A_1399, %swap3A_1400, %swap3A_1401] {strides = array<i32>} : memref<2x1x8x1024xf32, #tpu.memory_space<vmem>>, vector<16xf32>,
        tpu.vector_store %arg7[%swap3A_1398, %swap3A_1399, %swap3A_1400, %swap3A_1401], %gather3A_1199 {strides = array<i32>} : memref<2x1x8x1024xf32, #tpu.memory_space<vmem>>, vector<16xf32>,
        %add3A_1403 = arith.addi %get3A_1306, %broadcast_in_dim3A_30 : vector<16xi32>
        %add3A_1404 = arith.addi %get3A_1306, %broadcast_in_dim3A_32 : vector<16xi32>
        %add3A_1405 = arith.addi %get3A_1306, %broadcast_in_dim3A_34 : vector<16xi32>
        %add3A_1406 = arith.addi %get3A_1306, %broadcast_in_dim3A_36 : vector<16xi32>
        %add3A_1407 = arith.addi %get3A_1306, %broadcast_in_dim3A_38 : vector<16xi32>
        %add3A_1408 = arith.addi %get3A_1306, %broadcast_in_dim3A_40 : vector<16xi32>
        %add3A_1409 = arith.addi %get3A_1306, %broadcast_in_dim3A_42 : vector<16xi32>
        %add3A_1410 = arith.addi %get3A_1306, %broadcast_in_dim3A_44 : vector<16xi32>
        %scan3A_1411 = arith.constant 3 : i32
        %scan3A_1412 = arith.addi %scan3A_1051, %scan3A_1411 : i32
        %mul3A_1413 = arith.constant 16 : i32
        %mul3A_1414 = arith.muli %scan3A_1412, %mul3A_1413 : i32
        %add3A_1415 = arith.constant 16 : i32
        %add3A_1416 = arith.addi %mul3A_1414, %add3A_1415 : i32
        %get3A_1417 = arith.constant 0 : i32
        %get3A_1418 = arith.index_cast %rem3A_112 : i32 to index
        %get3A_1419 = arith.index_cast %get3A_1417 : i32 to index
        %get3A_1420 = arith.index_cast %add3A_1416 : i32 to index
        %get3A_1421 = tpu.vector_load %arg6[%get3A_1418, %get3A_1419, %get3A_1420] {strides = array<i32>} : memref<2x1x1040xi32, #tpu.memory_space<vmem>>, vector<16xi32>,
        %gather3A_1422 = tpu.vector_load_idx %arg5[%add3A_1403] : memref<8192xf32, #tpu.memory_space<vmem>>[vector<16xi32>], vector<16xf32>,
        %gather3A_1423 = tpu.vector_load_idx %arg5[%add3A_1404] : memref<8192xf32, #tpu.memory_space<vmem>>[vector<16xi32>], vector<16xf32>,
        %gather3A_1424 = tpu.vector_load_idx %arg5[%add3A_1405] : memref<8192xf32, #tpu.memory_space<vmem>>[vector<16xi32>], vector<16xf32>,
        %gather3A_1425 = tpu.vector_load_idx %arg5[%add3A_1406] : memref<8192xf32, #tpu.memory_space<vmem>>[vector<16xi32>], vector<16xf32>,
        %gather3A_1426 = tpu.vector_load_idx %arg5[%add3A_1407] : memref<8192xf32, #tpu.memory_space<vmem>>[vector<16xi32>], vector<16xf32>,
        %gather3A_1427 = tpu.vector_load_idx %arg5[%add3A_1408] : memref<8192xf32, #tpu.memory_space<vmem>>[vector<16xi32>], vector<16xf32>,
        %gather3A_1428 = tpu.vector_load_idx %arg5[%add3A_1409] : memref<8192xf32, #tpu.memory_space<vmem>>[vector<16xi32>], vector<16xf32>,
        %gather3A_1429 = tpu.vector_load_idx %arg5[%add3A_1410] : memref<8192xf32, #tpu.memory_space<vmem>>[vector<16xi32>], vector<16xf32>,
        %mul3A_1430 = arith.constant 16 : i32
        %mul3A_1431 = arith.muli %scan3A_1412, %mul3A_1430 : i32
        %sub3A_1432 = arith.constant 16 : i32
        %sub3A_1433 = arith.subi %mul3A_1431, %sub3A_1432 : i32
        %swap3A_1434 = arith.constant 0 : i32
        %swap3A_1435 = arith.constant 0 : i32
        %swap3A_1436 = arith.index_cast %rem3A_112 : i32 to index
        %swap3A_1437 = arith.index_cast %swap3A_1434 : i32 to index
        %swap3A_1438 = arith.index_cast %swap3A_1435 : i32 to index
        %swap3A_1439 = arith.index_cast %sub3A_1433 : i32 to index
        %swap3A_1440 = tpu.vector_load %arg7[%swap3A_1436, %swap3A_1437, %swap3A_1438, %swap3A_1439] {strides = array<i32>} : memref<2x1x8x1024xf32, #tpu.memory_space<vmem>>, vector<16xf32>,
        tpu.vector_store %arg7[%swap3A_1436, %swap3A_1437, %swap3A_1438, %swap3A_1439], %gather3A_1307 {strides = array<i32>} : memref<2x1x8x1024xf32, #tpu.memory_space<vmem>>, vector<16xf32>,
        %mul3A_1441 = arith.constant 16 : i32
        %mul3A_1442 = arith.muli %scan3A_1412, %mul3A_1441 : i32
        %sub3A_1443 = arith.constant 16 : i32
        %sub3A_1444 = arith.subi %mul3A_1442, %sub3A_1443 : i32
        %swap3A_1445 = arith.constant 0 : i32
        %swap3A_1446 = arith.constant 1 : i32
        %swap3A_1447 = arith.index_cast %rem3A_112 : i32 to index
        %swap3A_1448 = arith.index_cast %swap3A_1445 : i32 to index
        %swap3A_1449 = arith.index_cast %swap3A_1446 : i32 to index
        %swap3A_1450 = arith.index_cast %sub3A_1444 : i32 to index
        %swap3A_1451 = tpu.vector_load %arg7[%swap3A_1447, %swap3A_1448, %swap3A_1449, %swap3A_1450] {strides = array<i32>} : memref<2x1x8x1024xf32, #tpu.memory_space<vmem>>, vector<16xf32>,
        tpu.vector_store %arg7[%swap3A_1447, %swap3A_1448, %swap3A_1449, %swap3A_1450], %gather3A_1308 {strides = array<i32>} : memref<2x1x8x1024xf32, #tpu.memory_space<vmem>>, vector<16xf32>,
        %mul3A_1452 = arith.constant 16 : i32
        %mul3A_1453 = arith.muli %scan3A_1412, %mul3A_1452 : i32
        %sub3A_1454 = arith.constant 16 : i32
        %sub3A_1455 = arith.subi %mul3A_1453, %sub3A_1454 : i32
        %swap3A_1456 = arith.constant 0 : i32
        %swap3A_1457 = arith.constant 2 : i32
        %swap3A_1458 = arith.index_cast %rem3A_112 : i32 to index
        %swap3A_1459 = arith.index_cast %swap3A_1456 : i32 to index
        %swap3A_1460 = arith.index_cast %swap3A_1457 : i32 to index
        %swap3A_1461 = arith.index_cast %sub3A_1455 : i32 to index
        %swap3A_1462 = tpu.vector_load %arg7[%swap3A_1458, %swap3A_1459, %swap3A_1460, %swap3A_1461] {strides = array<i32>} : memref<2x1x8x1024xf32, #tpu.memory_space<vmem>>, vector<16xf32>,
        tpu.vector_store %arg7[%swap3A_1458, %swap3A_1459, %swap3A_1460, %swap3A_1461], %gather3A_1309 {strides = array<i32>} : memref<2x1x8x1024xf32, #tpu.memory_space<vmem>>, vector<16xf32>,
        %mul3A_1463 = arith.constant 16 : i32
        %mul3A_1464 = arith.muli %scan3A_1412, %mul3A_1463 : i32
        %sub3A_1465 = arith.constant 16 : i32
        %sub3A_1466 = arith.subi %mul3A_1464, %sub3A_1465 : i32
        %swap3A_1467 = arith.constant 0 : i32
        %swap3A_1468 = arith.constant 3 : i32
        %swap3A_1469 = arith.index_cast %rem3A_112 : i32 to index
        %swap3A_1470 = arith.index_cast %swap3A_1467 : i32 to index
        %swap3A_1471 = arith.index_cast %swap3A_1468 : i32 to index
        %swap3A_1472 = arith.index_cast %sub3A_1466 : i32 to index
        %swap3A_1473 = tpu.vector_load %arg7[%swap3A_1469, %swap3A_1470, %swap3A_1471, %swap3A_1472] {strides = array<i32>} : memref<2x1x8x1024xf32, #tpu.memory_space<vmem>>, vector<16xf32>,
        tpu.vector_store %arg7[%swap3A_1469, %swap3A_1470, %swap3A_1471, %swap3A_1472], %gather3A_1310 {strides = array<i32>} : memref<2x1x8x1024xf32, #tpu.memory_space<vmem>>, vector<16xf32>,
        %mul3A_1474 = arith.constant 16 : i32
        %mul3A_1475 = arith.muli %scan3A_1412, %mul3A_1474 : i32
        %sub3A_1476 = arith.constant 16 : i32
        %sub3A_1477 = arith.subi %mul3A_1475, %sub3A_1476 : i32
        %swap3A_1478 = arith.constant 0 : i32
        %swap3A_1479 = arith.constant 4 : i32
        %swap3A_1480 = arith.index_cast %rem3A_112 : i32 to index
        %swap3A_1481 = arith.index_cast %swap3A_1478 : i32 to index
        %swap3A_1482 = arith.index_cast %swap3A_1479 : i32 to index
        %swap3A_1483 = arith.index_cast %sub3A_1477 : i32 to index
        %swap3A_1484 = tpu.vector_load %arg7[%swap3A_1480, %swap3A_1481, %swap3A_1482, %swap3A_1483] {strides = array<i32>} : memref<2x1x8x1024xf32, #tpu.memory_space<vmem>>, vector<16xf32>,
        tpu.vector_store %arg7[%swap3A_1480, %swap3A_1481, %swap3A_1482, %swap3A_1483], %gather3A_1311 {strides = array<i32>} : memref<2x1x8x1024xf32, #tpu.memory_space<vmem>>, vector<16xf32>,
        %mul3A_1485 = arith.constant 16 : i32
        %mul3A_1486 = arith.muli %scan3A_1412, %mul3A_1485 : i32
        %sub3A_1487 = arith.constant 16 : i32
        %sub3A_1488 = arith.subi %mul3A_1486, %sub3A_1487 : i32
        %swap3A_1489 = arith.constant 0 : i32
        %swap3A_1490 = arith.constant 5 : i32
        %swap3A_1491 = arith.index_cast %rem3A_112 : i32 to index
        %swap3A_1492 = arith.index_cast %swap3A_1489 : i32 to index
        %swap3A_1493 = arith.index_cast %swap3A_1490 : i32 to index
        %swap3A_1494 = arith.index_cast %sub3A_1488 : i32 to index
        %swap3A_1495 = tpu.vector_load %arg7[%swap3A_1491, %swap3A_1492, %swap3A_1493, %swap3A_1494] {strides = array<i32>} : memref<2x1x8x1024xf32, #tpu.memory_space<vmem>>, vector<16xf32>,
        tpu.vector_store %arg7[%swap3A_1491, %swap3A_1492, %swap3A_1493, %swap3A_1494], %gather3A_1312 {strides = array<i32>} : memref<2x1x8x1024xf32, #tpu.memory_space<vmem>>, vector<16xf32>,
        %mul3A_1496 = arith.constant 16 : i32
        %mul3A_1497 = arith.muli %scan3A_1412, %mul3A_1496 : i32
        %sub3A_1498 = arith.constant 16 : i32
        %sub3A_1499 = arith.subi %mul3A_1497, %sub3A_1498 : i32
        %swap3A_1500 = arith.constant 0 : i32
        %swap3A_1501 = arith.constant 6 : i32
        %swap3A_1502 = arith.index_cast %rem3A_112 : i32 to index
        %swap3A_1503 = arith.index_cast %swap3A_1500 : i32 to index
        %swap3A_1504 = arith.index_cast %swap3A_1501 : i32 to index
        %swap3A_1505 = arith.index_cast %sub3A_1499 : i32 to index
        %swap3A_1506 = tpu.vector_load %arg7[%swap3A_1502, %swap3A_1503, %swap3A_1504, %swap3A_1505] {strides = array<i32>} : memref<2x1x8x1024xf32, #tpu.memory_space<vmem>>, vector<16xf32>,
        tpu.vector_store %arg7[%swap3A_1502, %swap3A_1503, %swap3A_1504, %swap3A_1505], %gather3A_1313 {strides = array<i32>} : memref<2x1x8x1024xf32, #tpu.memory_space<vmem>>, vector<16xf32>,
        %mul3A_1507 = arith.constant 16 : i32
        %mul3A_1508 = arith.muli %scan3A_1412, %mul3A_1507 : i32
        %sub3A_1509 = arith.constant 16 : i32
        %sub3A_1510 = arith.subi %mul3A_1508, %sub3A_1509 : i32
        %swap3A_1511 = arith.constant 0 : i32
        %swap3A_1512 = arith.constant 7 : i32
        %swap3A_1513 = arith.index_cast %rem3A_112 : i32 to index
        %swap3A_1514 = arith.index_cast %swap3A_1511 : i32 to index
        %swap3A_1515 = arith.index_cast %swap3A_1512 : i32 to index
        %swap3A_1516 = arith.index_cast %sub3A_1510 : i32 to index
        %swap3A_1517 = tpu.vector_load %arg7[%swap3A_1513, %swap3A_1514, %swap3A_1515, %swap3A_1516] {strides = array<i32>} : memref<2x1x8x1024xf32, #tpu.memory_space<vmem>>, vector<16xf32>,
        tpu.vector_store %arg7[%swap3A_1513, %swap3A_1514, %swap3A_1515, %swap3A_1516], %gather3A_1314 {strides = array<i32>} : memref<2x1x8x1024xf32, #tpu.memory_space<vmem>>, vector<16xf32>,
        %add3A_1518 = arith.addi %get3A_1421, %broadcast_in_dim3A_30 : vector<16xi32>
        %add3A_1519 = arith.addi %get3A_1421, %broadcast_in_dim3A_32 : vector<16xi32>
        %add3A_1520 = arith.addi %get3A_1421, %broadcast_in_dim3A_34 : vector<16xi32>
        %add3A_1521 = arith.addi %get3A_1421, %broadcast_in_dim3A_36 : vector<16xi32>
        %add3A_1522 = arith.addi %get3A_1421, %broadcast_in_dim3A_38 : vector<16xi32>
        %add3A_1523 = arith.addi %get3A_1421, %broadcast_in_dim3A_40 : vector<16xi32>
        %add3A_1524 = arith.addi %get3A_1421, %broadcast_in_dim3A_42 : vector<16xi32>
        %add3A_1525 = arith.addi %get3A_1421, %broadcast_in_dim3A_44 : vector<16xi32>
        %scan3A_1526 = arith.constant 4 : i32
        %scan3A_1527 = arith.addi %scan3A_1051, %scan3A_1526 : i32
        %mul3A_1528 = arith.constant 16 : i32
        %mul3A_1529 = arith.muli %scan3A_1527, %mul3A_1528 : i32
        %add3A_1530 = arith.constant 16 : i32
        %add3A_1531 = arith.addi %mul3A_1529, %add3A_1530 : i32
        %get3A_1532 = arith.constant 0 : i32
        %get3A_1533 = arith.index_cast %rem3A_112 : i32 to index
        %get3A_1534 = arith.index_cast %get3A_1532 : i32 to index
        %get3A_1535 = arith.index_cast %add3A_1531 : i32 to index
        %get3A_1536 = tpu.vector_load %arg6[%get3A_1533, %get3A_1534, %get3A_1535] {strides = array<i32>} : memref<2x1x1040xi32, #tpu.memory_space<vmem>>, vector<16xi32>,
        %gather3A_1537 = tpu.vector_load_idx %arg5[%add3A_1518] : memref<8192xf32, #tpu.memory_space<vmem>>[vector<16xi32>], vector<16xf32>,
        %gather3A_1538 = tpu.vector_load_idx %arg5[%add3A_1519] : memref<8192xf32, #tpu.memory_space<vmem>>[vector<16xi32>], vector<16xf32>,
        %gather3A_1539 = tpu.vector_load_idx %arg5[%add3A_1520] : memref<8192xf32, #tpu.memory_space<vmem>>[vector<16xi32>], vector<16xf32>,
        %gather3A_1540 = tpu.vector_load_idx %arg5[%add3A_1521] : memref<8192xf32, #tpu.memory_space<vmem>>[vector<16xi32>], vector<16xf32>,
        %gather3A_1541 = tpu.vector_load_idx %arg5[%add3A_1522] : memref<8192xf32, #tpu.memory_space<vmem>>[vector<16xi32>], vector<16xf32>,
        %gather3A_1542 = tpu.vector_load_idx %arg5[%add3A_1523] : memref<8192xf32, #tpu.memory_space<vmem>>[vector<16xi32>], vector<16xf32>,
        %gather3A_1543 = tpu.vector_load_idx %arg5[%add3A_1524] : memref<8192xf32, #tpu.memory_space<vmem>>[vector<16xi32>], vector<16xf32>,
        %gather3A_1544 = tpu.vector_load_idx %arg5[%add3A_1525] : memref<8192xf32, #tpu.memory_space<vmem>>[vector<16xi32>], vector<16xf32>,
        %mul3A_1545 = arith.constant 16 : i32
        %mul3A_1546 = arith.muli %scan3A_1527, %mul3A_1545 : i32
        %sub3A_1547 = arith.constant 16 : i32
        %sub3A_1548 = arith.subi %mul3A_1546, %sub3A_1547 : i32
        %swap3A_1549 = arith.constant 0 : i32
        %swap3A_1550 = arith.constant 0 : i32
        %swap3A_1551 = arith.index_cast %rem3A_112 : i32 to index
        %swap3A_1552 = arith.index_cast %swap3A_1549 : i32 to index
        %swap3A_1553 = arith.index_cast %swap3A_1550 : i32 to index
        %swap3A_1554 = arith.index_cast %sub3A_1548 : i32 to index
        %swap3A_1555 = tpu.vector_load %arg7[%swap3A_1551, %swap3A_1552, %swap3A_1553, %swap3A_1554] {strides = array<i32>} : memref<2x1x8x1024xf32, #tpu.memory_space<vmem>>, vector<16xf32>,
        tpu.vector_store %arg7[%swap3A_1551, %swap3A_1552, %swap3A_1553, %swap3A_1554], %gather3A_1422 {strides = array<i32>} : memref<2x1x8x1024xf32, #tpu.memory_space<vmem>>, vector<16xf32>,
        %mul3A_1556 = arith.constant 16 : i32
        %mul3A_1557 = arith.muli %scan3A_1527, %mul3A_1556 : i32
        %sub3A_1558 = arith.constant 16 : i32
        %sub3A_1559 = arith.subi %mul3A_1557, %sub3A_1558 : i32
        %swap3A_1560 = arith.constant 0 : i32
        %swap3A_1561 = arith.constant 1 : i32
        %swap3A_1562 = arith.index_cast %rem3A_112 : i32 to index
        %swap3A_1563 = arith.index_cast %swap3A_1560 : i32 to index
        %swap3A_1564 = arith.index_cast %swap3A_1561 : i32 to index
        %swap3A_1565 = arith.index_cast %sub3A_1559 : i32 to index
        %swap3A_1566 = tpu.vector_load %arg7[%swap3A_1562, %swap3A_1563, %swap3A_1564, %swap3A_1565] {strides = array<i32>} : memref<2x1x8x1024xf32, #tpu.memory_space<vmem>>, vector<16xf32>,
        tpu.vector_store %arg7[%swap3A_1562, %swap3A_1563, %swap3A_1564, %swap3A_1565], %gather3A_1423 {strides = array<i32>} : memref<2x1x8x1024xf32, #tpu.memory_space<vmem>>, vector<16xf32>,
        %mul3A_1567 = arith.constant 16 : i32
        %mul3A_1568 = arith.muli %scan3A_1527, %mul3A_1567 : i32
        %sub3A_1569 = arith.constant 16 : i32
        %sub3A_1570 = arith.subi %mul3A_1568, %sub3A_1569 : i32
        %swap3A_1571 = arith.constant 0 : i32
        %swap3A_1572 = arith.constant 2 : i32
        %swap3A_1573 = arith.index_cast %rem3A_112 : i32 to index
        %swap3A_1574 = arith.index_cast %swap3A_1571 : i32 to index
        %swap3A_1575 = arith.index_cast %swap3A_1572 : i32 to index
        %swap3A_1576 = arith.index_cast %sub3A_1570 : i32 to index
        %swap3A_1577 = tpu.vector_load %arg7[%swap3A_1573, %swap3A_1574, %swap3A_1575, %swap3A_1576] {strides = array<i32>} : memref<2x1x8x1024xf32, #tpu.memory_space<vmem>>, vector<16xf32>,
        tpu.vector_store %arg7[%swap3A_1573, %swap3A_1574, %swap3A_1575, %swap3A_1576], %gather3A_1424 {strides = array<i32>} : memref<2x1x8x1024xf32, #tpu.memory_space<vmem>>, vector<16xf32>,
        %mul3A_1578 = arith.constant 16 : i32
        %mul3A_1579 = arith.muli %scan3A_1527, %mul3A_1578 : i32
        %sub3A_1580 = arith.constant 16 : i32
        %sub3A_1581 = arith.subi %mul3A_1579, %sub3A_1580 : i32
        %swap3A_1582 = arith.constant 0 : i32
        %swap3A_1583 = arith.constant 3 : i32
        %swap3A_1584 = arith.index_cast %rem3A_112 : i32 to index
        %swap3A_1585 = arith.index_cast %swap3A_1582 : i32 to index
        %swap3A_1586 = arith.index_cast %swap3A_1583 : i32 to index
        %swap3A_1587 = arith.index_cast %sub3A_1581 : i32 to index
        %swap3A_1588 = tpu.vector_load %arg7[%swap3A_1584, %swap3A_1585, %swap3A_1586, %swap3A_1587] {strides = array<i32>} : memref<2x1x8x1024xf32, #tpu.memory_space<vmem>>, vector<16xf32>,
        tpu.vector_store %arg7[%swap3A_1584, %swap3A_1585, %swap3A_1586, %swap3A_1587], %gather3A_1425 {strides = array<i32>} : memref<2x1x8x1024xf32, #tpu.memory_space<vmem>>, vector<16xf32>,
        %mul3A_1589 = arith.constant 16 : i32
        %mul3A_1590 = arith.muli %scan3A_1527, %mul3A_1589 : i32
        %sub3A_1591 = arith.constant 16 : i32
        %sub3A_1592 = arith.subi %mul3A_1590, %sub3A_1591 : i32
        %swap3A_1593 = arith.constant 0 : i32
        %swap3A_1594 = arith.constant 4 : i32
        %swap3A_1595 = arith.index_cast %rem3A_112 : i32 to index
        %swap3A_1596 = arith.index_cast %swap3A_1593 : i32 to index
        %swap3A_1597 = arith.index_cast %swap3A_1594 : i32 to index
        %swap3A_1598 = arith.index_cast %sub3A_1592 : i32 to index
        %swap3A_1599 = tpu.vector_load %arg7[%swap3A_1595, %swap3A_1596, %swap3A_1597, %swap3A_1598] {strides = array<i32>} : memref<2x1x8x1024xf32, #tpu.memory_space<vmem>>, vector<16xf32>,
        tpu.vector_store %arg7[%swap3A_1595, %swap3A_1596, %swap3A_1597, %swap3A_1598], %gather3A_1426 {strides = array<i32>} : memref<2x1x8x1024xf32, #tpu.memory_space<vmem>>, vector<16xf32>,
        %mul3A_1600 = arith.constant 16 : i32
        %mul3A_1601 = arith.muli %scan3A_1527, %mul3A_1600 : i32
        %sub3A_1602 = arith.constant 16 : i32
        %sub3A_1603 = arith.subi %mul3A_1601, %sub3A_1602 : i32
        %swap3A_1604 = arith.constant 0 : i32
        %swap3A_1605 = arith.constant 5 : i32
        %swap3A_1606 = arith.index_cast %rem3A_112 : i32 to index
        %swap3A_1607 = arith.index_cast %swap3A_1604 : i32 to index
        %swap3A_1608 = arith.index_cast %swap3A_1605 : i32 to index
        %swap3A_1609 = arith.index_cast %sub3A_1603 : i32 to index
        %swap3A_1610 = tpu.vector_load %arg7[%swap3A_1606, %swap3A_1607, %swap3A_1608, %swap3A_1609] {strides = array<i32>} : memref<2x1x8x1024xf32, #tpu.memory_space<vmem>>, vector<16xf32>,
        tpu.vector_store %arg7[%swap3A_1606, %swap3A_1607, %swap3A_1608, %swap3A_1609], %gather3A_1427 {strides = array<i32>} : memref<2x1x8x1024xf32, #tpu.memory_space<vmem>>, vector<16xf32>,
        %mul3A_1611 = arith.constant 16 : i32
        %mul3A_1612 = arith.muli %scan3A_1527, %mul3A_1611 : i32
        %sub3A_1613 = arith.constant 16 : i32
        %sub3A_1614 = arith.subi %mul3A_1612, %sub3A_1613 : i32
        %swap3A_1615 = arith.constant 0 : i32
        %swap3A_1616 = arith.constant 6 : i32
        %swap3A_1617 = arith.index_cast %rem3A_112 : i32 to index
        %swap3A_1618 = arith.index_cast %swap3A_1615 : i32 to index
        %swap3A_1619 = arith.index_cast %swap3A_1616 : i32 to index
        %swap3A_1620 = arith.index_cast %sub3A_1614 : i32 to index
        %swap3A_1621 = tpu.vector_load %arg7[%swap3A_1617, %swap3A_1618, %swap3A_1619, %swap3A_1620] {strides = array<i32>} : memref<2x1x8x1024xf32, #tpu.memory_space<vmem>>, vector<16xf32>,
        tpu.vector_store %arg7[%swap3A_1617, %swap3A_1618, %swap3A_1619, %swap3A_1620], %gather3A_1428 {strides = array<i32>} : memref<2x1x8x1024xf32, #tpu.memory_space<vmem>>, vector<16xf32>,
        %mul3A_1622 = arith.constant 16 : i32
        %mul3A_1623 = arith.muli %scan3A_1527, %mul3A_1622 : i32
        %sub3A_1624 = arith.constant 16 : i32
        %sub3A_1625 = arith.subi %mul3A_1623, %sub3A_1624 : i32
        %swap3A_1626 = arith.constant 0 : i32
        %swap3A_1627 = arith.constant 7 : i32
        %swap3A_1628 = arith.index_cast %rem3A_112 : i32 to index
        %swap3A_1629 = arith.index_cast %swap3A_1626 : i32 to index
        %swap3A_1630 = arith.index_cast %swap3A_1627 : i32 to index
        %swap3A_1631 = arith.index_cast %sub3A_1625 : i32 to index
        %swap3A_1632 = tpu.vector_load %arg7[%swap3A_1628, %swap3A_1629, %swap3A_1630, %swap3A_1631] {strides = array<i32>} : memref<2x1x8x1024xf32, #tpu.memory_space<vmem>>, vector<16xf32>,
        tpu.vector_store %arg7[%swap3A_1628, %swap3A_1629, %swap3A_1630, %swap3A_1631], %gather3A_1429 {strides = array<i32>} : memref<2x1x8x1024xf32, #tpu.memory_space<vmem>>, vector<16xf32>,
        %add3A_1633 = arith.addi %get3A_1536, %broadcast_in_dim3A_30 : vector<16xi32>
        %add3A_1634 = arith.addi %get3A_1536, %broadcast_in_dim3A_32 : vector<16xi32>
        %add3A_1635 = arith.addi %get3A_1536, %broadcast_in_dim3A_34 : vector<16xi32>
        %add3A_1636 = arith.addi %get3A_1536, %broadcast_in_dim3A_36 : vector<16xi32>
        %add3A_1637 = arith.addi %get3A_1536, %broadcast_in_dim3A_38 : vector<16xi32>
        %add3A_1638 = arith.addi %get3A_1536, %broadcast_in_dim3A_40 : vector<16xi32>
        %add3A_1639 = arith.addi %get3A_1536, %broadcast_in_dim3A_42 : vector<16xi32>
        %add3A_1640 = arith.addi %get3A_1536, %broadcast_in_dim3A_44 : vector<16xi32>
        %scan3A_1641 = arith.constant 5 : i32
        %scan3A_1642 = arith.addi %scan3A_1051, %scan3A_1641 : i32
        %mul3A_1643 = arith.constant 16 : i32
        %mul3A_1644 = arith.muli %scan3A_1642, %mul3A_1643 : i32
        %add3A_1645 = arith.constant 16 : i32
        %add3A_1646 = arith.addi %mul3A_1644, %add3A_1645 : i32
        %get3A_1647 = arith.constant 0 : i32
        %get3A_1648 = arith.index_cast %rem3A_112 : i32 to index
        %get3A_1649 = arith.index_cast %get3A_1647 : i32 to index
        %get3A_1650 = arith.index_cast %add3A_1646 : i32 to index
        %get3A_1651 = tpu.vector_load %arg6[%get3A_1648, %get3A_1649, %get3A_1650] {strides = array<i32>} : memref<2x1x1040xi32, #tpu.memory_space<vmem>>, vector<16xi32>,
        %gather3A_1652 = tpu.vector_load_idx %arg5[%add3A_1633] : memref<8192xf32, #tpu.memory_space<vmem>>[vector<16xi32>], vector<16xf32>,
        %gather3A_1653 = tpu.vector_load_idx %arg5[%add3A_1634] : memref<8192xf32, #tpu.memory_space<vmem>>[vector<16xi32>], vector<16xf32>,
        %gather3A_1654 = tpu.vector_load_idx %arg5[%add3A_1635] : memref<8192xf32, #tpu.memory_space<vmem>>[vector<16xi32>], vector<16xf32>,
        %gather3A_1655 = tpu.vector_load_idx %arg5[%add3A_1636] : memref<8192xf32, #tpu.memory_space<vmem>>[vector<16xi32>], vector<16xf32>,
        %gather3A_1656 = tpu.vector_load_idx %arg5[%add3A_1637] : memref<8192xf32, #tpu.memory_space<vmem>>[vector<16xi32>], vector<16xf32>,
        %gather3A_1657 = tpu.vector_load_idx %arg5[%add3A_1638] : memref<8192xf32, #tpu.memory_space<vmem>>[vector<16xi32>], vector<16xf32>,
        %gather3A_1658 = tpu.vector_load_idx %arg5[%add3A_1639] : memref<8192xf32, #tpu.memory_space<vmem>>[vector<16xi32>], vector<16xf32>,
        %gather3A_1659 = tpu.vector_load_idx %arg5[%add3A_1640] : memref<8192xf32, #tpu.memory_space<vmem>>[vector<16xi32>], vector<16xf32>,
        %mul3A_1660 = arith.constant 16 : i32
        %mul3A_1661 = arith.muli %scan3A_1642, %mul3A_1660 : i32
        %sub3A_1662 = arith.constant 16 : i32
        %sub3A_1663 = arith.subi %mul3A_1661, %sub3A_1662 : i32
        %swap3A_1664 = arith.constant 0 : i32
        %swap3A_1665 = arith.constant 0 : i32
        %swap3A_1666 = arith.index_cast %rem3A_112 : i32 to index
        %swap3A_1667 = arith.index_cast %swap3A_1664 : i32 to index
        %swap3A_1668 = arith.index_cast %swap3A_1665 : i32 to index
        %swap3A_1669 = arith.index_cast %sub3A_1663 : i32 to index
        %swap3A_1670 = tpu.vector_load %arg7[%swap3A_1666, %swap3A_1667, %swap3A_1668, %swap3A_1669] {strides = array<i32>} : memref<2x1x8x1024xf32, #tpu.memory_space<vmem>>, vector<16xf32>,
        tpu.vector_store %arg7[%swap3A_1666, %swap3A_1667, %swap3A_1668, %swap3A_1669], %gather3A_1537 {strides = array<i32>} : memref<2x1x8x1024xf32, #tpu.memory_space<vmem>>, vector<16xf32>,
        %mul3A_1671 = arith.constant 16 : i32
        %mul3A_1672 = arith.muli %scan3A_1642, %mul3A_1671 : i32
        %sub3A_1673 = arith.constant 16 : i32
        %sub3A_1674 = arith.subi %mul3A_1672, %sub3A_1673 : i32
        %swap3A_1675 = arith.constant 0 : i32
        %swap3A_1676 = arith.constant 1 : i32
        %swap3A_1677 = arith.index_cast %rem3A_112 : i32 to index
        %swap3A_1678 = arith.index_cast %swap3A_1675 : i32 to index
        %swap3A_1679 = arith.index_cast %swap3A_1676 : i32 to index
        %swap3A_1680 = arith.index_cast %sub3A_1674 : i32 to index
        %swap3A_1681 = tpu.vector_load %arg7[%swap3A_1677, %swap3A_1678, %swap3A_1679, %swap3A_1680] {strides = array<i32>} : memref<2x1x8x1024xf32, #tpu.memory_space<vmem>>, vector<16xf32>,
        tpu.vector_store %arg7[%swap3A_1677, %swap3A_1678, %swap3A_1679, %swap3A_1680], %gather3A_1538 {strides = array<i32>} : memref<2x1x8x1024xf32, #tpu.memory_space<vmem>>, vector<16xf32>,
        %mul3A_1682 = arith.constant 16 : i32
        %mul3A_1683 = arith.muli %scan3A_1642, %mul3A_1682 : i32
        %sub3A_1684 = arith.constant 16 : i32
        %sub3A_1685 = arith.subi %mul3A_1683, %sub3A_1684 : i32
        %swap3A_1686 = arith.constant 0 : i32
        %swap3A_1687 = arith.constant 2 : i32
        %swap3A_1688 = arith.index_cast %rem3A_112 : i32 to index
        %swap3A_1689 = arith.index_cast %swap3A_1686 : i32 to index
        %swap3A_1690 = arith.index_cast %swap3A_1687 : i32 to index
        %swap3A_1691 = arith.index_cast %sub3A_1685 : i32 to index
        %swap3A_1692 = tpu.vector_load %arg7[%swap3A_1688, %swap3A_1689, %swap3A_1690, %swap3A_1691] {strides = array<i32>} : memref<2x1x8x1024xf32, #tpu.memory_space<vmem>>, vector<16xf32>,
        tpu.vector_store %arg7[%swap3A_1688, %swap3A_1689, %swap3A_1690, %swap3A_1691], %gather3A_1539 {strides = array<i32>} : memref<2x1x8x1024xf32, #tpu.memory_space<vmem>>, vector<16xf32>,
        %mul3A_1693 = arith.constant 16 : i32
        %mul3A_1694 = arith.muli %scan3A_1642, %mul3A_1693 : i32
        %sub3A_1695 = arith.constant 16 : i32
        %sub3A_1696 = arith.subi %mul3A_1694, %sub3A_1695 : i32
        %swap3A_1697 = arith.constant 0 : i32
        %swap3A_1698 = arith.constant 3 : i32
        %swap3A_1699 = arith.index_cast %rem3A_112 : i32 to index
        %swap3A_1700 = arith.index_cast %swap3A_1697 : i32 to index
        %swap3A_1701 = arith.index_cast %swap3A_1698 : i32 to index
        %swap3A_1702 = arith.index_cast %sub3A_1696 : i32 to index
        %swap3A_1703 = tpu.vector_load %arg7[%swap3A_1699, %swap3A_1700, %swap3A_1701, %swap3A_1702] {strides = array<i32>} : memref<2x1x8x1024xf32, #tpu.memory_space<vmem>>, vector<16xf32>,
        tpu.vector_store %arg7[%swap3A_1699, %swap3A_1700, %swap3A_1701, %swap3A_1702], %gather3A_1540 {strides = array<i32>} : memref<2x1x8x1024xf32, #tpu.memory_space<vmem>>, vector<16xf32>,
        %mul3A_1704 = arith.constant 16 : i32
        %mul3A_1705 = arith.muli %scan3A_1642, %mul3A_1704 : i32
        %sub3A_1706 = arith.constant 16 : i32
        %sub3A_1707 = arith.subi %mul3A_1705, %sub3A_1706 : i32
        %swap3A_1708 = arith.constant 0 : i32
        %swap3A_1709 = arith.constant 4 : i32
        %swap3A_1710 = arith.index_cast %rem3A_112 : i32 to index
        %swap3A_1711 = arith.index_cast %swap3A_1708 : i32 to index
        %swap3A_1712 = arith.index_cast %swap3A_1709 : i32 to index
        %swap3A_1713 = arith.index_cast %sub3A_1707 : i32 to index
        %swap3A_1714 = tpu.vector_load %arg7[%swap3A_1710, %swap3A_1711, %swap3A_1712, %swap3A_1713] {strides = array<i32>} : memref<2x1x8x1024xf32, #tpu.memory_space<vmem>>, vector<16xf32>,
        tpu.vector_store %arg7[%swap3A_1710, %swap3A_1711, %swap3A_1712, %swap3A_1713], %gather3A_1541 {strides = array<i32>} : memref<2x1x8x1024xf32, #tpu.memory_space<vmem>>, vector<16xf32>,
        %mul3A_1715 = arith.constant 16 : i32
        %mul3A_1716 = arith.muli %scan3A_1642, %mul3A_1715 : i32
        %sub3A_1717 = arith.constant 16 : i32
        %sub3A_1718 = arith.subi %mul3A_1716, %sub3A_1717 : i32
        %swap3A_1719 = arith.constant 0 : i32
        %swap3A_1720 = arith.constant 5 : i32
        %swap3A_1721 = arith.index_cast %rem3A_112 : i32 to index
        %swap3A_1722 = arith.index_cast %swap3A_1719 : i32 to index
        %swap3A_1723 = arith.index_cast %swap3A_1720 : i32 to index
        %swap3A_1724 = arith.index_cast %sub3A_1718 : i32 to index
        %swap3A_1725 = tpu.vector_load %arg7[%swap3A_1721, %swap3A_1722, %swap3A_1723, %swap3A_1724] {strides = array<i32>} : memref<2x1x8x1024xf32, #tpu.memory_space<vmem>>, vector<16xf32>,
        tpu.vector_store %arg7[%swap3A_1721, %swap3A_1722, %swap3A_1723, %swap3A_1724], %gather3A_1542 {strides = array<i32>} : memref<2x1x8x1024xf32, #tpu.memory_space<vmem>>, vector<16xf32>,
        %mul3A_1726 = arith.constant 16 : i32
        %mul3A_1727 = arith.muli %scan3A_1642, %mul3A_1726 : i32
        %sub3A_1728 = arith.constant 16 : i32
        %sub3A_1729 = arith.subi %mul3A_1727, %sub3A_1728 : i32
        %swap3A_1730 = arith.constant 0 : i32
        %swap3A_1731 = arith.constant 6 : i32
        %swap3A_1732 = arith.index_cast %rem3A_112 : i32 to index
        %swap3A_1733 = arith.index_cast %swap3A_1730 : i32 to index
        %swap3A_1734 = arith.index_cast %swap3A_1731 : i32 to index
        %swap3A_1735 = arith.index_cast %sub3A_1729 : i32 to index
        %swap3A_1736 = tpu.vector_load %arg7[%swap3A_1732, %swap3A_1733, %swap3A_1734, %swap3A_1735] {strides = array<i32>} : memref<2x1x8x1024xf32, #tpu.memory_space<vmem>>, vector<16xf32>,
        tpu.vector_store %arg7[%swap3A_1732, %swap3A_1733, %swap3A_1734, %swap3A_1735], %gather3A_1543 {strides = array<i32>} : memref<2x1x8x1024xf32, #tpu.memory_space<vmem>>, vector<16xf32>,
        %mul3A_1737 = arith.constant 16 : i32
        %mul3A_1738 = arith.muli %scan3A_1642, %mul3A_1737 : i32
        %sub3A_1739 = arith.constant 16 : i32
        %sub3A_1740 = arith.subi %mul3A_1738, %sub3A_1739 : i32
        %swap3A_1741 = arith.constant 0 : i32
        %swap3A_1742 = arith.constant 7 : i32
        %swap3A_1743 = arith.index_cast %rem3A_112 : i32 to index
        %swap3A_1744 = arith.index_cast %swap3A_1741 : i32 to index
        %swap3A_1745 = arith.index_cast %swap3A_1742 : i32 to index
        %swap3A_1746 = arith.index_cast %sub3A_1740 : i32 to index
        %swap3A_1747 = tpu.vector_load %arg7[%swap3A_1743, %swap3A_1744, %swap3A_1745, %swap3A_1746] {strides = array<i32>} : memref<2x1x8x1024xf32, #tpu.memory_space<vmem>>, vector<16xf32>,
        tpu.vector_store %arg7[%swap3A_1743, %swap3A_1744, %swap3A_1745, %swap3A_1746], %gather3A_1544 {strides = array<i32>} : memref<2x1x8x1024xf32, #tpu.memory_space<vmem>>, vector<16xf32>,
        %add3A_1748 = arith.addi %get3A_1651, %broadcast_in_dim3A_30 : vector<16xi32>
        %add3A_1749 = arith.addi %get3A_1651, %broadcast_in_dim3A_32 : vector<16xi32>
        %add3A_1750 = arith.addi %get3A_1651, %broadcast_in_dim3A_34 : vector<16xi32>
        %add3A_1751 = arith.addi %get3A_1651, %broadcast_in_dim3A_36 : vector<16xi32>
        %add3A_1752 = arith.addi %get3A_1651, %broadcast_in_dim3A_38 : vector<16xi32>
        %add3A_1753 = arith.addi %get3A_1651, %broadcast_in_dim3A_40 : vector<16xi32>
        %add3A_1754 = arith.addi %get3A_1651, %broadcast_in_dim3A_42 : vector<16xi32>
        %add3A_1755 = arith.addi %get3A_1651, %broadcast_in_dim3A_44 : vector<16xi32>
        %scan3A_1756 = arith.constant 6 : i32
        %scan3A_1757 = arith.addi %scan3A_1051, %scan3A_1756 : i32
        %mul3A_1758 = arith.constant 16 : i32
        %mul3A_1759 = arith.muli %scan3A_1757, %mul3A_1758 : i32
        %add3A_1760 = arith.constant 16 : i32
        %add3A_1761 = arith.addi %mul3A_1759, %add3A_1760 : i32
        %get3A_1762 = arith.constant 0 : i32
        %get3A_1763 = arith.index_cast %rem3A_112 : i32 to index
        %get3A_1764 = arith.index_cast %get3A_1762 : i32 to index
        %get3A_1765 = arith.index_cast %add3A_1761 : i32 to index
        %get3A_1766 = tpu.vector_load %arg6[%get3A_1763, %get3A_1764, %get3A_1765] {strides = array<i32>} : memref<2x1x1040xi32, #tpu.memory_space<vmem>>, vector<16xi32>,
        %gather3A_1767 = tpu.vector_load_idx %arg5[%add3A_1748] : memref<8192xf32, #tpu.memory_space<vmem>>[vector<16xi32>], vector<16xf32>,
        %gather3A_1768 = tpu.vector_load_idx %arg5[%add3A_1749] : memref<8192xf32, #tpu.memory_space<vmem>>[vector<16xi32>], vector<16xf32>,
        %gather3A_1769 = tpu.vector_load_idx %arg5[%add3A_1750] : memref<8192xf32, #tpu.memory_space<vmem>>[vector<16xi32>], vector<16xf32>,
        %gather3A_1770 = tpu.vector_load_idx %arg5[%add3A_1751] : memref<8192xf32, #tpu.memory_space<vmem>>[vector<16xi32>], vector<16xf32>,
        %gather3A_1771 = tpu.vector_load_idx %arg5[%add3A_1752] : memref<8192xf32, #tpu.memory_space<vmem>>[vector<16xi32>], vector<16xf32>,
        %gather3A_1772 = tpu.vector_load_idx %arg5[%add3A_1753] : memref<8192xf32, #tpu.memory_space<vmem>>[vector<16xi32>], vector<16xf32>,
        %gather3A_1773 = tpu.vector_load_idx %arg5[%add3A_1754] : memref<8192xf32, #tpu.memory_space<vmem>>[vector<16xi32>], vector<16xf32>,
        %gather3A_1774 = tpu.vector_load_idx %arg5[%add3A_1755] : memref<8192xf32, #tpu.memory_space<vmem>>[vector<16xi32>], vector<16xf32>,
        %mul3A_1775 = arith.constant 16 : i32
        %mul3A_1776 = arith.muli %scan3A_1757, %mul3A_1775 : i32
        %sub3A_1777 = arith.constant 16 : i32
        %sub3A_1778 = arith.subi %mul3A_1776, %sub3A_1777 : i32
        %swap3A_1779 = arith.constant 0 : i32
        %swap3A_1780 = arith.constant 0 : i32
        %swap3A_1781 = arith.index_cast %rem3A_112 : i32 to index
        %swap3A_1782 = arith.index_cast %swap3A_1779 : i32 to index
        %swap3A_1783 = arith.index_cast %swap3A_1780 : i32 to index
        %swap3A_1784 = arith.index_cast %sub3A_1778 : i32 to index
        %swap3A_1785 = tpu.vector_load %arg7[%swap3A_1781, %swap3A_1782, %swap3A_1783, %swap3A_1784] {strides = array<i32>} : memref<2x1x8x1024xf32, #tpu.memory_space<vmem>>, vector<16xf32>,
        tpu.vector_store %arg7[%swap3A_1781, %swap3A_1782, %swap3A_1783, %swap3A_1784], %gather3A_1652 {strides = array<i32>} : memref<2x1x8x1024xf32, #tpu.memory_space<vmem>>, vector<16xf32>,
        %mul3A_1786 = arith.constant 16 : i32
        %mul3A_1787 = arith.muli %scan3A_1757, %mul3A_1786 : i32
        %sub3A_1788 = arith.constant 16 : i32
        %sub3A_1789 = arith.subi %mul3A_1787, %sub3A_1788 : i32
        %swap3A_1790 = arith.constant 0 : i32
        %swap3A_1791 = arith.constant 1 : i32
        %swap3A_1792 = arith.index_cast %rem3A_112 : i32 to index
        %swap3A_1793 = arith.index_cast %swap3A_1790 : i32 to index
        %swap3A_1794 = arith.index_cast %swap3A_1791 : i32 to index
        %swap3A_1795 = arith.index_cast %sub3A_1789 : i32 to index
        %swap3A_1796 = tpu.vector_load %arg7[%swap3A_1792, %swap3A_1793, %swap3A_1794, %swap3A_1795] {strides = array<i32>} : memref<2x1x8x1024xf32, #tpu.memory_space<vmem>>, vector<16xf32>,
        tpu.vector_store %arg7[%swap3A_1792, %swap3A_1793, %swap3A_1794, %swap3A_1795], %gather3A_1653 {strides = array<i32>} : memref<2x1x8x1024xf32, #tpu.memory_space<vmem>>, vector<16xf32>,
        %mul3A_1797 = arith.constant 16 : i32
        %mul3A_1798 = arith.muli %scan3A_1757, %mul3A_1797 : i32
        %sub3A_1799 = arith.constant 16 : i32
        %sub3A_1800 = arith.subi %mul3A_1798, %sub3A_1799 : i32
        %swap3A_1801 = arith.constant 0 : i32
        %swap3A_1802 = arith.constant 2 : i32
        %swap3A_1803 = arith.index_cast %rem3A_112 : i32 to index
        %swap3A_1804 = arith.index_cast %swap3A_1801 : i32 to index
        %swap3A_1805 = arith.index_cast %swap3A_1802 : i32 to index
        %swap3A_1806 = arith.index_cast %sub3A_1800 : i32 to index
        %swap3A_1807 = tpu.vector_load %arg7[%swap3A_1803, %swap3A_1804, %swap3A_1805, %swap3A_1806] {strides = array<i32>} : memref<2x1x8x1024xf32, #tpu.memory_space<vmem>>, vector<16xf32>,
        tpu.vector_store %arg7[%swap3A_1803, %swap3A_1804, %swap3A_1805, %swap3A_1806], %gather3A_1654 {strides = array<i32>} : memref<2x1x8x1024xf32, #tpu.memory_space<vmem>>, vector<16xf32>,
        %mul3A_1808 = arith.constant 16 : i32
        %mul3A_1809 = arith.muli %scan3A_1757, %mul3A_1808 : i32
        %sub3A_1810 = arith.constant 16 : i32
        %sub3A_1811 = arith.subi %mul3A_1809, %sub3A_1810 : i32
        %swap3A_1812 = arith.constant 0 : i32
        %swap3A_1813 = arith.constant 3 : i32
        %swap3A_1814 = arith.index_cast %rem3A_112 : i32 to index
        %swap3A_1815 = arith.index_cast %swap3A_1812 : i32 to index
        %swap3A_1816 = arith.index_cast %swap3A_1813 : i32 to index
        %swap3A_1817 = arith.index_cast %sub3A_1811 : i32 to index
        %swap3A_1818 = tpu.vector_load %arg7[%swap3A_1814, %swap3A_1815, %swap3A_1816, %swap3A_1817] {strides = array<i32>} : memref<2x1x8x1024xf32, #tpu.memory_space<vmem>>, vector<16xf32>,
        tpu.vector_store %arg7[%swap3A_1814, %swap3A_1815, %swap3A_1816, %swap3A_1817], %gather3A_1655 {strides = array<i32>} : memref<2x1x8x1024xf32, #tpu.memory_space<vmem>>, vector<16xf32>,
        %mul3A_1819 = arith.constant 16 : i32
        %mul3A_1820 = arith.muli %scan3A_1757, %mul3A_1819 : i32
        %sub3A_1821 = arith.constant 16 : i32
        %sub3A_1822 = arith.subi %mul3A_1820, %sub3A_1821 : i32
        %swap3A_1823 = arith.constant 0 : i32
        %swap3A_1824 = arith.constant 4 : i32
        %swap3A_1825 = arith.index_cast %rem3A_112 : i32 to index
        %swap3A_1826 = arith.index_cast %swap3A_1823 : i32 to index
        %swap3A_1827 = arith.index_cast %swap3A_1824 : i32 to index
        %swap3A_1828 = arith.index_cast %sub3A_1822 : i32 to index
        %swap3A_1829 = tpu.vector_load %arg7[%swap3A_1825, %swap3A_1826, %swap3A_1827, %swap3A_1828] {strides = array<i32>} : memref<2x1x8x1024xf32, #tpu.memory_space<vmem>>, vector<16xf32>,
        tpu.vector_store %arg7[%swap3A_1825, %swap3A_1826, %swap3A_1827, %swap3A_1828], %gather3A_1656 {strides = array<i32>} : memref<2x1x8x1024xf32, #tpu.memory_space<vmem>>, vector<16xf32>,
        %mul3A_1830 = arith.constant 16 : i32
        %mul3A_1831 = arith.muli %scan3A_1757, %mul3A_1830 : i32
        %sub3A_1832 = arith.constant 16 : i32
        %sub3A_1833 = arith.subi %mul3A_1831, %sub3A_1832 : i32
        %swap3A_1834 = arith.constant 0 : i32
        %swap3A_1835 = arith.constant 5 : i32
        %swap3A_1836 = arith.index_cast %rem3A_112 : i32 to index
        %swap3A_1837 = arith.index_cast %swap3A_1834 : i32 to index
        %swap3A_1838 = arith.index_cast %swap3A_1835 : i32 to index
        %swap3A_1839 = arith.index_cast %sub3A_1833 : i32 to index
        %swap3A_1840 = tpu.vector_load %arg7[%swap3A_1836, %swap3A_1837, %swap3A_1838, %swap3A_1839] {strides = array<i32>} : memref<2x1x8x1024xf32, #tpu.memory_space<vmem>>, vector<16xf32>,
        tpu.vector_store %arg7[%swap3A_1836, %swap3A_1837, %swap3A_1838, %swap3A_1839], %gather3A_1657 {strides = array<i32>} : memref<2x1x8x1024xf32, #tpu.memory_space<vmem>>, vector<16xf32>,
        %mul3A_1841 = arith.constant 16 : i32
        %mul3A_1842 = arith.muli %scan3A_1757, %mul3A_1841 : i32
        %sub3A_1843 = arith.constant 16 : i32
        %sub3A_1844 = arith.subi %mul3A_1842, %sub3A_1843 : i32
        %swap3A_1845 = arith.constant 0 : i32
        %swap3A_1846 = arith.constant 6 : i32
        %swap3A_1847 = arith.index_cast %rem3A_112 : i32 to index
        %swap3A_1848 = arith.index_cast %swap3A_1845 : i32 to index
        %swap3A_1849 = arith.index_cast %swap3A_1846 : i32 to index
        %swap3A_1850 = arith.index_cast %sub3A_1844 : i32 to index
        %swap3A_1851 = tpu.vector_load %arg7[%swap3A_1847, %swap3A_1848, %swap3A_1849, %swap3A_1850] {strides = array<i32>} : memref<2x1x8x1024xf32, #tpu.memory_space<vmem>>, vector<16xf32>,
        tpu.vector_store %arg7[%swap3A_1847, %swap3A_1848, %swap3A_1849, %swap3A_1850], %gather3A_1658 {strides = array<i32>} : memref<2x1x8x1024xf32, #tpu.memory_space<vmem>>, vector<16xf32>,
        %mul3A_1852 = arith.constant 16 : i32
        %mul3A_1853 = arith.muli %scan3A_1757, %mul3A_1852 : i32
        %sub3A_1854 = arith.constant 16 : i32
        %sub3A_1855 = arith.subi %mul3A_1853, %sub3A_1854 : i32
        %swap3A_1856 = arith.constant 0 : i32
        %swap3A_1857 = arith.constant 7 : i32
        %swap3A_1858 = arith.index_cast %rem3A_112 : i32 to index
        %swap3A_1859 = arith.index_cast %swap3A_1856 : i32 to index
        %swap3A_1860 = arith.index_cast %swap3A_1857 : i32 to index
        %swap3A_1861 = arith.index_cast %sub3A_1855 : i32 to index
        %swap3A_1862 = tpu.vector_load %arg7[%swap3A_1858, %swap3A_1859, %swap3A_1860, %swap3A_1861] {strides = array<i32>} : memref<2x1x8x1024xf32, #tpu.memory_space<vmem>>, vector<16xf32>,
        tpu.vector_store %arg7[%swap3A_1858, %swap3A_1859, %swap3A_1860, %swap3A_1861], %gather3A_1659 {strides = array<i32>} : memref<2x1x8x1024xf32, #tpu.memory_space<vmem>>, vector<16xf32>,
        %add3A_1863 = arith.addi %get3A_1766, %broadcast_in_dim3A_30 : vector<16xi32>
        %add3A_1864 = arith.addi %get3A_1766, %broadcast_in_dim3A_32 : vector<16xi32>
        %add3A_1865 = arith.addi %get3A_1766, %broadcast_in_dim3A_34 : vector<16xi32>
        %add3A_1866 = arith.addi %get3A_1766, %broadcast_in_dim3A_36 : vector<16xi32>
        %add3A_1867 = arith.addi %get3A_1766, %broadcast_in_dim3A_38 : vector<16xi32>
        %add3A_1868 = arith.addi %get3A_1766, %broadcast_in_dim3A_40 : vector<16xi32>
        %add3A_1869 = arith.addi %get3A_1766, %broadcast_in_dim3A_42 : vector<16xi32>
        %add3A_1870 = arith.addi %get3A_1766, %broadcast_in_dim3A_44 : vector<16xi32>
        %scan3A_1871 = arith.constant 7 : i32
        %scan3A_1872 = arith.addi %scan3A_1051, %scan3A_1871 : i32
        %mul3A_1873 = arith.constant 16 : i32
        %mul3A_1874 = arith.muli %scan3A_1872, %mul3A_1873 : i32
        %add3A_1875 = arith.constant 16 : i32
        %add3A_1876 = arith.addi %mul3A_1874, %add3A_1875 : i32
        %get3A_1877 = arith.constant 0 : i32
        %get3A_1878 = arith.index_cast %rem3A_112 : i32 to index
        %get3A_1879 = arith.index_cast %get3A_1877 : i32 to index
        %get3A_1880 = arith.index_cast %add3A_1876 : i32 to index
        %get3A_1881 = tpu.vector_load %arg6[%get3A_1878, %get3A_1879, %get3A_1880] {strides = array<i32>} : memref<2x1x1040xi32, #tpu.memory_space<vmem>>, vector<16xi32>,
        %gather3A_1882 = tpu.vector_load_idx %arg5[%add3A_1863] : memref<8192xf32, #tpu.memory_space<vmem>>[vector<16xi32>], vector<16xf32>,
        %gather3A_1883 = tpu.vector_load_idx %arg5[%add3A_1864] : memref<8192xf32, #tpu.memory_space<vmem>>[vector<16xi32>], vector<16xf32>,
        %gather3A_1884 = tpu.vector_load_idx %arg5[%add3A_1865] : memref<8192xf32, #tpu.memory_space<vmem>>[vector<16xi32>], vector<16xf32>,
        %gather3A_1885 = tpu.vector_load_idx %arg5[%add3A_1866] : memref<8192xf32, #tpu.memory_space<vmem>>[vector<16xi32>], vector<16xf32>,
        %gather3A_1886 = tpu.vector_load_idx %arg5[%add3A_1867] : memref<8192xf32, #tpu.memory_space<vmem>>[vector<16xi32>], vector<16xf32>,
        %gather3A_1887 = tpu.vector_load_idx %arg5[%add3A_1868] : memref<8192xf32, #tpu.memory_space<vmem>>[vector<16xi32>], vector<16xf32>,
        %gather3A_1888 = tpu.vector_load_idx %arg5[%add3A_1869] : memref<8192xf32, #tpu.memory_space<vmem>>[vector<16xi32>], vector<16xf32>,
        %gather3A_1889 = tpu.vector_load_idx %arg5[%add3A_1870] : memref<8192xf32, #tpu.memory_space<vmem>>[vector<16xi32>], vector<16xf32>,
        %mul3A_1890 = arith.constant 16 : i32
        %mul3A_1891 = arith.muli %scan3A_1872, %mul3A_1890 : i32
        %sub3A_1892 = arith.constant 16 : i32
        %sub3A_1893 = arith.subi %mul3A_1891, %sub3A_1892 : i32
        %swap3A_1894 = arith.constant 0 : i32
        %swap3A_1895 = arith.constant 0 : i32
        %swap3A_1896 = arith.index_cast %rem3A_112 : i32 to index
        %swap3A_1897 = arith.index_cast %swap3A_1894 : i32 to index
        %swap3A_1898 = arith.index_cast %swap3A_1895 : i32 to index
        %swap3A_1899 = arith.index_cast %sub3A_1893 : i32 to index
        %swap3A_1900 = tpu.vector_load %arg7[%swap3A_1896, %swap3A_1897, %swap3A_1898, %swap3A_1899] {strides = array<i32>} : memref<2x1x8x1024xf32, #tpu.memory_space<vmem>>, vector<16xf32>,
        tpu.vector_store %arg7[%swap3A_1896, %swap3A_1897, %swap3A_1898, %swap3A_1899], %gather3A_1767 {strides = array<i32>} : memref<2x1x8x1024xf32, #tpu.memory_space<vmem>>, vector<16xf32>,
        %mul3A_1901 = arith.constant 16 : i32
        %mul3A_1902 = arith.muli %scan3A_1872, %mul3A_1901 : i32
        %sub3A_1903 = arith.constant 16 : i32
        %sub3A_1904 = arith.subi %mul3A_1902, %sub3A_1903 : i32
        %swap3A_1905 = arith.constant 0 : i32
        %swap3A_1906 = arith.constant 1 : i32
        %swap3A_1907 = arith.index_cast %rem3A_112 : i32 to index
        %swap3A_1908 = arith.index_cast %swap3A_1905 : i32 to index
        %swap3A_1909 = arith.index_cast %swap3A_1906 : i32 to index
        %swap3A_1910 = arith.index_cast %sub3A_1904 : i32 to index
        %swap3A_1911 = tpu.vector_load %arg7[%swap3A_1907, %swap3A_1908, %swap3A_1909, %swap3A_1910] {strides = array<i32>} : memref<2x1x8x1024xf32, #tpu.memory_space<vmem>>, vector<16xf32>,
        tpu.vector_store %arg7[%swap3A_1907, %swap3A_1908, %swap3A_1909, %swap3A_1910], %gather3A_1768 {strides = array<i32>} : memref<2x1x8x1024xf32, #tpu.memory_space<vmem>>, vector<16xf32>,
        %mul3A_1912 = arith.constant 16 : i32
        %mul3A_1913 = arith.muli %scan3A_1872, %mul3A_1912 : i32
        %sub3A_1914 = arith.constant 16 : i32
        %sub3A_1915 = arith.subi %mul3A_1913, %sub3A_1914 : i32
        %swap3A_1916 = arith.constant 0 : i32
        %swap3A_1917 = arith.constant 2 : i32
        %swap3A_1918 = arith.index_cast %rem3A_112 : i32 to index
        %swap3A_1919 = arith.index_cast %swap3A_1916 : i32 to index
        %swap3A_1920 = arith.index_cast %swap3A_1917 : i32 to index
        %swap3A_1921 = arith.index_cast %sub3A_1915 : i32 to index
        %swap3A_1922 = tpu.vector_load %arg7[%swap3A_1918, %swap3A_1919, %swap3A_1920, %swap3A_1921] {strides = array<i32>} : memref<2x1x8x1024xf32, #tpu.memory_space<vmem>>, vector<16xf32>,
        tpu.vector_store %arg7[%swap3A_1918, %swap3A_1919, %swap3A_1920, %swap3A_1921], %gather3A_1769 {strides = array<i32>} : memref<2x1x8x1024xf32, #tpu.memory_space<vmem>>, vector<16xf32>,
        %mul3A_1923 = arith.constant 16 : i32
        %mul3A_1924 = arith.muli %scan3A_1872, %mul3A_1923 : i32
        %sub3A_1925 = arith.constant 16 : i32
        %sub3A_1926 = arith.subi %mul3A_1924, %sub3A_1925 : i32
        %swap3A_1927 = arith.constant 0 : i32
        %swap3A_1928 = arith.constant 3 : i32
        %swap3A_1929 = arith.index_cast %rem3A_112 : i32 to index
        %swap3A_1930 = arith.index_cast %swap3A_1927 : i32 to index
        %swap3A_1931 = arith.index_cast %swap3A_1928 : i32 to index
        %swap3A_1932 = arith.index_cast %sub3A_1926 : i32 to index
        %swap3A_1933 = tpu.vector_load %arg7[%swap3A_1929, %swap3A_1930, %swap3A_1931, %swap3A_1932] {strides = array<i32>} : memref<2x1x8x1024xf32, #tpu.memory_space<vmem>>, vector<16xf32>,
        tpu.vector_store %arg7[%swap3A_1929, %swap3A_1930, %swap3A_1931, %swap3A_1932], %gather3A_1770 {strides = array<i32>} : memref<2x1x8x1024xf32, #tpu.memory_space<vmem>>, vector<16xf32>,
        %mul3A_1934 = arith.constant 16 : i32
        %mul3A_1935 = arith.muli %scan3A_1872, %mul3A_1934 : i32
        %sub3A_1936 = arith.constant 16 : i32
        %sub3A_1937 = arith.subi %mul3A_1935, %sub3A_1936 : i32
        %swap3A_1938 = arith.constant 0 : i32
        %swap3A_1939 = arith.constant 4 : i32
        %swap3A_1940 = arith.index_cast %rem3A_112 : i32 to index
        %swap3A_1941 = arith.index_cast %swap3A_1938 : i32 to index
        %swap3A_1942 = arith.index_cast %swap3A_1939 : i32 to index
        %swap3A_1943 = arith.index_cast %sub3A_1937 : i32 to index
        %swap3A_1944 = tpu.vector_load %arg7[%swap3A_1940, %swap3A_1941, %swap3A_1942, %swap3A_1943] {strides = array<i32>} : memref<2x1x8x1024xf32, #tpu.memory_space<vmem>>, vector<16xf32>,
        tpu.vector_store %arg7[%swap3A_1940, %swap3A_1941, %swap3A_1942, %swap3A_1943], %gather3A_1771 {strides = array<i32>} : memref<2x1x8x1024xf32, #tpu.memory_space<vmem>>, vector<16xf32>,
        %mul3A_1945 = arith.constant 16 : i32
        %mul3A_1946 = arith.muli %scan3A_1872, %mul3A_1945 : i32
        %sub3A_1947 = arith.constant 16 : i32
        %sub3A_1948 = arith.subi %mul3A_1946, %sub3A_1947 : i32
        %swap3A_1949 = arith.constant 0 : i32
        %swap3A_1950 = arith.constant 5 : i32
        %swap3A_1951 = arith.index_cast %rem3A_112 : i32 to index
        %swap3A_1952 = arith.index_cast %swap3A_1949 : i32 to index
        %swap3A_1953 = arith.index_cast %swap3A_1950 : i32 to index
        %swap3A_1954 = arith.index_cast %sub3A_1948 : i32 to index
        %swap3A_1955 = tpu.vector_load %arg7[%swap3A_1951, %swap3A_1952, %swap3A_1953, %swap3A_1954] {strides = array<i32>} : memref<2x1x8x1024xf32, #tpu.memory_space<vmem>>, vector<16xf32>,
        tpu.vector_store %arg7[%swap3A_1951, %swap3A_1952, %swap3A_1953, %swap3A_1954], %gather3A_1772 {strides = array<i32>} : memref<2x1x8x1024xf32, #tpu.memory_space<vmem>>, vector<16xf32>,
        %mul3A_1956 = arith.constant 16 : i32
        %mul3A_1957 = arith.muli %scan3A_1872, %mul3A_1956 : i32
        %sub3A_1958 = arith.constant 16 : i32
        %sub3A_1959 = arith.subi %mul3A_1957, %sub3A_1958 : i32
        %swap3A_1960 = arith.constant 0 : i32
        %swap3A_1961 = arith.constant 6 : i32
        %swap3A_1962 = arith.index_cast %rem3A_112 : i32 to index
        %swap3A_1963 = arith.index_cast %swap3A_1960 : i32 to index
        %swap3A_1964 = arith.index_cast %swap3A_1961 : i32 to index
        %swap3A_1965 = arith.index_cast %sub3A_1959 : i32 to index
        %swap3A_1966 = tpu.vector_load %arg7[%swap3A_1962, %swap3A_1963, %swap3A_1964, %swap3A_1965] {strides = array<i32>} : memref<2x1x8x1024xf32, #tpu.memory_space<vmem>>, vector<16xf32>,
        tpu.vector_store %arg7[%swap3A_1962, %swap3A_1963, %swap3A_1964, %swap3A_1965], %gather3A_1773 {strides = array<i32>} : memref<2x1x8x1024xf32, #tpu.memory_space<vmem>>, vector<16xf32>,
        %mul3A_1967 = arith.constant 16 : i32
        %mul3A_1968 = arith.muli %scan3A_1872, %mul3A_1967 : i32
        %sub3A_1969 = arith.constant 16 : i32
        %sub3A_1970 = arith.subi %mul3A_1968, %sub3A_1969 : i32
        %swap3A_1971 = arith.constant 0 : i32
        %swap3A_1972 = arith.constant 7 : i32
        %swap3A_1973 = arith.index_cast %rem3A_112 : i32 to index
        %swap3A_1974 = arith.index_cast %swap3A_1971 : i32 to index
        %swap3A_1975 = arith.index_cast %swap3A_1972 : i32 to index
        %swap3A_1976 = arith.index_cast %sub3A_1970 : i32 to index
        %swap3A_1977 = tpu.vector_load %arg7[%swap3A_1973, %swap3A_1974, %swap3A_1975, %swap3A_1976] {strides = array<i32>} : memref<2x1x8x1024xf32, #tpu.memory_space<vmem>>, vector<16xf32>,
        tpu.vector_store %arg7[%swap3A_1973, %swap3A_1974, %swap3A_1975, %swap3A_1976], %gather3A_1774 {strides = array<i32>} : memref<2x1x8x1024xf32, #tpu.memory_space<vmem>>, vector<16xf32>,
        %add3A_1978 = arith.addi %get3A_1881, %broadcast_in_dim3A_30 : vector<16xi32>
        %add3A_1979 = arith.addi %get3A_1881, %broadcast_in_dim3A_32 : vector<16xi32>
        %add3A_1980 = arith.addi %get3A_1881, %broadcast_in_dim3A_34 : vector<16xi32>
        %add3A_1981 = arith.addi %get3A_1881, %broadcast_in_dim3A_36 : vector<16xi32>
        %add3A_1982 = arith.addi %get3A_1881, %broadcast_in_dim3A_38 : vector<16xi32>
        %add3A_1983 = arith.addi %get3A_1881, %broadcast_in_dim3A_40 : vector<16xi32>
        %add3A_1984 = arith.addi %get3A_1881, %broadcast_in_dim3A_42 : vector<16xi32>
        %add3A_1985 = arith.addi %get3A_1881, %broadcast_in_dim3A_44 : vector<16xi32>
        scf.yield %add3A_1978, %add3A_1979, %add3A_1980, %add3A_1981, %add3A_1982, %add3A_1983, %add3A_1984, %add3A_1985, %gather3A_1882, %gather3A_1883, %gather3A_1884, %gather3A_1885, %gather3A_1886, %gather3A_1887, %gather3A_1888, %gather3A_1889 : vector<16xi32>, vector<16xi32>, vector<16xi32>, vector<16xi32>, vector<16xi32>, vector<16xi32>, vector<16xi32>, vector<16xi32>, vector<16xf32>, vector<16xf32>, vector<16xf32>, vector<16xf32>, vector<16xf32>, vector<16xf32>, vector<16xf32>, vector<16xf32>
      }
      %scan3A_173 = arith.constant 56 : i32
      %scan3A_174 = arith.addi %scan3A, %scan3A_173 : i32
      %mul3A_175 = arith.constant 16 : i32
      %mul3A_176 = arith.muli %scan3A_174, %mul3A_175 : i32
      %add3A_177 = arith.constant 16 : i32
      %add3A_178 = arith.addi %mul3A_176, %add3A_177 : i32
      %get3A_179 = arith.constant 0 : i32
      %get3A_180 = arith.index_cast %rem3A_112 : i32 to index
      %get3A_181 = arith.index_cast %get3A_179 : i32 to index
      %get3A_182 = arith.index_cast %add3A_178 : i32 to index
      %get3A_183 = tpu.vector_load %arg6[%get3A_180, %get3A_181, %get3A_182] {strides = array<i32>} : memref<2x1x1040xi32, #tpu.memory_space<vmem>>, vector<16xi32>,
      %gather3A_184 = tpu.vector_load_idx %arg5[%scan3A_172#0] : memref<8192xf32, #tpu.memory_space<vmem>>[vector<16xi32>], vector<16xf32>,
      %gather3A_185 = tpu.vector_load_idx %arg5[%scan3A_172#1] : memref<8192xf32, #tpu.memory_space<vmem>>[vector<16xi32>], vector<16xf32>,
      %gather3A_186 = tpu.vector_load_idx %arg5[%scan3A_172#2] : memref<8192xf32, #tpu.memory_space<vmem>>[vector<16xi32>], vector<16xf32>,
      %gather3A_187 = tpu.vector_load_idx %arg5[%scan3A_172#3] : memref<8192xf32, #tpu.memory_space<vmem>>[vector<16xi32>], vector<16xf32>,
      %gather3A_188 = tpu.vector_load_idx %arg5[%scan3A_172#4] : memref<8192xf32, #tpu.memory_space<vmem>>[vector<16xi32>], vector<16xf32>,
      %gather3A_189 = tpu.vector_load_idx %arg5[%scan3A_172#5] : memref<8192xf32, #tpu.memory_space<vmem>>[vector<16xi32>], vector<16xf32>,
      %gather3A_190 = tpu.vector_load_idx %arg5[%scan3A_172#6] : memref<8192xf32, #tpu.memory_space<vmem>>[vector<16xi32>], vector<16xf32>,
      %gather3A_191 = tpu.vector_load_idx %arg5[%scan3A_172#7] : memref<8192xf32, #tpu.memory_space<vmem>>[vector<16xi32>], vector<16xf32>,
      %mul3A_192 = arith.constant 16 : i32
      %mul3A_193 = arith.muli %scan3A_174, %mul3A_192 : i32
      %sub3A_194 = arith.constant 16 : i32
      %sub3A_195 = arith.subi %mul3A_193, %sub3A_194 : i32
      %swap3A = arith.constant 0 : i32
      %swap3A_196 = arith.constant 0 : i32
      %swap3A_197 = arith.index_cast %rem3A_112 : i32 to index
      %swap3A_198 = arith.index_cast %swap3A : i32 to index
      %swap3A_199 = arith.index_cast %swap3A_196 : i32 to index
      %swap3A_200 = arith.index_cast %sub3A_195 : i32 to index
      %swap3A_201 = tpu.vector_load %arg7[%swap3A_197, %swap3A_198, %swap3A_199, %swap3A_200] {strides = array<i32>} : memref<2x1x8x1024xf32, #tpu.memory_space<vmem>>, vector<16xf32>,
      tpu.vector_store %arg7[%swap3A_197, %swap3A_198, %swap3A_199, %swap3A_200], %scan3A_172#8 {strides = array<i32>} : memref<2x1x8x1024xf32, #tpu.memory_space<vmem>>, vector<16xf32>,
      %mul3A_202 = arith.constant 16 : i32
      %mul3A_203 = arith.muli %scan3A_174, %mul3A_202 : i32
      %sub3A_204 = arith.constant 16 : i32
      %sub3A_205 = arith.subi %mul3A_203, %sub3A_204 : i32
      %swap3A_206 = arith.constant 0 : i32
      %swap3A_207 = arith.constant 1 : i32
      %swap3A_208 = arith.index_cast %rem3A_112 : i32 to index
      %swap3A_209 = arith.index_cast %swap3A_206 : i32 to index
      %swap3A_210 = arith.index_cast %swap3A_207 : i32 to index
      %swap3A_211 = arith.index_cast %sub3A_205 : i32 to index
      %swap3A_212 = tpu.vector_load %arg7[%swap3A_208, %swap3A_209, %swap3A_210, %swap3A_211] {strides = array<i32>} : memref<2x1x8x1024xf32, #tpu.memory_space<vmem>>, vector<16xf32>,
      tpu.vector_store %arg7[%swap3A_208, %swap3A_209, %swap3A_210, %swap3A_211], %scan3A_172#9 {strides = array<i32>} : memref<2x1x8x1024xf32, #tpu.memory_space<vmem>>, vector<16xf32>,
      %mul3A_213 = arith.constant 16 : i32
      %mul3A_214 = arith.muli %scan3A_174, %mul3A_213 : i32
      %sub3A_215 = arith.constant 16 : i32
      %sub3A_216 = arith.subi %mul3A_214, %sub3A_215 : i32
      %swap3A_217 = arith.constant 0 : i32
      %swap3A_218 = arith.constant 2 : i32
      %swap3A_219 = arith.index_cast %rem3A_112 : i32 to index
      %swap3A_220 = arith.index_cast %swap3A_217 : i32 to index
      %swap3A_221 = arith.index_cast %swap3A_218 : i32 to index
      %swap3A_222 = arith.index_cast %sub3A_216 : i32 to index
      %swap3A_223 = tpu.vector_load %arg7[%swap3A_219, %swap3A_220, %swap3A_221, %swap3A_222] {strides = array<i32>} : memref<2x1x8x1024xf32, #tpu.memory_space<vmem>>, vector<16xf32>,
      tpu.vector_store %arg7[%swap3A_219, %swap3A_220, %swap3A_221, %swap3A_222], %scan3A_172#10 {strides = array<i32>} : memref<2x1x8x1024xf32, #tpu.memory_space<vmem>>, vector<16xf32>,
      %mul3A_224 = arith.constant 16 : i32
      %mul3A_225 = arith.muli %scan3A_174, %mul3A_224 : i32
      %sub3A_226 = arith.constant 16 : i32
      %sub3A_227 = arith.subi %mul3A_225, %sub3A_226 : i32
      %swap3A_228 = arith.constant 0 : i32
      %swap3A_229 = arith.constant 3 : i32
      %swap3A_230 = arith.index_cast %rem3A_112 : i32 to index
      %swap3A_231 = arith.index_cast %swap3A_228 : i32 to index
      %swap3A_232 = arith.index_cast %swap3A_229 : i32 to index
      %swap3A_233 = arith.index_cast %sub3A_227 : i32 to index
      %swap3A_234 = tpu.vector_load %arg7[%swap3A_230, %swap3A_231, %swap3A_232, %swap3A_233] {strides = array<i32>} : memref<2x1x8x1024xf32, #tpu.memory_space<vmem>>, vector<16xf32>,
      tpu.vector_store %arg7[%swap3A_230, %swap3A_231, %swap3A_232, %swap3A_233], %scan3A_172#11 {strides = array<i32>} : memref<2x1x8x1024xf32, #tpu.memory_space<vmem>>, vector<16xf32>,
      %mul3A_235 = arith.constant 16 : i32
      %mul3A_236 = arith.muli %scan3A_174, %mul3A_235 : i32
      %sub3A_237 = arith.constant 16 : i32
      %sub3A_238 = arith.subi %mul3A_236, %sub3A_237 : i32
      %swap3A_239 = arith.constant 0 : i32
      %swap3A_240 = arith.constant 4 : i32
      %swap3A_241 = arith.index_cast %rem3A_112 : i32 to index
      %swap3A_242 = arith.index_cast %swap3A_239 : i32 to index
      %swap3A_243 = arith.index_cast %swap3A_240 : i32 to index
      %swap3A_244 = arith.index_cast %sub3A_238 : i32 to index
      %swap3A_245 = tpu.vector_load %arg7[%swap3A_241, %swap3A_242, %swap3A_243, %swap3A_244] {strides = array<i32>} : memref<2x1x8x1024xf32, #tpu.memory_space<vmem>>, vector<16xf32>,
      tpu.vector_store %arg7[%swap3A_241, %swap3A_242, %swap3A_243, %swap3A_244], %scan3A_172#12 {strides = array<i32>} : memref<2x1x8x1024xf32, #tpu.memory_space<vmem>>, vector<16xf32>,
      %mul3A_246 = arith.constant 16 : i32
      %mul3A_247 = arith.muli %scan3A_174, %mul3A_246 : i32
      %sub3A_248 = arith.constant 16 : i32
      %sub3A_249 = arith.subi %mul3A_247, %sub3A_248 : i32
      %swap3A_250 = arith.constant 0 : i32
      %swap3A_251 = arith.constant 5 : i32
      %swap3A_252 = arith.index_cast %rem3A_112 : i32 to index
      %swap3A_253 = arith.index_cast %swap3A_250 : i32 to index
      %swap3A_254 = arith.index_cast %swap3A_251 : i32 to index
      %swap3A_255 = arith.index_cast %sub3A_249 : i32 to index
      %swap3A_256 = tpu.vector_load %arg7[%swap3A_252, %swap3A_253, %swap3A_254, %swap3A_255] {strides = array<i32>} : memref<2x1x8x1024xf32, #tpu.memory_space<vmem>>, vector<16xf32>,
      tpu.vector_store %arg7[%swap3A_252, %swap3A_253, %swap3A_254, %swap3A_255], %scan3A_172#13 {strides = array<i32>} : memref<2x1x8x1024xf32, #tpu.memory_space<vmem>>, vector<16xf32>,
      %mul3A_257 = arith.constant 16 : i32
      %mul3A_258 = arith.muli %scan3A_174, %mul3A_257 : i32
      %sub3A_259 = arith.constant 16 : i32
      %sub3A_260 = arith.subi %mul3A_258, %sub3A_259 : i32
      %swap3A_261 = arith.constant 0 : i32
      %swap3A_262 = arith.constant 6 : i32
      %swap3A_263 = arith.index_cast %rem3A_112 : i32 to index
      %swap3A_264 = arith.index_cast %swap3A_261 : i32 to index
      %swap3A_265 = arith.index_cast %swap3A_262 : i32 to index
      %swap3A_266 = arith.index_cast %sub3A_260 : i32 to index
      %swap3A_267 = tpu.vector_load %arg7[%swap3A_263, %swap3A_264, %swap3A_265, %swap3A_266] {strides = array<i32>} : memref<2x1x8x1024xf32, #tpu.memory_space<vmem>>, vector<16xf32>,
      tpu.vector_store %arg7[%swap3A_263, %swap3A_264, %swap3A_265, %swap3A_266], %scan3A_172#14 {strides = array<i32>} : memref<2x1x8x1024xf32, #tpu.memory_space<vmem>>, vector<16xf32>,
      %mul3A_268 = arith.constant 16 : i32
      %mul3A_269 = arith.muli %scan3A_174, %mul3A_268 : i32
      %sub3A_270 = arith.constant 16 : i32
      %sub3A_271 = arith.subi %mul3A_269, %sub3A_270 : i32
      %swap3A_272 = arith.constant 0 : i32
      %swap3A_273 = arith.constant 7 : i32
      %swap3A_274 = arith.index_cast %rem3A_112 : i32 to index
      %swap3A_275 = arith.index_cast %swap3A_272 : i32 to index
      %swap3A_276 = arith.index_cast %swap3A_273 : i32 to index
      %swap3A_277 = arith.index_cast %sub3A_271 : i32 to index
      %swap3A_278 = tpu.vector_load %arg7[%swap3A_274, %swap3A_275, %swap3A_276, %swap3A_277] {strides = array<i32>} : memref<2x1x8x1024xf32, #tpu.memory_space<vmem>>, vector<16xf32>,
      tpu.vector_store %arg7[%swap3A_274, %swap3A_275, %swap3A_276, %swap3A_277], %scan3A_172#15 {strides = array<i32>} : memref<2x1x8x1024xf32, #tpu.memory_space<vmem>>, vector<16xf32>,
      %add3A_279 = arith.addi %get3A_183, %broadcast_in_dim3A_30 : vector<16xi32>
      %add3A_280 = arith.addi %get3A_183, %broadcast_in_dim3A_32 : vector<16xi32>
      %add3A_281 = arith.addi %get3A_183, %broadcast_in_dim3A_34 : vector<16xi32>
      %add3A_282 = arith.addi %get3A_183, %broadcast_in_dim3A_36 : vector<16xi32>
      %add3A_283 = arith.addi %get3A_183, %broadcast_in_dim3A_38 : vector<16xi32>
      %add3A_284 = arith.addi %get3A_183, %broadcast_in_dim3A_40 : vector<16xi32>
      %add3A_285 = arith.addi %get3A_183, %broadcast_in_dim3A_42 : vector<16xi32>
      %add3A_286 = arith.addi %get3A_183, %broadcast_in_dim3A_44 : vector<16xi32>
      %scan3A_287 = arith.constant 57 : i32
      %scan3A_288 = arith.addi %scan3A, %scan3A_287 : i32
      %mul3A_289 = arith.constant 16 : i32
      %mul3A_290 = arith.muli %scan3A_288, %mul3A_289 : i32
      %add3A_291 = arith.constant 16 : i32
      %add3A_292 = arith.addi %mul3A_290, %add3A_291 : i32
      %get3A_293 = arith.constant 0 : i32
      %get3A_294 = arith.index_cast %rem3A_112 : i32 to index
      %get3A_295 = arith.index_cast %get3A_293 : i32 to index
      %get3A_296 = arith.index_cast %add3A_292 : i32 to index
      %get3A_297 = tpu.vector_load %arg6[%get3A_294, %get3A_295, %get3A_296] {strides = array<i32>} : memref<2x1x1040xi32, #tpu.memory_space<vmem>>, vector<16xi32>,
      %gather3A_298 = tpu.vector_load_idx %arg5[%add3A_279] : memref<8192xf32, #tpu.memory_space<vmem>>[vector<16xi32>], vector<16xf32>,
      %gather3A_299 = tpu.vector_load_idx %arg5[%add3A_280] : memref<8192xf32, #tpu.memory_space<vmem>>[vector<16xi32>], vector<16xf32>,
      %gather3A_300 = tpu.vector_load_idx %arg5[%add3A_281] : memref<8192xf32, #tpu.memory_space<vmem>>[vector<16xi32>], vector<16xf32>,
      %gather3A_301 = tpu.vector_load_idx %arg5[%add3A_282] : memref<8192xf32, #tpu.memory_space<vmem>>[vector<16xi32>], vector<16xf32>,
      %gather3A_302 = tpu.vector_load_idx %arg5[%add3A_283] : memref<8192xf32, #tpu.memory_space<vmem>>[vector<16xi32>], vector<16xf32>,
      %gather3A_303 = tpu.vector_load_idx %arg5[%add3A_284] : memref<8192xf32, #tpu.memory_space<vmem>>[vector<16xi32>], vector<16xf32>,
      %gather3A_304 = tpu.vector_load_idx %arg5[%add3A_285] : memref<8192xf32, #tpu.memory_space<vmem>>[vector<16xi32>], vector<16xf32>,
      %gather3A_305 = tpu.vector_load_idx %arg5[%add3A_286] : memref<8192xf32, #tpu.memory_space<vmem>>[vector<16xi32>], vector<16xf32>,
      %mul3A_306 = arith.constant 16 : i32
      %mul3A_307 = arith.muli %scan3A_288, %mul3A_306 : i32
      %sub3A_308 = arith.constant 16 : i32
      %sub3A_309 = arith.subi %mul3A_307, %sub3A_308 : i32
      %swap3A_310 = arith.constant 0 : i32
      %swap3A_311 = arith.constant 0 : i32
      %swap3A_312 = arith.index_cast %rem3A_112 : i32 to index
      %swap3A_313 = arith.index_cast %swap3A_310 : i32 to index
      %swap3A_314 = arith.index_cast %swap3A_311 : i32 to index
      %swap3A_315 = arith.index_cast %sub3A_309 : i32 to index
      %swap3A_316 = tpu.vector_load %arg7[%swap3A_312, %swap3A_313, %swap3A_314, %swap3A_315] {strides = array<i32>} : memref<2x1x8x1024xf32, #tpu.memory_space<vmem>>, vector<16xf32>,
      tpu.vector_store %arg7[%swap3A_312, %swap3A_313, %swap3A_314, %swap3A_315], %gather3A_184 {strides = array<i32>} : memref<2x1x8x1024xf32, #tpu.memory_space<vmem>>, vector<16xf32>,
      %mul3A_317 = arith.constant 16 : i32
      %mul3A_318 = arith.muli %scan3A_288, %mul3A_317 : i32
      %sub3A_319 = arith.constant 16 : i32
      %sub3A_320 = arith.subi %mul3A_318, %sub3A_319 : i32
      %swap3A_321 = arith.constant 0 : i32
      %swap3A_322 = arith.constant 1 : i32
      %swap3A_323 = arith.index_cast %rem3A_112 : i32 to index
      %swap3A_324 = arith.index_cast %swap3A_321 : i32 to index
      %swap3A_325 = arith.index_cast %swap3A_322 : i32 to index
      %swap3A_326 = arith.index_cast %sub3A_320 : i32 to index
      %swap3A_327 = tpu.vector_load %arg7[%swap3A_323, %swap3A_324, %swap3A_325, %swap3A_326] {strides = array<i32>} : memref<2x1x8x1024xf32, #tpu.memory_space<vmem>>, vector<16xf32>,
      tpu.vector_store %arg7[%swap3A_323, %swap3A_324, %swap3A_325, %swap3A_326], %gather3A_185 {strides = array<i32>} : memref<2x1x8x1024xf32, #tpu.memory_space<vmem>>, vector<16xf32>,
      %mul3A_328 = arith.constant 16 : i32
      %mul3A_329 = arith.muli %scan3A_288, %mul3A_328 : i32
      %sub3A_330 = arith.constant 16 : i32
      %sub3A_331 = arith.subi %mul3A_329, %sub3A_330 : i32
      %swap3A_332 = arith.constant 0 : i32
      %swap3A_333 = arith.constant 2 : i32
      %swap3A_334 = arith.index_cast %rem3A_112 : i32 to index
      %swap3A_335 = arith.index_cast %swap3A_332 : i32 to index
      %swap3A_336 = arith.index_cast %swap3A_333 : i32 to index
      %swap3A_337 = arith.index_cast %sub3A_331 : i32 to index
      %swap3A_338 = tpu.vector_load %arg7[%swap3A_334, %swap3A_335, %swap3A_336, %swap3A_337] {strides = array<i32>} : memref<2x1x8x1024xf32, #tpu.memory_space<vmem>>, vector<16xf32>,
      tpu.vector_store %arg7[%swap3A_334, %swap3A_335, %swap3A_336, %swap3A_337], %gather3A_186 {strides = array<i32>} : memref<2x1x8x1024xf32, #tpu.memory_space<vmem>>, vector<16xf32>,
      %mul3A_339 = arith.constant 16 : i32
      %mul3A_340 = arith.muli %scan3A_288, %mul3A_339 : i32
      %sub3A_341 = arith.constant 16 : i32
      %sub3A_342 = arith.subi %mul3A_340, %sub3A_341 : i32
      %swap3A_343 = arith.constant 0 : i32
      %swap3A_344 = arith.constant 3 : i32
      %swap3A_345 = arith.index_cast %rem3A_112 : i32 to index
      %swap3A_346 = arith.index_cast %swap3A_343 : i32 to index
      %swap3A_347 = arith.index_cast %swap3A_344 : i32 to index
      %swap3A_348 = arith.index_cast %sub3A_342 : i32 to index
      %swap3A_349 = tpu.vector_load %arg7[%swap3A_345, %swap3A_346, %swap3A_347, %swap3A_348] {strides = array<i32>} : memref<2x1x8x1024xf32, #tpu.memory_space<vmem>>, vector<16xf32>,
      tpu.vector_store %arg7[%swap3A_345, %swap3A_346, %swap3A_347, %swap3A_348], %gather3A_187 {strides = array<i32>} : memref<2x1x8x1024xf32, #tpu.memory_space<vmem>>, vector<16xf32>,
      %mul3A_350 = arith.constant 16 : i32
      %mul3A_351 = arith.muli %scan3A_288, %mul3A_350 : i32
      %sub3A_352 = arith.constant 16 : i32
      %sub3A_353 = arith.subi %mul3A_351, %sub3A_352 : i32
      %swap3A_354 = arith.constant 0 : i32
      %swap3A_355 = arith.constant 4 : i32
      %swap3A_356 = arith.index_cast %rem3A_112 : i32 to index
      %swap3A_357 = arith.index_cast %swap3A_354 : i32 to index
      %swap3A_358 = arith.index_cast %swap3A_355 : i32 to index
      %swap3A_359 = arith.index_cast %sub3A_353 : i32 to index
      %swap3A_360 = tpu.vector_load %arg7[%swap3A_356, %swap3A_357, %swap3A_358, %swap3A_359] {strides = array<i32>} : memref<2x1x8x1024xf32, #tpu.memory_space<vmem>>, vector<16xf32>,
      tpu.vector_store %arg7[%swap3A_356, %swap3A_357, %swap3A_358, %swap3A_359], %gather3A_188 {strides = array<i32>} : memref<2x1x8x1024xf32, #tpu.memory_space<vmem>>, vector<16xf32>,
      %mul3A_361 = arith.constant 16 : i32
      %mul3A_362 = arith.muli %scan3A_288, %mul3A_361 : i32
      %sub3A_363 = arith.constant 16 : i32
      %sub3A_364 = arith.subi %mul3A_362, %sub3A_363 : i32
      %swap3A_365 = arith.constant 0 : i32
      %swap3A_366 = arith.constant 5 : i32
      %swap3A_367 = arith.index_cast %rem3A_112 : i32 to index
      %swap3A_368 = arith.index_cast %swap3A_365 : i32 to index
      %swap3A_369 = arith.index_cast %swap3A_366 : i32 to index
      %swap3A_370 = arith.index_cast %sub3A_364 : i32 to index
      %swap3A_371 = tpu.vector_load %arg7[%swap3A_367, %swap3A_368, %swap3A_369, %swap3A_370] {strides = array<i32>} : memref<2x1x8x1024xf32, #tpu.memory_space<vmem>>, vector<16xf32>,
      tpu.vector_store %arg7[%swap3A_367, %swap3A_368, %swap3A_369, %swap3A_370], %gather3A_189 {strides = array<i32>} : memref<2x1x8x1024xf32, #tpu.memory_space<vmem>>, vector<16xf32>,
      %mul3A_372 = arith.constant 16 : i32
      %mul3A_373 = arith.muli %scan3A_288, %mul3A_372 : i32
      %sub3A_374 = arith.constant 16 : i32
      %sub3A_375 = arith.subi %mul3A_373, %sub3A_374 : i32
      %swap3A_376 = arith.constant 0 : i32
      %swap3A_377 = arith.constant 6 : i32
      %swap3A_378 = arith.index_cast %rem3A_112 : i32 to index
      %swap3A_379 = arith.index_cast %swap3A_376 : i32 to index
      %swap3A_380 = arith.index_cast %swap3A_377 : i32 to index
      %swap3A_381 = arith.index_cast %sub3A_375 : i32 to index
      %swap3A_382 = tpu.vector_load %arg7[%swap3A_378, %swap3A_379, %swap3A_380, %swap3A_381] {strides = array<i32>} : memref<2x1x8x1024xf32, #tpu.memory_space<vmem>>, vector<16xf32>,
      tpu.vector_store %arg7[%swap3A_378, %swap3A_379, %swap3A_380, %swap3A_381], %gather3A_190 {strides = array<i32>} : memref<2x1x8x1024xf32, #tpu.memory_space<vmem>>, vector<16xf32>,
      %mul3A_383 = arith.constant 16 : i32
      %mul3A_384 = arith.muli %scan3A_288, %mul3A_383 : i32
      %sub3A_385 = arith.constant 16 : i32
      %sub3A_386 = arith.subi %mul3A_384, %sub3A_385 : i32
      %swap3A_387 = arith.constant 0 : i32
      %swap3A_388 = arith.constant 7 : i32
      %swap3A_389 = arith.index_cast %rem3A_112 : i32 to index
      %swap3A_390 = arith.index_cast %swap3A_387 : i32 to index
      %swap3A_391 = arith.index_cast %swap3A_388 : i32 to index
      %swap3A_392 = arith.index_cast %sub3A_386 : i32 to index
      %swap3A_393 = tpu.vector_load %arg7[%swap3A_389, %swap3A_390, %swap3A_391, %swap3A_392] {strides = array<i32>} : memref<2x1x8x1024xf32, #tpu.memory_space<vmem>>, vector<16xf32>,
      tpu.vector_store %arg7[%swap3A_389, %swap3A_390, %swap3A_391, %swap3A_392], %gather3A_191 {strides = array<i32>} : memref<2x1x8x1024xf32, #tpu.memory_space<vmem>>, vector<16xf32>,
      %add3A_394 = arith.addi %get3A_297, %broadcast_in_dim3A_30 : vector<16xi32>
      %add3A_395 = arith.addi %get3A_297, %broadcast_in_dim3A_32 : vector<16xi32>
      %add3A_396 = arith.addi %get3A_297, %broadcast_in_dim3A_34 : vector<16xi32>
      %add3A_397 = arith.addi %get3A_297, %broadcast_in_dim3A_36 : vector<16xi32>
      %add3A_398 = arith.addi %get3A_297, %broadcast_in_dim3A_38 : vector<16xi32>
      %add3A_399 = arith.addi %get3A_297, %broadcast_in_dim3A_40 : vector<16xi32>
      %add3A_400 = arith.addi %get3A_297, %broadcast_in_dim3A_42 : vector<16xi32>
      %add3A_401 = arith.addi %get3A_297, %broadcast_in_dim3A_44 : vector<16xi32>
      %scan3A_402 = arith.constant 58 : i32
      %scan3A_403 = arith.addi %scan3A, %scan3A_402 : i32
      %mul3A_404 = arith.constant 16 : i32
      %mul3A_405 = arith.muli %scan3A_403, %mul3A_404 : i32
      %add3A_406 = arith.constant 16 : i32
      %add3A_407 = arith.addi %mul3A_405, %add3A_406 : i32
      %get3A_408 = arith.constant 0 : i32
      %get3A_409 = arith.index_cast %rem3A_112 : i32 to index
      %get3A_410 = arith.index_cast %get3A_408 : i32 to index
      %get3A_411 = arith.index_cast %add3A_407 : i32 to index
      %get3A_412 = tpu.vector_load %arg6[%get3A_409, %get3A_410, %get3A_411] {strides = array<i32>} : memref<2x1x1040xi32, #tpu.memory_space<vmem>>, vector<16xi32>,
      %gather3A_413 = tpu.vector_load_idx %arg5[%add3A_394] : memref<8192xf32, #tpu.memory_space<vmem>>[vector<16xi32>], vector<16xf32>,
      %gather3A_414 = tpu.vector_load_idx %arg5[%add3A_395] : memref<8192xf32, #tpu.memory_space<vmem>>[vector<16xi32>], vector<16xf32>,
      %gather3A_415 = tpu.vector_load_idx %arg5[%add3A_396] : memref<8192xf32, #tpu.memory_space<vmem>>[vector<16xi32>], vector<16xf32>,
      %gather3A_416 = tpu.vector_load_idx %arg5[%add3A_397] : memref<8192xf32, #tpu.memory_space<vmem>>[vector<16xi32>], vector<16xf32>,
      %gather3A_417 = tpu.vector_load_idx %arg5[%add3A_398] : memref<8192xf32, #tpu.memory_space<vmem>>[vector<16xi32>], vector<16xf32>,
      %gather3A_418 = tpu.vector_load_idx %arg5[%add3A_399] : memref<8192xf32, #tpu.memory_space<vmem>>[vector<16xi32>], vector<16xf32>,
      %gather3A_419 = tpu.vector_load_idx %arg5[%add3A_400] : memref<8192xf32, #tpu.memory_space<vmem>>[vector<16xi32>], vector<16xf32>,
      %gather3A_420 = tpu.vector_load_idx %arg5[%add3A_401] : memref<8192xf32, #tpu.memory_space<vmem>>[vector<16xi32>], vector<16xf32>,
      %mul3A_421 = arith.constant 16 : i32
      %mul3A_422 = arith.muli %scan3A_403, %mul3A_421 : i32
      %sub3A_423 = arith.constant 16 : i32
      %sub3A_424 = arith.subi %mul3A_422, %sub3A_423 : i32
      %swap3A_425 = arith.constant 0 : i32
      %swap3A_426 = arith.constant 0 : i32
      %swap3A_427 = arith.index_cast %rem3A_112 : i32 to index
      %swap3A_428 = arith.index_cast %swap3A_425 : i32 to index
      %swap3A_429 = arith.index_cast %swap3A_426 : i32 to index
      %swap3A_430 = arith.index_cast %sub3A_424 : i32 to index
      %swap3A_431 = tpu.vector_load %arg7[%swap3A_427, %swap3A_428, %swap3A_429, %swap3A_430] {strides = array<i32>} : memref<2x1x8x1024xf32, #tpu.memory_space<vmem>>, vector<16xf32>,
      tpu.vector_store %arg7[%swap3A_427, %swap3A_428, %swap3A_429, %swap3A_430], %gather3A_298 {strides = array<i32>} : memref<2x1x8x1024xf32, #tpu.memory_space<vmem>>, vector<16xf32>,
      %mul3A_432 = arith.constant 16 : i32
      %mul3A_433 = arith.muli %scan3A_403, %mul3A_432 : i32
      %sub3A_434 = arith.constant 16 : i32
      %sub3A_435 = arith.subi %mul3A_433, %sub3A_434 : i32
      %swap3A_436 = arith.constant 0 : i32
      %swap3A_437 = arith.constant 1 : i32
      %swap3A_438 = arith.index_cast %rem3A_112 : i32 to index
      %swap3A_439 = arith.index_cast %swap3A_436 : i32 to index
      %swap3A_440 = arith.index_cast %swap3A_437 : i32 to index
      %swap3A_441 = arith.index_cast %sub3A_435 : i32 to index
      %swap3A_442 = tpu.vector_load %arg7[%swap3A_438, %swap3A_439, %swap3A_440, %swap3A_441] {strides = array<i32>} : memref<2x1x8x1024xf32, #tpu.memory_space<vmem>>, vector<16xf32>,
      tpu.vector_store %arg7[%swap3A_438, %swap3A_439, %swap3A_440, %swap3A_441], %gather3A_299 {strides = array<i32>} : memref<2x1x8x1024xf32, #tpu.memory_space<vmem>>, vector<16xf32>,
      %mul3A_443 = arith.constant 16 : i32
      %mul3A_444 = arith.muli %scan3A_403, %mul3A_443 : i32
      %sub3A_445 = arith.constant 16 : i32
      %sub3A_446 = arith.subi %mul3A_444, %sub3A_445 : i32
      %swap3A_447 = arith.constant 0 : i32
      %swap3A_448 = arith.constant 2 : i32
      %swap3A_449 = arith.index_cast %rem3A_112 : i32 to index
      %swap3A_450 = arith.index_cast %swap3A_447 : i32 to index
      %swap3A_451 = arith.index_cast %swap3A_448 : i32 to index
      %swap3A_452 = arith.index_cast %sub3A_446 : i32 to index
      %swap3A_453 = tpu.vector_load %arg7[%swap3A_449, %swap3A_450, %swap3A_451, %swap3A_452] {strides = array<i32>} : memref<2x1x8x1024xf32, #tpu.memory_space<vmem>>, vector<16xf32>,
      tpu.vector_store %arg7[%swap3A_449, %swap3A_450, %swap3A_451, %swap3A_452], %gather3A_300 {strides = array<i32>} : memref<2x1x8x1024xf32, #tpu.memory_space<vmem>>, vector<16xf32>,
      %mul3A_454 = arith.constant 16 : i32
      %mul3A_455 = arith.muli %scan3A_403, %mul3A_454 : i32
      %sub3A_456 = arith.constant 16 : i32
      %sub3A_457 = arith.subi %mul3A_455, %sub3A_456 : i32
      %swap3A_458 = arith.constant 0 : i32
      %swap3A_459 = arith.constant 3 : i32
      %swap3A_460 = arith.index_cast %rem3A_112 : i32 to index
      %swap3A_461 = arith.index_cast %swap3A_458 : i32 to index
      %swap3A_462 = arith.index_cast %swap3A_459 : i32 to index
      %swap3A_463 = arith.index_cast %sub3A_457 : i32 to index
      %swap3A_464 = tpu.vector_load %arg7[%swap3A_460, %swap3A_461, %swap3A_462, %swap3A_463] {strides = array<i32>} : memref<2x1x8x1024xf32, #tpu.memory_space<vmem>>, vector<16xf32>,
      tpu.vector_store %arg7[%swap3A_460, %swap3A_461, %swap3A_462, %swap3A_463], %gather3A_301 {strides = array<i32>} : memref<2x1x8x1024xf32, #tpu.memory_space<vmem>>, vector<16xf32>,
      %mul3A_465 = arith.constant 16 : i32
      %mul3A_466 = arith.muli %scan3A_403, %mul3A_465 : i32
      %sub3A_467 = arith.constant 16 : i32
      %sub3A_468 = arith.subi %mul3A_466, %sub3A_467 : i32
      %swap3A_469 = arith.constant 0 : i32
      %swap3A_470 = arith.constant 4 : i32
      %swap3A_471 = arith.index_cast %rem3A_112 : i32 to index
      %swap3A_472 = arith.index_cast %swap3A_469 : i32 to index
      %swap3A_473 = arith.index_cast %swap3A_470 : i32 to index
      %swap3A_474 = arith.index_cast %sub3A_468 : i32 to index
      %swap3A_475 = tpu.vector_load %arg7[%swap3A_471, %swap3A_472, %swap3A_473, %swap3A_474] {strides = array<i32>} : memref<2x1x8x1024xf32, #tpu.memory_space<vmem>>, vector<16xf32>,
      tpu.vector_store %arg7[%swap3A_471, %swap3A_472, %swap3A_473, %swap3A_474], %gather3A_302 {strides = array<i32>} : memref<2x1x8x1024xf32, #tpu.memory_space<vmem>>, vector<16xf32>,
      %mul3A_476 = arith.constant 16 : i32
      %mul3A_477 = arith.muli %scan3A_403, %mul3A_476 : i32
      %sub3A_478 = arith.constant 16 : i32
      %sub3A_479 = arith.subi %mul3A_477, %sub3A_478 : i32
      %swap3A_480 = arith.constant 0 : i32
      %swap3A_481 = arith.constant 5 : i32
      %swap3A_482 = arith.index_cast %rem3A_112 : i32 to index
      %swap3A_483 = arith.index_cast %swap3A_480 : i32 to index
      %swap3A_484 = arith.index_cast %swap3A_481 : i32 to index
      %swap3A_485 = arith.index_cast %sub3A_479 : i32 to index
      %swap3A_486 = tpu.vector_load %arg7[%swap3A_482, %swap3A_483, %swap3A_484, %swap3A_485] {strides = array<i32>} : memref<2x1x8x1024xf32, #tpu.memory_space<vmem>>, vector<16xf32>,
      tpu.vector_store %arg7[%swap3A_482, %swap3A_483, %swap3A_484, %swap3A_485], %gather3A_303 {strides = array<i32>} : memref<2x1x8x1024xf32, #tpu.memory_space<vmem>>, vector<16xf32>,
      %mul3A_487 = arith.constant 16 : i32
      %mul3A_488 = arith.muli %scan3A_403, %mul3A_487 : i32
      %sub3A_489 = arith.constant 16 : i32
      %sub3A_490 = arith.subi %mul3A_488, %sub3A_489 : i32
      %swap3A_491 = arith.constant 0 : i32
      %swap3A_492 = arith.constant 6 : i32
      %swap3A_493 = arith.index_cast %rem3A_112 : i32 to index
      %swap3A_494 = arith.index_cast %swap3A_491 : i32 to index
      %swap3A_495 = arith.index_cast %swap3A_492 : i32 to index
      %swap3A_496 = arith.index_cast %sub3A_490 : i32 to index
      %swap3A_497 = tpu.vector_load %arg7[%swap3A_493, %swap3A_494, %swap3A_495, %swap3A_496] {strides = array<i32>} : memref<2x1x8x1024xf32, #tpu.memory_space<vmem>>, vector<16xf32>,
      tpu.vector_store %arg7[%swap3A_493, %swap3A_494, %swap3A_495, %swap3A_496], %gather3A_304 {strides = array<i32>} : memref<2x1x8x1024xf32, #tpu.memory_space<vmem>>, vector<16xf32>,
      %mul3A_498 = arith.constant 16 : i32
      %mul3A_499 = arith.muli %scan3A_403, %mul3A_498 : i32
      %sub3A_500 = arith.constant 16 : i32
      %sub3A_501 = arith.subi %mul3A_499, %sub3A_500 : i32
      %swap3A_502 = arith.constant 0 : i32
      %swap3A_503 = arith.constant 7 : i32
      %swap3A_504 = arith.index_cast %rem3A_112 : i32 to index
      %swap3A_505 = arith.index_cast %swap3A_502 : i32 to index
      %swap3A_506 = arith.index_cast %swap3A_503 : i32 to index
      %swap3A_507 = arith.index_cast %sub3A_501 : i32 to index
      %swap3A_508 = tpu.vector_load %arg7[%swap3A_504, %swap3A_505, %swap3A_506, %swap3A_507] {strides = array<i32>} : memref<2x1x8x1024xf32, #tpu.memory_space<vmem>>, vector<16xf32>,
      tpu.vector_store %arg7[%swap3A_504, %swap3A_505, %swap3A_506, %swap3A_507], %gather3A_305 {strides = array<i32>} : memref<2x1x8x1024xf32, #tpu.memory_space<vmem>>, vector<16xf32>,
      %add3A_509 = arith.addi %get3A_412, %broadcast_in_dim3A_30 : vector<16xi32>
      %add3A_510 = arith.addi %get3A_412, %broadcast_in_dim3A_32 : vector<16xi32>
      %add3A_511 = arith.addi %get3A_412, %broadcast_in_dim3A_34 : vector<16xi32>
      %add3A_512 = arith.addi %get3A_412, %broadcast_in_dim3A_36 : vector<16xi32>
      %add3A_513 = arith.addi %get3A_412, %broadcast_in_dim3A_38 : vector<16xi32>
      %add3A_514 = arith.addi %get3A_412, %broadcast_in_dim3A_40 : vector<16xi32>
      %add3A_515 = arith.addi %get3A_412, %broadcast_in_dim3A_42 : vector<16xi32>
      %add3A_516 = arith.addi %get3A_412, %broadcast_in_dim3A_44 : vector<16xi32>
      %scan3A_517 = arith.constant 59 : i32
      %scan3A_518 = arith.addi %scan3A, %scan3A_517 : i32
      %mul3A_519 = arith.constant 16 : i32
      %mul3A_520 = arith.muli %scan3A_518, %mul3A_519 : i32
      %add3A_521 = arith.constant 16 : i32
      %add3A_522 = arith.addi %mul3A_520, %add3A_521 : i32
      %get3A_523 = arith.constant 0 : i32
      %get3A_524 = arith.index_cast %rem3A_112 : i32 to index
      %get3A_525 = arith.index_cast %get3A_523 : i32 to index
      %get3A_526 = arith.index_cast %add3A_522 : i32 to index
      %get3A_527 = tpu.vector_load %arg6[%get3A_524, %get3A_525, %get3A_526] {strides = array<i32>} : memref<2x1x1040xi32, #tpu.memory_space<vmem>>, vector<16xi32>,
      %gather3A_528 = tpu.vector_load_idx %arg5[%add3A_509] : memref<8192xf32, #tpu.memory_space<vmem>>[vector<16xi32>], vector<16xf32>,
      %gather3A_529 = tpu.vector_load_idx %arg5[%add3A_510] : memref<8192xf32, #tpu.memory_space<vmem>>[vector<16xi32>], vector<16xf32>,
      %gather3A_530 = tpu.vector_load_idx %arg5[%add3A_511] : memref<8192xf32, #tpu.memory_space<vmem>>[vector<16xi32>], vector<16xf32>,
      %gather3A_531 = tpu.vector_load_idx %arg5[%add3A_512] : memref<8192xf32, #tpu.memory_space<vmem>>[vector<16xi32>], vector<16xf32>,
      %gather3A_532 = tpu.vector_load_idx %arg5[%add3A_513] : memref<8192xf32, #tpu.memory_space<vmem>>[vector<16xi32>], vector<16xf32>,
      %gather3A_533 = tpu.vector_load_idx %arg5[%add3A_514] : memref<8192xf32, #tpu.memory_space<vmem>>[vector<16xi32>], vector<16xf32>,
      %gather3A_534 = tpu.vector_load_idx %arg5[%add3A_515] : memref<8192xf32, #tpu.memory_space<vmem>>[vector<16xi32>], vector<16xf32>,
      %gather3A_535 = tpu.vector_load_idx %arg5[%add3A_516] : memref<8192xf32, #tpu.memory_space<vmem>>[vector<16xi32>], vector<16xf32>,
      %mul3A_536 = arith.constant 16 : i32
      %mul3A_537 = arith.muli %scan3A_518, %mul3A_536 : i32
      %sub3A_538 = arith.constant 16 : i32
      %sub3A_539 = arith.subi %mul3A_537, %sub3A_538 : i32
      %swap3A_540 = arith.constant 0 : i32
      %swap3A_541 = arith.constant 0 : i32
      %swap3A_542 = arith.index_cast %rem3A_112 : i32 to index
      %swap3A_543 = arith.index_cast %swap3A_540 : i32 to index
      %swap3A_544 = arith.index_cast %swap3A_541 : i32 to index
      %swap3A_545 = arith.index_cast %sub3A_539 : i32 to index
      %swap3A_546 = tpu.vector_load %arg7[%swap3A_542, %swap3A_543, %swap3A_544, %swap3A_545] {strides = array<i32>} : memref<2x1x8x1024xf32, #tpu.memory_space<vmem>>, vector<16xf32>,
      tpu.vector_store %arg7[%swap3A_542, %swap3A_543, %swap3A_544, %swap3A_545], %gather3A_413 {strides = array<i32>} : memref<2x1x8x1024xf32, #tpu.memory_space<vmem>>, vector<16xf32>,
      %mul3A_547 = arith.constant 16 : i32
      %mul3A_548 = arith.muli %scan3A_518, %mul3A_547 : i32
      %sub3A_549 = arith.constant 16 : i32
      %sub3A_550 = arith.subi %mul3A_548, %sub3A_549 : i32
      %swap3A_551 = arith.constant 0 : i32
      %swap3A_552 = arith.constant 1 : i32
      %swap3A_553 = arith.index_cast %rem3A_112 : i32 to index
      %swap3A_554 = arith.index_cast %swap3A_551 : i32 to index
      %swap3A_555 = arith.index_cast %swap3A_552 : i32 to index
      %swap3A_556 = arith.index_cast %sub3A_550 : i32 to index
      %swap3A_557 = tpu.vector_load %arg7[%swap3A_553, %swap3A_554, %swap3A_555, %swap3A_556] {strides = array<i32>} : memref<2x1x8x1024xf32, #tpu.memory_space<vmem>>, vector<16xf32>,
      tpu.vector_store %arg7[%swap3A_553, %swap3A_554, %swap3A_555, %swap3A_556], %gather3A_414 {strides = array<i32>} : memref<2x1x8x1024xf32, #tpu.memory_space<vmem>>, vector<16xf32>,
      %mul3A_558 = arith.constant 16 : i32
      %mul3A_559 = arith.muli %scan3A_518, %mul3A_558 : i32
      %sub3A_560 = arith.constant 16 : i32
      %sub3A_561 = arith.subi %mul3A_559, %sub3A_560 : i32
      %swap3A_562 = arith.constant 0 : i32
      %swap3A_563 = arith.constant 2 : i32
      %swap3A_564 = arith.index_cast %rem3A_112 : i32 to index
      %swap3A_565 = arith.index_cast %swap3A_562 : i32 to index
      %swap3A_566 = arith.index_cast %swap3A_563 : i32 to index
      %swap3A_567 = arith.index_cast %sub3A_561 : i32 to index
      %swap3A_568 = tpu.vector_load %arg7[%swap3A_564, %swap3A_565, %swap3A_566, %swap3A_567] {strides = array<i32>} : memref<2x1x8x1024xf32, #tpu.memory_space<vmem>>, vector<16xf32>,
      tpu.vector_store %arg7[%swap3A_564, %swap3A_565, %swap3A_566, %swap3A_567], %gather3A_415 {strides = array<i32>} : memref<2x1x8x1024xf32, #tpu.memory_space<vmem>>, vector<16xf32>,
      %mul3A_569 = arith.constant 16 : i32
      %mul3A_570 = arith.muli %scan3A_518, %mul3A_569 : i32
      %sub3A_571 = arith.constant 16 : i32
      %sub3A_572 = arith.subi %mul3A_570, %sub3A_571 : i32
      %swap3A_573 = arith.constant 0 : i32
      %swap3A_574 = arith.constant 3 : i32
      %swap3A_575 = arith.index_cast %rem3A_112 : i32 to index
      %swap3A_576 = arith.index_cast %swap3A_573 : i32 to index
      %swap3A_577 = arith.index_cast %swap3A_574 : i32 to index
      %swap3A_578 = arith.index_cast %sub3A_572 : i32 to index
      %swap3A_579 = tpu.vector_load %arg7[%swap3A_575, %swap3A_576, %swap3A_577, %swap3A_578] {strides = array<i32>} : memref<2x1x8x1024xf32, #tpu.memory_space<vmem>>, vector<16xf32>,
      tpu.vector_store %arg7[%swap3A_575, %swap3A_576, %swap3A_577, %swap3A_578], %gather3A_416 {strides = array<i32>} : memref<2x1x8x1024xf32, #tpu.memory_space<vmem>>, vector<16xf32>,
      %mul3A_580 = arith.constant 16 : i32
      %mul3A_581 = arith.muli %scan3A_518, %mul3A_580 : i32
      %sub3A_582 = arith.constant 16 : i32
      %sub3A_583 = arith.subi %mul3A_581, %sub3A_582 : i32
      %swap3A_584 = arith.constant 0 : i32
      %swap3A_585 = arith.constant 4 : i32
      %swap3A_586 = arith.index_cast %rem3A_112 : i32 to index
      %swap3A_587 = arith.index_cast %swap3A_584 : i32 to index
      %swap3A_588 = arith.index_cast %swap3A_585 : i32 to index
      %swap3A_589 = arith.index_cast %sub3A_583 : i32 to index
      %swap3A_590 = tpu.vector_load %arg7[%swap3A_586, %swap3A_587, %swap3A_588, %swap3A_589] {strides = array<i32>} : memref<2x1x8x1024xf32, #tpu.memory_space<vmem>>, vector<16xf32>,
      tpu.vector_store %arg7[%swap3A_586, %swap3A_587, %swap3A_588, %swap3A_589], %gather3A_417 {strides = array<i32>} : memref<2x1x8x1024xf32, #tpu.memory_space<vmem>>, vector<16xf32>,
      %mul3A_591 = arith.constant 16 : i32
      %mul3A_592 = arith.muli %scan3A_518, %mul3A_591 : i32
      %sub3A_593 = arith.constant 16 : i32
      %sub3A_594 = arith.subi %mul3A_592, %sub3A_593 : i32
      %swap3A_595 = arith.constant 0 : i32
      %swap3A_596 = arith.constant 5 : i32
      %swap3A_597 = arith.index_cast %rem3A_112 : i32 to index
      %swap3A_598 = arith.index_cast %swap3A_595 : i32 to index
      %swap3A_599 = arith.index_cast %swap3A_596 : i32 to index
      %swap3A_600 = arith.index_cast %sub3A_594 : i32 to index
      %swap3A_601 = tpu.vector_load %arg7[%swap3A_597, %swap3A_598, %swap3A_599, %swap3A_600] {strides = array<i32>} : memref<2x1x8x1024xf32, #tpu.memory_space<vmem>>, vector<16xf32>,
      tpu.vector_store %arg7[%swap3A_597, %swap3A_598, %swap3A_599, %swap3A_600], %gather3A_418 {strides = array<i32>} : memref<2x1x8x1024xf32, #tpu.memory_space<vmem>>, vector<16xf32>,
      %mul3A_602 = arith.constant 16 : i32
      %mul3A_603 = arith.muli %scan3A_518, %mul3A_602 : i32
      %sub3A_604 = arith.constant 16 : i32
      %sub3A_605 = arith.subi %mul3A_603, %sub3A_604 : i32
      %swap3A_606 = arith.constant 0 : i32
      %swap3A_607 = arith.constant 6 : i32
      %swap3A_608 = arith.index_cast %rem3A_112 : i32 to index
      %swap3A_609 = arith.index_cast %swap3A_606 : i32 to index
      %swap3A_610 = arith.index_cast %swap3A_607 : i32 to index
      %swap3A_611 = arith.index_cast %sub3A_605 : i32 to index
      %swap3A_612 = tpu.vector_load %arg7[%swap3A_608, %swap3A_609, %swap3A_610, %swap3A_611] {strides = array<i32>} : memref<2x1x8x1024xf32, #tpu.memory_space<vmem>>, vector<16xf32>,
      tpu.vector_store %arg7[%swap3A_608, %swap3A_609, %swap3A_610, %swap3A_611], %gather3A_419 {strides = array<i32>} : memref<2x1x8x1024xf32, #tpu.memory_space<vmem>>, vector<16xf32>,
      %mul3A_613 = arith.constant 16 : i32
      %mul3A_614 = arith.muli %scan3A_518, %mul3A_613 : i32
      %sub3A_615 = arith.constant 16 : i32
      %sub3A_616 = arith.subi %mul3A_614, %sub3A_615 : i32
      %swap3A_617 = arith.constant 0 : i32
      %swap3A_618 = arith.constant 7 : i32
      %swap3A_619 = arith.index_cast %rem3A_112 : i32 to index
      %swap3A_620 = arith.index_cast %swap3A_617 : i32 to index
      %swap3A_621 = arith.index_cast %swap3A_618 : i32 to index
      %swap3A_622 = arith.index_cast %sub3A_616 : i32 to index
      %swap3A_623 = tpu.vector_load %arg7[%swap3A_619, %swap3A_620, %swap3A_621, %swap3A_622] {strides = array<i32>} : memref<2x1x8x1024xf32, #tpu.memory_space<vmem>>, vector<16xf32>,
      tpu.vector_store %arg7[%swap3A_619, %swap3A_620, %swap3A_621, %swap3A_622], %gather3A_420 {strides = array<i32>} : memref<2x1x8x1024xf32, #tpu.memory_space<vmem>>, vector<16xf32>,
      %add3A_624 = arith.addi %get3A_527, %broadcast_in_dim3A_30 : vector<16xi32>
      %add3A_625 = arith.addi %get3A_527, %broadcast_in_dim3A_32 : vector<16xi32>
      %add3A_626 = arith.addi %get3A_527, %broadcast_in_dim3A_34 : vector<16xi32>
      %add3A_627 = arith.addi %get3A_527, %broadcast_in_dim3A_36 : vector<16xi32>
      %add3A_628 = arith.addi %get3A_527, %broadcast_in_dim3A_38 : vector<16xi32>
      %add3A_629 = arith.addi %get3A_527, %broadcast_in_dim3A_40 : vector<16xi32>
      %add3A_630 = arith.addi %get3A_527, %broadcast_in_dim3A_42 : vector<16xi32>
      %add3A_631 = arith.addi %get3A_527, %broadcast_in_dim3A_44 : vector<16xi32>
      %scan3A_632 = arith.constant 60 : i32
      %scan3A_633 = arith.addi %scan3A, %scan3A_632 : i32
      %mul3A_634 = arith.constant 16 : i32
      %mul3A_635 = arith.muli %scan3A_633, %mul3A_634 : i32
      %add3A_636 = arith.constant 16 : i32
      %add3A_637 = arith.addi %mul3A_635, %add3A_636 : i32
      %get3A_638 = arith.constant 0 : i32
      %get3A_639 = arith.index_cast %rem3A_112 : i32 to index
      %get3A_640 = arith.index_cast %get3A_638 : i32 to index
      %get3A_641 = arith.index_cast %add3A_637 : i32 to index
      %get3A_642 = tpu.vector_load %arg6[%get3A_639, %get3A_640, %get3A_641] {strides = array<i32>} : memref<2x1x1040xi32, #tpu.memory_space<vmem>>, vector<16xi32>,
      %gather3A_643 = tpu.vector_load_idx %arg5[%add3A_624] : memref<8192xf32, #tpu.memory_space<vmem>>[vector<16xi32>], vector<16xf32>,
      %gather3A_644 = tpu.vector_load_idx %arg5[%add3A_625] : memref<8192xf32, #tpu.memory_space<vmem>>[vector<16xi32>], vector<16xf32>,
      %gather3A_645 = tpu.vector_load_idx %arg5[%add3A_626] : memref<8192xf32, #tpu.memory_space<vmem>>[vector<16xi32>], vector<16xf32>,
      %gather3A_646 = tpu.vector_load_idx %arg5[%add3A_627] : memref<8192xf32, #tpu.memory_space<vmem>>[vector<16xi32>], vector<16xf32>,
      %gather3A_647 = tpu.vector_load_idx %arg5[%add3A_628] : memref<8192xf32, #tpu.memory_space<vmem>>[vector<16xi32>], vector<16xf32>,
      %gather3A_648 = tpu.vector_load_idx %arg5[%add3A_629] : memref<8192xf32, #tpu.memory_space<vmem>>[vector<16xi32>], vector<16xf32>,
      %gather3A_649 = tpu.vector_load_idx %arg5[%add3A_630] : memref<8192xf32, #tpu.memory_space<vmem>>[vector<16xi32>], vector<16xf32>,
      %gather3A_650 = tpu.vector_load_idx %arg5[%add3A_631] : memref<8192xf32, #tpu.memory_space<vmem>>[vector<16xi32>], vector<16xf32>,
      %mul3A_651 = arith.constant 16 : i32
      %mul3A_652 = arith.muli %scan3A_633, %mul3A_651 : i32
      %sub3A_653 = arith.constant 16 : i32
      %sub3A_654 = arith.subi %mul3A_652, %sub3A_653 : i32
      %swap3A_655 = arith.constant 0 : i32
      %swap3A_656 = arith.constant 0 : i32
      %swap3A_657 = arith.index_cast %rem3A_112 : i32 to index
      %swap3A_658 = arith.index_cast %swap3A_655 : i32 to index
      %swap3A_659 = arith.index_cast %swap3A_656 : i32 to index
      %swap3A_660 = arith.index_cast %sub3A_654 : i32 to index
      %swap3A_661 = tpu.vector_load %arg7[%swap3A_657, %swap3A_658, %swap3A_659, %swap3A_660] {strides = array<i32>} : memref<2x1x8x1024xf32, #tpu.memory_space<vmem>>, vector<16xf32>,
      tpu.vector_store %arg7[%swap3A_657, %swap3A_658, %swap3A_659, %swap3A_660], %gather3A_528 {strides = array<i32>} : memref<2x1x8x1024xf32, #tpu.memory_space<vmem>>, vector<16xf32>,
      %mul3A_662 = arith.constant 16 : i32
      %mul3A_663 = arith.muli %scan3A_633, %mul3A_662 : i32
      %sub3A_664 = arith.constant 16 : i32
      %sub3A_665 = arith.subi %mul3A_663, %sub3A_664 : i32
      %swap3A_666 = arith.constant 0 : i32
      %swap3A_667 = arith.constant 1 : i32
      %swap3A_668 = arith.index_cast %rem3A_112 : i32 to index
      %swap3A_669 = arith.index_cast %swap3A_666 : i32 to index
      %swap3A_670 = arith.index_cast %swap3A_667 : i32 to index
      %swap3A_671 = arith.index_cast %sub3A_665 : i32 to index
      %swap3A_672 = tpu.vector_load %arg7[%swap3A_668, %swap3A_669, %swap3A_670, %swap3A_671] {strides = array<i32>} : memref<2x1x8x1024xf32, #tpu.memory_space<vmem>>, vector<16xf32>,
      tpu.vector_store %arg7[%swap3A_668, %swap3A_669, %swap3A_670, %swap3A_671], %gather3A_529 {strides = array<i32>} : memref<2x1x8x1024xf32, #tpu.memory_space<vmem>>, vector<16xf32>,
      %mul3A_673 = arith.constant 16 : i32
      %mul3A_674 = arith.muli %scan3A_633, %mul3A_673 : i32
      %sub3A_675 = arith.constant 16 : i32
      %sub3A_676 = arith.subi %mul3A_674, %sub3A_675 : i32
      %swap3A_677 = arith.constant 0 : i32
      %swap3A_678 = arith.constant 2 : i32
      %swap3A_679 = arith.index_cast %rem3A_112 : i32 to index
      %swap3A_680 = arith.index_cast %swap3A_677 : i32 to index
      %swap3A_681 = arith.index_cast %swap3A_678 : i32 to index
      %swap3A_682 = arith.index_cast %sub3A_676 : i32 to index
      %swap3A_683 = tpu.vector_load %arg7[%swap3A_679, %swap3A_680, %swap3A_681, %swap3A_682] {strides = array<i32>} : memref<2x1x8x1024xf32, #tpu.memory_space<vmem>>, vector<16xf32>,
      tpu.vector_store %arg7[%swap3A_679, %swap3A_680, %swap3A_681, %swap3A_682], %gather3A_530 {strides = array<i32>} : memref<2x1x8x1024xf32, #tpu.memory_space<vmem>>, vector<16xf32>,
      %mul3A_684 = arith.constant 16 : i32
      %mul3A_685 = arith.muli %scan3A_633, %mul3A_684 : i32
      %sub3A_686 = arith.constant 16 : i32
      %sub3A_687 = arith.subi %mul3A_685, %sub3A_686 : i32
      %swap3A_688 = arith.constant 0 : i32
      %swap3A_689 = arith.constant 3 : i32
      %swap3A_690 = arith.index_cast %rem3A_112 : i32 to index
      %swap3A_691 = arith.index_cast %swap3A_688 : i32 to index
      %swap3A_692 = arith.index_cast %swap3A_689 : i32 to index
      %swap3A_693 = arith.index_cast %sub3A_687 : i32 to index
      %swap3A_694 = tpu.vector_load %arg7[%swap3A_690, %swap3A_691, %swap3A_692, %swap3A_693] {strides = array<i32>} : memref<2x1x8x1024xf32, #tpu.memory_space<vmem>>, vector<16xf32>,
      tpu.vector_store %arg7[%swap3A_690, %swap3A_691, %swap3A_692, %swap3A_693], %gather3A_531 {strides = array<i32>} : memref<2x1x8x1024xf32, #tpu.memory_space<vmem>>, vector<16xf32>,
      %mul3A_695 = arith.constant 16 : i32
      %mul3A_696 = arith.muli %scan3A_633, %mul3A_695 : i32
      %sub3A_697 = arith.constant 16 : i32
      %sub3A_698 = arith.subi %mul3A_696, %sub3A_697 : i32
      %swap3A_699 = arith.constant 0 : i32
      %swap3A_700 = arith.constant 4 : i32
      %swap3A_701 = arith.index_cast %rem3A_112 : i32 to index
      %swap3A_702 = arith.index_cast %swap3A_699 : i32 to index
      %swap3A_703 = arith.index_cast %swap3A_700 : i32 to index
      %swap3A_704 = arith.index_cast %sub3A_698 : i32 to index
      %swap3A_705 = tpu.vector_load %arg7[%swap3A_701, %swap3A_702, %swap3A_703, %swap3A_704] {strides = array<i32>} : memref<2x1x8x1024xf32, #tpu.memory_space<vmem>>, vector<16xf32>,
      tpu.vector_store %arg7[%swap3A_701, %swap3A_702, %swap3A_703, %swap3A_704], %gather3A_532 {strides = array<i32>} : memref<2x1x8x1024xf32, #tpu.memory_space<vmem>>, vector<16xf32>,
      %mul3A_706 = arith.constant 16 : i32
      %mul3A_707 = arith.muli %scan3A_633, %mul3A_706 : i32
      %sub3A_708 = arith.constant 16 : i32
      %sub3A_709 = arith.subi %mul3A_707, %sub3A_708 : i32
      %swap3A_710 = arith.constant 0 : i32
      %swap3A_711 = arith.constant 5 : i32
      %swap3A_712 = arith.index_cast %rem3A_112 : i32 to index
      %swap3A_713 = arith.index_cast %swap3A_710 : i32 to index
      %swap3A_714 = arith.index_cast %swap3A_711 : i32 to index
      %swap3A_715 = arith.index_cast %sub3A_709 : i32 to index
      %swap3A_716 = tpu.vector_load %arg7[%swap3A_712, %swap3A_713, %swap3A_714, %swap3A_715] {strides = array<i32>} : memref<2x1x8x1024xf32, #tpu.memory_space<vmem>>, vector<16xf32>,
      tpu.vector_store %arg7[%swap3A_712, %swap3A_713, %swap3A_714, %swap3A_715], %gather3A_533 {strides = array<i32>} : memref<2x1x8x1024xf32, #tpu.memory_space<vmem>>, vector<16xf32>,
      %mul3A_717 = arith.constant 16 : i32
      %mul3A_718 = arith.muli %scan3A_633, %mul3A_717 : i32
      %sub3A_719 = arith.constant 16 : i32
      %sub3A_720 = arith.subi %mul3A_718, %sub3A_719 : i32
      %swap3A_721 = arith.constant 0 : i32
      %swap3A_722 = arith.constant 6 : i32
      %swap3A_723 = arith.index_cast %rem3A_112 : i32 to index
      %swap3A_724 = arith.index_cast %swap3A_721 : i32 to index
      %swap3A_725 = arith.index_cast %swap3A_722 : i32 to index
      %swap3A_726 = arith.index_cast %sub3A_720 : i32 to index
      %swap3A_727 = tpu.vector_load %arg7[%swap3A_723, %swap3A_724, %swap3A_725, %swap3A_726] {strides = array<i32>} : memref<2x1x8x1024xf32, #tpu.memory_space<vmem>>, vector<16xf32>,
      tpu.vector_store %arg7[%swap3A_723, %swap3A_724, %swap3A_725, %swap3A_726], %gather3A_534 {strides = array<i32>} : memref<2x1x8x1024xf32, #tpu.memory_space<vmem>>, vector<16xf32>,
      %mul3A_728 = arith.constant 16 : i32
      %mul3A_729 = arith.muli %scan3A_633, %mul3A_728 : i32
      %sub3A_730 = arith.constant 16 : i32
      %sub3A_731 = arith.subi %mul3A_729, %sub3A_730 : i32
      %swap3A_732 = arith.constant 0 : i32
      %swap3A_733 = arith.constant 7 : i32
      %swap3A_734 = arith.index_cast %rem3A_112 : i32 to index
      %swap3A_735 = arith.index_cast %swap3A_732 : i32 to index
      %swap3A_736 = arith.index_cast %swap3A_733 : i32 to index
      %swap3A_737 = arith.index_cast %sub3A_731 : i32 to index
      %swap3A_738 = tpu.vector_load %arg7[%swap3A_734, %swap3A_735, %swap3A_736, %swap3A_737] {strides = array<i32>} : memref<2x1x8x1024xf32, #tpu.memory_space<vmem>>, vector<16xf32>,
      tpu.vector_store %arg7[%swap3A_734, %swap3A_735, %swap3A_736, %swap3A_737], %gather3A_535 {strides = array<i32>} : memref<2x1x8x1024xf32, #tpu.memory_space<vmem>>, vector<16xf32>,
      %add3A_739 = arith.addi %get3A_642, %broadcast_in_dim3A_30 : vector<16xi32>
      %add3A_740 = arith.addi %get3A_642, %broadcast_in_dim3A_32 : vector<16xi32>
      %add3A_741 = arith.addi %get3A_642, %broadcast_in_dim3A_34 : vector<16xi32>
      %add3A_742 = arith.addi %get3A_642, %broadcast_in_dim3A_36 : vector<16xi32>
      %add3A_743 = arith.addi %get3A_642, %broadcast_in_dim3A_38 : vector<16xi32>
      %add3A_744 = arith.addi %get3A_642, %broadcast_in_dim3A_40 : vector<16xi32>
      %add3A_745 = arith.addi %get3A_642, %broadcast_in_dim3A_42 : vector<16xi32>
      %add3A_746 = arith.addi %get3A_642, %broadcast_in_dim3A_44 : vector<16xi32>
      %scan3A_747 = arith.constant 61 : i32
      %scan3A_748 = arith.addi %scan3A, %scan3A_747 : i32
      %mul3A_749 = arith.constant 16 : i32
      %mul3A_750 = arith.muli %scan3A_748, %mul3A_749 : i32
      %add3A_751 = arith.constant 16 : i32
      %add3A_752 = arith.addi %mul3A_750, %add3A_751 : i32
      %get3A_753 = arith.constant 0 : i32
      %get3A_754 = arith.index_cast %rem3A_112 : i32 to index
      %get3A_755 = arith.index_cast %get3A_753 : i32 to index
      %get3A_756 = arith.index_cast %add3A_752 : i32 to index
      %get3A_757 = tpu.vector_load %arg6[%get3A_754, %get3A_755, %get3A_756] {strides = array<i32>} : memref<2x1x1040xi32, #tpu.memory_space<vmem>>, vector<16xi32>,
      %gather3A_758 = tpu.vector_load_idx %arg5[%add3A_739] : memref<8192xf32, #tpu.memory_space<vmem>>[vector<16xi32>], vector<16xf32>,
      %gather3A_759 = tpu.vector_load_idx %arg5[%add3A_740] : memref<8192xf32, #tpu.memory_space<vmem>>[vector<16xi32>], vector<16xf32>,
      %gather3A_760 = tpu.vector_load_idx %arg5[%add3A_741] : memref<8192xf32, #tpu.memory_space<vmem>>[vector<16xi32>], vector<16xf32>,
      %gather3A_761 = tpu.vector_load_idx %arg5[%add3A_742] : memref<8192xf32, #tpu.memory_space<vmem>>[vector<16xi32>], vector<16xf32>,
      %gather3A_762 = tpu.vector_load_idx %arg5[%add3A_743] : memref<8192xf32, #tpu.memory_space<vmem>>[vector<16xi32>], vector<16xf32>,
      %gather3A_763 = tpu.vector_load_idx %arg5[%add3A_744] : memref<8192xf32, #tpu.memory_space<vmem>>[vector<16xi32>], vector<16xf32>,
      %gather3A_764 = tpu.vector_load_idx %arg5[%add3A_745] : memref<8192xf32, #tpu.memory_space<vmem>>[vector<16xi32>], vector<16xf32>,
      %gather3A_765 = tpu.vector_load_idx %arg5[%add3A_746] : memref<8192xf32, #tpu.memory_space<vmem>>[vector<16xi32>], vector<16xf32>,
      %mul3A_766 = arith.constant 16 : i32
      %mul3A_767 = arith.muli %scan3A_748, %mul3A_766 : i32
      %sub3A_768 = arith.constant 16 : i32
      %sub3A_769 = arith.subi %mul3A_767, %sub3A_768 : i32
      %swap3A_770 = arith.constant 0 : i32
      %swap3A_771 = arith.constant 0 : i32
      %swap3A_772 = arith.index_cast %rem3A_112 : i32 to index
      %swap3A_773 = arith.index_cast %swap3A_770 : i32 to index
      %swap3A_774 = arith.index_cast %swap3A_771 : i32 to index
      %swap3A_775 = arith.index_cast %sub3A_769 : i32 to index
      %swap3A_776 = tpu.vector_load %arg7[%swap3A_772, %swap3A_773, %swap3A_774, %swap3A_775] {strides = array<i32>} : memref<2x1x8x1024xf32, #tpu.memory_space<vmem>>, vector<16xf32>,
      tpu.vector_store %arg7[%swap3A_772, %swap3A_773, %swap3A_774, %swap3A_775], %gather3A_643 {strides = array<i32>} : memref<2x1x8x1024xf32, #tpu.memory_space<vmem>>, vector<16xf32>,
      %mul3A_777 = arith.constant 16 : i32
      %mul3A_778 = arith.muli %scan3A_748, %mul3A_777 : i32
      %sub3A_779 = arith.constant 16 : i32
      %sub3A_780 = arith.subi %mul3A_778, %sub3A_779 : i32
      %swap3A_781 = arith.constant 0 : i32
      %swap3A_782 = arith.constant 1 : i32
      %swap3A_783 = arith.index_cast %rem3A_112 : i32 to index
      %swap3A_784 = arith.index_cast %swap3A_781 : i32 to index
      %swap3A_785 = arith.index_cast %swap3A_782 : i32 to index
      %swap3A_786 = arith.index_cast %sub3A_780 : i32 to index
      %swap3A_787 = tpu.vector_load %arg7[%swap3A_783, %swap3A_784, %swap3A_785, %swap3A_786] {strides = array<i32>} : memref<2x1x8x1024xf32, #tpu.memory_space<vmem>>, vector<16xf32>,
      tpu.vector_store %arg7[%swap3A_783, %swap3A_784, %swap3A_785, %swap3A_786], %gather3A_644 {strides = array<i32>} : memref<2x1x8x1024xf32, #tpu.memory_space<vmem>>, vector<16xf32>,
      %mul3A_788 = arith.constant 16 : i32
      %mul3A_789 = arith.muli %scan3A_748, %mul3A_788 : i32
      %sub3A_790 = arith.constant 16 : i32
      %sub3A_791 = arith.subi %mul3A_789, %sub3A_790 : i32
      %swap3A_792 = arith.constant 0 : i32
      %swap3A_793 = arith.constant 2 : i32
      %swap3A_794 = arith.index_cast %rem3A_112 : i32 to index
      %swap3A_795 = arith.index_cast %swap3A_792 : i32 to index
      %swap3A_796 = arith.index_cast %swap3A_793 : i32 to index
      %swap3A_797 = arith.index_cast %sub3A_791 : i32 to index
      %swap3A_798 = tpu.vector_load %arg7[%swap3A_794, %swap3A_795, %swap3A_796, %swap3A_797] {strides = array<i32>} : memref<2x1x8x1024xf32, #tpu.memory_space<vmem>>, vector<16xf32>,
      tpu.vector_store %arg7[%swap3A_794, %swap3A_795, %swap3A_796, %swap3A_797], %gather3A_645 {strides = array<i32>} : memref<2x1x8x1024xf32, #tpu.memory_space<vmem>>, vector<16xf32>,
      %mul3A_799 = arith.constant 16 : i32
      %mul3A_800 = arith.muli %scan3A_748, %mul3A_799 : i32
      %sub3A_801 = arith.constant 16 : i32
      %sub3A_802 = arith.subi %mul3A_800, %sub3A_801 : i32
      %swap3A_803 = arith.constant 0 : i32
      %swap3A_804 = arith.constant 3 : i32
      %swap3A_805 = arith.index_cast %rem3A_112 : i32 to index
      %swap3A_806 = arith.index_cast %swap3A_803 : i32 to index
      %swap3A_807 = arith.index_cast %swap3A_804 : i32 to index
      %swap3A_808 = arith.index_cast %sub3A_802 : i32 to index
      %swap3A_809 = tpu.vector_load %arg7[%swap3A_805, %swap3A_806, %swap3A_807, %swap3A_808] {strides = array<i32>} : memref<2x1x8x1024xf32, #tpu.memory_space<vmem>>, vector<16xf32>,
      tpu.vector_store %arg7[%swap3A_805, %swap3A_806, %swap3A_807, %swap3A_808], %gather3A_646 {strides = array<i32>} : memref<2x1x8x1024xf32, #tpu.memory_space<vmem>>, vector<16xf32>,
      %mul3A_810 = arith.constant 16 : i32
      %mul3A_811 = arith.muli %scan3A_748, %mul3A_810 : i32
      %sub3A_812 = arith.constant 16 : i32
      %sub3A_813 = arith.subi %mul3A_811, %sub3A_812 : i32
      %swap3A_814 = arith.constant 0 : i32
      %swap3A_815 = arith.constant 4 : i32
      %swap3A_816 = arith.index_cast %rem3A_112 : i32 to index
      %swap3A_817 = arith.index_cast %swap3A_814 : i32 to index
      %swap3A_818 = arith.index_cast %swap3A_815 : i32 to index
      %swap3A_819 = arith.index_cast %sub3A_813 : i32 to index
      %swap3A_820 = tpu.vector_load %arg7[%swap3A_816, %swap3A_817, %swap3A_818, %swap3A_819] {strides = array<i32>} : memref<2x1x8x1024xf32, #tpu.memory_space<vmem>>, vector<16xf32>,
      tpu.vector_store %arg7[%swap3A_816, %swap3A_817, %swap3A_818, %swap3A_819], %gather3A_647 {strides = array<i32>} : memref<2x1x8x1024xf32, #tpu.memory_space<vmem>>, vector<16xf32>,
      %mul3A_821 = arith.constant 16 : i32
      %mul3A_822 = arith.muli %scan3A_748, %mul3A_821 : i32
      %sub3A_823 = arith.constant 16 : i32
      %sub3A_824 = arith.subi %mul3A_822, %sub3A_823 : i32
      %swap3A_825 = arith.constant 0 : i32
      %swap3A_826 = arith.constant 5 : i32
      %swap3A_827 = arith.index_cast %rem3A_112 : i32 to index
      %swap3A_828 = arith.index_cast %swap3A_825 : i32 to index
      %swap3A_829 = arith.index_cast %swap3A_826 : i32 to index
      %swap3A_830 = arith.index_cast %sub3A_824 : i32 to index
      %swap3A_831 = tpu.vector_load %arg7[%swap3A_827, %swap3A_828, %swap3A_829, %swap3A_830] {strides = array<i32>} : memref<2x1x8x1024xf32, #tpu.memory_space<vmem>>, vector<16xf32>,
      tpu.vector_store %arg7[%swap3A_827, %swap3A_828, %swap3A_829, %swap3A_830], %gather3A_648 {strides = array<i32>} : memref<2x1x8x1024xf32, #tpu.memory_space<vmem>>, vector<16xf32>,
      %mul3A_832 = arith.constant 16 : i32
      %mul3A_833 = arith.muli %scan3A_748, %mul3A_832 : i32
      %sub3A_834 = arith.constant 16 : i32
      %sub3A_835 = arith.subi %mul3A_833, %sub3A_834 : i32
      %swap3A_836 = arith.constant 0 : i32
      %swap3A_837 = arith.constant 6 : i32
      %swap3A_838 = arith.index_cast %rem3A_112 : i32 to index
      %swap3A_839 = arith.index_cast %swap3A_836 : i32 to index
      %swap3A_840 = arith.index_cast %swap3A_837 : i32 to index
      %swap3A_841 = arith.index_cast %sub3A_835 : i32 to index
      %swap3A_842 = tpu.vector_load %arg7[%swap3A_838, %swap3A_839, %swap3A_840, %swap3A_841] {strides = array<i32>} : memref<2x1x8x1024xf32, #tpu.memory_space<vmem>>, vector<16xf32>,
      tpu.vector_store %arg7[%swap3A_838, %swap3A_839, %swap3A_840, %swap3A_841], %gather3A_649 {strides = array<i32>} : memref<2x1x8x1024xf32, #tpu.memory_space<vmem>>, vector<16xf32>,
      %mul3A_843 = arith.constant 16 : i32
      %mul3A_844 = arith.muli %scan3A_748, %mul3A_843 : i32
      %sub3A_845 = arith.constant 16 : i32
      %sub3A_846 = arith.subi %mul3A_844, %sub3A_845 : i32
      %swap3A_847 = arith.constant 0 : i32
      %swap3A_848 = arith.constant 7 : i32
      %swap3A_849 = arith.index_cast %rem3A_112 : i32 to index
      %swap3A_850 = arith.index_cast %swap3A_847 : i32 to index
      %swap3A_851 = arith.index_cast %swap3A_848 : i32 to index
      %swap3A_852 = arith.index_cast %sub3A_846 : i32 to index
      %swap3A_853 = tpu.vector_load %arg7[%swap3A_849, %swap3A_850, %swap3A_851, %swap3A_852] {strides = array<i32>} : memref<2x1x8x1024xf32, #tpu.memory_space<vmem>>, vector<16xf32>,
      tpu.vector_store %arg7[%swap3A_849, %swap3A_850, %swap3A_851, %swap3A_852], %gather3A_650 {strides = array<i32>} : memref<2x1x8x1024xf32, #tpu.memory_space<vmem>>, vector<16xf32>,
      %add3A_854 = arith.addi %get3A_757, %broadcast_in_dim3A_30 : vector<16xi32>
      %add3A_855 = arith.addi %get3A_757, %broadcast_in_dim3A_32 : vector<16xi32>
      %add3A_856 = arith.addi %get3A_757, %broadcast_in_dim3A_34 : vector<16xi32>
      %add3A_857 = arith.addi %get3A_757, %broadcast_in_dim3A_36 : vector<16xi32>
      %add3A_858 = arith.addi %get3A_757, %broadcast_in_dim3A_38 : vector<16xi32>
      %add3A_859 = arith.addi %get3A_757, %broadcast_in_dim3A_40 : vector<16xi32>
      %add3A_860 = arith.addi %get3A_757, %broadcast_in_dim3A_42 : vector<16xi32>
      %add3A_861 = arith.addi %get3A_757, %broadcast_in_dim3A_44 : vector<16xi32>
      %scan3A_862 = arith.constant 62 : i32
      %scan3A_863 = arith.addi %scan3A, %scan3A_862 : i32
      %mul3A_864 = arith.constant 16 : i32
      %mul3A_865 = arith.muli %scan3A_863, %mul3A_864 : i32
      %add3A_866 = arith.constant 16 : i32
      %add3A_867 = arith.addi %mul3A_865, %add3A_866 : i32
      %get3A_868 = arith.constant 0 : i32
      %get3A_869 = arith.index_cast %rem3A_112 : i32 to index
      %get3A_870 = arith.index_cast %get3A_868 : i32 to index
      %get3A_871 = arith.index_cast %add3A_867 : i32 to index
      %get3A_872 = tpu.vector_load %arg6[%get3A_869, %get3A_870, %get3A_871] {strides = array<i32>} : memref<2x1x1040xi32, #tpu.memory_space<vmem>>, vector<16xi32>,
      %gather3A_873 = tpu.vector_load_idx %arg5[%add3A_854] : memref<8192xf32, #tpu.memory_space<vmem>>[vector<16xi32>], vector<16xf32>,
      %gather3A_874 = tpu.vector_load_idx %arg5[%add3A_855] : memref<8192xf32, #tpu.memory_space<vmem>>[vector<16xi32>], vector<16xf32>,
      %gather3A_875 = tpu.vector_load_idx %arg5[%add3A_856] : memref<8192xf32, #tpu.memory_space<vmem>>[vector<16xi32>], vector<16xf32>,
      %gather3A_876 = tpu.vector_load_idx %arg5[%add3A_857] : memref<8192xf32, #tpu.memory_space<vmem>>[vector<16xi32>], vector<16xf32>,
      %gather3A_877 = tpu.vector_load_idx %arg5[%add3A_858] : memref<8192xf32, #tpu.memory_space<vmem>>[vector<16xi32>], vector<16xf32>,
      %gather3A_878 = tpu.vector_load_idx %arg5[%add3A_859] : memref<8192xf32, #tpu.memory_space<vmem>>[vector<16xi32>], vector<16xf32>,
      %gather3A_879 = tpu.vector_load_idx %arg5[%add3A_860] : memref<8192xf32, #tpu.memory_space<vmem>>[vector<16xi32>], vector<16xf32>,
      %gather3A_880 = tpu.vector_load_idx %arg5[%add3A_861] : memref<8192xf32, #tpu.memory_space<vmem>>[vector<16xi32>], vector<16xf32>,
      %mul3A_881 = arith.constant 16 : i32
      %mul3A_882 = arith.muli %scan3A_863, %mul3A_881 : i32
      %sub3A_883 = arith.constant 16 : i32
      %sub3A_884 = arith.subi %mul3A_882, %sub3A_883 : i32
      %swap3A_885 = arith.constant 0 : i32
      %swap3A_886 = arith.constant 0 : i32
      %swap3A_887 = arith.index_cast %rem3A_112 : i32 to index
      %swap3A_888 = arith.index_cast %swap3A_885 : i32 to index
      %swap3A_889 = arith.index_cast %swap3A_886 : i32 to index
      %swap3A_890 = arith.index_cast %sub3A_884 : i32 to index
      %swap3A_891 = tpu.vector_load %arg7[%swap3A_887, %swap3A_888, %swap3A_889, %swap3A_890] {strides = array<i32>} : memref<2x1x8x1024xf32, #tpu.memory_space<vmem>>, vector<16xf32>,
      tpu.vector_store %arg7[%swap3A_887, %swap3A_888, %swap3A_889, %swap3A_890], %gather3A_758 {strides = array<i32>} : memref<2x1x8x1024xf32, #tpu.memory_space<vmem>>, vector<16xf32>,
      %mul3A_892 = arith.constant 16 : i32
      %mul3A_893 = arith.muli %scan3A_863, %mul3A_892 : i32
      %sub3A_894 = arith.constant 16 : i32
      %sub3A_895 = arith.subi %mul3A_893, %sub3A_894 : i32
      %swap3A_896 = arith.constant 0 : i32
      %swap3A_897 = arith.constant 1 : i32
      %swap3A_898 = arith.index_cast %rem3A_112 : i32 to index
      %swap3A_899 = arith.index_cast %swap3A_896 : i32 to index
      %swap3A_900 = arith.index_cast %swap3A_897 : i32 to index
      %swap3A_901 = arith.index_cast %sub3A_895 : i32 to index
      %swap3A_902 = tpu.vector_load %arg7[%swap3A_898, %swap3A_899, %swap3A_900, %swap3A_901] {strides = array<i32>} : memref<2x1x8x1024xf32, #tpu.memory_space<vmem>>, vector<16xf32>,
      tpu.vector_store %arg7[%swap3A_898, %swap3A_899, %swap3A_900, %swap3A_901], %gather3A_759 {strides = array<i32>} : memref<2x1x8x1024xf32, #tpu.memory_space<vmem>>, vector<16xf32>,
      %mul3A_903 = arith.constant 16 : i32
      %mul3A_904 = arith.muli %scan3A_863, %mul3A_903 : i32
      %sub3A_905 = arith.constant 16 : i32
      %sub3A_906 = arith.subi %mul3A_904, %sub3A_905 : i32
      %swap3A_907 = arith.constant 0 : i32
      %swap3A_908 = arith.constant 2 : i32
      %swap3A_909 = arith.index_cast %rem3A_112 : i32 to index
      %swap3A_910 = arith.index_cast %swap3A_907 : i32 to index
      %swap3A_911 = arith.index_cast %swap3A_908 : i32 to index
      %swap3A_912 = arith.index_cast %sub3A_906 : i32 to index
      %swap3A_913 = tpu.vector_load %arg7[%swap3A_909, %swap3A_910, %swap3A_911, %swap3A_912] {strides = array<i32>} : memref<2x1x8x1024xf32, #tpu.memory_space<vmem>>, vector<16xf32>,
      tpu.vector_store %arg7[%swap3A_909, %swap3A_910, %swap3A_911, %swap3A_912], %gather3A_760 {strides = array<i32>} : memref<2x1x8x1024xf32, #tpu.memory_space<vmem>>, vector<16xf32>,
      %mul3A_914 = arith.constant 16 : i32
      %mul3A_915 = arith.muli %scan3A_863, %mul3A_914 : i32
      %sub3A_916 = arith.constant 16 : i32
      %sub3A_917 = arith.subi %mul3A_915, %sub3A_916 : i32
      %swap3A_918 = arith.constant 0 : i32
      %swap3A_919 = arith.constant 3 : i32
      %swap3A_920 = arith.index_cast %rem3A_112 : i32 to index
      %swap3A_921 = arith.index_cast %swap3A_918 : i32 to index
      %swap3A_922 = arith.index_cast %swap3A_919 : i32 to index
      %swap3A_923 = arith.index_cast %sub3A_917 : i32 to index
      %swap3A_924 = tpu.vector_load %arg7[%swap3A_920, %swap3A_921, %swap3A_922, %swap3A_923] {strides = array<i32>} : memref<2x1x8x1024xf32, #tpu.memory_space<vmem>>, vector<16xf32>,
      tpu.vector_store %arg7[%swap3A_920, %swap3A_921, %swap3A_922, %swap3A_923], %gather3A_761 {strides = array<i32>} : memref<2x1x8x1024xf32, #tpu.memory_space<vmem>>, vector<16xf32>,
      %mul3A_925 = arith.constant 16 : i32
      %mul3A_926 = arith.muli %scan3A_863, %mul3A_925 : i32
      %sub3A_927 = arith.constant 16 : i32
      %sub3A_928 = arith.subi %mul3A_926, %sub3A_927 : i32
      %swap3A_929 = arith.constant 0 : i32
      %swap3A_930 = arith.constant 4 : i32
      %swap3A_931 = arith.index_cast %rem3A_112 : i32 to index
      %swap3A_932 = arith.index_cast %swap3A_929 : i32 to index
      %swap3A_933 = arith.index_cast %swap3A_930 : i32 to index
      %swap3A_934 = arith.index_cast %sub3A_928 : i32 to index
      %swap3A_935 = tpu.vector_load %arg7[%swap3A_931, %swap3A_932, %swap3A_933, %swap3A_934] {strides = array<i32>} : memref<2x1x8x1024xf32, #tpu.memory_space<vmem>>, vector<16xf32>,
      tpu.vector_store %arg7[%swap3A_931, %swap3A_932, %swap3A_933, %swap3A_934], %gather3A_762 {strides = array<i32>} : memref<2x1x8x1024xf32, #tpu.memory_space<vmem>>, vector<16xf32>,
      %mul3A_936 = arith.constant 16 : i32
      %mul3A_937 = arith.muli %scan3A_863, %mul3A_936 : i32
      %sub3A_938 = arith.constant 16 : i32
      %sub3A_939 = arith.subi %mul3A_937, %sub3A_938 : i32
      %swap3A_940 = arith.constant 0 : i32
      %swap3A_941 = arith.constant 5 : i32
      %swap3A_942 = arith.index_cast %rem3A_112 : i32 to index
      %swap3A_943 = arith.index_cast %swap3A_940 : i32 to index
      %swap3A_944 = arith.index_cast %swap3A_941 : i32 to index
      %swap3A_945 = arith.index_cast %sub3A_939 : i32 to index
      %swap3A_946 = tpu.vector_load %arg7[%swap3A_942, %swap3A_943, %swap3A_944, %swap3A_945] {strides = array<i32>} : memref<2x1x8x1024xf32, #tpu.memory_space<vmem>>, vector<16xf32>,
      tpu.vector_store %arg7[%swap3A_942, %swap3A_943, %swap3A_944, %swap3A_945], %gather3A_763 {strides = array<i32>} : memref<2x1x8x1024xf32, #tpu.memory_space<vmem>>, vector<16xf32>,
      %mul3A_947 = arith.constant 16 : i32
      %mul3A_948 = arith.muli %scan3A_863, %mul3A_947 : i32
      %sub3A_949 = arith.constant 16 : i32
      %sub3A_950 = arith.subi %mul3A_948, %sub3A_949 : i32
      %swap3A_951 = arith.constant 0 : i32
      %swap3A_952 = arith.constant 6 : i32
      %swap3A_953 = arith.index_cast %rem3A_112 : i32 to index
      %swap3A_954 = arith.index_cast %swap3A_951 : i32 to index
      %swap3A_955 = arith.index_cast %swap3A_952 : i32 to index
      %swap3A_956 = arith.index_cast %sub3A_950 : i32 to index
      %swap3A_957 = tpu.vector_load %arg7[%swap3A_953, %swap3A_954, %swap3A_955, %swap3A_956] {strides = array<i32>} : memref<2x1x8x1024xf32, #tpu.memory_space<vmem>>, vector<16xf32>,
      tpu.vector_store %arg7[%swap3A_953, %swap3A_954, %swap3A_955, %swap3A_956], %gather3A_764 {strides = array<i32>} : memref<2x1x8x1024xf32, #tpu.memory_space<vmem>>, vector<16xf32>,
      %mul3A_958 = arith.constant 16 : i32
      %mul3A_959 = arith.muli %scan3A_863, %mul3A_958 : i32
      %sub3A_960 = arith.constant 16 : i32
      %sub3A_961 = arith.subi %mul3A_959, %sub3A_960 : i32
      %swap3A_962 = arith.constant 0 : i32
      %swap3A_963 = arith.constant 7 : i32
      %swap3A_964 = arith.index_cast %rem3A_112 : i32 to index
      %swap3A_965 = arith.index_cast %swap3A_962 : i32 to index
      %swap3A_966 = arith.index_cast %swap3A_963 : i32 to index
      %swap3A_967 = arith.index_cast %sub3A_961 : i32 to index
      %swap3A_968 = tpu.vector_load %arg7[%swap3A_964, %swap3A_965, %swap3A_966, %swap3A_967] {strides = array<i32>} : memref<2x1x8x1024xf32, #tpu.memory_space<vmem>>, vector<16xf32>,
      tpu.vector_store %arg7[%swap3A_964, %swap3A_965, %swap3A_966, %swap3A_967], %gather3A_765 {strides = array<i32>} : memref<2x1x8x1024xf32, #tpu.memory_space<vmem>>, vector<16xf32>,
      %add3A_969 = arith.addi %get3A_872, %broadcast_in_dim3A_30 : vector<16xi32>
      %add3A_970 = arith.addi %get3A_872, %broadcast_in_dim3A_32 : vector<16xi32>
      %add3A_971 = arith.addi %get3A_872, %broadcast_in_dim3A_34 : vector<16xi32>
      %add3A_972 = arith.addi %get3A_872, %broadcast_in_dim3A_36 : vector<16xi32>
      %add3A_973 = arith.addi %get3A_872, %broadcast_in_dim3A_38 : vector<16xi32>
      %add3A_974 = arith.addi %get3A_872, %broadcast_in_dim3A_40 : vector<16xi32>
      %add3A_975 = arith.addi %get3A_872, %broadcast_in_dim3A_42 : vector<16xi32>
      %add3A_976 = arith.addi %get3A_872, %broadcast_in_dim3A_44 : vector<16xi32>
      %scan3A_977 = arith.constant 63 : i32
      %swap3A_978 = arith.constant 0 : i32
      %swap3A_979 = arith.constant 0 : i32
      %swap3A_980 = arith.index_cast %rem3A_112 : i32 to index
      %swap3A_981 = arith.index_cast %swap3A_978 : i32 to index
      %swap3A_982 = arith.index_cast %swap3A_979 : i32 to index
      %swap3A_983 = arith.constant 1008 : index
      %swap3A_984 = tpu.vector_load %arg7[%swap3A_980, %swap3A_981, %swap3A_982, %swap3A_983] {strides = array<i32>} : memref<2x1x8x1024xf32, #tpu.memory_space<vmem>>, vector<16xf32>,
      tpu.vector_store %arg7[%swap3A_980, %swap3A_981, %swap3A_982, %swap3A_983], %gather3A_873 {strides = array<i32>} : memref<2x1x8x1024xf32, #tpu.memory_space<vmem>>, vector<16xf32>,
      %swap3A_985 = arith.constant 0 : i32
      %swap3A_986 = arith.constant 1 : i32
      %swap3A_987 = arith.index_cast %rem3A_112 : i32 to index
      %swap3A_988 = arith.index_cast %swap3A_985 : i32 to index
      %swap3A_989 = arith.index_cast %swap3A_986 : i32 to index
      %swap3A_990 = arith.constant 1008 : index
      %swap3A_991 = tpu.vector_load %arg7[%swap3A_987, %swap3A_988, %swap3A_989, %swap3A_990] {strides = array<i32>} : memref<2x1x8x1024xf32, #tpu.memory_space<vmem>>, vector<16xf32>,
      tpu.vector_store %arg7[%swap3A_987, %swap3A_988, %swap3A_989, %swap3A_990], %gather3A_874 {strides = array<i32>} : memref<2x1x8x1024xf32, #tpu.memory_space<vmem>>, vector<16xf32>,
      %swap3A_992 = arith.constant 0 : i32
      %swap3A_993 = arith.constant 2 : i32
      %swap3A_994 = arith.index_cast %rem3A_112 : i32 to index
      %swap3A_995 = arith.index_cast %swap3A_992 : i32 to index
      %swap3A_996 = arith.index_cast %swap3A_993 : i32 to index
      %swap3A_997 = arith.constant 1008 : index
      %swap3A_998 = tpu.vector_load %arg7[%swap3A_994, %swap3A_995, %swap3A_996, %swap3A_997] {strides = array<i32>} : memref<2x1x8x1024xf32, #tpu.memory_space<vmem>>, vector<16xf32>,
      tpu.vector_store %arg7[%swap3A_994, %swap3A_995, %swap3A_996, %swap3A_997], %gather3A_875 {strides = array<i32>} : memref<2x1x8x1024xf32, #tpu.memory_space<vmem>>, vector<16xf32>,
      %swap3A_999 = arith.constant 0 : i32
      %swap3A_1000 = arith.constant 3 : i32
      %swap3A_1001 = arith.index_cast %rem3A_112 : i32 to index
      %swap3A_1002 = arith.index_cast %swap3A_999 : i32 to index
      %swap3A_1003 = arith.index_cast %swap3A_1000 : i32 to index
      %swap3A_1004 = arith.constant 1008 : index
      %swap3A_1005 = tpu.vector_load %arg7[%swap3A_1001, %swap3A_1002, %swap3A_1003, %swap3A_1004] {strides = array<i32>} : memref<2x1x8x1024xf32, #tpu.memory_space<vmem>>, vector<16xf32>,
      tpu.vector_store %arg7[%swap3A_1001, %swap3A_1002, %swap3A_1003, %swap3A_1004], %gather3A_876 {strides = array<i32>} : memref<2x1x8x1024xf32, #tpu.memory_space<vmem>>, vector<16xf32>,
      %swap3A_1006 = arith.constant 0 : i32
      %swap3A_1007 = arith.constant 4 : i32
      %swap3A_1008 = arith.index_cast %rem3A_112 : i32 to index
      %swap3A_1009 = arith.index_cast %swap3A_1006 : i32 to index
      %swap3A_1010 = arith.index_cast %swap3A_1007 : i32 to index
      %swap3A_1011 = arith.constant 1008 : index
      %swap3A_1012 = tpu.vector_load %arg7[%swap3A_1008, %swap3A_1009, %swap3A_1010, %swap3A_1011] {strides = array<i32>} : memref<2x1x8x1024xf32, #tpu.memory_space<vmem>>, vector<16xf32>,
      tpu.vector_store %arg7[%swap3A_1008, %swap3A_1009, %swap3A_1010, %swap3A_1011], %gather3A_877 {strides = array<i32>} : memref<2x1x8x1024xf32, #tpu.memory_space<vmem>>, vector<16xf32>,
      %swap3A_1013 = arith.constant 0 : i32
      %swap3A_1014 = arith.constant 5 : i32
      %swap3A_1015 = arith.index_cast %rem3A_112 : i32 to index
      %swap3A_1016 = arith.index_cast %swap3A_1013 : i32 to index
      %swap3A_1017 = arith.index_cast %swap3A_1014 : i32 to index
      %swap3A_1018 = arith.constant 1008 : index
      %swap3A_1019 = tpu.vector_load %arg7[%swap3A_1015, %swap3A_1016, %swap3A_1017, %swap3A_1018] {strides = array<i32>} : memref<2x1x8x1024xf32, #tpu.memory_space<vmem>>, vector<16xf32>,
      tpu.vector_store %arg7[%swap3A_1015, %swap3A_1016, %swap3A_1017, %swap3A_1018], %gather3A_878 {strides = array<i32>} : memref<2x1x8x1024xf32, #tpu.memory_space<vmem>>, vector<16xf32>,
      %swap3A_1020 = arith.constant 0 : i32
      %swap3A_1021 = arith.constant 6 : i32
      %swap3A_1022 = arith.index_cast %rem3A_112 : i32 to index
      %swap3A_1023 = arith.index_cast %swap3A_1020 : i32 to index
      %swap3A_1024 = arith.index_cast %swap3A_1021 : i32 to index
      %swap3A_1025 = arith.constant 1008 : index
      %swap3A_1026 = tpu.vector_load %arg7[%swap3A_1022, %swap3A_1023, %swap3A_1024, %swap3A_1025] {strides = array<i32>} : memref<2x1x8x1024xf32, #tpu.memory_space<vmem>>, vector<16xf32>,
      tpu.vector_store %arg7[%swap3A_1022, %swap3A_1023, %swap3A_1024, %swap3A_1025], %gather3A_879 {strides = array<i32>} : memref<2x1x8x1024xf32, #tpu.memory_space<vmem>>, vector<16xf32>,
      %swap3A_1027 = arith.constant 0 : i32
      %swap3A_1028 = arith.constant 7 : i32
      %swap3A_1029 = arith.index_cast %rem3A_112 : i32 to index
      %swap3A_1030 = arith.index_cast %swap3A_1027 : i32 to index
      %swap3A_1031 = arith.index_cast %swap3A_1028 : i32 to index
      %swap3A_1032 = arith.constant 1008 : index
      %swap3A_1033 = tpu.vector_load %arg7[%swap3A_1029, %swap3A_1030, %swap3A_1031, %swap3A_1032] {strides = array<i32>} : memref<2x1x8x1024xf32, #tpu.memory_space<vmem>>, vector<16xf32>,
      tpu.vector_store %arg7[%swap3A_1029, %swap3A_1030, %swap3A_1031, %swap3A_1032], %gather3A_880 {strides = array<i32>} : memref<2x1x8x1024xf32, #tpu.memory_space<vmem>>, vector<16xf32>,
      %mul3A_1034 = arith.constant 8 : i32
      %mul3A_1035 = arith.muli %rem3A_1, %mul3A_1034 : i32
      %multiple_of3A_1036 = tpu.assume_multiple %mul3A_1035, 8 : i32
      %dma_start3A_1037 = arith.constant 0 : i32
      %dma_start3A_1038 = arith.constant 0 : i32
      %dma_start3A_1039 = arith.constant 0 : i32
      %dma_start3A_1040 = tpu.memref_slice %arg7[%rem3A_112, %dma_start3A_1037, %dma_start3A_1038, %dma_start3A_1039] : memref<2x1x8x1024xf32, #tpu.memory_space<vmem>> -> memref<1x1x8x1024xf32, #tpu.memory_space<vmem>>
      %dma_start3A_1041 = tpu.memref_squeeze %dma_start3A_1040 : memref<1x1x8x1024xf32, #tpu.memory_space<vmem>> -> memref<1x8x1024xf32, #tpu.memory_space<vmem>>
      %dma_start3A_1042 = arith.constant 0 : i32
      %dma_start3A_1043 = tpu.memref_slice %arg4[%while3A_109, %multiple_of3A_1036, %dma_start3A_1042] : memref<50x64x1024xf32, #tpu.memory_space<hbm>> -> memref<1x8x1024xf32, #tpu.memory_space<hbm>>
      %dma_start3A_1044 = arith.constant 0 : i32
      %dma_start3A_1045 = tpu.memref_slice %arg4[%while3A_109, %multiple_of3A_1036, %dma_start3A_1044] : memref<50x64x1024xf32, #tpu.memory_space<hbm>> -> memref<1x8x1024xf32, #tpu.memory_space<hbm>>
      %dma_start3A_1046 = arith.constant 0 : i32
      %dma_start3A_1047 = arith.constant 0 : i32
      %dma_start3A_1048 = arith.constant 0 : i32
      %dma_start3A_1049 = tpu.memref_slice %arg7[%rem3A_112, %dma_start3A_1046, %dma_start3A_1047, %dma_start3A_1048] : memref<2x1x8x1024xf32, #tpu.memory_space<vmem>> -> memref<1x1x8x1024xf32, #tpu.memory_space<vmem>>
      %dma_start3A_1050 = tpu.memref_squeeze %dma_start3A_1049 : memref<1x1x8x1024xf32, #tpu.memory_space<vmem>> -> memref<1x8x1024xf32, #tpu.memory_space<vmem>>
      tpu.enqueue_dma source(%dma_start3A_1050 : memref<1x8x1024xf32, #tpu.memory_space<vmem>>) target(%dma_start3A_1045 : memref<1x8x1024xf32, #tpu.memory_space<hbm>>) target_semaphore(%arg10 : memref<!tpu.dma_semaphore, #tpu.memory_space<semaphore_mem>>)
    }
    %dma_wait3A_71 = arith.constant 0 : i32
    %dma_wait3A_72 = arith.constant 0 : i32
    %dma_wait3A_73 = arith.constant 0 : i32
    %dma_wait3A_74 = arith.constant 0 : i32
    %dma_wait3A_75 = tpu.memref_slice %arg7[%dma_wait3A_71, %dma_wait3A_72, %dma_wait3A_73, %dma_wait3A_74] : memref<2x1x8x1024xf32, #tpu.memory_space<vmem>> -> memref<1x1x8x1024xf32, #tpu.memory_space<vmem>>
    %dma_wait3A_76 = tpu.memref_squeeze %dma_wait3A_75 : memref<1x1x8x1024xf32, #tpu.memory_space<vmem>> -> memref<1x8x1024xf32, #tpu.memory_space<vmem>>
    %dma_wait3A_77 = arith.constant 0 : i32
    %dma_wait3A_78 = arith.constant 0 : i32
    %dma_wait3A_79 = arith.constant 0 : i32
    %dma_wait3A_80 = tpu.memref_slice %arg4[%dma_wait3A_77, %dma_wait3A_78, %dma_wait3A_79] : memref<50x64x1024xf32, #tpu.memory_space<hbm>> -> memref<1x8x1024xf32, #tpu.memory_space<hbm>>
    %dma_wait3A_81 = arith.constant 0 : i32
    %dma_wait3A_82 = arith.constant 0 : i32
    %dma_wait3A_83 = arith.constant 0 : i32
    %dma_wait3A_84 = tpu.memref_slice %arg4[%dma_wait3A_81, %dma_wait3A_82, %dma_wait3A_83] : memref<50x64x1024xf32, #tpu.memory_space<hbm>> -> memref<1x8x1024xf32, #tpu.memory_space<hbm>>
    %dma_wait3A_85 = arith.constant 0 : i32
    %dma_wait3A_86 = arith.constant 0 : i32
    %dma_wait3A_87 = arith.constant 0 : i32
    %dma_wait3A_88 = tpu.memref_slice %arg7[%dma_wait3A_71, %dma_wait3A_85, %dma_wait3A_86, %dma_wait3A_87] : memref<2x1x8x1024xf32, #tpu.memory_space<vmem>> -> memref<1x1x8x1024xf32, #tpu.memory_space<vmem>>
    %dma_wait3A_89 = tpu.memref_squeeze %dma_wait3A_88 : memref<1x1x8x1024xf32, #tpu.memory_space<vmem>> -> memref<1x8x1024xf32, #tpu.memory_space<vmem>>
    tpu.wait_dma2 semaphore(%arg10 : memref<!tpu.dma_semaphore, #tpu.memory_space<semaphore_mem>>) src(%dma_wait3A_89 : memref<1x8x1024xf32, #tpu.memory_space<vmem>>) dst(%dma_wait3A_84 : memref<1x8x1024xf32, #tpu.memory_space<hbm>>)
    %dma_wait3A_90 = arith.constant 0 : i32
    %dma_wait3A_91 = arith.constant 0 : i32
    %dma_wait3A_92 = arith.constant 0 : i32
    %dma_wait3A_93 = arith.constant 0 : i32
    %dma_wait3A_94 = tpu.memref_slice %arg7[%dma_wait3A_90, %dma_wait3A_91, %dma_wait3A_92, %dma_wait3A_93] : memref<2x1x8x1024xf32, #tpu.memory_space<vmem>> -> memref<1x1x8x1024xf32, #tpu.memory_space<vmem>>
    %dma_wait3A_95 = tpu.memref_squeeze %dma_wait3A_94 : memref<1x1x8x1024xf32, #tpu.memory_space<vmem>> -> memref<1x8x1024xf32, #tpu.memory_space<vmem>>
    %dma_wait3A_96 = arith.constant 0 : i32
    %dma_wait3A_97 = arith.constant 0 : i32
    %dma_wait3A_98 = arith.constant 0 : i32
    %dma_wait3A_99 = tpu.memref_slice %arg4[%dma_wait3A_96, %dma_wait3A_97, %dma_wait3A_98] : memref<50x64x1024xf32, #tpu.memory_space<hbm>> -> memref<1x8x1024xf32, #tpu.memory_space<hbm>>
    %dma_wait3A_100 = arith.constant 0 : i32
    %dma_wait3A_101 = arith.constant 0 : i32
    %dma_wait3A_102 = arith.constant 0 : i32
    %dma_wait3A_103 = tpu.memref_slice %arg4[%dma_wait3A_100, %dma_wait3A_101, %dma_wait3A_102] : memref<50x64x1024xf32, #tpu.memory_space<hbm>> -> memref<1x8x1024xf32, #tpu.memory_space<hbm>>
    %dma_wait3A_104 = arith.constant 0 : i32
    %dma_wait3A_105 = arith.constant 0 : i32
    %dma_wait3A_106 = arith.constant 0 : i32
    %dma_wait3A_107 = tpu.memref_slice %arg7[%dma_wait3A_90, %dma_wait3A_104, %dma_wait3A_105, %dma_wait3A_106] : memref<2x1x8x1024xf32, #tpu.memory_space<vmem>> -> memref<1x1x8x1024xf32, #tpu.memory_space<vmem>>
    %dma_wait3A_108 = tpu.memref_squeeze %dma_wait3A_107 : memref<1x1x8x1024xf32, #tpu.memory_space<vmem>> -> memref<1x8x1024xf32, #tpu.memory_space<vmem>>
    tpu.wait_dma2 semaphore(%arg10 : memref<!tpu.dma_semaphore, #tpu.memory_space<semaphore_mem>>) src(%dma_wait3A_108 : memref<1x8x1024xf32, #tpu.memory_space<vmem>>) dst(%dma_wait3A_103 : memref<1x8x1024xf32, #tpu.memory_space<hbm>>)
    return
  }
}

</mosaic_0001>

<sc_bundles>
// kernel: _embed_t.3.cloned.1.call-start
scs
__scs_entry_jumppad:
0x0: {  	(pc) =	sbr.rel $0x88, $3  }
0x1: {  	(tag) =	ssettag $0x0;
	lr =	simm.s32 $0x1  }
0x2: {  	[smem:$0x3F9F] =	sst lr;
	_ =	strace $0xD0000000  }
0x3: {  	_ = 	snop  }
0x4: {  	_ = 	snop  }
0x5: {  	_ = 	snop  }
0x6: {  	_ = 	snop  }
0x7: {  	_ = 	snop  }
__scs_overlays_trampoline_lowered:
0x8: {  	[smem:$0x3FAE] =	sst s0  }
0x9: {  	[smem:$0x3FAF] =	sst s1  }
0xa: {  	[smem:$0x3FB0] =	sst s2  }
0xb: {  	[smem:$0x3FB1] =	sst s3  }
0xc: {  	[smem:$0x3FB2] =	sst s4  }
0xd: {  	[smem:$0x3FB3] =	sst s5  }
0xe: {  	[smem:$0x3FB4] =	sst s6  }
0xf: {  	[smem:$0x3FB5] =	sst s7  }
0x10: {  	[smem:$0x3FB6] =	sst s8  }
0x11: {  	[smem:$0x3FB7] =	sst s9;
	s0 =	simm.s32 @!p0 $0x0  }
0x12: {  	s1 =	sld [smem:$0x3F9D];
	s0 =	simm.s32 @p0 $0x1  }
0x13: {  	[smem:$0x3FB8] =	sst s0;
	s0 =	simm.s32 @!p1 $0x0  }
0x14: {  	s2 =	sld [smem:$0x3F9C];
	s0 =	simm.s32 @p1 $0x1  }
0x15: {  	[smem:$0x3FB9] =	sst s0;
	s0 =	simm.s32 @!p2 $0x0  }
0x16: {  	s3 =	sld [smem:$0x3FDB];
	s0 =	simm.s32 @p2 $0x1  }
0x17: {  	s4 =	simm.s32 $0x1BF5;
	[smem:$0x3FBB] =	sst s0  }
0x18: {  	s0 =	sld [smem:$0x3F9E];
	_ =	swait.ge [sflag:s4], $0x0  }
0x19: {  	s7 =	sld [smem:$0x3F9F]  }
0x1a: {  	s8 =	sadd.s32 $0xFFFFE003, lr  }
0x1b: {  	s9 =	sadd.s32 $0xFFFFFEF7, lr;
	s5 =	simm.s32 $0xFFFFFFFF;
	p2 =	slt.u32 s8, $0xFFFFF086  }
0x1c: {  	p1 =	slt.u32 s9, $0xF7A;
	s5 =	simm.s32 @!p2 $0x0  }
0x1d: {  	s5 =	simm.s32 @p1 $0x1;
	p0 =	seq.s32 s7, s2  }
0x1e: {  	s7 =	smul.u32 @!p0 $0xF7A, s2;
	p2 =	seq.s32 @!p0 s5, $0x0  }
0x1f: {  	s9 =	smul.u32 $0xF7A, s1;
	s8 =	simm.s32 @!p0 $0x1BF5;
	p2 =	por !p2, p0  }
0x20: {  	[sflag:s8] =	ssyncset.s32 @!p0 $0xFFFFF086;
	s6 =	sadd.s32 @!p0 s3, s7;
	s7 =	simm.s32 @!p0 $0x108  }
0x21: {  	s3 =	sadd.s32 s3, s9;
	s6 =	sadd.s32 @!p0 $0x88, s6;
	s7 =	simm.s32 @p2 $0x1082  }
0x22: {  	[simem:s7], [sflag:s8] =	dma.local @!p0 [hbm:s6], $0xF7A  }
0x23: {  	s9 =	sor.u32 $0xD0000000, s2;
	s6 =	simm.s32 $0x108;
	_ =	swait.ge @!p0 [sflag:s8], $0x0  }
0x24: {  	s3 =	sadd.s32 $0x88, s3;
	s6 =	simm.s32 @!p1 $0x1082;
	[sflag:s4] =	ssyncset.s32 $0xFFFFF086  }
0x25: {  	[simem:s6], [sflag:s4] =	dma.local [hbm:s3], $0xF7A  }
0x26: {  	[smem:$0x3F9F] =	sst s1;
	(tag) =	ssettag s2;
	_ =	strace s9  }
0x27: {  	s1 =	sld [smem:$0x3FAF]  }
0x28: {  	s2 =	sld [smem:$0x3FB0]  }
0x29: {  	s4 =	sld [smem:$0x3FB2]  }
0x2a: {  	p0 =	seq.s32 s5, $0x0;
	s5 =	sld [smem:$0x3FB3]  }
0x2b: {  	s6 =	sld [smem:$0x3FB4]  }
0x2c: {  	s7 =	sld [smem:$0x3FB5]  }
0x2d: {  	s3 =	simm.s32 $0x108;
	s8 =	sld [smem:$0x3FB6]  }
0x2e: {  	s3 =	simm.s32 @!p0 $0x1082;
	s9 =	sld [smem:$0x3FB7]  }
0x2f: {  	lr =	sadd.s32 s0, s3;
	s0 =	sld [smem:$0x3FAE]  }
0x30: {  	s3 =	sld [smem:$0x3FB1]  }
0x31: {  	[smem:$0x3FBA] =	sst s10  }
0x32: {  	s10 =	sld [smem:$0x3FB8];
	_ =	sdelay $0x3  }
0x33: {  	p0 =	seq.s32 s10, $0x1;
	s10 =	sld [smem:$0x3FBA];
	_ =	sdelay $0x3  }
0x34: {  	[smem:$0x3FBA] =	sst s10  }
0x35: {  	s10 =	sld [smem:$0x3FB9];
	_ =	sdelay $0x3  }
0x36: {  	p1 =	seq.s32 s10, $0x1;
	s10 =	sld [smem:$0x3FBA];
	_ =	sdelay $0x3  }
0x37: {  	[smem:$0x3FBA] =	sst s10  }
0x38: {  	s10 =	sld [smem:$0x3FBB]  }
0x39: {  	_ = 	snop;
	(pc) =	sbr.ind lr, $3  }
0x3a: {  	_ = 	snop  }
0x3b: {  	_ = 	snop  }
0x3c: {  	p2 =	seq.s32 s10, $0x1;
	s10 =	sld [smem:$0x3FBA]  }
0x3d: {  	_ =	shalt  }
0x3e: {  	_ =	shalt  }
0x3f: {  	_ =	shalt  }
0x40: {  	_ =	shalt  }
0x41: {  	_ =	shalt  }
0x42: {  	_ =	shalt  }
0x43: {  	_ =	shalt  }
0x44: {  	_ =	shalt  }
0x45: {  	_ =	shalt  }
0x46: {  	_ =	shalt  }
0x47: {  	_ =	shalt  }
0x48: {  	_ =	shalt  }
0x49: {  	_ =	shalt  }
0x4a: {  	_ =	shalt  }
0x4b: {  	_ =	shalt  }
0x4c: {  	_ =	shalt  }
0x4d: {  	_ =	shalt  }
0x4e: {  	_ =	shalt  }
0x4f: {  	_ =	shalt  }
0x50: {  	_ =	shalt  }
0x51: {  	_ =	shalt  }
0x52: {  	_ =	shalt  }
0x53: {  	_ =	shalt  }
0x54: {  	_ =	shalt  }
0x55: {  	_ =	shalt  }
0x56: {  	_ =	shalt  }
0x57: {  	_ =	shalt  }
0x58: {  	_ =	shalt  }
0x59: {  	_ =	shalt  }
0x5a: {  	_ =	shalt  }
0x5b: {  	_ =	shalt  }
0x5c: {  	_ =	shalt  }
0x5d: {  	_ =	shalt  }
0x5e: {  	_ =	shalt  }
0x5f: {  	_ =	shalt  }
0x60: {  	_ =	shalt  }
0x61: {  	_ =	shalt  }
0x62: {  	_ =	shalt  }
0x63: {  	_ =	shalt  }
0x64: {  	_ =	shalt  }
0x65: {  	_ =	shalt  }
0x66: {  	_ =	shalt  }
0x67: {  	_ =	shalt  }
0x68: {  	_ =	shalt  }
0x69: {  	_ =	shalt  }
0x6a: {  	_ =	shalt  }
0x6b: {  	_ =	shalt  }
0x6c: {  	_ =	shalt  }
0x6d: {  	_ =	shalt  }
0x6e: {  	_ =	shalt  }
0x6f: {  	_ =	shalt  }
0x70: {  	_ =	shalt  }
0x71: {  	_ =	shalt  }
0x72: {  	_ =	shalt  }
0x73: {  	_ =	shalt  }
0x74: {  	_ =	shalt  }
0x75: {  	_ =	shalt  }
0x76: {  	_ =	shalt  }
0x77: {  	_ =	shalt  }
0x78: {  	_ =	shalt  }
0x79: {  	_ =	shalt  }
0x7a: {  	_ =	shalt  }
0x7b: {  	_ =	shalt  }
0x7c: {  	_ =	shalt  }
0x7d: {  	_ =	shalt  }
0x7e: {  	_ =	shalt  }
0x7f: {  	_ =	shalt  }
0x80: {  	_ =	shalt  }
0x81: {  	_ =	shalt  }
0x82: {  	_ =	shalt  }
0x83: {  	_ =	shalt  }
0x84: {  	_ =	shalt  }
0x85: {  	_ =	shalt  }
0x86: {  	_ =	shalt  }
0x87: {  	_ =	shalt  }
.Lfunc_end0:
.L_simem_size_0:
called_computation_lowered:
.L_overlay_start_0:
0x88: {  	s2 =	sld [smem:$0x3FD9]  }
0x89: {  	s3 =	sld [smem:$0x3FFE];
	_ =	sdelay $0x1  }
0x8a: {  	s1 =	srdreg.scid  }
0x8b: {  	s0 =	sand.u32 $0x1, s1  }
0x8c: {  	s18 =	sshll.u32 s0, $0xA;
	s2 =	sadd.s32 s3, s2  }
0x8d: {  	s2 =	sadd.s32 s2, s18  }
0x8e: {  	[smem:$0x3FC6] =	sst s2  }
0x8f: {  	_ = 	snop  }
0x90: {  	s2 =	sld [smem:$0x3FC9]  }
0x91: {  	s19 =	sld [smem:$0x3FC8]  }
0x92: {  	s4 =	sld [smem:$0x3FD0];
	(tm) =	ssettm $0x1  }
0x93: {  	s5 =	sld [smem:$0x3FFB];
	_ =	sdelay $0x3  }
0x94: {  	_ =	strace s5  }
0x95: {  	s5 =	sld [smem:$0x3FFC];
	_ =	sdelay $0x3  }
0x96: {  	_ =	strace s5  }
0x97: {  	s5 =	sld [smem:$0x3FFD];
	_ =	sdelay $0x3  }
0x98: {  	_ =	strace s5  }
0x99: {  	_ =	strace $0x8FFFFFFF  }
0x9a: {  	s20 =	sld [smem:$0x3FDB];
	_ =	sdelay $0x1  }
0x9b: {  	s6 =	simm.s32 $_scs_section_size  }
0x9c: {  	s7 =	simm.s32 $_size__tile_overlayer_lowered;
	s8 =	simm.s32 $_tile_overlayer_lowered  }
0x9d: {  	s23 =	simm.s32 $0x1BFF;
	s22 =	sshll.u32 s8, $0x1;
	s5 =	sadd.s32 s6, s20  }
0x9e: {  	s9 =	simm.s32 $0x0;
	s21 =	sshll.u32 s7, $0x1;
	s7 =	sadd.s32 s22, s5  }
0x9f: {  	[timem:s9], [sflag:s23] =	dma.local [hbm:s7], s21  }
0xa0: {  	_ =	swait.ge [sflag:s23], s21  }
0xa1: {  	s6 =	ssub.s32 $0x0, s21;
	[sflag:s23] =	ssyncset.done $0x0  }
0xa2: {  	[sflag:s23] =	ssyncadd.s32 s6;
	_ =	sdelay $0x1  }
0xa3: {  	s24 =	simm.s32 $0x1B8B  }
0xa4: {  	_ =	swait.ge [sflag:s24], $0x1  }
0xa5: {  	[sflag:s24] =	ssyncset.done $0x0  }
0xa6: {  	s25 =	simm.s32 $0x1B8E;
	[sflag:s24] =	ssyncadd.s32 $0xFFFFFFFF  }
0xa7: {  	s26 =	simm.s32 $execute0_lowered;
	[smem:$0x3FD2] =	sst s25  }
0xa8: {  	s6 =	sshll.u32 s26, $0x1;
	_ =	strace $0x80000046;
	[dreg:$0x1] =	wrdreg $0xFFFFFFFF  }
0xa9: {  	s28 =	simm.s32 $_size_execute0_lowered;
	s5 =	sadd.s32 s5, s6;
	[dreg:$0x0] =	wrdreg $0x0  }
0xaa: {  	s6 =	sshll.u32 s28, $0x1;
	[dreg:$0x2] =	wrdreg s5  }
0xab: {  	[dreg:$0x3] =	wrdreg s6  }
0xac: {  	[dreg:$0x4] =	wrdreg $0xC0  }
0xad: {  	_ =	task [dreg:s9], $0x5FFFF  }
0xae: {  	[dreg:$0x1] =	wrdreg $0xFFFFFFFF  }
0xaf: {  	[dreg:$0x0] =	wrdreg $0x60  }
0xb0: {  	[dreg:$0x2] =	wrdreg s2  }
0xb1: {  	[dreg:$0x3] =	wrdreg s19  }
0xb2: {  	[dreg:$0x4] =	wrdreg s4  }
0xb3: {  	[dreg:$0x5] =	wrdreg $0x9  }
0xb4: {  	_ =	task.clear_ibuf [dreg:s9], $0x6FFFF;
	_ =	strace $0x90000046  }
0xb5: {  	s29 =	simm.s32 $0x9;
	_ =	strace $0x80000048  }
0xb6: {  	_ =	swait.ge [sflag:s29], $0x1  }
0xb7: {  	[sflag:s29] =	ssyncadd.s32 $0xFFFFFFFF  }
0xb8: {  	_ =	strace $0x90000048  }
0xb9: {  	_ =	sfence  }
0xba: {  	s30 =	sld [smem:$0x0];
	_ =	sdelay $0x2  }
0xbb: {  	s31 =	sshll.u32 s1, $0xD;
	s1 =	sshrl.u32 s1, $0x2  }
0xbc: {  	s3 =	sand.u32 $0x4000, s31;
	s1 =	sadd.s32 s1, s30  }
0xbd: {  	s0 =	sor.u32 s3, s0;
	s1 =	sshll.u32 s1, $0x11  }
0xbe: {  	s0 =	sor.u32 s1, s0  }
0xbf: {  	s0 =	sadd.s32 $0x8F2B, s0  }
0xc0: {  	[sflag:s0] =	ssyncadd.remote.s32 $0x1  }
0xc1: {  	_ =	sfence.sel $0xFFFF  }
0xc2: {  	[dreg:$0x0] =	wrdreg $0xFFFFFFFF;
	(pc) =	sbr.abs _section_cstart, $3  }
0xc3: {  	[dreg:$0x1] =	wrdreg $0xFFFFFFFF  }
0xc4: {  	_ =	task.clear_ibuf [dreg:s9], $0x2FFFF;
	_ =	strace $0x9FFFFFFF  }
0xc5: {  	(tm) =	ssettm $0x7FFFFFFF  }
tec
execute0_lowered:
.L_overlay_start_1:
0x0: {  	(tag) =	ssettag $0x1  }
0x1: {  	s7 =	rddreg [dreg:$0x0]  }
0x2: {  	s2 =	rddreg [dreg:$0x1]  }
0x3: {  	s3 =	rddreg [dreg:$0x2]  }
0x4: {  	s0 =	rddreg [dreg:$0x3];
	s1 =	stileid.u32  }
0x5: {  	s4 =	simm.s32 $0x0;
	s5 =	srdreg.scid;
	s13 =	simm.s32 $0x2000  }
0x6: {  	s14 =	simm.s32 $0x1;
	s15 =	simm.s32 $0x2;
	s16 =	simm.s32 $0x3  }
0x7: {  	s17 =	simm.s32 $0x0;
	s6 =	sshrl.u32 s1, $0x2;
	[smem:$0x7FF] =	sst s4  }
0x8: {  	s8 =	sand.u32 $0x1, s5;
	s11 =	sshll.u32 s1, $0x1;
	p0 =	slt.u32 s1, $0x8  }
0x9: {  	s28 =	smul.u32 $0xC, s6;
	_ =	strace $0x80000047;
	s9 =	ssub.s32 $0x2, s8  }
0xa: {  	s10 =	smin.u32 s6, $0x2;
	s6 =	smul.u32 $0x3000, s6;
	s11 =	sand.u32 $0x6, s11  }
0xb: {  	s29 =	sshrl.u32 s9, $0x1;
	s30 =	sor.u32 s8, s11;
	s5 =	sor.u32 s10, s28  }
0xc: {  	s8 =	simm.s32 $0xD;
	s10 =	ssub.s32 s9, s29;
	s12 =	sshll.u32 s5, $0x7  }
0xd: {  	s8 =	simm.s32 @!p0 $0xC;
	s11 =	sshll.u32 s30, $0xA;
	s6 =	sor.u32 s6, s12  }
0xe: {  	s9 =	sshll.u32 s30, $0xD;
	s7 =	sadd.s32 s7, s11;
	s6 =	sand.u32 $0xE380, s6  }
0xf: {  	s10 =	smax.u32 s10, $0x1;
	s11 =	simm.s32 $0x80;
	s31 =	sshrl.u32 s6, $0x3  }
0x10: {  	s12 =	simm.s32 $0x400;
	s6 =	sadd.s32 s5, s8;
	s8 =	sadd.s32 s2, s31  }
.LBB2_1:
0x11: {  	[tilespmem:s4], [sflag:$0x1] =	stream.linear.gather [hbm4b:s7+s4], $0x2000, $0x38;
	[tilespmem:$0x6900] =	vst v63  }
0x12: {  	_ = 	snop  }
0x13: {  	[tilespmem:s13], [sflag:$0x2] =	stream.strided.gather [hbm4b:s8+s11], $0x400, s12, s11, $0x38;
	[tilespmem:$0x6900] =	vst v63  }
0x14: {  	_ =	swait.ge [sflag:s14], $0x2000  }
0x15: {  	[sflag:s14] =	ssyncset.done $0x0  }
0x16: {  	p0 =	por $0x0, $0x0;
	s19 =	smov.u32 s5;
	[sflag:s14] =	ssyncadd.s32 $0xFFFFE000  }
.LBB2_2:
0x17: {  	s20 =	ssub.s32 s19, s5;
	s18 =	sadd.s32 $0x1, s19  }
0x18: {  	s21 =	sand.u32 $0x1, s20;
	p1 =	sge.u32 s18, s6  }
0x19: {  	s22 =	sxor.u32 @!p1 $0x1, s21;
	s23 =	sshll.u32 @!p1 s18, $0xA;
	s24 =	sshll.u32 @!p1 s18, $0x7  }
0x1a: {  	s22 =	smul.u32 @!p1 $0x1200, s22;
	s23 =	sand.u32 @!p1 $0x7FFFE000, s23;
	s24 =	sand.u32 @!p1 $0x380, s24  }
0x1b: {  	s23 =	sor.u32 @!p1 s24, s23  }
0x1c: {  	s25 =	simm.s32 @!p1 $0x400;
	s22 =	sshrl.u32 @!p1 s22, $0x2;
	s23 =	sshrl.u32 @!p1 s23, $0x3  }
0x1d: {  	s24 =	simm.s32 @!p1 $0x80;
	s22 =	sor.u32 @!p1 $0x2000, s22;
	s23 =	sadd.s32 @!p1 s2, s23  }
0x1e: {  	[tilespmem:s22], [sflag:$0x2] =	stream.strided.gather @!p1 [hbm4b:s23+s24], $0x400, s25, s24, $0x38;
	[tilespmem:$0x6900] =	vst v63  }
0x1f: {  	_ =	swait.ge [sflag:s15], $0x400  }
0x20: {  	p1 =	slt.u32 s20, $0x2;
	[sflag:s15] =	ssyncset.done $0x0  }
0x21: {  	s20 =	simm.s32 @!p1 $0x3;
	[sflag:s15] =	ssyncadd.s32 $0xFFFFFC00  }
0x22: {  	s29 =	smul.u32 $0x1200, s21;
	_ =	swait.ge @!p1 [sflag:s20], $0x2000  }
0x23: {  	[sflag:s20] =	ssyncset.done @!p1 $0x0  }
0x24: {  	s22 =	sshrl.u32 s29, $0x2;
	[sflag:s20] =	ssyncadd.s32 @!p1 $0xFFFFE000  }
0x25: {  	v3 =	vld [tilespmem:s22+$0x2000];
	_ =	sdelay $0x4  }
0x26: {  	v1 =	vadd.s32 $0x400, v3  }
0x27: {  	v2 =	vadd.s32 $0x800, v3  }
0x28: {  	v4 =	vadd.s32 $0xC00, v3  }
0x29: {  	v8 =	vld [tilespmem:s22+$0x2010];
	v5 =	vadd.s32 $0x1000, v3  }
0x2a: {  	v6 =	vadd.s32 $0x1400, v3;
	v0 =	vld.idx.msk [tilespmem:v3+s4+$0x0], $0xffff  }
0x2b: {  	v7 =	vadd.s32 $0x1800, v3;
	v1 =	vld.idx.msk [tilespmem:v1+s4+$0x0], $0xffff  }
0x2c: {  	s20 =	simm.s32 $0x1;
	v13 =	vadd.s32 $0x1C00, v3;
	v2 =	vld.idx.msk [tilespmem:v2+s4+$0x0], $0xffff  }
0x2d: {  	s20 =	simm.s32 @!p0 $0x0;
	v4 =	vld.idx.msk [tilespmem:v4+s4+$0x0], $0xffff  }
0x2e: {  	s30 =	smul.u32 $0x1200, s20;
	v3 =	vld.idx.msk [tilespmem:v5+s4+$0x0], $0xffff  }
0x2f: {  	s25 =	simm.s32 $0xFFFFFFF9;
	v9 =	vadd.s32 $0x1C00, v8;
	v5 =	vld.idx.msk [tilespmem:v6+s4+$0x0], $0xffff  }
0x30: {  	s31 =	sshll.u32 s20, $0xD;
	s20 =	sshll.u32 s21, $0xD;
	s23 =	sshrl.u32 s30, $0x2;
	v10 =	vadd.s32 $0x1800, v8;
	v11 =	vadd.s32 $0x1400, v8;
	v12 =	vadd.s32 $0x1000, v8;
	v6 =	vld.idx.msk [tilespmem:v7+s4+$0x0], $0xffff  }
0x31: {  	s24 =	sadd.s32 $0x2B00, s31;
	s21 =	sadd.s32 $0x2900, s20;
	s23 =	sor.u32 $0x2050, s23;
	v14 =	vadd.s32 $0x800, v8;
	v15 =	vadd.s32 $0x400, v8;
	v7 =	vld.idx.msk [tilespmem:v13+s4+$0x0], $0xffff;
	v13 =	vadd.s32 $0xC00, v8  }
.LBB2_3:
0x32: {  	_ =	sdelay $0x1  }
0x33: {  	v16 =	vld [tilespmem:s23+$0xFFFFFFD0]  }
0x34: {  	v8 =	vld.idx.msk [tilespmem:v8+s4+$0x0], $0xffff  }
0x35: {  	v15 =	vld.idx.msk [tilespmem:v15+s4+$0x0], $0xffff  }
0x36: {  	v14 =	vld.idx.msk [tilespmem:v14+s4+$0x0], $0xffff  }
0x37: {  	v13 =	vld.idx.msk [tilespmem:v13+s4+$0x0], $0xffff  }
0x38: {  	v12 =	vld.idx.msk [tilespmem:v12+s4+$0x0], $0xffff  }
0x39: {  	v11 =	vld.idx.msk [tilespmem:v11+s4+$0x0], $0xffff  }
0x3a: {  	v10 =	vld.idx.msk [tilespmem:v10+s4+$0x0], $0xffff  }
0x3b: {  	v9 =	vld.idx.msk [tilespmem:v9+s4+$0x0], $0xffff;
	[tilespmem:s24+$0xFFFFFE00] =	vst v0  }
0x3c: {  	[tilespmem:s24+$0xFFFFFE80] =	vst v1  }
0x3d: {  	[tilespmem:s24+$0xFFFFFF00] =	vst v2  }
0x3e: {  	[tilespmem:s24+$0xFFFFFF80] =	vst v4  }
0x3f: {  	[tilespmem:s24+$0x0] =	vst v3  }
0x40: {  	[tilespmem:s24+$0x80] =	vst v5;
	v0 =	vadd.s32 $0x400, v16  }
0x41: {  	[tilespmem:s24+$0x100] =	vst v6;
	v1 =	vadd.s32 $0x800, v16  }
0x42: {  	[tilespmem:s24+$0x180] =	vst v7;
	v2 =	vadd.s32 $0xC00, v16  }
0x43: {  	v3 =	vld [tilespmem:s23+$0xFFFFFFE0];
	v4 =	vadd.s32 $0x1000, v16  }
0x44: {  	v6 =	vadd.s32 $0x1400, v16;
	v5 =	vld.idx.msk [tilespmem:v16+s4+$0x0], $0xffff  }
0x45: {  	v7 =	vadd.s32 $0x1800, v16;
	v0 =	vld.idx.msk [tilespmem:v0+s4+$0x0], $0xffff  }
0x46: {  	v16 =	vadd.s32 $0x1C00, v16;
	v1 =	vld.idx.msk [tilespmem:v1+s4+$0x0], $0xffff  }
0x47: {  	v2 =	vld.idx.msk [tilespmem:v2+s4+$0x0], $0xffff  }
0x48: {  	v4 =	vld.idx.msk [tilespmem:v4+s4+$0x0], $0xffff  }
0x49: {  	v6 =	vld.idx.msk [tilespmem:v6+s4+$0x0], $0xffff  }
0x4a: {  	v7 =	vld.idx.msk [tilespmem:v7+s4+$0x0], $0xffff  }
0x4b: {  	v16 =	vld.idx.msk [tilespmem:v16+s4+$0x0], $0xffff;
	[tilespmem:s24+$0xFFFFFE10] =	vst v8  }
0x4c: {  	[tilespmem:s24+$0xFFFFFE90] =	vst v15  }
0x4d: {  	[tilespmem:s24+$0xFFFFFF10] =	vst v14  }
0x4e: {  	[tilespmem:s24+$0xFFFFFF90] =	vst v13  }
0x4f: {  	[tilespmem:s24+$0x10] =	vst v12  }
0x50: {  	[tilespmem:s24+$0x90] =	vst v11;
	v8 =	vadd.s32 $0x400, v3  }
0x51: {  	[tilespmem:s24+$0x110] =	vst v10;
	v10 =	vadd.s32 $0x800, v3  }
0x52: {  	[tilespmem:s24+$0x190] =	vst v9;
	v9 =	vadd.s32 $0xC00, v3  }
0x53: {  	v12 =	vadd.s32 $0x1000, v3;
	v11 =	vld [tilespmem:s23+$0xFFFFFFF0]  }
0x54: {  	v14 =	vadd.s32 $0x1400, v3;
	v13 =	vld.idx.msk [tilespmem:v3+s4+$0x0], $0xffff  }
0x55: {  	v15 =	vadd.s32 $0x1800, v3;
	v8 =	vld.idx.msk [tilespmem:v8+s4+$0x0], $0xffff  }
0x56: {  	v3 =	vadd.s32 $0x1C00, v3;
	v10 =	vld.idx.msk [tilespmem:v10+s4+$0x0], $0xffff  }
0x57: {  	v9 =	vld.idx.msk [tilespmem:v9+s4+$0x0], $0xffff  }
0x58: {  	v12 =	vld.idx.msk [tilespmem:v12+s4+$0x0], $0xffff  }
0x59: {  	v14 =	vld.idx.msk [tilespmem:v14+s4+$0x0], $0xffff  }
0x5a: {  	v15 =	vld.idx.msk [tilespmem:v15+s4+$0x0], $0xffff  }
0x5b: {  	v3 =	vld.idx.msk [tilespmem:v3+s4+$0x0], $0xffff;
	[tilespmem:s24+$0xFFFFFE20] =	vst v5  }
0x5c: {  	[tilespmem:s24+$0xFFFFFEA0] =	vst v0  }
0x5d: {  	[tilespmem:s24+$0xFFFFFF20] =	vst v1  }
0x5e: {  	[tilespmem:s24+$0xFFFFFFA0] =	vst v2  }
0x5f: {  	[tilespmem:s24+$0x20] =	vst v4  }
0x60: {  	[tilespmem:s24+$0xA0] =	vst v6;
	v0 =	vadd.s32 $0x400, v11  }
0x61: {  	[tilespmem:s24+$0x120] =	vst v7;
	v1 =	vadd.s32 $0x800, v11  }
0x62: {  	[tilespmem:s24+$0x1A0] =	vst v16;
	v2 =	vadd.s32 $0xC00, v11  }
0x63: {  	v5 =	vadd.s32 $0x1000, v11;
	v4 =	vld [tilespmem:s23+$0x0]  }
0x64: {  	v7 =	vadd.s32 $0x1400, v11;
	v6 =	vld.idx.msk [tilespmem:v11+s4+$0x0], $0xffff  }
0x65: {  	v16 =	vadd.s32 $0x1800, v11;
	v0 =	vld.idx.msk [tilespmem:v0+s4+$0x0], $0xffff  }
0x66: {  	v11 =	vadd.s32 $0x1C00, v11;
	v1 =	vld.idx.msk [tilespmem:v1+s4+$0x0], $0xffff  }
0x67: {  	v2 =	vld.idx.msk [tilespmem:v2+s4+$0x0], $0xffff  }
0x68: {  	v5 =	vld.idx.msk [tilespmem:v5+s4+$0x0], $0xffff  }
0x69: {  	v7 =	vld.idx.msk [tilespmem:v7+s4+$0x0], $0xffff  }
0x6a: {  	v16 =	vld.idx.msk [tilespmem:v16+s4+$0x0], $0xffff  }
0x6b: {  	v11 =	vld.idx.msk [tilespmem:v11+s4+$0x0], $0xffff;
	[tilespmem:s24+$0xFFFFFE30] =	vst v13  }
0x6c: {  	[tilespmem:s24+$0xFFFFFEB0] =	vst v8  }
0x6d: {  	[tilespmem:s24+$0xFFFFFF30] =	vst v10  }
0x6e: {  	[tilespmem:s24+$0xFFFFFFB0] =	vst v9  }
0x6f: {  	[tilespmem:s24+$0x30] =	vst v12  }
0x70: {  	[tilespmem:s24+$0xB0] =	vst v14;
	v8 =	vadd.s32 $0x400, v4  }
0x71: {  	[tilespmem:s24+$0x130] =	vst v15;
	v9 =	vadd.s32 $0x800, v4  }
0x72: {  	[tilespmem:s24+$0x1B0] =	vst v3;
	v3 =	vadd.s32 $0xC00, v4  }
0x73: {  	v12 =	vadd.s32 $0x1000, v4;
	v10 =	vld [tilespmem:s23+$0x10]  }
0x74: {  	v14 =	vadd.s32 $0x1400, v4;
	v13 =	vld.idx.msk [tilespmem:v4+s4+$0x0], $0xffff  }
0x75: {  	v15 =	vadd.s32 $0x1800, v4;
	v8 =	vld.idx.msk [tilespmem:v8+s4+$0x0], $0xffff  }
0x76: {  	v4 =	vadd.s32 $0x1C00, v4;
	v9 =	vld.idx.msk [tilespmem:v9+s4+$0x0], $0xffff  }
0x77: {  	v3 =	vld.idx.msk [tilespmem:v3+s4+$0x0], $0xffff  }
0x78: {  	v12 =	vld.idx.msk [tilespmem:v12+s4+$0x0], $0xffff  }
0x79: {  	v14 =	vld.idx.msk [tilespmem:v14+s4+$0x0], $0xffff  }
0x7a: {  	v15 =	vld.idx.msk [tilespmem:v15+s4+$0x0], $0xffff  }
0x7b: {  	v4 =	vld.idx.msk [tilespmem:v4+s4+$0x0], $0xffff;
	[tilespmem:s24+$0xFFFFFE40] =	vst v6  }
0x7c: {  	[tilespmem:s24+$0xFFFFFEC0] =	vst v0  }
0x7d: {  	[tilespmem:s24+$0xFFFFFF40] =	vst v1  }
0x7e: {  	[tilespmem:s24+$0xFFFFFFC0] =	vst v2  }
0x7f: {  	[tilespmem:s24+$0x40] =	vst v5  }
0x80: {  	[tilespmem:s24+$0xC0] =	vst v7;
	v0 =	vadd.s32 $0x400, v10  }
0x81: {  	[tilespmem:s24+$0x140] =	vst v16;
	v1 =	vadd.s32 $0x800, v10  }
0x82: {  	[tilespmem:s24+$0x1C0] =	vst v11;
	v2 =	vadd.s32 $0xC00, v10  }
0x83: {  	v6 =	vadd.s32 $0x1000, v10;
	v5 =	vld [tilespmem:s23+$0x20]  }
0x84: {  	v11 =	vadd.s32 $0x1400, v10;
	v7 =	vld.idx.msk [tilespmem:v10+s4+$0x0], $0xffff  }
0x85: {  	v16 =	vadd.s32 $0x1800, v10;
	v0 =	vld.idx.msk [tilespmem:v0+s4+$0x0], $0xffff  }
0x86: {  	v10 =	vadd.s32 $0x1C00, v10;
	v1 =	vld.idx.msk [tilespmem:v1+s4+$0x0], $0xffff  }
0x87: {  	v2 =	vld.idx.msk [tilespmem:v2+s4+$0x0], $0xffff  }
0x88: {  	v6 =	vld.idx.msk [tilespmem:v6+s4+$0x0], $0xffff  }
0x89: {  	v11 =	vld.idx.msk [tilespmem:v11+s4+$0x0], $0xffff  }
0x8a: {  	v16 =	vld.idx.msk [tilespmem:v16+s4+$0x0], $0xffff  }
0x8b: {  	v10 =	vld.idx.msk [tilespmem:v10+s4+$0x0], $0xffff;
	[tilespmem:s24+$0xFFFFFE50] =	vst v13  }
0x8c: {  	[tilespmem:s24+$0xFFFFFED0] =	vst v8  }
0x8d: {  	[tilespmem:s24+$0xFFFFFF50] =	vst v9  }
0x8e: {  	[tilespmem:s24+$0xFFFFFFD0] =	vst v3  }
0x8f: {  	[tilespmem:s24+$0x50] =	vst v12  }
0x90: {  	[tilespmem:s24+$0xD0] =	vst v14;
	v3 =	vadd.s32 $0x400, v5  }
0x91: {  	[tilespmem:s24+$0x150] =	vst v15;
	v8 =	vadd.s32 $0x800, v5  }
0x92: {  	[tilespmem:s24+$0x1D0] =	vst v4;
	v4 =	vadd.s32 $0xC00, v5  }
0x93: {  	v12 =	vadd.s32 $0x1000, v5;
	v9 =	vld [tilespmem:s23+$0x30]  }
0x94: {  	v14 =	vadd.s32 $0x1400, v5;
	v13 =	vld.idx.msk [tilespmem:v5+s4+$0x0], $0xffff  }
0x95: {  	v15 =	vld.idx.msk [tilespmem:v3+s4+$0x0], $0xffff;
	v3 =	vadd.s32 $0x1800, v5  }
0x96: {  	v17 =	vld.idx.msk [tilespmem:v8+s4+$0x0], $0xffff;
	v5 =	vadd.s32 $0x1C00, v5  }
0x97: {  	v18 =	vld.idx.msk [tilespmem:v4+s4+$0x0], $0xffff  }
0x98: {  	v12 =	vld.idx.msk [tilespmem:v12+s4+$0x0], $0xffff  }
0x99: {  	v14 =	vld.idx.msk [tilespmem:v14+s4+$0x0], $0xffff  }
0x9a: {  	v19 =	vld.idx.msk [tilespmem:v3+s4+$0x0], $0xffff  }
0x9b: {  	v20 =	vld.idx.msk [tilespmem:v5+s4+$0x0], $0xffff;
	[tilespmem:s24+$0xFFFFFE60] =	vst v7  }
0x9c: {  	[tilespmem:s24+$0xFFFFFEE0] =	vst v0  }
0x9d: {  	[tilespmem:s24+$0xFFFFFF60] =	vst v1  }
0x9e: {  	[tilespmem:s24+$0xFFFFFFE0] =	vst v2  }
0x9f: {  	[tilespmem:s24+$0x60] =	vst v6  }
0xa0: {  	[tilespmem:s24+$0xE0] =	vst v11;
	v1 =	vadd.s32 $0x400, v9  }
0xa1: {  	[tilespmem:s24+$0x160] =	vst v16;
	v2 =	vadd.s32 $0x800, v9  }
0xa2: {  	[tilespmem:s24+$0x1E0] =	vst v10;
	v3 =	vadd.s32 $0xC00, v9  }
0xa3: {  	v5 =	vadd.s32 $0x1000, v9;
	v8 =	vld [tilespmem:s23+$0x40]  }
0xa4: {  	v6 =	vadd.s32 $0x1400, v9;
	v0 =	vld.idx.msk [tilespmem:v9+s4+$0x0], $0xffff  }
0xa5: {  	v7 =	vadd.s32 $0x1800, v9;
	v1 =	vld.idx.msk [tilespmem:v1+s4+$0x0], $0xffff  }
0xa6: {  	v9 =	vadd.s32 $0x1C00, v9;
	v2 =	vld.idx.msk [tilespmem:v2+s4+$0x0], $0xffff  }
0xa7: {  	v4 =	vld.idx.msk [tilespmem:v3+s4+$0x0], $0xffff  }
0xa8: {  	v3 =	vld.idx.msk [tilespmem:v5+s4+$0x0], $0xffff  }
0xa9: {  	v5 =	vld.idx.msk [tilespmem:v6+s4+$0x0], $0xffff  }
0xaa: {  	v6 =	vld.idx.msk [tilespmem:v7+s4+$0x0], $0xffff  }
0xab: {  	v7 =	vld.idx.msk [tilespmem:v9+s4+$0x0], $0xffff;
	[tilespmem:s24+$0xFFFFFE70] =	vst v13  }
0xac: {  	s25 =	sadd.s32 $0x8, s25;
	[tilespmem:s24+$0xFFFFFEF0] =	vst v15  }
0xad: {  	p1 =	slt.u32 s25, $0x31;
	[tilespmem:s24+$0xFFFFFF70] =	vst v17  }
.Ltmp0:
0xae: {  	[tilespmem:s24+$0xFFFFFFF0] =	vst v18;
	(pc) =	sbr.rel @p1 .LBB2_3-.Ltmp0, $4  }
0xaf: {  	[tilespmem:s24+$0x70] =	vst v12  }
0xb0: {  	[tilespmem:s24+$0xF0] =	vst v14;
	v9 =	vadd.s32 $0x1C00, v8  }
0xb1: {  	[tilespmem:s24+$0x170] =	vst v19;
	v10 =	vadd.s32 $0x1800, v8;
	v11 =	vadd.s32 $0x1400, v8;
	v12 =	vadd.s32 $0x1000, v8  }
0xb2: {  	s23 =	sadd.s32 $0x80, s23;
	[tilespmem:s24+$0x1F0] =	vst v20;
	v13 =	vadd.s32 $0xC00, v8;
	v14 =	vadd.s32 $0x800, v8;
	v15 =	vadd.s32 $0x400, v8;
	s24 =	sadd.s32 $0x400, s24  }
0xb3: {  	_ =	sdelay $0x2  }
0xb4: {  	v16 =	vld [tilespmem:s22+$0x23A0]  }
0xb5: {  	v8 =	vld.idx.msk [tilespmem:v8+s4+$0x0], $0xffff  }
0xb6: {  	v15 =	vld.idx.msk [tilespmem:v15+s4+$0x0], $0xffff  }
0xb7: {  	v14 =	vld.idx.msk [tilespmem:v14+s4+$0x0], $0xffff  }
0xb8: {  	v13 =	vld.idx.msk [tilespmem:v13+s4+$0x0], $0xffff  }
0xb9: {  	v12 =	vld.idx.msk [tilespmem:v12+s4+$0x0], $0xffff  }
0xba: {  	v11 =	vld.idx.msk [tilespmem:v11+s4+$0x0], $0xffff  }
0xbb: {  	v10 =	vld.idx.msk [tilespmem:v10+s4+$0x0], $0xffff  }
0xbc: {  	v9 =	vld.idx.msk [tilespmem:v9+s4+$0x0], $0xffff;
	[tilespmem:s20+$0x4500] =	vst v0  }
0xbd: {  	[tilespmem:s20+$0x4580] =	vst v1  }
0xbe: {  	[tilespmem:s20+$0x4600] =	vst v2  }
0xbf: {  	[tilespmem:s20+$0x4680] =	vst v4  }
0xc0: {  	[tilespmem:s20+$0x4700] =	vst v3  }
0xc1: {  	[tilespmem:s20+$0x4780] =	vst v5;
	v28 =	vadd.s32 $0x400, v16  }
0xc2: {  	[tilespmem:s20+$0x4800] =	vst v6;
	v29 =	vadd.s32 $0x800, v16  }
0xc3: {  	[tilespmem:s20+$0x4880] =	vst v7;
	v30 =	vadd.s32 $0xC00, v16  }
0xc4: {  	v3 =	vld [tilespmem:s22+$0x23B0];
	v31 =	vadd.s32 $0x1000, v16  }
0xc5: {  	v32 =	vadd.s32 $0x1400, v16;
	v5 =	vld.idx.msk [tilespmem:v16+s4+$0x0], $0xffff  }
0xc6: {  	v33 =	vadd.s32 $0x1800, v16;
	v0 =	vld.idx.msk [tilespmem:v28+s4+$0x0], $0xffff  }
0xc7: {  	v16 =	vadd.s32 $0x1C00, v16;
	v1 =	vld.idx.msk [tilespmem:v29+s4+$0x0], $0xffff  }
0xc8: {  	v2 =	vld.idx.msk [tilespmem:v30+s4+$0x0], $0xffff  }
0xc9: {  	v4 =	vld.idx.msk [tilespmem:v31+s4+$0x0], $0xffff  }
0xca: {  	v6 =	vld.idx.msk [tilespmem:v32+s4+$0x0], $0xffff  }
0xcb: {  	v7 =	vld.idx.msk [tilespmem:v33+s4+$0x0], $0xffff  }
0xcc: {  	v16 =	vld.idx.msk [tilespmem:v16+s4+$0x0], $0xffff;
	[tilespmem:s20+$0x4510] =	vst v8  }
0xcd: {  	[tilespmem:s20+$0x4590] =	vst v15  }
0xce: {  	[tilespmem:s20+$0x4610] =	vst v14  }
0xcf: {  	[tilespmem:s20+$0x4690] =	vst v13  }
0xd0: {  	[tilespmem:s20+$0x4710] =	vst v12  }
0xd1: {  	v34 =	vadd.s32 $0x400, v3;
	[tilespmem:s20+$0x4790] =	vst v11  }
0xd2: {  	v35 =	vadd.s32 $0x800, v3;
	[tilespmem:s20+$0x4810] =	vst v10  }
0xd3: {  	v36 =	vadd.s32 $0xC00, v3;
	[tilespmem:s20+$0x4890] =	vst v9  }
0xd4: {  	v37 =	vadd.s32 $0x1000, v3;
	v11 =	vld [tilespmem:s22+$0x23C0]  }
0xd5: {  	v38 =	vadd.s32 $0x1400, v3;
	v13 =	vld.idx.msk [tilespmem:v3+s4+$0x0], $0xffff  }
0xd6: {  	v39 =	vadd.s32 $0x1800, v3;
	v8 =	vld.idx.msk [tilespmem:v34+s4+$0x0], $0xffff  }
0xd7: {  	v10 =	vld.idx.msk [tilespmem:v35+s4+$0x0], $0xffff;
	v3 =	vadd.s32 $0x1C00, v3  }
0xd8: {  	v9 =	vld.idx.msk [tilespmem:v36+s4+$0x0], $0xffff  }
0xd9: {  	v12 =	vld.idx.msk [tilespmem:v37+s4+$0x0], $0xffff  }
0xda: {  	v14 =	vld.idx.msk [tilespmem:v38+s4+$0x0], $0xffff  }
0xdb: {  	v15 =	vld.idx.msk [tilespmem:v39+s4+$0x0], $0xffff  }
0xdc: {  	v3 =	vld.idx.msk [tilespmem:v3+s4+$0x0], $0xffff;
	[tilespmem:s20+$0x4520] =	vst v5  }
0xdd: {  	[tilespmem:s20+$0x45A0] =	vst v0  }
0xde: {  	[tilespmem:s20+$0x4620] =	vst v1  }
0xdf: {  	[tilespmem:s20+$0x46A0] =	vst v2  }
0xe0: {  	[tilespmem:s20+$0x4720] =	vst v4  }
0xe1: {  	[tilespmem:s20+$0x47A0] =	vst v6;
	v40 =	vadd.s32 $0x400, v11  }
0xe2: {  	[tilespmem:s20+$0x4820] =	vst v7;
	v41 =	vadd.s32 $0x800, v11  }
0xe3: {  	[tilespmem:s20+$0x48A0] =	vst v16;
	v42 =	vadd.s32 $0xC00, v11  }
0xe4: {  	v43 =	vadd.s32 $0x1000, v11;
	v4 =	vld [tilespmem:s22+$0x23D0]  }
0xe5: {  	v44 =	vadd.s32 $0x1400, v11;
	v6 =	vld.idx.msk [tilespmem:v11+s4+$0x0], $0xffff  }
0xe6: {  	v45 =	vadd.s32 $0x1800, v11;
	v0 =	vld.idx.msk [tilespmem:v40+s4+$0x0], $0xffff  }
0xe7: {  	v11 =	vadd.s32 $0x1C00, v11;
	v1 =	vld.idx.msk [tilespmem:v41+s4+$0x0], $0xffff  }
0xe8: {  	v2 =	vld.idx.msk [tilespmem:v42+s4+$0x0], $0xffff  }
0xe9: {  	v5 =	vld.idx.msk [tilespmem:v43+s4+$0x0], $0xffff  }
0xea: {  	v7 =	vld.idx.msk [tilespmem:v44+s4+$0x0], $0xffff  }
0xeb: {  	v16 =	vld.idx.msk [tilespmem:v45+s4+$0x0], $0xffff  }
0xec: {  	v11 =	vld.idx.msk [tilespmem:v11+s4+$0x0], $0xffff;
	[tilespmem:s20+$0x4530] =	vst v13  }
0xed: {  	[tilespmem:s20+$0x45B0] =	vst v8  }
0xee: {  	[tilespmem:s20+$0x4630] =	vst v10  }
0xef: {  	[tilespmem:s20+$0x46B0] =	vst v9  }
0xf0: {  	[tilespmem:s20+$0x4730] =	vst v12  }
0xf1: {  	v46 =	vadd.s32 $0x400, v4;
	[tilespmem:s20+$0x47B0] =	vst v14  }
0xf2: {  	v47 =	vadd.s32 $0x800, v4;
	[tilespmem:s20+$0x4830] =	vst v15  }
0xf3: {  	v48 =	vadd.s32 $0xC00, v4;
	[tilespmem:s20+$0x48B0] =	vst v3  }
0xf4: {  	v49 =	vadd.s32 $0x1000, v4;
	v10 =	vld [tilespmem:s22+$0x23E0]  }
0xf5: {  	v50 =	vadd.s32 $0x1400, v4;
	v13 =	vld.idx.msk [tilespmem:v4+s4+$0x0], $0xffff  }
0xf6: {  	v51 =	vadd.s32 $0x1800, v4;
	v8 =	vld.idx.msk [tilespmem:v46+s4+$0x0], $0xffff  }
0xf7: {  	v4 =	vadd.s32 $0x1C00, v4;
	v9 =	vld.idx.msk [tilespmem:v47+s4+$0x0], $0xffff  }
0xf8: {  	v3 =	vld.idx.msk [tilespmem:v48+s4+$0x0], $0xffff  }
0xf9: {  	v12 =	vld.idx.msk [tilespmem:v49+s4+$0x0], $0xffff  }
0xfa: {  	v14 =	vld.idx.msk [tilespmem:v50+s4+$0x0], $0xffff  }
0xfb: {  	v15 =	vld.idx.msk [tilespmem:v51+s4+$0x0], $0xffff  }
0xfc: {  	v4 =	vld.idx.msk [tilespmem:v4+s4+$0x0], $0xffff;
	[tilespmem:s20+$0x4540] =	vst v6  }
0xfd: {  	[tilespmem:s20+$0x45C0] =	vst v0  }
0xfe: {  	[tilespmem:s20+$0x4640] =	vst v1  }
0xff: {  	[tilespmem:s20+$0x46C0] =	vst v2  }
0x100: {  	[tilespmem:s20+$0x4740] =	vst v5  }
0x101: {  	[tilespmem:s20+$0x47C0] =	vst v7;
	v52 =	vadd.s32 $0x400, v10  }
0x102: {  	[tilespmem:s20+$0x4840] =	vst v16;
	v53 =	vadd.s32 $0x800, v10  }
0x103: {  	[tilespmem:s20+$0x48C0] =	vst v11;
	v54 =	vadd.s32 $0xC00, v10  }
0x104: {  	v55 =	vadd.s32 $0x1000, v10;
	v5 =	vld [tilespmem:s22+$0x23F0]  }
0x105: {  	v56 =	vadd.s32 $0x1400, v10;
	v7 =	vld.idx.msk [tilespmem:v10+s4+$0x0], $0xffff  }
0x106: {  	v57 =	vadd.s32 $0x1800, v10;
	v0 =	vld.idx.msk [tilespmem:v52+s4+$0x0], $0xffff  }
0x107: {  	v10 =	vadd.s32 $0x1C00, v10;
	v1 =	vld.idx.msk [tilespmem:v53+s4+$0x0], $0xffff  }
0x108: {  	v2 =	vld.idx.msk [tilespmem:v54+s4+$0x0], $0xffff  }
0x109: {  	v6 =	vld.idx.msk [tilespmem:v55+s4+$0x0], $0xffff  }
0x10a: {  	v11 =	vld.idx.msk [tilespmem:v56+s4+$0x0], $0xffff  }
0x10b: {  	v16 =	vld.idx.msk [tilespmem:v57+s4+$0x0], $0xffff  }
0x10c: {  	v10 =	vld.idx.msk [tilespmem:v10+s4+$0x0], $0xffff;
	[tilespmem:s20+$0x4550] =	vst v13  }
0x10d: {  	[tilespmem:s20+$0x45D0] =	vst v8  }
0x10e: {  	[tilespmem:s20+$0x4650] =	vst v9  }
0x10f: {  	[tilespmem:s20+$0x46D0] =	vst v3  }
0x110: {  	v58 =	vadd.s32 $0x400, v5;
	[tilespmem:s20+$0x4750] =	vst v12  }
0x111: {  	v59 =	vadd.s32 $0x800, v5;
	[tilespmem:s20+$0x47D0] =	vst v14  }
0x112: {  	v60 =	vadd.s32 $0xC00, v5;
	[tilespmem:s20+$0x4850] =	vst v15  }
0x113: {  	v61 =	vadd.s32 $0x1000, v5;
	[tilespmem:s20+$0x48D0] =	vst v4  }
0x114: {  	v62 =	vadd.s32 $0x1400, v5;
	v12 =	vld.idx.msk [tilespmem:v5+s4+$0x0], $0xffff  }
0x115: {  	v63 =	vadd.s32 $0x1800, v5;
	v3 =	vld.idx.msk [tilespmem:v58+s4+$0x0], $0xffff  }
0x116: {  	v5 =	vadd.s32 $0x1C00, v5;
	v8 =	vld.idx.msk [tilespmem:v59+s4+$0x0], $0xffff  }
0x117: {  	v9 =	vld.idx.msk [tilespmem:v60+s4+$0x0], $0xffff  }
0x118: {  	v4 =	vld.idx.msk [tilespmem:v61+s4+$0x0], $0xffff  }
0x119: {  	v13 =	vld.idx.msk [tilespmem:v62+s4+$0x0], $0xffff  }
0x11a: {  	v14 =	vld.idx.msk [tilespmem:v63+s4+$0x0], $0xffff  }
0x11b: {  	v5 =	vld.idx.msk [tilespmem:v5+s4+$0x0], $0xffff;
	[tilespmem:s20+$0x4560] =	vst v7  }
0x11c: {  	[tilespmem:s20+$0x45E0] =	vst v0  }
0x11d: {  	[tilespmem:s20+$0x4660] =	vst v1  }
0x11e: {  	[tilespmem:s20+$0x46E0] =	vst v2  }
0x11f: {  	[tilespmem:s20+$0x4760] =	vst v6  }
0x120: {  	[tilespmem:s20+$0x47E0] =	vst v11  }
0x121: {  	[tilespmem:s20+$0x4860] =	vst v16  }
0x122: {  	[tilespmem:s20+$0x48E0] =	vst v10  }
0x123: {  	[tilespmem:s20+$0x4570] =	vst v12  }
0x124: {  	[tilespmem:s20+$0x45F0] =	vst v3  }
0x125: {  	[tilespmem:s20+$0x4670] =	vst v8  }
0x126: {  	[tilespmem:s20+$0x46F0] =	vst v9  }
0x127: {  	s19 =	sshll.u32 s19, $0x10;
	p1 =	slt.u32 s18, s6;
	[tilespmem:s20+$0x4770] =	vst v4  }
.Ltmp1:
0x128: {  	s19 =	sor.u32 s9, s19;
	[tilespmem:s20+$0x47F0] =	vst v13;
	(pc) =	sbr.rel @p1 .LBB2_2-.Ltmp1, $4  }
0x129: {  	s19 =	sshrl.u32 s19, $0x3;
	[tilespmem:s20+$0x4870] =	vst v14  }
0x12a: {  	s19 =	sadd.s32 s3, s19;
	[tilespmem:s20+$0x48F0] =	vst v5  }
0x12b: {  	[hbm4b:s19+s4] =	stream.linear.scatter [tilespmem:s21], [sflag:$0x3], $0x2000, $0x38;
	[tilespmem:$0x6900] =	vst v63  }
0x12c: {  	p0 =	por !p0, !p0;
	s19 =	smov.u32 s18  }
0x12d: {  	s17 =	sadd.s32 $0x1, s17  }
0x12e: {  	_ =	swait.ge [sflag:s16], $0x2000;
	p0 =	sne.s32 s17, s10  }
.Ltmp2:
0x12f: {  	[sflag:s16] =	ssyncset.done $0x0;
	(pc) =	sbr.rel @p0 .LBB2_1-.Ltmp2, $4  }
0x130: {  	[sflag:s16] =	ssyncadd.s32 $0xFFFFE000  }
0x131: {  	_ =	swait.ge [sflag:s16], $0x2000  }
0x132: {  	[sflag:s16] =	ssyncset.done $0x0  }
0x133: {  	[sflag:s16] =	ssyncadd.s32 $0xFFFFE000  }
0x134: {  	_ =	sfence.sel $0x180000  }
0x135: {  	[bflag:$0x0] =	sbarrier.arrive $0xFFFF  }
0x136: {  	p0 =	sne.s32 s1, $0x0;
	_ =	strace $0x90000047  }
0x137: {  	s0 =	sadd.s32 @!p0 $0x100000, s0;
	[bflag:$0x2] =	sbarrier.arrive $0xFFFF  }
0x138: {  	[sflag:s0] =	ssyncadd.tile.s32 @!p0 $0x1;
	_ =	shalt  }
.Lfunc_end2:
_tile_overlayer_lowered:
.L_overlay_start_2:
0x139: {  	(tag) =	ssettag $0x2  }
0x13a: {  	s0 =	rddreg [dreg:$0x0];
	s2 =	stileid.u32  }
0x13b: {  	s1 =	rddreg [dreg:$0x1];
	p0 =	sne.s32 s2, $0x0  }
0x13c: {  	s3 =	rddreg [dreg:$0x2];
	[bflag:$0x3] =	sbarrier.arrive $0xFFFF;
	s2 =	simm.s32 @!p0 $0x1C04  }
0x13d: {  	[timem:s3], [sflag:s2] =	dma.local @!p0 [hbm:s0], s1  }
0x13e: {  	s0 =	simm.s32 @!p0 $0x4  }
0x13f: {  	_ =	swait.ge @!p0 [sflag:s0], s1  }
0x140: {  	s1 =	ssub.s32 @!p0 $0x0, s1;
	[sflag:s0] =	ssyncset.done @!p0 $0x0  }
0x141: {  	[sflag:s0] =	ssyncadd.s32 @!p0 s1  }
0x142: {  	[bflag:$0x3] =	sbarrier.arrive $0xFFFF  }
0x143: {  	_ =	shalt  }

</sc_bundles>
